<compile_context>
chip_gen: v7x
topology: tpu7x:2x2x1
jax: 0.10.2.dev20260603
libtpu: 0.0.44.dev20260713+nightly
codegen_flags: <defaults>
</compile_context>

<pallas_src>
import functools

import jax
import jax.numpy as jnp
from jax import lax
from jax.experimental import pallas as pl
from jax.experimental.pallas import tpu as pltpu
from jax.experimental.pallas import tpu_sc as plsc

N_NODES = 10000
N_EDGES = 320000
D_IN = 128
D_HID = 128
D_OUT = 40
DP = 64

NC = 2
NS = 16
NW = NC * NS
CH = 128
CPT = 80
EPW = CPT * CH
NE_PAD = NW * EPW
VL = 16

NP = 10240
RPT = NP // NS

BLK = 1024

_mesh = plsc.VectorSubcoreMesh(core_axis_name="c", subcore_axis_name="s")


def _wid():
    return lax.axis_index("c") * NS + lax.axis_index("s")



@functools.partial(
    pl.kernel,
    out_type=jax.ShapeDtypeStruct((NW * NP,), jnp.float32),
    mesh=_mesh,
    scratch_types=[
        pltpu.VMEM((EPW,), jnp.int32),
        pltpu.VMEM((NP,), jnp.float32),
    ],
    compiler_params=pltpu.CompilerParams(needs_layout_passes=False),
)
def _deg_kernel(col_hbm, zeros_hbm, out_hbm, colv, hist):
    wid = _wid()
    pltpu.sync_copy(col_hbm.at[wid], colv)
    pltpu.sync_copy(zeros_hbm, hist)

    def body(j, carry):
        idx = colv[pl.ds(j * VL, VL)]
        cnt, last = plsc.scan_count(idx)
        plsc.addupdate_scatter(hist, [idx], cnt.astype(jnp.float32),
                               mask=last)
        return carry

    lax.fori_loop(0, EPW // VL, body, 0, unroll=False)
    pltpu.sync_copy(hist, out_hbm.at[pl.ds(wid * NP, NP)])


def _make_agg(h_passes):

    @functools.partial(
        pl.kernel,
        out_type=jax.ShapeDtypeStruct((NC, h_passes, NP, DP), jnp.float32),
        mesh=_mesh,
        scratch_types=[
            pltpu.VMEM((CPT, CH), jnp.int32),
            pltpu.VMEM((CPT, CH), jnp.int32),
            pltpu.VMEM((5, CH, DP), jnp.float32),
            pltpu.VMEM_SHARED((NP, DP), jnp.float32),
            pltpu.SemaphoreType.DMA((5,)),
            pltpu.SemaphoreType.DMA((5,)),
        ],
        compiler_params=pltpu.CompilerParams(use_tc_tiling_on_sc=False),
    )
    def agg(x_hbm, row_hbm, col_hbm, out_hbm, rowv, colv, buf, acc,
            gsem, ssem):
        cid = lax.axis_index("c")
        sid = lax.axis_index("s")
        pltpu.sync_copy(row_hbm.at[_wid()], rowv)
        pltpu.sync_copy(col_hbm.at[_wid()], colv)

        for h in range(h_passes):
            xh = x_hbm.at[h]
            for b in range(3):
                pltpu.async_copy(xh.at[rowv.at[b]], buf.at[b], gsem.at[b])
            pltpu.sync_copy(xh.at[pl.ds(sid * RPT, RPT)],
                            acc.at[pl.ds(sid * RPT, RPT)])
            plsc.subcore_barrier()

            def outer(j0, carry):
                for b in range(5):
                    j = j0 * 5 + b
                    pltpu.make_async_copy(xh.at[rowv.at[j]], buf.at[b],
                                          gsem.at[b]).wait()
                    pltpu.async_copy(buf.at[b], acc.at[colv.at[j]],
                                     ssem.at[b], add=True)
                    p = (b + 3) % 5
                    jp = j + 3

                    @pl.when(jp < CPT)
                    def _():
                        @pl.when(jp >= 5)
                        def _():
                            pltpu.make_async_copy(
                                buf.at[p], acc.at[colv.at[jp - 5]],
                                ssem.at[p]).wait()
                        pltpu.async_copy(xh.at[rowv.at[jp]], buf.at[p],
                                         gsem.at[p])
                return carry

            lax.fori_loop(0, CPT // 5, outer, 0, unroll=False)
            for b in range(5):
                pltpu.make_async_copy(buf.at[b],
                                      acc.at[colv.at[CPT - 5 + b]],
                                      ssem.at[b]).wait()
            plsc.subcore_barrier()
            pltpu.sync_copy(acc.at[pl.ds(sid * RPT, RPT)],
                            out_hbm.at[cid].at[h].at[pl.ds(sid * RPT, RPT)])

    return agg


_agg1 = _make_agg(2)
_agg2 = _make_agg(1)



def _tc1a_body(x_ref, w1_ref, u_ref):
    u_ref[...] = jnp.dot(x_ref[...], w1_ref[...],
                         preferred_element_type=jnp.float32)


def _tc1_body(deg_ref, u_ref, x1_ref, dv_ref):
    deg = jnp.sum(deg_ref[...], axis=0)[:, None] + 1.0
    dv = lax.rsqrt(deg)
    dv_ref[...] = dv
    x1 = u_ref[...] * dv
    x1_ref[0] = x1[:, :DP]
    x1_ref[1] = x1[:, DP:]


def _tc2_body(p_ref, x1_ref, dv_ref, b1_ref, w2_ref, x2_ref):
    s0 = p_ref[0, 0] + p_ref[1, 0] - x1_ref[0]
    s1 = p_ref[0, 1] + p_ref[1, 1] - x1_ref[1]
    s = jnp.concatenate([s0, s1], axis=1)
    dv = dv_ref[...]
    h = jnp.maximum(dv * s + b1_ref[...], 0.0)
    x2_ref[0] = jnp.dot(h, w2_ref[...],
                        preferred_element_type=jnp.float32) * dv


def _tc3_body(p_ref, x2_ref, dv_ref, b2_ref, out_ref):
    s = p_ref[0, 0] + p_ref[1, 0] - x2_ref[0]
    out_ref[...] = dv_ref[...] * s + b2_ref[...]


def _tc1a(x_pad, w1):
    return pl.pallas_call(
        _tc1a_body,
        grid=(NP // BLK,),
        in_specs=[
            pl.BlockSpec((BLK, D_IN), lambda i: (i, 0)),
            pl.BlockSpec((D_IN, D_HID), lambda i: (0, 0)),
        ],
        out_specs=pl.BlockSpec((BLK, D_HID), lambda i: (i, 0)),
        out_shape=jax.ShapeDtypeStruct((NP, D_HID), jnp.float32),
    )(x_pad, w1)


def _tc1(deg_t, u):
    return pl.pallas_call(
        _tc1_body,
        grid=(NP // BLK,),
        in_specs=[
            pl.BlockSpec((NW, BLK), lambda i: (0, i)),
            pl.BlockSpec((BLK, D_HID), lambda i: (i, 0)),
        ],
        out_specs=[
            pl.BlockSpec((2, BLK, DP), lambda i: (0, i, 0)),
            pl.BlockSpec((BLK, 1), lambda i: (i, 0)),
        ],
        out_shape=[
            jax.ShapeDtypeStruct((2, NP, DP), jnp.float32),
            jax.ShapeDtypeStruct((NP, 1), jnp.float32),
        ],
    )(deg_t, u)


def _tc2(p1, x1, dv, b1r, w2p):
    return pl.pallas_call(
        _tc2_body,
        grid=(NP // BLK,),
        in_specs=[
            pl.BlockSpec((NC, 2, BLK, DP), lambda i: (0, 0, i, 0)),
            pl.BlockSpec((2, BLK, DP), lambda i: (0, i, 0)),
            pl.BlockSpec((BLK, 1), lambda i: (i, 0)),
            pl.BlockSpec((1, D_HID), lambda i: (0, 0)),
            pl.BlockSpec((D_HID, DP), lambda i: (0, 0)),
        ],
        out_specs=pl.BlockSpec((1, BLK, DP), lambda i: (0, i, 0)),
        out_shape=jax.ShapeDtypeStruct((1, NP, DP), jnp.float32),
    )(p1, x1, dv, b1r, w2p)


def _tc3(p2, x2, dv, b2r):
    return pl.pallas_call(
        _tc3_body,
        grid=(NP // BLK,),
        in_specs=[
            pl.BlockSpec((NC, 1, BLK, DP), lambda i: (0, 0, i, 0)),
            pl.BlockSpec((1, BLK, DP), lambda i: (0, i, 0)),
            pl.BlockSpec((BLK, 1), lambda i: (i, 0)),
            pl.BlockSpec((1, DP), lambda i: (0, 0)),
        ],
        out_specs=pl.BlockSpec((BLK, DP), lambda i: (i, 0)),
        out_shape=jax.ShapeDtypeStruct((NP, DP), jnp.float32),
    )(p2, x2, dv, b2r)



def kernel(x, edge_index, W1, b1, W2, b2):
    ei = edge_index.astype(jnp.int32)
    npad = NE_PAD - N_EDGES
    it = lax.iota(jnp.int32, npad)
    rowp = jnp.concatenate([ei[0], it % N_NODES])
    colp = jnp.concatenate([ei[1], N_NODES + it % (NP - N_NODES)])
    row3 = rowp.reshape(NW, CPT, CH)
    col3 = colp.reshape(NW, CPT, CH)
    col2 = colp.reshape(NW, EPW)
    zeros = jnp.zeros((NP,), jnp.float32)
    x_pad = jnp.pad(x, ((0, NP - N_NODES), (0, 0)))
    b1r = b1.reshape(1, D_HID)
    w2p = jnp.pad(W2, ((0, 0), (0, DP - D_OUT)))
    b2r = jnp.pad(b2, (0, DP - D_OUT)).reshape(1, DP)

    u = _tc1a(x_pad, W1)
    deg = _deg_kernel(col2, zeros)
    x1, dv = _tc1(deg.reshape(NW, NP), u)
    p1 = _agg1(x1, row3, col3)
    x2 = _tc2(p1, x1, dv, b1r, w2p)
    p2 = _agg2(x2, row3, col3)
    out = _tc3(p2, x2, dv, b2r)
    return out[:N_NODES, :D_OUT]

# --- scband reference (transcript-rebuilt; emitter-appended) ---
"""Pipeline reference for scband-gcn-34651796144598 (READ-ONLY COPY).

The authoritative reference and input builder live on the scoring server;
editing this copy changes nothing except your own understanding.
"""

import jax, jax.numpy as jnp
import numpy as np

N_NODES = 10000
N_EDGES = 320000
D_IN = 128
D_HID = 128
D_OUT = 40


def setup_inputs(seed: int = 0) -> dict:
    key = jax.random.key(seed)
    ks = jax.random.split(key, 6)
    x = jax.random.normal(ks[0], (N_NODES, D_IN), dtype=jnp.float32)
    edge_index = jax.random.randint(ks[1], (2, N_EDGES), 0, N_NODES, dtype=jnp.int64)
    W1 = jax.random.normal(ks[2], (D_IN, D_HID), dtype=jnp.float32) * (1.0 / np.sqrt(D_IN))
    b1 = jnp.zeros((D_HID,), dtype=jnp.float32)
    W2 = jax.random.normal(ks[3], (D_HID, D_OUT), dtype=jnp.float32) * (1.0 / np.sqrt(D_HID))
    b2 = jnp.zeros((D_OUT,), dtype=jnp.float32)
    return {"x": x, "edge_index": edge_index, "W1": W1, "b1": b1, "W2": W2, "b2": b2}


def _gcn_conv(x, edge_index, W, b):
    # GCNConv with add_self_loops=True and symmetric normalization (PyG semantics)
    N = x.shape[0]
    ar = jnp.arange(N, dtype=edge_index.dtype)
    loops = jnp.stack([ar, ar], axis=0)
    ei = jnp.concatenate([edge_index, loops], axis=1)
    row, col = ei[0], ei[1]  # messages flow row (src) -> col (dst)
    xw = x @ W
    deg = jnp.zeros((N,), dtype=xw.dtype).at[col].add(1.0)
    deg_inv_sqrt = jnp.where(deg > 0, jax.lax.rsqrt(jnp.maximum(deg, 1e-12)), 0.0)
    norm = deg_inv_sqrt[row] * deg_inv_sqrt[col]
    msg = jnp.take(xw, row, axis=0) * norm[:, None]
    out = jnp.zeros((N, xw.shape[1]), dtype=xw.dtype).at[col].add(msg)
    return out + b


def reference(x, edge_index, W1, b1, W2, b2):
    h = _gcn_conv(x, edge_index, W1, b1)
    h = jax.nn.relu(h)
    # dropout is identity in eval mode (training=False)
    out = _gcn_conv(h, edge_index, W2, b2)
    return out

if __name__ == "__main__":
    import jax
    _d = setup_inputs()
    print(jax.jit(kernel)(*tuple(_d.values())))

</pallas_src>

<mosaic_0001>
#map = affine_map<(d0, d1) -> (0, 0)>
#map1 = affine_map<(d0, d1) -> (0)>
module attributes {stable_mosaic.version = 14 : i64} {
  func.func @_deg_kernel(%arg0: i32, %arg1: i32, %arg2: memref<32x10240xi32, #tpu.memory_space<hbm>>, %arg3: memref<10240xf32, #tpu.memory_space<hbm>>, %arg4: memref<327680xf32, #tpu.memory_space<hbm>>, %arg5: memref<10240xi32, #tpu.memory_space<vmem>>, %arg6: memref<10240xf32, #tpu.memory_space<vmem>>) attributes {dimension_semantics = [#tpu.dimension_semantics<core_parallel>, #tpu.dimension_semantics<subcore_parallel>], iteration_bounds = array<i64: 2, 16>, scalar_prefetch = 0 : i64, scratch_operands = 2 : i64, tpu.core_type = #tpu.core_type<sc_vector_subcore>, window_params = [{transform_indices = #map}, {transform_indices = #map1}, {transform_indices = #map1}]} {
    %mul3A = arith.constant 16 : i32
    %mul3A_0 = arith.muli %arg0, %mul3A : i32
    %add3A = arith.addi %mul3A_0, %arg1 : i32
    "tpu.region"() ({
      %run_scoped3A = tpu.sem_alloc : memref<!tpu.dma_semaphore, #tpu.memory_space<semaphore_mem>>
      %dma_start3A = arith.constant 0 : i32
      %dma_start3A_8 = tpu.memref_slice %arg2[%add3A, %dma_start3A] : memref<32x10240xi32, #tpu.memory_space<hbm>> -> memref<1x10240xi32, #tpu.memory_space<hbm>>
      %dma_start3A_9 = tpu.memref_squeeze %dma_start3A_8 : memref<1x10240xi32, #tpu.memory_space<hbm>> -> memref<10240xi32, #tpu.memory_space<hbm>>
      %dma_start3A_10 = arith.constant 0 : i32
      %dma_start3A_11 = tpu.memref_slice %arg2[%add3A, %dma_start3A_10] : memref<32x10240xi32, #tpu.memory_space<hbm>> -> memref<1x10240xi32, #tpu.memory_space<hbm>>
      %dma_start3A_12 = tpu.memref_squeeze %dma_start3A_11 : memref<1x10240xi32, #tpu.memory_space<hbm>> -> memref<10240xi32, #tpu.memory_space<hbm>>
      tpu.enqueue_dma source(%dma_start3A_12 : memref<10240xi32, #tpu.memory_space<hbm>>) target(%arg5 : memref<10240xi32, #tpu.memory_space<vmem>>) target_semaphore(%run_scoped3A : memref<!tpu.dma_semaphore, #tpu.memory_space<semaphore_mem>>)
      %dma_wait3A = arith.constant 0 : i32
      %dma_wait3A_13 = tpu.memref_slice %arg2[%add3A, %dma_wait3A] : memref<32x10240xi32, #tpu.memory_space<hbm>> -> memref<1x10240xi32, #tpu.memory_space<hbm>>
      %dma_wait3A_14 = tpu.memref_squeeze %dma_wait3A_13 : memref<1x10240xi32, #tpu.memory_space<hbm>> -> memref<10240xi32, #tpu.memory_space<hbm>>
      %dma_wait3A_15 = arith.constant 0 : i32
      %dma_wait3A_16 = tpu.memref_slice %arg2[%add3A, %dma_wait3A_15] : memref<32x10240xi32, #tpu.memory_space<hbm>> -> memref<1x10240xi32, #tpu.memory_space<hbm>>
      %dma_wait3A_17 = tpu.memref_squeeze %dma_wait3A_16 : memref<1x10240xi32, #tpu.memory_space<hbm>> -> memref<10240xi32, #tpu.memory_space<hbm>>
      tpu.wait_dma2 semaphore(%run_scoped3A : memref<!tpu.dma_semaphore, #tpu.memory_space<semaphore_mem>>) src(%dma_wait3A_17 : memref<10240xi32, #tpu.memory_space<hbm>>) dst(%arg5 : memref<10240xi32, #tpu.memory_space<vmem>>)
      tpu.yield
    }) : () -> ()
    "tpu.region"() ({
      %run_scoped3A = tpu.sem_alloc : memref<!tpu.dma_semaphore, #tpu.memory_space<semaphore_mem>>
      tpu.enqueue_dma source(%arg3 : memref<10240xf32, #tpu.memory_space<hbm>>) target(%arg6 : memref<10240xf32, #tpu.memory_space<vmem>>) target_semaphore(%run_scoped3A : memref<!tpu.dma_semaphore, #tpu.memory_space<semaphore_mem>>)
      tpu.wait_dma2 semaphore(%run_scoped3A : memref<!tpu.dma_semaphore, #tpu.memory_space<semaphore_mem>>) src(%arg3 : memref<10240xf32, #tpu.memory_space<hbm>>) dst(%arg6 : memref<10240xf32, #tpu.memory_space<vmem>>)
      tpu.yield
    }) : () -> ()
    %scan3A = arith.constant 0 : i32
    %scan3A_1 = arith.constant 0 : i32
    %scan3A_2 = arith.constant 640 : i32
    %scan3A_3 = arith.addi %scan3A_1, %scan3A_2 : i32
    %scan3A_4 = arith.constant 1 : i32
    scf.for %scan3A_8 = %scan3A_1 to %scan3A_3 step %scan3A_4  : i32 {
      %mul3A_9 = arith.constant 16 : i32
      %mul3A_10 = arith.muli %scan3A_8, %mul3A_9 : i32
      %get3A = arith.index_cast %mul3A_10 : i32 to index
      %get3A_11 = tpu.vector_load %arg5[%get3A] {strides = array<i32>} : memref<10240xi32, #tpu.memory_space<vmem>>, vector<16xi32>,
      %broadcast_in_dim3A = arith.constant true
      %broadcast_in_dim3A_12 = vector.broadcast %broadcast_in_dim3A : i1 to vector<16xi1>
      %unique3A, %unique3A_13 = tpu.scan_count mask(%broadcast_in_dim3A_12 : vector<16xi1>) value(%get3A_11 : vector<16xi32>) : vector<16xi1>, vector<16xi32>
      %convert_element_type3A = arith.sitofp %unique3A_13 : vector<16xi32> to vector<16xf32>
      tpu.vector_store_idx %arg6[%get3A_11], %convert_element_type3A masked %unique3A {add = true} : memref<10240xf32, #tpu.memory_space<vmem>>[vector<16xi32>], vector<16xf32>, vector<16xi1>
    }
    %scan3A_5 = arith.constant 640 : i32
    %mul3A_6 = arith.constant 10240 : i32
    %mul3A_7 = arith.muli %add3A, %mul3A_6 : i32
    "tpu.region"() ({
      %run_scoped3A = tpu.sem_alloc : memref<!tpu.dma_semaphore, #tpu.memory_space<semaphore_mem>>
      %dma_start3A = tpu.memref_slice %arg4[%mul3A_7] : memref<327680xf32, #tpu.memory_space<hbm>> -> memref<10240xf32, #tpu.memory_space<hbm>>
      %dma_start3A_8 = tpu.memref_slice %arg4[%mul3A_7] : memref<327680xf32, #tpu.memory_space<hbm>> -> memref<10240xf32, #tpu.memory_space<hbm>>
      tpu.enqueue_dma source(%arg6 : memref<10240xf32, #tpu.memory_space<vmem>>) target(%dma_start3A_8 : memref<10240xf32, #tpu.memory_space<hbm>>) target_semaphore(%run_scoped3A : memref<!tpu.dma_semaphore, #tpu.memory_space<semaphore_mem>>)
      %dma_wait3A = tpu.memref_slice %arg4[%mul3A_7] : memref<327680xf32, #tpu.memory_space<hbm>> -> memref<10240xf32, #tpu.memory_space<hbm>>
      %dma_wait3A_9 = tpu.memref_slice %arg4[%mul3A_7] : memref<327680xf32, #tpu.memory_space<hbm>> -> memref<10240xf32, #tpu.memory_space<hbm>>
      tpu.wait_dma2 semaphore(%run_scoped3A : memref<!tpu.dma_semaphore, #tpu.memory_space<semaphore_mem>>) src(%arg6 : memref<10240xf32, #tpu.memory_space<vmem>>) dst(%dma_wait3A_9 : memref<10240xf32, #tpu.memory_space<hbm>>)
      tpu.yield
    }) : () -> ()
    return
  }
}

#map = affine_map<(d0, d1) -> (0, 0, 0)>
#map1 = affine_map<(d0, d1) -> (0, 0, 0, 0)>
module attributes {stable_mosaic.version = 14 : i64} {
  func.func @agg(%arg0: i32, %arg1: i32, %arg2: memref<2x10240x64xf32, #tpu.memory_space<hbm>>, %arg3: memref<32x80x128xi32, #tpu.memory_space<hbm>>, %arg4: memref<32x80x128xi32, #tpu.memory_space<hbm>>, %arg5: memref<2x2x10240x64xf32, #tpu.memory_space<hbm>>, %arg6: memref<80x128xi32, #tpu.memory_space<vmem>>, %arg7: memref<80x128xi32, #tpu.memory_space<vmem>>, %arg8: memref<5x128x64xf32, #tpu.memory_space<vmem>>, %arg9: memref<10240x64xf32, #tpu.memory_space<vmem_shared>>, %arg10: memref<5x!tpu.dma_semaphore, #tpu.memory_space<semaphore_mem>>, %arg11: memref<5x!tpu.dma_semaphore, #tpu.memory_space<semaphore_mem>>) attributes {dimension_semantics = [#tpu.dimension_semantics<core_parallel>, #tpu.dimension_semantics<subcore_parallel>], iteration_bounds = array<i64: 2, 16>, scalar_prefetch = 0 : i64, scratch_operands = 6 : i64, tpu.core_type = #tpu.core_type<sc_vector_subcore>, window_params = [{transform_indices = #map}, {transform_indices = #map}, {transform_indices = #map}, {transform_indices = #map1}]} {
    %mul3A = arith.constant 16 : i32
    %mul3A_0 = arith.muli %arg0, %mul3A : i32
    %add3A = arith.addi %mul3A_0, %arg1 : i32
    "tpu.region"() ({
      %run_scoped3A_307 = tpu.sem_alloc : memref<!tpu.dma_semaphore, #tpu.memory_space<semaphore_mem>>
      %dma_start3A_308 = arith.constant 0 : i32
      %dma_start3A_309 = arith.constant 0 : i32
      %dma_start3A_310 = tpu.memref_slice %arg3[%add3A, %dma_start3A_308, %dma_start3A_309] : memref<32x80x128xi32, #tpu.memory_space<hbm>> -> memref<1x80x128xi32, #tpu.memory_space<hbm>>
      %dma_start3A_311 = tpu.memref_squeeze %dma_start3A_310 : memref<1x80x128xi32, #tpu.memory_space<hbm>> -> memref<80x128xi32, #tpu.memory_space<hbm>>
      %dma_start3A_312 = arith.constant 0 : i32
      %dma_start3A_313 = arith.constant 0 : i32
      %dma_start3A_314 = tpu.memref_slice %arg3[%add3A, %dma_start3A_312, %dma_start3A_313] : memref<32x80x128xi32, #tpu.memory_space<hbm>> -> memref<1x80x128xi32, #tpu.memory_space<hbm>>
      %dma_start3A_315 = tpu.memref_squeeze %dma_start3A_314 : memref<1x80x128xi32, #tpu.memory_space<hbm>> -> memref<80x128xi32, #tpu.memory_space<hbm>>
      tpu.enqueue_dma source(%dma_start3A_315 : memref<80x128xi32, #tpu.memory_space<hbm>>) target(%arg6 : memref<80x128xi32, #tpu.memory_space<vmem>>) target_semaphore(%run_scoped3A_307 : memref<!tpu.dma_semaphore, #tpu.memory_space<semaphore_mem>>)
      %dma_wait3A_316 = arith.constant 0 : i32
      %dma_wait3A_317 = arith.constant 0 : i32
      %dma_wait3A_318 = tpu.memref_slice %arg3[%add3A, %dma_wait3A_316, %dma_wait3A_317] : memref<32x80x128xi32, #tpu.memory_space<hbm>> -> memref<1x80x128xi32, #tpu.memory_space<hbm>>
      %dma_wait3A_319 = tpu.memref_squeeze %dma_wait3A_318 : memref<1x80x128xi32, #tpu.memory_space<hbm>> -> memref<80x128xi32, #tpu.memory_space<hbm>>
      %dma_wait3A_320 = arith.constant 0 : i32
      %dma_wait3A_321 = arith.constant 0 : i32
      %dma_wait3A_322 = tpu.memref_slice %arg3[%add3A, %dma_wait3A_320, %dma_wait3A_321] : memref<32x80x128xi32, #tpu.memory_space<hbm>> -> memref<1x80x128xi32, #tpu.memory_space<hbm>>
      %dma_wait3A_323 = tpu.memref_squeeze %dma_wait3A_322 : memref<1x80x128xi32, #tpu.memory_space<hbm>> -> memref<80x128xi32, #tpu.memory_space<hbm>>
      tpu.wait_dma2 semaphore(%run_scoped3A_307 : memref<!tpu.dma_semaphore, #tpu.memory_space<semaphore_mem>>) src(%dma_wait3A_323 : memref<80x128xi32, #tpu.memory_space<hbm>>) dst(%arg6 : memref<80x128xi32, #tpu.memory_space<vmem>>)
      tpu.yield
    }) : () -> ()
    %mul3A_1 = arith.constant 16 : i32
    %mul3A_2 = arith.muli %arg0, %mul3A_1 : i32
    %add3A_3 = arith.addi %mul3A_2, %arg1 : i32
    "tpu.region"() ({
      %run_scoped3A_307 = tpu.sem_alloc : memref<!tpu.dma_semaphore, #tpu.memory_space<semaphore_mem>>
      %dma_start3A_308 = arith.constant 0 : i32
      %dma_start3A_309 = arith.constant 0 : i32
      %dma_start3A_310 = tpu.memref_slice %arg4[%add3A_3, %dma_start3A_308, %dma_start3A_309] : memref<32x80x128xi32, #tpu.memory_space<hbm>> -> memref<1x80x128xi32, #tpu.memory_space<hbm>>
      %dma_start3A_311 = tpu.memref_squeeze %dma_start3A_310 : memref<1x80x128xi32, #tpu.memory_space<hbm>> -> memref<80x128xi32, #tpu.memory_space<hbm>>
      %dma_start3A_312 = arith.constant 0 : i32
      %dma_start3A_313 = arith.constant 0 : i32
      %dma_start3A_314 = tpu.memref_slice %arg4[%add3A_3, %dma_start3A_312, %dma_start3A_313] : memref<32x80x128xi32, #tpu.memory_space<hbm>> -> memref<1x80x128xi32, #tpu.memory_space<hbm>>
      %dma_start3A_315 = tpu.memref_squeeze %dma_start3A_314 : memref<1x80x128xi32, #tpu.memory_space<hbm>> -> memref<80x128xi32, #tpu.memory_space<hbm>>
      tpu.enqueue_dma source(%dma_start3A_315 : memref<80x128xi32, #tpu.memory_space<hbm>>) target(%arg7 : memref<80x128xi32, #tpu.memory_space<vmem>>) target_semaphore(%run_scoped3A_307 : memref<!tpu.dma_semaphore, #tpu.memory_space<semaphore_mem>>)
      %dma_wait3A_316 = arith.constant 0 : i32
      %dma_wait3A_317 = arith.constant 0 : i32
      %dma_wait3A_318 = tpu.memref_slice %arg4[%add3A_3, %dma_wait3A_316, %dma_wait3A_317] : memref<32x80x128xi32, #tpu.memory_space<hbm>> -> memref<1x80x128xi32, #tpu.memory_space<hbm>>
      %dma_wait3A_319 = tpu.memref_squeeze %dma_wait3A_318 : memref<1x80x128xi32, #tpu.memory_space<hbm>> -> memref<80x128xi32, #tpu.memory_space<hbm>>
      %dma_wait3A_320 = arith.constant 0 : i32
      %dma_wait3A_321 = arith.constant 0 : i32
      %dma_wait3A_322 = tpu.memref_slice %arg4[%add3A_3, %dma_wait3A_320, %dma_wait3A_321] : memref<32x80x128xi32, #tpu.memory_space<hbm>> -> memref<1x80x128xi32, #tpu.memory_space<hbm>>
      %dma_wait3A_323 = tpu.memref_squeeze %dma_wait3A_322 : memref<1x80x128xi32, #tpu.memory_space<hbm>> -> memref<80x128xi32, #tpu.memory_space<hbm>>
      tpu.wait_dma2 semaphore(%run_scoped3A_307 : memref<!tpu.dma_semaphore, #tpu.memory_space<semaphore_mem>>) src(%dma_wait3A_323 : memref<80x128xi32, #tpu.memory_space<hbm>>) dst(%arg7 : memref<80x128xi32, #tpu.memory_space<vmem>>)
      tpu.yield
    }) : () -> ()
    %dma_start3A = arith.constant 0 : i32
    %dma_start3A_4 = arith.constant 0 : i32
    %dma_start3A_5 = arith.constant 0 : i32
    %dma_start3A_6 = arith.constant 0 : i32
    %dma_start3A_7 = arith.constant 0 : i32
    %dma_start3A_8 = arith.constant 0 : i32
    %dma_start3A_9 = tpu.memref_slice %arg8[%dma_start3A_5, %dma_start3A_7, %dma_start3A_8] : memref<5x128x64xf32, #tpu.memory_space<vmem>> -> memref<1x128x64xf32, #tpu.memory_space<vmem>>
    %dma_start3A_10 = tpu.memref_squeeze %dma_start3A_9 : memref<1x128x64xf32, #tpu.memory_space<vmem>> -> memref<128x64xf32, #tpu.memory_space<vmem>>
    %dma_start3A_11 = arith.constant 0 : i32
    %dma_start3A_12 = tpu.memref_slice %arg6[%dma_start3A_4, %dma_start3A_11] : memref<80x128xi32, #tpu.memory_space<vmem>> -> memref<1x128xi32, #tpu.memory_space<vmem>>
    %dma_start3A_13 = tpu.memref_squeeze %dma_start3A_12 : memref<1x128xi32, #tpu.memory_space<vmem>> -> memref<128xi32, #tpu.memory_space<vmem>>
    %dma_start3A_14 = arith.constant 0 : i32
    %dma_start3A_15 = arith.constant 0 : i32
    %dma_start3A_16 = tpu.memref_slice %arg2[%dma_start3A, %dma_start3A_14, %dma_start3A_15] : memref<2x10240x64xf32, #tpu.memory_space<hbm>> -> memref<1x10240x64xf32, #tpu.memory_space<hbm>>
    %dma_start3A_17 = tpu.memref_squeeze %dma_start3A_16 : memref<1x10240x64xf32, #tpu.memory_space<hbm>> -> memref<10240x64xf32, #tpu.memory_space<hbm>>
    %dma_start3A_18 = arith.constant 0 : i32
    %dma_start3A_19 = arith.constant 0 : i32
    %dma_start3A_20 = tpu.memref_slice %dma_start3A_17[%dma_start3A_18, %dma_start3A_19] : memref<10240x64xf32, #tpu.memory_space<hbm>> -> memref<10240x64xf32, #tpu.memory_space<hbm>>
    %dma_start3A_21 = tpu.memref_slice %arg10[%dma_start3A_6] : memref<5x!tpu.dma_semaphore, #tpu.memory_space<semaphore_mem>> -> memref<1x!tpu.dma_semaphore, #tpu.memory_space<semaphore_mem>>
    %dma_start3A_22 = tpu.memref_squeeze %dma_start3A_21 : memref<1x!tpu.dma_semaphore, #tpu.memory_space<semaphore_mem>> -> memref<!tpu.dma_semaphore, #tpu.memory_space<semaphore_mem>>
    tpu.enqueue_indirect_dma source(%dma_start3A_20 : memref<10240x64xf32, #tpu.memory_space<hbm>>) target(%dma_start3A_10 : memref<128x64xf32, #tpu.memory_space<vmem>>) offsets(%dma_start3A_13 : memref<128xi32, #tpu.memory_space<vmem>>) semaphore(%dma_start3A_22 : memref<!tpu.dma_semaphore, #tpu.memory_space<semaphore_mem>>)
    %dma_start3A_23 = arith.constant 0 : i32
    %dma_start3A_24 = arith.constant 1 : i32
    %dma_start3A_25 = arith.constant 1 : i32
    %dma_start3A_26 = arith.constant 1 : i32
    %dma_start3A_27 = arith.constant 0 : i32
    %dma_start3A_28 = arith.constant 0 : i32
    %dma_start3A_29 = tpu.memref_slice %arg8[%dma_start3A_25, %dma_start3A_27, %dma_start3A_28] : memref<5x128x64xf32, #tpu.memory_space<vmem>> -> memref<1x128x64xf32, #tpu.memory_space<vmem>>
    %dma_start3A_30 = tpu.memref_squeeze %dma_start3A_29 : memref<1x128x64xf32, #tpu.memory_space<vmem>> -> memref<128x64xf32, #tpu.memory_space<vmem>>
    %dma_start3A_31 = arith.constant 0 : i32
    %dma_start3A_32 = tpu.memref_slice %arg6[%dma_start3A_24, %dma_start3A_31] : memref<80x128xi32, #tpu.memory_space<vmem>> -> memref<1x128xi32, #tpu.memory_space<vmem>>
    %dma_start3A_33 = tpu.memref_squeeze %dma_start3A_32 : memref<1x128xi32, #tpu.memory_space<vmem>> -> memref<128xi32, #tpu.memory_space<vmem>>
    %dma_start3A_34 = arith.constant 0 : i32
    %dma_start3A_35 = arith.constant 0 : i32
    %dma_start3A_36 = tpu.memref_slice %arg2[%dma_start3A_23, %dma_start3A_34, %dma_start3A_35] : memref<2x10240x64xf32, #tpu.memory_space<hbm>> -> memref<1x10240x64xf32, #tpu.memory_space<hbm>>
    %dma_start3A_37 = tpu.memref_squeeze %dma_start3A_36 : memref<1x10240x64xf32, #tpu.memory_space<hbm>> -> memref<10240x64xf32, #tpu.memory_space<hbm>>
    %dma_start3A_38 = arith.constant 0 : i32
    %dma_start3A_39 = arith.constant 0 : i32
    %dma_start3A_40 = tpu.memref_slice %dma_start3A_37[%dma_start3A_38, %dma_start3A_39] : memref<10240x64xf32, #tpu.memory_space<hbm>> -> memref<10240x64xf32, #tpu.memory_space<hbm>>
    %dma_start3A_41 = tpu.memref_slice %arg10[%dma_start3A_26] : memref<5x!tpu.dma_semaphore, #tpu.memory_space<semaphore_mem>> -> memref<1x!tpu.dma_semaphore, #tpu.memory_space<semaphore_mem>>
    %dma_start3A_42 = tpu.memref_squeeze %dma_start3A_41 : memref<1x!tpu.dma_semaphore, #tpu.memory_space<semaphore_mem>> -> memref<!tpu.dma_semaphore, #tpu.memory_space<semaphore_mem>>
    tpu.enqueue_indirect_dma source(%dma_start3A_40 : memref<10240x64xf32, #tpu.memory_space<hbm>>) target(%dma_start3A_30 : memref<128x64xf32, #tpu.memory_space<vmem>>) offsets(%dma_start3A_33 : memref<128xi32, #tpu.memory_space<vmem>>) semaphore(%dma_start3A_42 : memref<!tpu.dma_semaphore, #tpu.memory_space<semaphore_mem>>)
    %dma_start3A_43 = arith.constant 0 : i32
    %dma_start3A_44 = arith.constant 2 : i32
    %dma_start3A_45 = arith.constant 2 : i32
    %dma_start3A_46 = arith.constant 2 : i32
    %dma_start3A_47 = arith.constant 0 : i32
    %dma_start3A_48 = arith.constant 0 : i32
    %dma_start3A_49 = tpu.memref_slice %arg8[%dma_start3A_45, %dma_start3A_47, %dma_start3A_48] : memref<5x128x64xf32, #tpu.memory_space<vmem>> -> memref<1x128x64xf32, #tpu.memory_space<vmem>>
    %dma_start3A_50 = tpu.memref_squeeze %dma_start3A_49 : memref<1x128x64xf32, #tpu.memory_space<vmem>> -> memref<128x64xf32, #tpu.memory_space<vmem>>
    %dma_start3A_51 = arith.constant 0 : i32
    %dma_start3A_52 = tpu.memref_slice %arg6[%dma_start3A_44, %dma_start3A_51] : memref<80x128xi32, #tpu.memory_space<vmem>> -> memref<1x128xi32, #tpu.memory_space<vmem>>
    %dma_start3A_53 = tpu.memref_squeeze %dma_start3A_52 : memref<1x128xi32, #tpu.memory_space<vmem>> -> memref<128xi32, #tpu.memory_space<vmem>>
    %dma_start3A_54 = arith.constant 0 : i32
    %dma_start3A_55 = arith.constant 0 : i32
    %dma_start3A_56 = tpu.memref_slice %arg2[%dma_start3A_43, %dma_start3A_54, %dma_start3A_55] : memref<2x10240x64xf32, #tpu.memory_space<hbm>> -> memref<1x10240x64xf32, #tpu.memory_space<hbm>>
    %dma_start3A_57 = tpu.memref_squeeze %dma_start3A_56 : memref<1x10240x64xf32, #tpu.memory_space<hbm>> -> memref<10240x64xf32, #tpu.memory_space<hbm>>
    %dma_start3A_58 = arith.constant 0 : i32
    %dma_start3A_59 = arith.constant 0 : i32
    %dma_start3A_60 = tpu.memref_slice %dma_start3A_57[%dma_start3A_58, %dma_start3A_59] : memref<10240x64xf32, #tpu.memory_space<hbm>> -> memref<10240x64xf32, #tpu.memory_space<hbm>>
    %dma_start3A_61 = tpu.memref_slice %arg10[%dma_start3A_46] : memref<5x!tpu.dma_semaphore, #tpu.memory_space<semaphore_mem>> -> memref<1x!tpu.dma_semaphore, #tpu.memory_space<semaphore_mem>>
    %dma_start3A_62 = tpu.memref_squeeze %dma_start3A_61 : memref<1x!tpu.dma_semaphore, #tpu.memory_space<semaphore_mem>> -> memref<!tpu.dma_semaphore, #tpu.memory_space<semaphore_mem>>
    tpu.enqueue_indirect_dma source(%dma_start3A_60 : memref<10240x64xf32, #tpu.memory_space<hbm>>) target(%dma_start3A_50 : memref<128x64xf32, #tpu.memory_space<vmem>>) offsets(%dma_start3A_53 : memref<128xi32, #tpu.memory_space<vmem>>) semaphore(%dma_start3A_62 : memref<!tpu.dma_semaphore, #tpu.memory_space<semaphore_mem>>)
    %mul3A_63 = arith.constant 640 : i32
    %mul3A_64 = arith.muli %arg1, %mul3A_63 : i32
    %mul3A_65 = arith.constant 640 : i32
    %mul3A_66 = arith.muli %arg1, %mul3A_65 : i32
    %run_scoped3A = arith.constant 0 : i32
    "tpu.region"() ({
      %run_scoped3A_307 = tpu.sem_alloc : memref<!tpu.dma_semaphore, #tpu.memory_space<semaphore_mem>>
      %dma_start3A_308 = arith.constant 0 : i32
      %dma_start3A_309 = tpu.memref_slice %arg9[%mul3A_66, %dma_start3A_308] : memref<10240x64xf32, #tpu.memory_space<vmem_shared>> -> memref<640x64xf32, #tpu.memory_space<vmem_shared>>
      %dma_start3A_310 = arith.constant 0 : i32
      %dma_start3A_311 = arith.constant 0 : i32
      %dma_start3A_312 = tpu.memref_slice %arg2[%run_scoped3A, %dma_start3A_310, %dma_start3A_311] : memref<2x10240x64xf32, #tpu.memory_space<hbm>> -> memref<1x10240x64xf32, #tpu.memory_space<hbm>>
      %dma_start3A_313 = tpu.memref_squeeze %dma_start3A_312 : memref<1x10240x64xf32, #tpu.memory_space<hbm>> -> memref<10240x64xf32, #tpu.memory_space<hbm>>
      %dma_start3A_314 = arith.constant 0 : i32
      %dma_start3A_315 = tpu.memref_slice %dma_start3A_313[%mul3A_64, %dma_start3A_314] : memref<10240x64xf32, #tpu.memory_space<hbm>> -> memref<640x64xf32, #tpu.memory_space<hbm>>
      tpu.enqueue_dma source(%dma_start3A_315 : memref<640x64xf32, #tpu.memory_space<hbm>>) target(%dma_start3A_309 : memref<640x64xf32, #tpu.memory_space<vmem_shared>>) target_semaphore(%run_scoped3A_307 : memref<!tpu.dma_semaphore, #tpu.memory_space<semaphore_mem>>)
      %dma_wait3A_316 = arith.constant 0 : i32
      %dma_wait3A_317 = tpu.memref_slice %arg9[%mul3A_66, %dma_wait3A_316] : memref<10240x64xf32, #tpu.memory_space<vmem_shared>> -> memref<640x64xf32, #tpu.memory_space<vmem_shared>>
      %dma_wait3A_318 = arith.constant 0 : i32
      %dma_wait3A_319 = arith.constant 0 : i32
      %dma_wait3A_320 = tpu.memref_slice %arg2[%run_scoped3A, %dma_wait3A_318, %dma_wait3A_319] : memref<2x10240x64xf32, #tpu.memory_space<hbm>> -> memref<1x10240x64xf32, #tpu.memory_space<hbm>>
      %dma_wait3A_321 = tpu.memref_squeeze %dma_wait3A_320 : memref<1x10240x64xf32, #tpu.memory_space<hbm>> -> memref<10240x64xf32, #tpu.memory_space<hbm>>
      %dma_wait3A_322 = arith.constant 0 : i32
      %dma_wait3A_323 = tpu.memref_slice %dma_wait3A_321[%mul3A_64, %dma_wait3A_322] : memref<10240x64xf32, #tpu.memory_space<hbm>> -> memref<640x64xf32, #tpu.memory_space<hbm>>
      tpu.wait_dma2 semaphore(%run_scoped3A_307 : memref<!tpu.dma_semaphore, #tpu.memory_space<semaphore_mem>>) src(%dma_wait3A_323 : memref<640x64xf32, #tpu.memory_space<hbm>>) dst(%dma_wait3A_317 : memref<640x64xf32, #tpu.memory_space<vmem_shared>>)
      tpu.yield
    }) : () -> ()
    %barrier3A = arith.constant 0 : index
    tpu.barrier barrier_id(%barrier3A)
    %scan3A = arith.constant 0 : i32
    %scan3A_67 = arith.constant 0 : i32
    %scan3A_68 = arith.constant 0 : i32
    %scan3A_69 = arith.constant 16 : i32
    %scan3A_70 = arith.addi %scan3A_68, %scan3A_69 : i32
    %scan3A_71 = arith.constant 1 : i32
    scf.for %scan3A_307 = %scan3A_68 to %scan3A_70 step %scan3A_71  : i32 {
      %mul3A_308 = arith.constant 5 : i32
      %mul3A_309 = arith.muli %scan3A_307, %mul3A_308 : i32
      %add3A_310 = arith.constant 0 : i32
      %add3A_311 = arith.addi %mul3A_309, %add3A_310 : i32
      %dma_wait3A_312 = arith.constant 0 : i32
      %dma_wait3A_313 = arith.constant 0 : i32
      %dma_wait3A_314 = arith.constant 0 : i32
      %dma_wait3A_315 = arith.constant 0 : i32
      %dma_wait3A_316 = tpu.memref_slice %arg8[%dma_wait3A_312, %dma_wait3A_314, %dma_wait3A_315] : memref<5x128x64xf32, #tpu.memory_space<vmem>> -> memref<1x128x64xf32, #tpu.memory_space<vmem>>
      %dma_wait3A_317 = tpu.memref_squeeze %dma_wait3A_316 : memref<1x128x64xf32, #tpu.memory_space<vmem>> -> memref<128x64xf32, #tpu.memory_space<vmem>>
      %dma_wait3A_318 = arith.constant 0 : i32
      %dma_wait3A_319 = tpu.memref_slice %arg6[%add3A_311, %dma_wait3A_318] : memref<80x128xi32, #tpu.memory_space<vmem>> -> memref<1x128xi32, #tpu.memory_space<vmem>>
      %dma_wait3A_320 = tpu.memref_squeeze %dma_wait3A_319 : memref<1x128xi32, #tpu.memory_space<vmem>> -> memref<128xi32, #tpu.memory_space<vmem>>
      %dma_wait3A_321 = arith.constant 0 : i32
      %dma_wait3A_322 = arith.constant 0 : i32
      %dma_wait3A_323 = tpu.memref_slice %arg2[%scan3A_67, %dma_wait3A_321, %dma_wait3A_322] : memref<2x10240x64xf32, #tpu.memory_space<hbm>> -> memref<1x10240x64xf32, #tpu.memory_space<hbm>>
      %dma_wait3A_324 = tpu.memref_squeeze %dma_wait3A_323 : memref<1x10240x64xf32, #tpu.memory_space<hbm>> -> memref<10240x64xf32, #tpu.memory_space<hbm>>
      %dma_wait3A_325 = arith.constant 0 : i32
      %dma_wait3A_326 = arith.constant 0 : i32
      %dma_wait3A_327 = tpu.memref_slice %dma_wait3A_324[%dma_wait3A_325, %dma_wait3A_326] : memref<10240x64xf32, #tpu.memory_space<hbm>> -> memref<10240x64xf32, #tpu.memory_space<hbm>>
      %dma_wait3A_328 = tpu.memref_slice %arg10[%dma_wait3A_313] : memref<5x!tpu.dma_semaphore, #tpu.memory_space<semaphore_mem>> -> memref<1x!tpu.dma_semaphore, #tpu.memory_space<semaphore_mem>>
      %dma_wait3A_329 = tpu.memref_squeeze %dma_wait3A_328 : memref<1x!tpu.dma_semaphore, #tpu.memory_space<semaphore_mem>> -> memref<!tpu.dma_semaphore, #tpu.memory_space<semaphore_mem>>
      tpu.wait_indirect_dma semaphore(%dma_wait3A_329 : memref<!tpu.dma_semaphore, #tpu.memory_space<semaphore_mem>>) src(%dma_wait3A_327 : memref<10240x64xf32, #tpu.memory_space<hbm>>) dst(%dma_wait3A_317 : memref<128x64xf32, #tpu.memory_space<vmem>>)
      %dma_start3A_330 = arith.constant 0 : i32
      %dma_start3A_331 = arith.constant 0 : i32
      %dma_start3A_332 = arith.constant 0 : i32
      %dma_start3A_333 = arith.constant 0 : i32
      %dma_start3A_334 = tpu.memref_slice %arg8[%dma_start3A_330, %dma_start3A_332, %dma_start3A_333] : memref<5x128x64xf32, #tpu.memory_space<vmem>> -> memref<1x128x64xf32, #tpu.memory_space<vmem>>
      %dma_start3A_335 = tpu.memref_squeeze %dma_start3A_334 : memref<1x128x64xf32, #tpu.memory_space<vmem>> -> memref<128x64xf32, #tpu.memory_space<vmem>>
      %dma_start3A_336 = arith.constant 0 : i32
      %dma_start3A_337 = tpu.memref_slice %arg7[%add3A_311, %dma_start3A_336] : memref<80x128xi32, #tpu.memory_space<vmem>> -> memref<1x128xi32, #tpu.memory_space<vmem>>
      %dma_start3A_338 = tpu.memref_squeeze %dma_start3A_337 : memref<1x128xi32, #tpu.memory_space<vmem>> -> memref<128xi32, #tpu.memory_space<vmem>>
      %dma_start3A_339 = arith.constant 0 : i32
      %dma_start3A_340 = arith.constant 0 : i32
      %dma_start3A_341 = tpu.memref_slice %arg9[%dma_start3A_339, %dma_start3A_340] : memref<10240x64xf32, #tpu.memory_space<vmem_shared>> -> memref<10240x64xf32, #tpu.memory_space<vmem_shared>>
      %dma_start3A_342 = tpu.memref_slice %arg11[%dma_start3A_331] : memref<5x!tpu.dma_semaphore, #tpu.memory_space<semaphore_mem>> -> memref<1x!tpu.dma_semaphore, #tpu.memory_space<semaphore_mem>>
      %dma_start3A_343 = tpu.memref_squeeze %dma_start3A_342 : memref<1x!tpu.dma_semaphore, #tpu.memory_space<semaphore_mem>> -> memref<!tpu.dma_semaphore, #tpu.memory_space<semaphore_mem>>
      tpu.enqueue_indirect_dma source(%dma_start3A_335 : memref<128x64xf32, #tpu.memory_space<vmem>>) target(%dma_start3A_341 : memref<10240x64xf32, #tpu.memory_space<vmem_shared>>) offsets(%dma_start3A_338 : memref<128xi32, #tpu.memory_space<vmem>>) semaphore(%dma_start3A_343 : memref<!tpu.dma_semaphore, #tpu.memory_space<semaphore_mem>>) {add = true}
      %add3A_344 = arith.constant 3 : i32
      %add3A_345 = arith.addi %add3A_311, %add3A_344 : i32
      %lt3A = arith.constant 80 : i32
      %lt3A_346 = arith.cmpi slt, %add3A_345, %lt3A : i32
      %convert_element_type3A = arith.extui %lt3A_346 : i1 to i32
      %cond3A = arith.constant 0 : i32
      %cond3A_347 = arith.cmpi ne, %convert_element_type3A, %cond3A : i32
      scf.if %cond3A_347 {
        %ge3A = arith.constant 5 : i32
        %ge3A_520 = arith.cmpi sge, %add3A_345, %ge3A : i32
        %convert_element_type3A_521 = arith.extui %ge3A_520 : i1 to i32
        %cond3A_522 = arith.constant 0 : i32
        %cond3A_523 = arith.cmpi ne, %convert_element_type3A_521, %cond3A_522 : i32
        scf.if %cond3A_523 {
          %sub3A = arith.constant 5 : i32
          %sub3A_542 = arith.subi %add3A_345, %sub3A : i32
          %dma_wait3A_543 = arith.constant 3 : i32
          %dma_wait3A_544 = arith.constant 3 : i32
          %dma_wait3A_545 = arith.constant 0 : i32
          %dma_wait3A_546 = arith.constant 0 : i32
          %dma_wait3A_547 = tpu.memref_slice %arg8[%dma_wait3A_543, %dma_wait3A_545, %dma_wait3A_546] : memref<5x128x64xf32, #tpu.memory_space<vmem>> -> memref<1x128x64xf32, #tpu.memory_space<vmem>>
          %dma_wait3A_548 = tpu.memref_squeeze %dma_wait3A_547 : memref<1x128x64xf32, #tpu.memory_space<vmem>> -> memref<128x64xf32, #tpu.memory_space<vmem>>
          %dma_wait3A_549 = arith.constant 0 : i32
          %dma_wait3A_550 = tpu.memref_slice %arg7[%sub3A_542, %dma_wait3A_549] : memref<80x128xi32, #tpu.memory_space<vmem>> -> memref<1x128xi32, #tpu.memory_space<vmem>>
          %dma_wait3A_551 = tpu.memref_squeeze %dma_wait3A_550 : memref<1x128xi32, #tpu.memory_space<vmem>> -> memref<128xi32, #tpu.memory_space<vmem>>
          %dma_wait3A_552 = arith.constant 0 : i32
          %dma_wait3A_553 = arith.constant 0 : i32
          %dma_wait3A_554 = tpu.memref_slice %arg9[%dma_wait3A_552, %dma_wait3A_553] : memref<10240x64xf32, #tpu.memory_space<vmem_shared>> -> memref<10240x64xf32, #tpu.memory_space<vmem_shared>>
          %dma_wait3A_555 = tpu.memref_slice %arg11[%dma_wait3A_544] : memref<5x!tpu.dma_semaphore, #tpu.memory_space<semaphore_mem>> -> memref<1x!tpu.dma_semaphore, #tpu.memory_space<semaphore_mem>>
          %dma_wait3A_556 = tpu.memref_squeeze %dma_wait3A_555 : memref<1x!tpu.dma_semaphore, #tpu.memory_space<semaphore_mem>> -> memref<!tpu.dma_semaphore, #tpu.memory_space<semaphore_mem>>
          tpu.wait_indirect_dma semaphore(%dma_wait3A_556 : memref<!tpu.dma_semaphore, #tpu.memory_space<semaphore_mem>>) src(%dma_wait3A_548 : memref<128x64xf32, #tpu.memory_space<vmem>>) dst(%dma_wait3A_554 : memref<10240x64xf32, #tpu.memory_space<vmem_shared>>)
        } else {
        }
        %dma_start3A_524 = arith.constant 3 : i32
        %dma_start3A_525 = arith.constant 3 : i32
        %dma_start3A_526 = arith.constant 0 : i32
        %dma_start3A_527 = arith.constant 0 : i32
        %dma_start3A_528 = tpu.memref_slice %arg8[%dma_start3A_524, %dma_start3A_526, %dma_start3A_527] : memref<5x128x64xf32, #tpu.memory_space<vmem>> -> memref<1x128x64xf32, #tpu.memory_space<vmem>>
        %dma_start3A_529 = tpu.memref_squeeze %dma_start3A_528 : memref<1x128x64xf32, #tpu.memory_space<vmem>> -> memref<128x64xf32, #tpu.memory_space<vmem>>
        %dma_start3A_530 = arith.constant 0 : i32
        %dma_start3A_531 = tpu.memref_slice %arg6[%add3A_345, %dma_start3A_530] : memref<80x128xi32, #tpu.memory_space<vmem>> -> memref<1x128xi32, #tpu.memory_space<vmem>>
        %dma_start3A_532 = tpu.memref_squeeze %dma_start3A_531 : memref<1x128xi32, #tpu.memory_space<vmem>> -> memref<128xi32, #tpu.memory_space<vmem>>
        %dma_start3A_533 = arith.constant 0 : i32
        %dma_start3A_534 = arith.constant 0 : i32
        %dma_start3A_535 = tpu.memref_slice %arg2[%scan3A_67, %dma_start3A_533, %dma_start3A_534] : memref<2x10240x64xf32, #tpu.memory_space<hbm>> -> memref<1x10240x64xf32, #tpu.memory_space<hbm>>
        %dma_start3A_536 = tpu.memref_squeeze %dma_start3A_535 : memref<1x10240x64xf32, #tpu.memory_space<hbm>> -> memref<10240x64xf32, #tpu.memory_space<hbm>>
        %dma_start3A_537 = arith.constant 0 : i32
        %dma_start3A_538 = arith.constant 0 : i32
        %dma_start3A_539 = tpu.memref_slice %dma_start3A_536[%dma_start3A_537, %dma_start3A_538] : memref<10240x64xf32, #tpu.memory_space<hbm>> -> memref<10240x64xf32, #tpu.memory_space<hbm>>
        %dma_start3A_540 = tpu.memref_slice %arg10[%dma_start3A_525] : memref<5x!tpu.dma_semaphore, #tpu.memory_space<semaphore_mem>> -> memref<1x!tpu.dma_semaphore, #tpu.memory_space<semaphore_mem>>
        %dma_start3A_541 = tpu.memref_squeeze %dma_start3A_540 : memref<1x!tpu.dma_semaphore, #tpu.memory_space<semaphore_mem>> -> memref<!tpu.dma_semaphore, #tpu.memory_space<semaphore_mem>>
        tpu.enqueue_indirect_dma source(%dma_start3A_539 : memref<10240x64xf32, #tpu.memory_space<hbm>>) target(%dma_start3A_529 : memref<128x64xf32, #tpu.memory_space<vmem>>) offsets(%dma_start3A_532 : memref<128xi32, #tpu.memory_space<vmem>>) semaphore(%dma_start3A_541 : memref<!tpu.dma_semaphore, #tpu.memory_space<semaphore_mem>>)
      } else {
      }
      %mul3A_348 = arith.constant 5 : i32
      %mul3A_349 = arith.muli %scan3A_307, %mul3A_348 : i32
      %add3A_350 = arith.constant 1 : i32
      %add3A_351 = arith.addi %mul3A_349, %add3A_350 : i32
      %dma_wait3A_352 = arith.constant 1 : i32
      %dma_wait3A_353 = arith.constant 1 : i32
      %dma_wait3A_354 = arith.constant 0 : i32
      %dma_wait3A_355 = arith.constant 0 : i32
      %dma_wait3A_356 = tpu.memref_slice %arg8[%dma_wait3A_352, %dma_wait3A_354, %dma_wait3A_355] : memref<5x128x64xf32, #tpu.memory_space<vmem>> -> memref<1x128x64xf32, #tpu.memory_space<vmem>>
      %dma_wait3A_357 = tpu.memref_squeeze %dma_wait3A_356 : memref<1x128x64xf32, #tpu.memory_space<vmem>> -> memref<128x64xf32, #tpu.memory_space<vmem>>
      %dma_wait3A_358 = arith.constant 0 : i32
      %dma_wait3A_359 = tpu.memref_slice %arg6[%add3A_351, %dma_wait3A_358] : memref<80x128xi32, #tpu.memory_space<vmem>> -> memref<1x128xi32, #tpu.memory_space<vmem>>
      %dma_wait3A_360 = tpu.memref_squeeze %dma_wait3A_359 : memref<1x128xi32, #tpu.memory_space<vmem>> -> memref<128xi32, #tpu.memory_space<vmem>>
      %dma_wait3A_361 = arith.constant 0 : i32
      %dma_wait3A_362 = arith.constant 0 : i32
      %dma_wait3A_363 = tpu.memref_slice %arg2[%scan3A_67, %dma_wait3A_361, %dma_wait3A_362] : memref<2x10240x64xf32, #tpu.memory_space<hbm>> -> memref<1x10240x64xf32, #tpu.memory_space<hbm>>
      %dma_wait3A_364 = tpu.memref_squeeze %dma_wait3A_363 : memref<1x10240x64xf32, #tpu.memory_space<hbm>> -> memref<10240x64xf32, #tpu.memory_space<hbm>>
      %dma_wait3A_365 = arith.constant 0 : i32
      %dma_wait3A_366 = arith.constant 0 : i32
      %dma_wait3A_367 = tpu.memref_slice %dma_wait3A_364[%dma_wait3A_365, %dma_wait3A_366] : memref<10240x64xf32, #tpu.memory_space<hbm>> -> memref<10240x64xf32, #tpu.memory_space<hbm>>
      %dma_wait3A_368 = tpu.memref_slice %arg10[%dma_wait3A_353] : memref<5x!tpu.dma_semaphore, #tpu.memory_space<semaphore_mem>> -> memref<1x!tpu.dma_semaphore, #tpu.memory_space<semaphore_mem>>
      %dma_wait3A_369 = tpu.memref_squeeze %dma_wait3A_368 : memref<1x!tpu.dma_semaphore, #tpu.memory_space<semaphore_mem>> -> memref<!tpu.dma_semaphore, #tpu.memory_space<semaphore_mem>>
      tpu.wait_indirect_dma semaphore(%dma_wait3A_369 : memref<!tpu.dma_semaphore, #tpu.memory_space<semaphore_mem>>) src(%dma_wait3A_367 : memref<10240x64xf32, #tpu.memory_space<hbm>>) dst(%dma_wait3A_357 : memref<128x64xf32, #tpu.memory_space<vmem>>)
      %dma_start3A_370 = arith.constant 1 : i32
      %dma_start3A_371 = arith.constant 1 : i32
      %dma_start3A_372 = arith.constant 0 : i32
      %dma_start3A_373 = arith.constant 0 : i32
      %dma_start3A_374 = tpu.memref_slice %arg8[%dma_start3A_370, %dma_start3A_372, %dma_start3A_373] : memref<5x128x64xf32, #tpu.memory_space<vmem>> -> memref<1x128x64xf32, #tpu.memory_space<vmem>>
      %dma_start3A_375 = tpu.memref_squeeze %dma_start3A_374 : memref<1x128x64xf32, #tpu.memory_space<vmem>> -> memref<128x64xf32, #tpu.memory_space<vmem>>
      %dma_start3A_376 = arith.constant 0 : i32
      %dma_start3A_377 = tpu.memref_slice %arg7[%add3A_351, %dma_start3A_376] : memref<80x128xi32, #tpu.memory_space<vmem>> -> memref<1x128xi32, #tpu.memory_space<vmem>>
      %dma_start3A_378 = tpu.memref_squeeze %dma_start3A_377 : memref<1x128xi32, #tpu.memory_space<vmem>> -> memref<128xi32, #tpu.memory_space<vmem>>
      %dma_start3A_379 = arith.constant 0 : i32
      %dma_start3A_380 = arith.constant 0 : i32
      %dma_start3A_381 = tpu.memref_slice %arg9[%dma_start3A_379, %dma_start3A_380] : memref<10240x64xf32, #tpu.memory_space<vmem_shared>> -> memref<10240x64xf32, #tpu.memory_space<vmem_shared>>
      %dma_start3A_382 = tpu.memref_slice %arg11[%dma_start3A_371] : memref<5x!tpu.dma_semaphore, #tpu.memory_space<semaphore_mem>> -> memref<1x!tpu.dma_semaphore, #tpu.memory_space<semaphore_mem>>
      %dma_start3A_383 = tpu.memref_squeeze %dma_start3A_382 : memref<1x!tpu.dma_semaphore, #tpu.memory_space<semaphore_mem>> -> memref<!tpu.dma_semaphore, #tpu.memory_space<semaphore_mem>>
      tpu.enqueue_indirect_dma source(%dma_start3A_375 : memref<128x64xf32, #tpu.memory_space<vmem>>) target(%dma_start3A_381 : memref<10240x64xf32, #tpu.memory_space<vmem_shared>>) offsets(%dma_start3A_378 : memref<128xi32, #tpu.memory_space<vmem>>) semaphore(%dma_start3A_383 : memref<!tpu.dma_semaphore, #tpu.memory_space<semaphore_mem>>) {add = true}
      %add3A_384 = arith.constant 3 : i32
      %add3A_385 = arith.addi %add3A_351, %add3A_384 : i32
      %lt3A_386 = arith.constant 80 : i32
      %lt3A_387 = arith.cmpi slt, %add3A_385, %lt3A_386 : i32
      %convert_element_type3A_388 = arith.extui %lt3A_387 : i1 to i32
      %cond3A_389 = arith.constant 0 : i32
      %cond3A_390 = arith.cmpi ne, %convert_element_type3A_388, %cond3A_389 : i32
      scf.if %cond3A_390 {
        %ge3A = arith.constant 5 : i32
        %ge3A_520 = arith.cmpi sge, %add3A_385, %ge3A : i32
        %convert_element_type3A_521 = arith.extui %ge3A_520 : i1 to i32
        %cond3A_522 = arith.constant 0 : i32
        %cond3A_523 = arith.cmpi ne, %convert_element_type3A_521, %cond3A_522 : i32
        scf.if %cond3A_523 {
          %sub3A = arith.constant 5 : i32
          %sub3A_542 = arith.subi %add3A_385, %sub3A : i32
          %dma_wait3A_543 = arith.constant 4 : i32
          %dma_wait3A_544 = arith.constant 4 : i32
          %dma_wait3A_545 = arith.constant 0 : i32
          %dma_wait3A_546 = arith.constant 0 : i32
          %dma_wait3A_547 = tpu.memref_slice %arg8[%dma_wait3A_543, %dma_wait3A_545, %dma_wait3A_546] : memref<5x128x64xf32, #tpu.memory_space<vmem>> -> memref<1x128x64xf32, #tpu.memory_space<vmem>>
          %dma_wait3A_548 = tpu.memref_squeeze %dma_wait3A_547 : memref<1x128x64xf32, #tpu.memory_space<vmem>> -> memref<128x64xf32, #tpu.memory_space<vmem>>
          %dma_wait3A_549 = arith.constant 0 : i32
          %dma_wait3A_550 = tpu.memref_slice %arg7[%sub3A_542, %dma_wait3A_549] : memref<80x128xi32, #tpu.memory_space<vmem>> -> memref<1x128xi32, #tpu.memory_space<vmem>>
          %dma_wait3A_551 = tpu.memref_squeeze %dma_wait3A_550 : memref<1x128xi32, #tpu.memory_space<vmem>> -> memref<128xi32, #tpu.memory_space<vmem>>
          %dma_wait3A_552 = arith.constant 0 : i32
          %dma_wait3A_553 = arith.constant 0 : i32
          %dma_wait3A_554 = tpu.memref_slice %arg9[%dma_wait3A_552, %dma_wait3A_553] : memref<10240x64xf32, #tpu.memory_space<vmem_shared>> -> memref<10240x64xf32, #tpu.memory_space<vmem_shared>>
          %dma_wait3A_555 = tpu.memref_slice %arg11[%dma_wait3A_544] : memref<5x!tpu.dma_semaphore, #tpu.memory_space<semaphore_mem>> -> memref<1x!tpu.dma_semaphore, #tpu.memory_space<semaphore_mem>>
          %dma_wait3A_556 = tpu.memref_squeeze %dma_wait3A_555 : memref<1x!tpu.dma_semaphore, #tpu.memory_space<semaphore_mem>> -> memref<!tpu.dma_semaphore, #tpu.memory_space<semaphore_mem>>
          tpu.wait_indirect_dma semaphore(%dma_wait3A_556 : memref<!tpu.dma_semaphore, #tpu.memory_space<semaphore_mem>>) src(%dma_wait3A_548 : memref<128x64xf32, #tpu.memory_space<vmem>>) dst(%dma_wait3A_554 : memref<10240x64xf32, #tpu.memory_space<vmem_shared>>)
        } else {
        }
        %dma_start3A_524 = arith.constant 4 : i32
        %dma_start3A_525 = arith.constant 4 : i32
        %dma_start3A_526 = arith.constant 0 : i32
        %dma_start3A_527 = arith.constant 0 : i32
        %dma_start3A_528 = tpu.memref_slice %arg8[%dma_start3A_524, %dma_start3A_526, %dma_start3A_527] : memref<5x128x64xf32, #tpu.memory_space<vmem>> -> memref<1x128x64xf32, #tpu.memory_space<vmem>>
        %dma_start3A_529 = tpu.memref_squeeze %dma_start3A_528 : memref<1x128x64xf32, #tpu.memory_space<vmem>> -> memref<128x64xf32, #tpu.memory_space<vmem>>
        %dma_start3A_530 = arith.constant 0 : i32
        %dma_start3A_531 = tpu.memref_slice %arg6[%add3A_385, %dma_start3A_530] : memref<80x128xi32, #tpu.memory_space<vmem>> -> memref<1x128xi32, #tpu.memory_space<vmem>>
        %dma_start3A_532 = tpu.memref_squeeze %dma_start3A_531 : memref<1x128xi32, #tpu.memory_space<vmem>> -> memref<128xi32, #tpu.memory_space<vmem>>
        %dma_start3A_533 = arith.constant 0 : i32
        %dma_start3A_534 = arith.constant 0 : i32
        %dma_start3A_535 = tpu.memref_slice %arg2[%scan3A_67, %dma_start3A_533, %dma_start3A_534] : memref<2x10240x64xf32, #tpu.memory_space<hbm>> -> memref<1x10240x64xf32, #tpu.memory_space<hbm>>
        %dma_start3A_536 = tpu.memref_squeeze %dma_start3A_535 : memref<1x10240x64xf32, #tpu.memory_space<hbm>> -> memref<10240x64xf32, #tpu.memory_space<hbm>>
        %dma_start3A_537 = arith.constant 0 : i32
        %dma_start3A_538 = arith.constant 0 : i32
        %dma_start3A_539 = tpu.memref_slice %dma_start3A_536[%dma_start3A_537, %dma_start3A_538] : memref<10240x64xf32, #tpu.memory_space<hbm>> -> memref<10240x64xf32, #tpu.memory_space<hbm>>
        %dma_start3A_540 = tpu.memref_slice %arg10[%dma_start3A_525] : memref<5x!tpu.dma_semaphore, #tpu.memory_space<semaphore_mem>> -> memref<1x!tpu.dma_semaphore, #tpu.memory_space<semaphore_mem>>
        %dma_start3A_541 = tpu.memref_squeeze %dma_start3A_540 : memref<1x!tpu.dma_semaphore, #tpu.memory_space<semaphore_mem>> -> memref<!tpu.dma_semaphore, #tpu.memory_space<semaphore_mem>>
        tpu.enqueue_indirect_dma source(%dma_start3A_539 : memref<10240x64xf32, #tpu.memory_space<hbm>>) target(%dma_start3A_529 : memref<128x64xf32, #tpu.memory_space<vmem>>) offsets(%dma_start3A_532 : memref<128xi32, #tpu.memory_space<vmem>>) semaphore(%dma_start3A_541 : memref<!tpu.dma_semaphore, #tpu.memory_space<semaphore_mem>>)
      } else {
      }
      %mul3A_391 = arith.constant 5 : i32
      %mul3A_392 = arith.muli %scan3A_307, %mul3A_391 : i32
      %add3A_393 = arith.constant 2 : i32
      %add3A_394 = arith.addi %mul3A_392, %add3A_393 : i32
      %dma_wait3A_395 = arith.constant 2 : i32
      %dma_wait3A_396 = arith.constant 2 : i32
      %dma_wait3A_397 = arith.constant 0 : i32
      %dma_wait3A_398 = arith.constant 0 : i32
      %dma_wait3A_399 = tpu.memref_slice %arg8[%dma_wait3A_395, %dma_wait3A_397, %dma_wait3A_398] : memref<5x128x64xf32, #tpu.memory_space<vmem>> -> memref<1x128x64xf32, #tpu.memory_space<vmem>>
      %dma_wait3A_400 = tpu.memref_squeeze %dma_wait3A_399 : memref<1x128x64xf32, #tpu.memory_space<vmem>> -> memref<128x64xf32, #tpu.memory_space<vmem>>
      %dma_wait3A_401 = arith.constant 0 : i32
      %dma_wait3A_402 = tpu.memref_slice %arg6[%add3A_394, %dma_wait3A_401] : memref<80x128xi32, #tpu.memory_space<vmem>> -> memref<1x128xi32, #tpu.memory_space<vmem>>
      %dma_wait3A_403 = tpu.memref_squeeze %dma_wait3A_402 : memref<1x128xi32, #tpu.memory_space<vmem>> -> memref<128xi32, #tpu.memory_space<vmem>>
      %dma_wait3A_404 = arith.constant 0 : i32
      %dma_wait3A_405 = arith.constant 0 : i32
      %dma_wait3A_406 = tpu.memref_slice %arg2[%scan3A_67, %dma_wait3A_404, %dma_wait3A_405] : memref<2x10240x64xf32, #tpu.memory_space<hbm>> -> memref<1x10240x64xf32, #tpu.memory_space<hbm>>
      %dma_wait3A_407 = tpu.memref_squeeze %dma_wait3A_406 : memref<1x10240x64xf32, #tpu.memory_space<hbm>> -> memref<10240x64xf32, #tpu.memory_space<hbm>>
      %dma_wait3A_408 = arith.constant 0 : i32
      %dma_wait3A_409 = arith.constant 0 : i32
      %dma_wait3A_410 = tpu.memref_slice %dma_wait3A_407[%dma_wait3A_408, %dma_wait3A_409] : memref<10240x64xf32, #tpu.memory_space<hbm>> -> memref<10240x64xf32, #tpu.memory_space<hbm>>
      %dma_wait3A_411 = tpu.memref_slice %arg10[%dma_wait3A_396] : memref<5x!tpu.dma_semaphore, #tpu.memory_space<semaphore_mem>> -> memref<1x!tpu.dma_semaphore, #tpu.memory_space<semaphore_mem>>
      %dma_wait3A_412 = tpu.memref_squeeze %dma_wait3A_411 : memref<1x!tpu.dma_semaphore, #tpu.memory_space<semaphore_mem>> -> memref<!tpu.dma_semaphore, #tpu.memory_space<semaphore_mem>>
      tpu.wait_indirect_dma semaphore(%dma_wait3A_412 : memref<!tpu.dma_semaphore, #tpu.memory_space<semaphore_mem>>) src(%dma_wait3A_410 : memref<10240x64xf32, #tpu.memory_space<hbm>>) dst(%dma_wait3A_400 : memref<128x64xf32, #tpu.memory_space<vmem>>)
      %dma_start3A_413 = arith.constant 2 : i32
      %dma_start3A_414 = arith.constant 2 : i32
      %dma_start3A_415 = arith.constant 0 : i32
      %dma_start3A_416 = arith.constant 0 : i32
      %dma_start3A_417 = tpu.memref_slice %arg8[%dma_start3A_413, %dma_start3A_415, %dma_start3A_416] : memref<5x128x64xf32, #tpu.memory_space<vmem>> -> memref<1x128x64xf32, #tpu.memory_space<vmem>>
      %dma_start3A_418 = tpu.memref_squeeze %dma_start3A_417 : memref<1x128x64xf32, #tpu.memory_space<vmem>> -> memref<128x64xf32, #tpu.memory_space<vmem>>
      %dma_start3A_419 = arith.constant 0 : i32
      %dma_start3A_420 = tpu.memref_slice %arg7[%add3A_394, %dma_start3A_419] : memref<80x128xi32, #tpu.memory_space<vmem>> -> memref<1x128xi32, #tpu.memory_space<vmem>>
      %dma_start3A_421 = tpu.memref_squeeze %dma_start3A_420 : memref<1x128xi32, #tpu.memory_space<vmem>> -> memref<128xi32, #tpu.memory_space<vmem>>
      %dma_start3A_422 = arith.constant 0 : i32
      %dma_start3A_423 = arith.constant 0 : i32
      %dma_start3A_424 = tpu.memref_slice %arg9[%dma_start3A_422, %dma_start3A_423] : memref<10240x64xf32, #tpu.memory_space<vmem_shared>> -> memref<10240x64xf32, #tpu.memory_space<vmem_shared>>
      %dma_start3A_425 = tpu.memref_slice %arg11[%dma_start3A_414] : memref<5x!tpu.dma_semaphore, #tpu.memory_space<semaphore_mem>> -> memref<1x!tpu.dma_semaphore, #tpu.memory_space<semaphore_mem>>
      %dma_start3A_426 = tpu.memref_squeeze %dma_start3A_425 : memref<1x!tpu.dma_semaphore, #tpu.memory_space<semaphore_mem>> -> memref<!tpu.dma_semaphore, #tpu.memory_space<semaphore_mem>>
      tpu.enqueue_indirect_dma source(%dma_start3A_418 : memref<128x64xf32, #tpu.memory_space<vmem>>) target(%dma_start3A_424 : memref<10240x64xf32, #tpu.memory_space<vmem_shared>>) offsets(%dma_start3A_421 : memref<128xi32, #tpu.memory_space<vmem>>) semaphore(%dma_start3A_426 : memref<!tpu.dma_semaphore, #tpu.memory_space<semaphore_mem>>) {add = true}
      %add3A_427 = arith.constant 3 : i32
      %add3A_428 = arith.addi %add3A_394, %add3A_427 : i32
      %lt3A_429 = arith.constant 80 : i32
      %lt3A_430 = arith.cmpi slt, %add3A_428, %lt3A_429 : i32
      %convert_element_type3A_431 = arith.extui %lt3A_430 : i1 to i32
      %cond3A_432 = arith.constant 0 : i32
      %cond3A_433 = arith.cmpi ne, %convert_element_type3A_431, %cond3A_432 : i32
      scf.if %cond3A_433 {
        %ge3A = arith.constant 5 : i32
        %ge3A_520 = arith.cmpi sge, %add3A_428, %ge3A : i32
        %convert_element_type3A_521 = arith.extui %ge3A_520 : i1 to i32
        %cond3A_522 = arith.constant 0 : i32
        %cond3A_523 = arith.cmpi ne, %convert_element_type3A_521, %cond3A_522 : i32
        scf.if %cond3A_523 {
          %sub3A = arith.constant 5 : i32
          %sub3A_542 = arith.subi %add3A_428, %sub3A : i32
          %dma_wait3A_543 = arith.constant 0 : i32
          %dma_wait3A_544 = arith.constant 0 : i32
          %dma_wait3A_545 = arith.constant 0 : i32
          %dma_wait3A_546 = arith.constant 0 : i32
          %dma_wait3A_547 = tpu.memref_slice %arg8[%dma_wait3A_543, %dma_wait3A_545, %dma_wait3A_546] : memref<5x128x64xf32, #tpu.memory_space<vmem>> -> memref<1x128x64xf32, #tpu.memory_space<vmem>>
          %dma_wait3A_548 = tpu.memref_squeeze %dma_wait3A_547 : memref<1x128x64xf32, #tpu.memory_space<vmem>> -> memref<128x64xf32, #tpu.memory_space<vmem>>
          %dma_wait3A_549 = arith.constant 0 : i32
          %dma_wait3A_550 = tpu.memref_slice %arg7[%sub3A_542, %dma_wait3A_549] : memref<80x128xi32, #tpu.memory_space<vmem>> -> memref<1x128xi32, #tpu.memory_space<vmem>>
          %dma_wait3A_551 = tpu.memref_squeeze %dma_wait3A_550 : memref<1x128xi32, #tpu.memory_space<vmem>> -> memref<128xi32, #tpu.memory_space<vmem>>
          %dma_wait3A_552 = arith.constant 0 : i32
          %dma_wait3A_553 = arith.constant 0 : i32
          %dma_wait3A_554 = tpu.memref_slice %arg9[%dma_wait3A_552, %dma_wait3A_553] : memref<10240x64xf32, #tpu.memory_space<vmem_shared>> -> memref<10240x64xf32, #tpu.memory_space<vmem_shared>>
          %dma_wait3A_555 = tpu.memref_slice %arg11[%dma_wait3A_544] : memref<5x!tpu.dma_semaphore, #tpu.memory_space<semaphore_mem>> -> memref<1x!tpu.dma_semaphore, #tpu.memory_space<semaphore_mem>>
          %dma_wait3A_556 = tpu.memref_squeeze %dma_wait3A_555 : memref<1x!tpu.dma_semaphore, #tpu.memory_space<semaphore_mem>> -> memref<!tpu.dma_semaphore, #tpu.memory_space<semaphore_mem>>
          tpu.wait_indirect_dma semaphore(%dma_wait3A_556 : memref<!tpu.dma_semaphore, #tpu.memory_space<semaphore_mem>>) src(%dma_wait3A_548 : memref<128x64xf32, #tpu.memory_space<vmem>>) dst(%dma_wait3A_554 : memref<10240x64xf32, #tpu.memory_space<vmem_shared>>)
        } else {
        }
        %dma_start3A_524 = arith.constant 0 : i32
        %dma_start3A_525 = arith.constant 0 : i32
        %dma_start3A_526 = arith.constant 0 : i32
        %dma_start3A_527 = arith.constant 0 : i32
        %dma_start3A_528 = tpu.memref_slice %arg8[%dma_start3A_524, %dma_start3A_526, %dma_start3A_527] : memref<5x128x64xf32, #tpu.memory_space<vmem>> -> memref<1x128x64xf32, #tpu.memory_space<vmem>>
        %dma_start3A_529 = tpu.memref_squeeze %dma_start3A_528 : memref<1x128x64xf32, #tpu.memory_space<vmem>> -> memref<128x64xf32, #tpu.memory_space<vmem>>
        %dma_start3A_530 = arith.constant 0 : i32
        %dma_start3A_531 = tpu.memref_slice %arg6[%add3A_428, %dma_start3A_530] : memref<80x128xi32, #tpu.memory_space<vmem>> -> memref<1x128xi32, #tpu.memory_space<vmem>>
        %dma_start3A_532 = tpu.memref_squeeze %dma_start3A_531 : memref<1x128xi32, #tpu.memory_space<vmem>> -> memref<128xi32, #tpu.memory_space<vmem>>
        %dma_start3A_533 = arith.constant 0 : i32
        %dma_start3A_534 = arith.constant 0 : i32
        %dma_start3A_535 = tpu.memref_slice %arg2[%scan3A_67, %dma_start3A_533, %dma_start3A_534] : memref<2x10240x64xf32, #tpu.memory_space<hbm>> -> memref<1x10240x64xf32, #tpu.memory_space<hbm>>
        %dma_start3A_536 = tpu.memref_squeeze %dma_start3A_535 : memref<1x10240x64xf32, #tpu.memory_space<hbm>> -> memref<10240x64xf32, #tpu.memory_space<hbm>>
        %dma_start3A_537 = arith.constant 0 : i32
        %dma_start3A_538 = arith.constant 0 : i32
        %dma_start3A_539 = tpu.memref_slice %dma_start3A_536[%dma_start3A_537, %dma_start3A_538] : memref<10240x64xf32, #tpu.memory_space<hbm>> -> memref<10240x64xf32, #tpu.memory_space<hbm>>
        %dma_start3A_540 = tpu.memref_slice %arg10[%dma_start3A_525] : memref<5x!tpu.dma_semaphore, #tpu.memory_space<semaphore_mem>> -> memref<1x!tpu.dma_semaphore, #tpu.memory_space<semaphore_mem>>
        %dma_start3A_541 = tpu.memref_squeeze %dma_start3A_540 : memref<1x!tpu.dma_semaphore, #tpu.memory_space<semaphore_mem>> -> memref<!tpu.dma_semaphore, #tpu.memory_space<semaphore_mem>>
        tpu.enqueue_indirect_dma source(%dma_start3A_539 : memref<10240x64xf32, #tpu.memory_space<hbm>>) target(%dma_start3A_529 : memref<128x64xf32, #tpu.memory_space<vmem>>) offsets(%dma_start3A_532 : memref<128xi32, #tpu.memory_space<vmem>>) semaphore(%dma_start3A_541 : memref<!tpu.dma_semaphore, #tpu.memory_space<semaphore_mem>>)
      } else {
      }
      %mul3A_434 = arith.constant 5 : i32
      %mul3A_435 = arith.muli %scan3A_307, %mul3A_434 : i32
      %add3A_436 = arith.constant 3 : i32
      %add3A_437 = arith.addi %mul3A_435, %add3A_436 : i32
      %dma_wait3A_438 = arith.constant 3 : i32
      %dma_wait3A_439 = arith.constant 3 : i32
      %dma_wait3A_440 = arith.constant 0 : i32
      %dma_wait3A_441 = arith.constant 0 : i32
      %dma_wait3A_442 = tpu.memref_slice %arg8[%dma_wait3A_438, %dma_wait3A_440, %dma_wait3A_441] : memref<5x128x64xf32, #tpu.memory_space<vmem>> -> memref<1x128x64xf32, #tpu.memory_space<vmem>>
      %dma_wait3A_443 = tpu.memref_squeeze %dma_wait3A_442 : memref<1x128x64xf32, #tpu.memory_space<vmem>> -> memref<128x64xf32, #tpu.memory_space<vmem>>
      %dma_wait3A_444 = arith.constant 0 : i32
      %dma_wait3A_445 = tpu.memref_slice %arg6[%add3A_437, %dma_wait3A_444] : memref<80x128xi32, #tpu.memory_space<vmem>> -> memref<1x128xi32, #tpu.memory_space<vmem>>
      %dma_wait3A_446 = tpu.memref_squeeze %dma_wait3A_445 : memref<1x128xi32, #tpu.memory_space<vmem>> -> memref<128xi32, #tpu.memory_space<vmem>>
      %dma_wait3A_447 = arith.constant 0 : i32
      %dma_wait3A_448 = arith.constant 0 : i32
      %dma_wait3A_449 = tpu.memref_slice %arg2[%scan3A_67, %dma_wait3A_447, %dma_wait3A_448] : memref<2x10240x64xf32, #tpu.memory_space<hbm>> -> memref<1x10240x64xf32, #tpu.memory_space<hbm>>
      %dma_wait3A_450 = tpu.memref_squeeze %dma_wait3A_449 : memref<1x10240x64xf32, #tpu.memory_space<hbm>> -> memref<10240x64xf32, #tpu.memory_space<hbm>>
      %dma_wait3A_451 = arith.constant 0 : i32
      %dma_wait3A_452 = arith.constant 0 : i32
      %dma_wait3A_453 = tpu.memref_slice %dma_wait3A_450[%dma_wait3A_451, %dma_wait3A_452] : memref<10240x64xf32, #tpu.memory_space<hbm>> -> memref<10240x64xf32, #tpu.memory_space<hbm>>
      %dma_wait3A_454 = tpu.memref_slice %arg10[%dma_wait3A_439] : memref<5x!tpu.dma_semaphore, #tpu.memory_space<semaphore_mem>> -> memref<1x!tpu.dma_semaphore, #tpu.memory_space<semaphore_mem>>
      %dma_wait3A_455 = tpu.memref_squeeze %dma_wait3A_454 : memref<1x!tpu.dma_semaphore, #tpu.memory_space<semaphore_mem>> -> memref<!tpu.dma_semaphore, #tpu.memory_space<semaphore_mem>>
      tpu.wait_indirect_dma semaphore(%dma_wait3A_455 : memref<!tpu.dma_semaphore, #tpu.memory_space<semaphore_mem>>) src(%dma_wait3A_453 : memref<10240x64xf32, #tpu.memory_space<hbm>>) dst(%dma_wait3A_443 : memref<128x64xf32, #tpu.memory_space<vmem>>)
      %dma_start3A_456 = arith.constant 3 : i32
      %dma_start3A_457 = arith.constant 3 : i32
      %dma_start3A_458 = arith.constant 0 : i32
      %dma_start3A_459 = arith.constant 0 : i32
      %dma_start3A_460 = tpu.memref_slice %arg8[%dma_start3A_456, %dma_start3A_458, %dma_start3A_459] : memref<5x128x64xf32, #tpu.memory_space<vmem>> -> memref<1x128x64xf32, #tpu.memory_space<vmem>>
      %dma_start3A_461 = tpu.memref_squeeze %dma_start3A_460 : memref<1x128x64xf32, #tpu.memory_space<vmem>> -> memref<128x64xf32, #tpu.memory_space<vmem>>
      %dma_start3A_462 = arith.constant 0 : i32
      %dma_start3A_463 = tpu.memref_slice %arg7[%add3A_437, %dma_start3A_462] : memref<80x128xi32, #tpu.memory_space<vmem>> -> memref<1x128xi32, #tpu.memory_space<vmem>>
      %dma_start3A_464 = tpu.memref_squeeze %dma_start3A_463 : memref<1x128xi32, #tpu.memory_space<vmem>> -> memref<128xi32, #tpu.memory_space<vmem>>
      %dma_start3A_465 = arith.constant 0 : i32
      %dma_start3A_466 = arith.constant 0 : i32
      %dma_start3A_467 = tpu.memref_slice %arg9[%dma_start3A_465, %dma_start3A_466] : memref<10240x64xf32, #tpu.memory_space<vmem_shared>> -> memref<10240x64xf32, #tpu.memory_space<vmem_shared>>
      %dma_start3A_468 = tpu.memref_slice %arg11[%dma_start3A_457] : memref<5x!tpu.dma_semaphore, #tpu.memory_space<semaphore_mem>> -> memref<1x!tpu.dma_semaphore, #tpu.memory_space<semaphore_mem>>
      %dma_start3A_469 = tpu.memref_squeeze %dma_start3A_468 : memref<1x!tpu.dma_semaphore, #tpu.memory_space<semaphore_mem>> -> memref<!tpu.dma_semaphore, #tpu.memory_space<semaphore_mem>>
      tpu.enqueue_indirect_dma source(%dma_start3A_461 : memref<128x64xf32, #tpu.memory_space<vmem>>) target(%dma_start3A_467 : memref<10240x64xf32, #tpu.memory_space<vmem_shared>>) offsets(%dma_start3A_464 : memref<128xi32, #tpu.memory_space<vmem>>) semaphore(%dma_start3A_469 : memref<!tpu.dma_semaphore, #tpu.memory_space<semaphore_mem>>) {add = true}
      %add3A_470 = arith.constant 3 : i32
      %add3A_471 = arith.addi %add3A_437, %add3A_470 : i32
      %lt3A_472 = arith.constant 80 : i32
      %lt3A_473 = arith.cmpi slt, %add3A_471, %lt3A_472 : i32
      %convert_element_type3A_474 = arith.extui %lt3A_473 : i1 to i32
      %cond3A_475 = arith.constant 0 : i32
      %cond3A_476 = arith.cmpi ne, %convert_element_type3A_474, %cond3A_475 : i32
      scf.if %cond3A_476 {
        %ge3A = arith.constant 5 : i32
        %ge3A_520 = arith.cmpi sge, %add3A_471, %ge3A : i32
        %convert_element_type3A_521 = arith.extui %ge3A_520 : i1 to i32
        %cond3A_522 = arith.constant 0 : i32
        %cond3A_523 = arith.cmpi ne, %convert_element_type3A_521, %cond3A_522 : i32
        scf.if %cond3A_523 {
          %sub3A = arith.constant 5 : i32
          %sub3A_542 = arith.subi %add3A_471, %sub3A : i32
          %dma_wait3A_543 = arith.constant 1 : i32
          %dma_wait3A_544 = arith.constant 1 : i32
          %dma_wait3A_545 = arith.constant 0 : i32
          %dma_wait3A_546 = arith.constant 0 : i32
          %dma_wait3A_547 = tpu.memref_slice %arg8[%dma_wait3A_543, %dma_wait3A_545, %dma_wait3A_546] : memref<5x128x64xf32, #tpu.memory_space<vmem>> -> memref<1x128x64xf32, #tpu.memory_space<vmem>>
          %dma_wait3A_548 = tpu.memref_squeeze %dma_wait3A_547 : memref<1x128x64xf32, #tpu.memory_space<vmem>> -> memref<128x64xf32, #tpu.memory_space<vmem>>
          %dma_wait3A_549 = arith.constant 0 : i32
          %dma_wait3A_550 = tpu.memref_slice %arg7[%sub3A_542, %dma_wait3A_549] : memref<80x128xi32, #tpu.memory_space<vmem>> -> memref<1x128xi32, #tpu.memory_space<vmem>>
          %dma_wait3A_551 = tpu.memref_squeeze %dma_wait3A_550 : memref<1x128xi32, #tpu.memory_space<vmem>> -> memref<128xi32, #tpu.memory_space<vmem>>
          %dma_wait3A_552 = arith.constant 0 : i32
          %dma_wait3A_553 = arith.constant 0 : i32
          %dma_wait3A_554 = tpu.memref_slice %arg9[%dma_wait3A_552, %dma_wait3A_553] : memref<10240x64xf32, #tpu.memory_space<vmem_shared>> -> memref<10240x64xf32, #tpu.memory_space<vmem_shared>>
          %dma_wait3A_555 = tpu.memref_slice %arg11[%dma_wait3A_544] : memref<5x!tpu.dma_semaphore, #tpu.memory_space<semaphore_mem>> -> memref<1x!tpu.dma_semaphore, #tpu.memory_space<semaphore_mem>>
          %dma_wait3A_556 = tpu.memref_squeeze %dma_wait3A_555 : memref<1x!tpu.dma_semaphore, #tpu.memory_space<semaphore_mem>> -> memref<!tpu.dma_semaphore, #tpu.memory_space<semaphore_mem>>
          tpu.wait_indirect_dma semaphore(%dma_wait3A_556 : memref<!tpu.dma_semaphore, #tpu.memory_space<semaphore_mem>>) src(%dma_wait3A_548 : memref<128x64xf32, #tpu.memory_space<vmem>>) dst(%dma_wait3A_554 : memref<10240x64xf32, #tpu.memory_space<vmem_shared>>)
        } else {
        }
        %dma_start3A_524 = arith.constant 1 : i32
        %dma_start3A_525 = arith.constant 1 : i32
        %dma_start3A_526 = arith.constant 0 : i32
        %dma_start3A_527 = arith.constant 0 : i32
        %dma_start3A_528 = tpu.memref_slice %arg8[%dma_start3A_524, %dma_start3A_526, %dma_start3A_527] : memref<5x128x64xf32, #tpu.memory_space<vmem>> -> memref<1x128x64xf32, #tpu.memory_space<vmem>>
        %dma_start3A_529 = tpu.memref_squeeze %dma_start3A_528 : memref<1x128x64xf32, #tpu.memory_space<vmem>> -> memref<128x64xf32, #tpu.memory_space<vmem>>
        %dma_start3A_530 = arith.constant 0 : i32
        %dma_start3A_531 = tpu.memref_slice %arg6[%add3A_471, %dma_start3A_530] : memref<80x128xi32, #tpu.memory_space<vmem>> -> memref<1x128xi32, #tpu.memory_space<vmem>>
        %dma_start3A_532 = tpu.memref_squeeze %dma_start3A_531 : memref<1x128xi32, #tpu.memory_space<vmem>> -> memref<128xi32, #tpu.memory_space<vmem>>
        %dma_start3A_533 = arith.constant 0 : i32
        %dma_start3A_534 = arith.constant 0 : i32
        %dma_start3A_535 = tpu.memref_slice %arg2[%scan3A_67, %dma_start3A_533, %dma_start3A_534] : memref<2x10240x64xf32, #tpu.memory_space<hbm>> -> memref<1x10240x64xf32, #tpu.memory_space<hbm>>
        %dma_start3A_536 = tpu.memref_squeeze %dma_start3A_535 : memref<1x10240x64xf32, #tpu.memory_space<hbm>> -> memref<10240x64xf32, #tpu.memory_space<hbm>>
        %dma_start3A_537 = arith.constant 0 : i32
        %dma_start3A_538 = arith.constant 0 : i32
        %dma_start3A_539 = tpu.memref_slice %dma_start3A_536[%dma_start3A_537, %dma_start3A_538] : memref<10240x64xf32, #tpu.memory_space<hbm>> -> memref<10240x64xf32, #tpu.memory_space<hbm>>
        %dma_start3A_540 = tpu.memref_slice %arg10[%dma_start3A_525] : memref<5x!tpu.dma_semaphore, #tpu.memory_space<semaphore_mem>> -> memref<1x!tpu.dma_semaphore, #tpu.memory_space<semaphore_mem>>
        %dma_start3A_541 = tpu.memref_squeeze %dma_start3A_540 : memref<1x!tpu.dma_semaphore, #tpu.memory_space<semaphore_mem>> -> memref<!tpu.dma_semaphore, #tpu.memory_space<semaphore_mem>>
        tpu.enqueue_indirect_dma source(%dma_start3A_539 : memref<10240x64xf32, #tpu.memory_space<hbm>>) target(%dma_start3A_529 : memref<128x64xf32, #tpu.memory_space<vmem>>) offsets(%dma_start3A_532 : memref<128xi32, #tpu.memory_space<vmem>>) semaphore(%dma_start3A_541 : memref<!tpu.dma_semaphore, #tpu.memory_space<semaphore_mem>>)
      } else {
      }
      %mul3A_477 = arith.constant 5 : i32
      %mul3A_478 = arith.muli %scan3A_307, %mul3A_477 : i32
      %add3A_479 = arith.constant 4 : i32
      %add3A_480 = arith.addi %mul3A_478, %add3A_479 : i32
      %dma_wait3A_481 = arith.constant 4 : i32
      %dma_wait3A_482 = arith.constant 4 : i32
      %dma_wait3A_483 = arith.constant 0 : i32
      %dma_wait3A_484 = arith.constant 0 : i32
      %dma_wait3A_485 = tpu.memref_slice %arg8[%dma_wait3A_481, %dma_wait3A_483, %dma_wait3A_484] : memref<5x128x64xf32, #tpu.memory_space<vmem>> -> memref<1x128x64xf32, #tpu.memory_space<vmem>>
      %dma_wait3A_486 = tpu.memref_squeeze %dma_wait3A_485 : memref<1x128x64xf32, #tpu.memory_space<vmem>> -> memref<128x64xf32, #tpu.memory_space<vmem>>
      %dma_wait3A_487 = arith.constant 0 : i32
      %dma_wait3A_488 = tpu.memref_slice %arg6[%add3A_480, %dma_wait3A_487] : memref<80x128xi32, #tpu.memory_space<vmem>> -> memref<1x128xi32, #tpu.memory_space<vmem>>
      %dma_wait3A_489 = tpu.memref_squeeze %dma_wait3A_488 : memref<1x128xi32, #tpu.memory_space<vmem>> -> memref<128xi32, #tpu.memory_space<vmem>>
      %dma_wait3A_490 = arith.constant 0 : i32
      %dma_wait3A_491 = arith.constant 0 : i32
      %dma_wait3A_492 = tpu.memref_slice %arg2[%scan3A_67, %dma_wait3A_490, %dma_wait3A_491] : memref<2x10240x64xf32, #tpu.memory_space<hbm>> -> memref<1x10240x64xf32, #tpu.memory_space<hbm>>
      %dma_wait3A_493 = tpu.memref_squeeze %dma_wait3A_492 : memref<1x10240x64xf32, #tpu.memory_space<hbm>> -> memref<10240x64xf32, #tpu.memory_space<hbm>>
      %dma_wait3A_494 = arith.constant 0 : i32
      %dma_wait3A_495 = arith.constant 0 : i32
      %dma_wait3A_496 = tpu.memref_slice %dma_wait3A_493[%dma_wait3A_494, %dma_wait3A_495] : memref<10240x64xf32, #tpu.memory_space<hbm>> -> memref<10240x64xf32, #tpu.memory_space<hbm>>
      %dma_wait3A_497 = tpu.memref_slice %arg10[%dma_wait3A_482] : memref<5x!tpu.dma_semaphore, #tpu.memory_space<semaphore_mem>> -> memref<1x!tpu.dma_semaphore, #tpu.memory_space<semaphore_mem>>
      %dma_wait3A_498 = tpu.memref_squeeze %dma_wait3A_497 : memref<1x!tpu.dma_semaphore, #tpu.memory_space<semaphore_mem>> -> memref<!tpu.dma_semaphore, #tpu.memory_space<semaphore_mem>>
      tpu.wait_indirect_dma semaphore(%dma_wait3A_498 : memref<!tpu.dma_semaphore, #tpu.memory_space<semaphore_mem>>) src(%dma_wait3A_496 : memref<10240x64xf32, #tpu.memory_space<hbm>>) dst(%dma_wait3A_486 : memref<128x64xf32, #tpu.memory_space<vmem>>)
      %dma_start3A_499 = arith.constant 4 : i32
      %dma_start3A_500 = arith.constant 4 : i32
      %dma_start3A_501 = arith.constant 0 : i32
      %dma_start3A_502 = arith.constant 0 : i32
      %dma_start3A_503 = tpu.memref_slice %arg8[%dma_start3A_499, %dma_start3A_501, %dma_start3A_502] : memref<5x128x64xf32, #tpu.memory_space<vmem>> -> memref<1x128x64xf32, #tpu.memory_space<vmem>>
      %dma_start3A_504 = tpu.memref_squeeze %dma_start3A_503 : memref<1x128x64xf32, #tpu.memory_space<vmem>> -> memref<128x64xf32, #tpu.memory_space<vmem>>
      %dma_start3A_505 = arith.constant 0 : i32
      %dma_start3A_506 = tpu.memref_slice %arg7[%add3A_480, %dma_start3A_505] : memref<80x128xi32, #tpu.memory_space<vmem>> -> memref<1x128xi32, #tpu.memory_space<vmem>>
      %dma_start3A_507 = tpu.memref_squeeze %dma_start3A_506 : memref<1x128xi32, #tpu.memory_space<vmem>> -> memref<128xi32, #tpu.memory_space<vmem>>
      %dma_start3A_508 = arith.constant 0 : i32
      %dma_start3A_509 = arith.constant 0 : i32
      %dma_start3A_510 = tpu.memref_slice %arg9[%dma_start3A_508, %dma_start3A_509] : memref<10240x64xf32, #tpu.memory_space<vmem_shared>> -> memref<10240x64xf32, #tpu.memory_space<vmem_shared>>
      %dma_start3A_511 = tpu.memref_slice %arg11[%dma_start3A_500] : memref<5x!tpu.dma_semaphore, #tpu.memory_space<semaphore_mem>> -> memref<1x!tpu.dma_semaphore, #tpu.memory_space<semaphore_mem>>
      %dma_start3A_512 = tpu.memref_squeeze %dma_start3A_511 : memref<1x!tpu.dma_semaphore, #tpu.memory_space<semaphore_mem>> -> memref<!tpu.dma_semaphore, #tpu.memory_space<semaphore_mem>>
      tpu.enqueue_indirect_dma source(%dma_start3A_504 : memref<128x64xf32, #tpu.memory_space<vmem>>) target(%dma_start3A_510 : memref<10240x64xf32, #tpu.memory_space<vmem_shared>>) offsets(%dma_start3A_507 : memref<128xi32, #tpu.memory_space<vmem>>) semaphore(%dma_start3A_512 : memref<!tpu.dma_semaphore, #tpu.memory_space<semaphore_mem>>) {add = true}
      %add3A_513 = arith.constant 3 : i32
      %add3A_514 = arith.addi %add3A_480, %add3A_513 : i32
      %lt3A_515 = arith.constant 80 : i32
      %lt3A_516 = arith.cmpi slt, %add3A_514, %lt3A_515 : i32
      %convert_element_type3A_517 = arith.extui %lt3A_516 : i1 to i32
      %cond3A_518 = arith.constant 0 : i32
      %cond3A_519 = arith.cmpi ne, %convert_element_type3A_517, %cond3A_518 : i32
      scf.if %cond3A_519 {
        %ge3A = arith.constant 5 : i32
        %ge3A_520 = arith.cmpi sge, %add3A_514, %ge3A : i32
        %convert_element_type3A_521 = arith.extui %ge3A_520 : i1 to i32
        %cond3A_522 = arith.constant 0 : i32
        %cond3A_523 = arith.cmpi ne, %convert_element_type3A_521, %cond3A_522 : i32
        scf.if %cond3A_523 {
          %sub3A = arith.constant 5 : i32
          %sub3A_542 = arith.subi %add3A_514, %sub3A : i32
          %dma_wait3A_543 = arith.constant 2 : i32
          %dma_wait3A_544 = arith.constant 2 : i32
          %dma_wait3A_545 = arith.constant 0 : i32
          %dma_wait3A_546 = arith.constant 0 : i32
          %dma_wait3A_547 = tpu.memref_slice %arg8[%dma_wait3A_543, %dma_wait3A_545, %dma_wait3A_546] : memref<5x128x64xf32, #tpu.memory_space<vmem>> -> memref<1x128x64xf32, #tpu.memory_space<vmem>>
          %dma_wait3A_548 = tpu.memref_squeeze %dma_wait3A_547 : memref<1x128x64xf32, #tpu.memory_space<vmem>> -> memref<128x64xf32, #tpu.memory_space<vmem>>
          %dma_wait3A_549 = arith.constant 0 : i32
          %dma_wait3A_550 = tpu.memref_slice %arg7[%sub3A_542, %dma_wait3A_549] : memref<80x128xi32, #tpu.memory_space<vmem>> -> memref<1x128xi32, #tpu.memory_space<vmem>>
          %dma_wait3A_551 = tpu.memref_squeeze %dma_wait3A_550 : memref<1x128xi32, #tpu.memory_space<vmem>> -> memref<128xi32, #tpu.memory_space<vmem>>
          %dma_wait3A_552 = arith.constant 0 : i32
          %dma_wait3A_553 = arith.constant 0 : i32
          %dma_wait3A_554 = tpu.memref_slice %arg9[%dma_wait3A_552, %dma_wait3A_553] : memref<10240x64xf32, #tpu.memory_space<vmem_shared>> -> memref<10240x64xf32, #tpu.memory_space<vmem_shared>>
          %dma_wait3A_555 = tpu.memref_slice %arg11[%dma_wait3A_544] : memref<5x!tpu.dma_semaphore, #tpu.memory_space<semaphore_mem>> -> memref<1x!tpu.dma_semaphore, #tpu.memory_space<semaphore_mem>>
          %dma_wait3A_556 = tpu.memref_squeeze %dma_wait3A_555 : memref<1x!tpu.dma_semaphore, #tpu.memory_space<semaphore_mem>> -> memref<!tpu.dma_semaphore, #tpu.memory_space<semaphore_mem>>
          tpu.wait_indirect_dma semaphore(%dma_wait3A_556 : memref<!tpu.dma_semaphore, #tpu.memory_space<semaphore_mem>>) src(%dma_wait3A_548 : memref<128x64xf32, #tpu.memory_space<vmem>>) dst(%dma_wait3A_554 : memref<10240x64xf32, #tpu.memory_space<vmem_shared>>)
        } else {
        }
        %dma_start3A_524 = arith.constant 2 : i32
        %dma_start3A_525 = arith.constant 2 : i32
        %dma_start3A_526 = arith.constant 0 : i32
        %dma_start3A_527 = arith.constant 0 : i32
        %dma_start3A_528 = tpu.memref_slice %arg8[%dma_start3A_524, %dma_start3A_526, %dma_start3A_527] : memref<5x128x64xf32, #tpu.memory_space<vmem>> -> memref<1x128x64xf32, #tpu.memory_space<vmem>>
        %dma_start3A_529 = tpu.memref_squeeze %dma_start3A_528 : memref<1x128x64xf32, #tpu.memory_space<vmem>> -> memref<128x64xf32, #tpu.memory_space<vmem>>
        %dma_start3A_530 = arith.constant 0 : i32
        %dma_start3A_531 = tpu.memref_slice %arg6[%add3A_514, %dma_start3A_530] : memref<80x128xi32, #tpu.memory_space<vmem>> -> memref<1x128xi32, #tpu.memory_space<vmem>>
        %dma_start3A_532 = tpu.memref_squeeze %dma_start3A_531 : memref<1x128xi32, #tpu.memory_space<vmem>> -> memref<128xi32, #tpu.memory_space<vmem>>
        %dma_start3A_533 = arith.constant 0 : i32
        %dma_start3A_534 = arith.constant 0 : i32
        %dma_start3A_535 = tpu.memref_slice %arg2[%scan3A_67, %dma_start3A_533, %dma_start3A_534] : memref<2x10240x64xf32, #tpu.memory_space<hbm>> -> memref<1x10240x64xf32, #tpu.memory_space<hbm>>
        %dma_start3A_536 = tpu.memref_squeeze %dma_start3A_535 : memref<1x10240x64xf32, #tpu.memory_space<hbm>> -> memref<10240x64xf32, #tpu.memory_space<hbm>>
        %dma_start3A_537 = arith.constant 0 : i32
        %dma_start3A_538 = arith.constant 0 : i32
        %dma_start3A_539 = tpu.memref_slice %dma_start3A_536[%dma_start3A_537, %dma_start3A_538] : memref<10240x64xf32, #tpu.memory_space<hbm>> -> memref<10240x64xf32, #tpu.memory_space<hbm>>
        %dma_start3A_540 = tpu.memref_slice %arg10[%dma_start3A_525] : memref<5x!tpu.dma_semaphore, #tpu.memory_space<semaphore_mem>> -> memref<1x!tpu.dma_semaphore, #tpu.memory_space<semaphore_mem>>
        %dma_start3A_541 = tpu.memref_squeeze %dma_start3A_540 : memref<1x!tpu.dma_semaphore, #tpu.memory_space<semaphore_mem>> -> memref<!tpu.dma_semaphore, #tpu.memory_space<semaphore_mem>>
        tpu.enqueue_indirect_dma source(%dma_start3A_539 : memref<10240x64xf32, #tpu.memory_space<hbm>>) target(%dma_start3A_529 : memref<128x64xf32, #tpu.memory_space<vmem>>) offsets(%dma_start3A_532 : memref<128xi32, #tpu.memory_space<vmem>>) semaphore(%dma_start3A_541 : memref<!tpu.dma_semaphore, #tpu.memory_space<semaphore_mem>>)
      } else {
      }
    }
    %scan3A_72 = arith.constant 16 : i32
    %dma_wait3A = arith.constant 0 : i32
    %dma_wait3A_73 = arith.constant 75 : i32
    %dma_wait3A_74 = arith.constant 0 : i32
    %dma_wait3A_75 = arith.constant 0 : i32
    %dma_wait3A_76 = arith.constant 0 : i32
    %dma_wait3A_77 = tpu.memref_slice %arg8[%dma_wait3A, %dma_wait3A_75, %dma_wait3A_76] : memref<5x128x64xf32, #tpu.memory_space<vmem>> -> memref<1x128x64xf32, #tpu.memory_space<vmem>>
    %dma_wait3A_78 = tpu.memref_squeeze %dma_wait3A_77 : memref<1x128x64xf32, #tpu.memory_space<vmem>> -> memref<128x64xf32, #tpu.memory_space<vmem>>
    %dma_wait3A_79 = arith.constant 0 : i32
    %dma_wait3A_80 = tpu.memref_slice %arg7[%dma_wait3A_73, %dma_wait3A_79] : memref<80x128xi32, #tpu.memory_space<vmem>> -> memref<1x128xi32, #tpu.memory_space<vmem>>
    %dma_wait3A_81 = tpu.memref_squeeze %dma_wait3A_80 : memref<1x128xi32, #tpu.memory_space<vmem>> -> memref<128xi32, #tpu.memory_space<vmem>>
    %dma_wait3A_82 = arith.constant 0 : i32
    %dma_wait3A_83 = arith.constant 0 : i32
    %dma_wait3A_84 = tpu.memref_slice %arg9[%dma_wait3A_82, %dma_wait3A_83] : memref<10240x64xf32, #tpu.memory_space<vmem_shared>> -> memref<10240x64xf32, #tpu.memory_space<vmem_shared>>
    %dma_wait3A_85 = tpu.memref_slice %arg11[%dma_wait3A_74] : memref<5x!tpu.dma_semaphore, #tpu.memory_space<semaphore_mem>> -> memref<1x!tpu.dma_semaphore, #tpu.memory_space<semaphore_mem>>
    %dma_wait3A_86 = tpu.memref_squeeze %dma_wait3A_85 : memref<1x!tpu.dma_semaphore, #tpu.memory_space<semaphore_mem>> -> memref<!tpu.dma_semaphore, #tpu.memory_space<semaphore_mem>>
    tpu.wait_indirect_dma semaphore(%dma_wait3A_86 : memref<!tpu.dma_semaphore, #tpu.memory_space<semaphore_mem>>) src(%dma_wait3A_78 : memref<128x64xf32, #tpu.memory_space<vmem>>) dst(%dma_wait3A_84 : memref<10240x64xf32, #tpu.memory_space<vmem_shared>>)
    %dma_wait3A_87 = arith.constant 1 : i32
    %dma_wait3A_88 = arith.constant 76 : i32
    %dma_wait3A_89 = arith.constant 1 : i32
    %dma_wait3A_90 = arith.constant 0 : i32
    %dma_wait3A_91 = arith.constant 0 : i32
    %dma_wait3A_92 = tpu.memref_slice %arg8[%dma_wait3A_87, %dma_wait3A_90, %dma_wait3A_91] : memref<5x128x64xf32, #tpu.memory_space<vmem>> -> memref<1x128x64xf32, #tpu.memory_space<vmem>>
    %dma_wait3A_93 = tpu.memref_squeeze %dma_wait3A_92 : memref<1x128x64xf32, #tpu.memory_space<vmem>> -> memref<128x64xf32, #tpu.memory_space<vmem>>
    %dma_wait3A_94 = arith.constant 0 : i32
    %dma_wait3A_95 = tpu.memref_slice %arg7[%dma_wait3A_88, %dma_wait3A_94] : memref<80x128xi32, #tpu.memory_space<vmem>> -> memref<1x128xi32, #tpu.memory_space<vmem>>
    %dma_wait3A_96 = tpu.memref_squeeze %dma_wait3A_95 : memref<1x128xi32, #tpu.memory_space<vmem>> -> memref<128xi32, #tpu.memory_space<vmem>>
    %dma_wait3A_97 = arith.constant 0 : i32
    %dma_wait3A_98 = arith.constant 0 : i32
    %dma_wait3A_99 = tpu.memref_slice %arg9[%dma_wait3A_97, %dma_wait3A_98] : memref<10240x64xf32, #tpu.memory_space<vmem_shared>> -> memref<10240x64xf32, #tpu.memory_space<vmem_shared>>
    %dma_wait3A_100 = tpu.memref_slice %arg11[%dma_wait3A_89] : memref<5x!tpu.dma_semaphore, #tpu.memory_space<semaphore_mem>> -> memref<1x!tpu.dma_semaphore, #tpu.memory_space<semaphore_mem>>
    %dma_wait3A_101 = tpu.memref_squeeze %dma_wait3A_100 : memref<1x!tpu.dma_semaphore, #tpu.memory_space<semaphore_mem>> -> memref<!tpu.dma_semaphore, #tpu.memory_space<semaphore_mem>>
    tpu.wait_indirect_dma semaphore(%dma_wait3A_101 : memref<!tpu.dma_semaphore, #tpu.memory_space<semaphore_mem>>) src(%dma_wait3A_93 : memref<128x64xf32, #tpu.memory_space<vmem>>) dst(%dma_wait3A_99 : memref<10240x64xf32, #tpu.memory_space<vmem_shared>>)
    %dma_wait3A_102 = arith.constant 2 : i32
    %dma_wait3A_103 = arith.constant 77 : i32
    %dma_wait3A_104 = arith.constant 2 : i32
    %dma_wait3A_105 = arith.constant 0 : i32
    %dma_wait3A_106 = arith.constant 0 : i32
    %dma_wait3A_107 = tpu.memref_slice %arg8[%dma_wait3A_102, %dma_wait3A_105, %dma_wait3A_106] : memref<5x128x64xf32, #tpu.memory_space<vmem>> -> memref<1x128x64xf32, #tpu.memory_space<vmem>>
    %dma_wait3A_108 = tpu.memref_squeeze %dma_wait3A_107 : memref<1x128x64xf32, #tpu.memory_space<vmem>> -> memref<128x64xf32, #tpu.memory_space<vmem>>
    %dma_wait3A_109 = arith.constant 0 : i32
    %dma_wait3A_110 = tpu.memref_slice %arg7[%dma_wait3A_103, %dma_wait3A_109] : memref<80x128xi32, #tpu.memory_space<vmem>> -> memref<1x128xi32, #tpu.memory_space<vmem>>
    %dma_wait3A_111 = tpu.memref_squeeze %dma_wait3A_110 : memref<1x128xi32, #tpu.memory_space<vmem>> -> memref<128xi32, #tpu.memory_space<vmem>>
    %dma_wait3A_112 = arith.constant 0 : i32
    %dma_wait3A_113 = arith.constant 0 : i32
    %dma_wait3A_114 = tpu.memref_slice %arg9[%dma_wait3A_112, %dma_wait3A_113] : memref<10240x64xf32, #tpu.memory_space<vmem_shared>> -> memref<10240x64xf32, #tpu.memory_space<vmem_shared>>
    %dma_wait3A_115 = tpu.memref_slice %arg11[%dma_wait3A_104] : memref<5x!tpu.dma_semaphore, #tpu.memory_space<semaphore_mem>> -> memref<1x!tpu.dma_semaphore, #tpu.memory_space<semaphore_mem>>
    %dma_wait3A_116 = tpu.memref_squeeze %dma_wait3A_115 : memref<1x!tpu.dma_semaphore, #tpu.memory_space<semaphore_mem>> -> memref<!tpu.dma_semaphore, #tpu.memory_space<semaphore_mem>>
    tpu.wait_indirect_dma semaphore(%dma_wait3A_116 : memref<!tpu.dma_semaphore, #tpu.memory_space<semaphore_mem>>) src(%dma_wait3A_108 : memref<128x64xf32, #tpu.memory_space<vmem>>) dst(%dma_wait3A_114 : memref<10240x64xf32, #tpu.memory_space<vmem_shared>>)
    %dma_wait3A_117 = arith.constant 3 : i32
    %dma_wait3A_118 = arith.constant 78 : i32
    %dma_wait3A_119 = arith.constant 3 : i32
    %dma_wait3A_120 = arith.constant 0 : i32
    %dma_wait3A_121 = arith.constant 0 : i32
    %dma_wait3A_122 = tpu.memref_slice %arg8[%dma_wait3A_117, %dma_wait3A_120, %dma_wait3A_121] : memref<5x128x64xf32, #tpu.memory_space<vmem>> -> memref<1x128x64xf32, #tpu.memory_space<vmem>>
    %dma_wait3A_123 = tpu.memref_squeeze %dma_wait3A_122 : memref<1x128x64xf32, #tpu.memory_space<vmem>> -> memref<128x64xf32, #tpu.memory_space<vmem>>
    %dma_wait3A_124 = arith.constant 0 : i32
    %dma_wait3A_125 = tpu.memref_slice %arg7[%dma_wait3A_118, %dma_wait3A_124] : memref<80x128xi32, #tpu.memory_space<vmem>> -> memref<1x128xi32, #tpu.memory_space<vmem>>
    %dma_wait3A_126 = tpu.memref_squeeze %dma_wait3A_125 : memref<1x128xi32, #tpu.memory_space<vmem>> -> memref<128xi32, #tpu.memory_space<vmem>>
    %dma_wait3A_127 = arith.constant 0 : i32
    %dma_wait3A_128 = arith.constant 0 : i32
    %dma_wait3A_129 = tpu.memref_slice %arg9[%dma_wait3A_127, %dma_wait3A_128] : memref<10240x64xf32, #tpu.memory_space<vmem_shared>> -> memref<10240x64xf32, #tpu.memory_space<vmem_shared>>
    %dma_wait3A_130 = tpu.memref_slice %arg11[%dma_wait3A_119] : memref<5x!tpu.dma_semaphore, #tpu.memory_space<semaphore_mem>> -> memref<1x!tpu.dma_semaphore, #tpu.memory_space<semaphore_mem>>
    %dma_wait3A_131 = tpu.memref_squeeze %dma_wait3A_130 : memref<1x!tpu.dma_semaphore, #tpu.memory_space<semaphore_mem>> -> memref<!tpu.dma_semaphore, #tpu.memory_space<semaphore_mem>>
    tpu.wait_indirect_dma semaphore(%dma_wait3A_131 : memref<!tpu.dma_semaphore, #tpu.memory_space<semaphore_mem>>) src(%dma_wait3A_123 : memref<128x64xf32, #tpu.memory_space<vmem>>) dst(%dma_wait3A_129 : memref<10240x64xf32, #tpu.memory_space<vmem_shared>>)
    %dma_wait3A_132 = arith.constant 4 : i32
    %dma_wait3A_133 = arith.constant 79 : i32
    %dma_wait3A_134 = arith.constant 4 : i32
    %dma_wait3A_135 = arith.constant 0 : i32
    %dma_wait3A_136 = arith.constant 0 : i32
    %dma_wait3A_137 = tpu.memref_slice %arg8[%dma_wait3A_132, %dma_wait3A_135, %dma_wait3A_136] : memref<5x128x64xf32, #tpu.memory_space<vmem>> -> memref<1x128x64xf32, #tpu.memory_space<vmem>>
    %dma_wait3A_138 = tpu.memref_squeeze %dma_wait3A_137 : memref<1x128x64xf32, #tpu.memory_space<vmem>> -> memref<128x64xf32, #tpu.memory_space<vmem>>
    %dma_wait3A_139 = arith.constant 0 : i32
    %dma_wait3A_140 = tpu.memref_slice %arg7[%dma_wait3A_133, %dma_wait3A_139] : memref<80x128xi32, #tpu.memory_space<vmem>> -> memref<1x128xi32, #tpu.memory_space<vmem>>
    %dma_wait3A_141 = tpu.memref_squeeze %dma_wait3A_140 : memref<1x128xi32, #tpu.memory_space<vmem>> -> memref<128xi32, #tpu.memory_space<vmem>>
    %dma_wait3A_142 = arith.constant 0 : i32
    %dma_wait3A_143 = arith.constant 0 : i32
    %dma_wait3A_144 = tpu.memref_slice %arg9[%dma_wait3A_142, %dma_wait3A_143] : memref<10240x64xf32, #tpu.memory_space<vmem_shared>> -> memref<10240x64xf32, #tpu.memory_space<vmem_shared>>
    %dma_wait3A_145 = tpu.memref_slice %arg11[%dma_wait3A_134] : memref<5x!tpu.dma_semaphore, #tpu.memory_space<semaphore_mem>> -> memref<1x!tpu.dma_semaphore, #tpu.memory_space<semaphore_mem>>
    %dma_wait3A_146 = tpu.memref_squeeze %dma_wait3A_145 : memref<1x!tpu.dma_semaphore, #tpu.memory_space<semaphore_mem>> -> memref<!tpu.dma_semaphore, #tpu.memory_space<semaphore_mem>>
    tpu.wait_indirect_dma semaphore(%dma_wait3A_146 : memref<!tpu.dma_semaphore, #tpu.memory_space<semaphore_mem>>) src(%dma_wait3A_138 : memref<128x64xf32, #tpu.memory_space<vmem>>) dst(%dma_wait3A_144 : memref<10240x64xf32, #tpu.memory_space<vmem_shared>>)
    %barrier3A_147 = arith.constant 0 : index
    tpu.barrier barrier_id(%barrier3A_147)
    %mul3A_148 = arith.constant 640 : i32
    %mul3A_149 = arith.muli %arg1, %mul3A_148 : i32
    %mul3A_150 = arith.constant 640 : i32
    %mul3A_151 = arith.muli %arg1, %mul3A_150 : i32
    %run_scoped3A_152 = arith.constant 0 : i32
    "tpu.region"() ({
      %run_scoped3A_307 = tpu.sem_alloc : memref<!tpu.dma_semaphore, #tpu.memory_space<semaphore_mem>>
      %dma_start3A_308 = arith.constant 0 : i32
      %dma_start3A_309 = arith.constant 0 : i32
      %dma_start3A_310 = arith.constant 0 : i32
      %dma_start3A_311 = tpu.memref_slice %arg5[%arg0, %dma_start3A_308, %dma_start3A_309, %dma_start3A_310] : memref<2x2x10240x64xf32, #tpu.memory_space<hbm>> -> memref<1x2x10240x64xf32, #tpu.memory_space<hbm>>
      %dma_start3A_312 = tpu.memref_squeeze %dma_start3A_311 : memref<1x2x10240x64xf32, #tpu.memory_space<hbm>> -> memref<2x10240x64xf32, #tpu.memory_space<hbm>>
      %dma_start3A_313 = arith.constant 0 : i32
      %dma_start3A_314 = arith.constant 0 : i32
      %dma_start3A_315 = tpu.memref_slice %dma_start3A_312[%run_scoped3A_152, %dma_start3A_313, %dma_start3A_314] : memref<2x10240x64xf32, #tpu.memory_space<hbm>> -> memref<1x10240x64xf32, #tpu.memory_space<hbm>>
      %dma_start3A_316 = tpu.memref_squeeze %dma_start3A_315 : memref<1x10240x64xf32, #tpu.memory_space<hbm>> -> memref<10240x64xf32, #tpu.memory_space<hbm>>
      %dma_start3A_317 = arith.constant 0 : i32
      %dma_start3A_318 = tpu.memref_slice %dma_start3A_316[%mul3A_151, %dma_start3A_317] : memref<10240x64xf32, #tpu.memory_space<hbm>> -> memref<640x64xf32, #tpu.memory_space<hbm>>
      %dma_start3A_319 = arith.constant 0 : i32
      %dma_start3A_320 = tpu.memref_slice %arg9[%mul3A_149, %dma_start3A_319] : memref<10240x64xf32, #tpu.memory_space<vmem_shared>> -> memref<640x64xf32, #tpu.memory_space<vmem_shared>>
      tpu.enqueue_dma source(%dma_start3A_320 : memref<640x64xf32, #tpu.memory_space<vmem_shared>>) target(%dma_start3A_318 : memref<640x64xf32, #tpu.memory_space<hbm>>) target_semaphore(%run_scoped3A_307 : memref<!tpu.dma_semaphore, #tpu.memory_space<semaphore_mem>>)
      %dma_wait3A_321 = arith.constant 0 : i32
      %dma_wait3A_322 = arith.constant 0 : i32
      %dma_wait3A_323 = arith.constant 0 : i32
      %dma_wait3A_324 = tpu.memref_slice %arg5[%arg0, %dma_wait3A_321, %dma_wait3A_322, %dma_wait3A_323] : memref<2x2x10240x64xf32, #tpu.memory_space<hbm>> -> memref<1x2x10240x64xf32, #tpu.memory_space<hbm>>
      %dma_wait3A_325 = tpu.memref_squeeze %dma_wait3A_324 : memref<1x2x10240x64xf32, #tpu.memory_space<hbm>> -> memref<2x10240x64xf32, #tpu.memory_space<hbm>>
      %dma_wait3A_326 = arith.constant 0 : i32
      %dma_wait3A_327 = arith.constant 0 : i32
      %dma_wait3A_328 = tpu.memref_slice %dma_wait3A_325[%run_scoped3A_152, %dma_wait3A_326, %dma_wait3A_327] : memref<2x10240x64xf32, #tpu.memory_space<hbm>> -> memref<1x10240x64xf32, #tpu.memory_space<hbm>>
      %dma_wait3A_329 = tpu.memref_squeeze %dma_wait3A_328 : memref<1x10240x64xf32, #tpu.memory_space<hbm>> -> memref<10240x64xf32, #tpu.memory_space<hbm>>
      %dma_wait3A_330 = arith.constant 0 : i32
      %dma_wait3A_331 = tpu.memref_slice %dma_wait3A_329[%mul3A_151, %dma_wait3A_330] : memref<10240x64xf32, #tpu.memory_space<hbm>> -> memref<640x64xf32, #tpu.memory_space<hbm>>
      %dma_wait3A_332 = arith.constant 0 : i32
      %dma_wait3A_333 = tpu.memref_slice %arg9[%mul3A_149, %dma_wait3A_332] : memref<10240x64xf32, #tpu.memory_space<vmem_shared>> -> memref<640x64xf32, #tpu.memory_space<vmem_shared>>
      tpu.wait_dma2 semaphore(%run_scoped3A_307 : memref<!tpu.dma_semaphore, #tpu.memory_space<semaphore_mem>>) src(%dma_wait3A_333 : memref<640x64xf32, #tpu.memory_space<vmem_shared>>) dst(%dma_wait3A_331 : memref<640x64xf32, #tpu.memory_space<hbm>>)
      tpu.yield
    }) : () -> ()
    %dma_start3A_153 = arith.constant 1 : i32
    %dma_start3A_154 = arith.constant 0 : i32
    %dma_start3A_155 = arith.constant 0 : i32
    %dma_start3A_156 = arith.constant 0 : i32
    %dma_start3A_157 = arith.constant 0 : i32
    %dma_start3A_158 = arith.constant 0 : i32
    %dma_start3A_159 = tpu.memref_slice %arg8[%dma_start3A_155, %dma_start3A_157, %dma_start3A_158] : memref<5x128x64xf32, #tpu.memory_space<vmem>> -> memref<1x128x64xf32, #tpu.memory_space<vmem>>
    %dma_start3A_160 = tpu.memref_squeeze %dma_start3A_159 : memref<1x128x64xf32, #tpu.memory_space<vmem>> -> memref<128x64xf32, #tpu.memory_space<vmem>>
    %dma_start3A_161 = arith.constant 0 : i32
    %dma_start3A_162 = tpu.memref_slice %arg6[%dma_start3A_154, %dma_start3A_161] : memref<80x128xi32, #tpu.memory_space<vmem>> -> memref<1x128xi32, #tpu.memory_space<vmem>>
    %dma_start3A_163 = tpu.memref_squeeze %dma_start3A_162 : memref<1x128xi32, #tpu.memory_space<vmem>> -> memref<128xi32, #tpu.memory_space<vmem>>
    %dma_start3A_164 = arith.constant 0 : i32
    %dma_start3A_165 = arith.constant 0 : i32
    %dma_start3A_166 = tpu.memref_slice %arg2[%dma_start3A_153, %dma_start3A_164, %dma_start3A_165] : memref<2x10240x64xf32, #tpu.memory_space<hbm>> -> memref<1x10240x64xf32, #tpu.memory_space<hbm>>
    %dma_start3A_167 = tpu.memref_squeeze %dma_start3A_166 : memref<1x10240x64xf32, #tpu.memory_space<hbm>> -> memref<10240x64xf32, #tpu.memory_space<hbm>>
    %dma_start3A_168 = arith.constant 0 : i32
    %dma_start3A_169 = arith.constant 0 : i32
    %dma_start3A_170 = tpu.memref_slice %dma_start3A_167[%dma_start3A_168, %dma_start3A_169] : memref<10240x64xf32, #tpu.memory_space<hbm>> -> memref<10240x64xf32, #tpu.memory_space<hbm>>
    %dma_start3A_171 = tpu.memref_slice %arg10[%dma_start3A_156] : memref<5x!tpu.dma_semaphore, #tpu.memory_space<semaphore_mem>> -> memref<1x!tpu.dma_semaphore, #tpu.memory_space<semaphore_mem>>
    %dma_start3A_172 = tpu.memref_squeeze %dma_start3A_171 : memref<1x!tpu.dma_semaphore, #tpu.memory_space<semaphore_mem>> -> memref<!tpu.dma_semaphore, #tpu.memory_space<semaphore_mem>>
    tpu.enqueue_indirect_dma source(%dma_start3A_170 : memref<10240x64xf32, #tpu.memory_space<hbm>>) target(%dma_start3A_160 : memref<128x64xf32, #tpu.memory_space<vmem>>) offsets(%dma_start3A_163 : memref<128xi32, #tpu.memory_space<vmem>>) semaphore(%dma_start3A_172 : memref<!tpu.dma_semaphore, #tpu.memory_space<semaphore_mem>>)
    %dma_start3A_173 = arith.constant 1 : i32
    %dma_start3A_174 = arith.constant 1 : i32
    %dma_start3A_175 = arith.constant 1 : i32
    %dma_start3A_176 = arith.constant 1 : i32
    %dma_start3A_177 = arith.constant 0 : i32
    %dma_start3A_178 = arith.constant 0 : i32
    %dma_start3A_179 = tpu.memref_slice %arg8[%dma_start3A_175, %dma_start3A_177, %dma_start3A_178] : memref<5x128x64xf32, #tpu.memory_space<vmem>> -> memref<1x128x64xf32, #tpu.memory_space<vmem>>
    %dma_start3A_180 = tpu.memref_squeeze %dma_start3A_179 : memref<1x128x64xf32, #tpu.memory_space<vmem>> -> memref<128x64xf32, #tpu.memory_space<vmem>>
    %dma_start3A_181 = arith.constant 0 : i32
    %dma_start3A_182 = tpu.memref_slice %arg6[%dma_start3A_174, %dma_start3A_181] : memref<80x128xi32, #tpu.memory_space<vmem>> -> memref<1x128xi32, #tpu.memory_space<vmem>>
    %dma_start3A_183 = tpu.memref_squeeze %dma_start3A_182 : memref<1x128xi32, #tpu.memory_space<vmem>> -> memref<128xi32, #tpu.memory_space<vmem>>
    %dma_start3A_184 = arith.constant 0 : i32
    %dma_start3A_185 = arith.constant 0 : i32
    %dma_start3A_186 = tpu.memref_slice %arg2[%dma_start3A_173, %dma_start3A_184, %dma_start3A_185] : memref<2x10240x64xf32, #tpu.memory_space<hbm>> -> memref<1x10240x64xf32, #tpu.memory_space<hbm>>
    %dma_start3A_187 = tpu.memref_squeeze %dma_start3A_186 : memref<1x10240x64xf32, #tpu.memory_space<hbm>> -> memref<10240x64xf32, #tpu.memory_space<hbm>>
    %dma_start3A_188 = arith.constant 0 : i32
    %dma_start3A_189 = arith.constant 0 : i32
    %dma_start3A_190 = tpu.memref_slice %dma_start3A_187[%dma_start3A_188, %dma_start3A_189] : memref<10240x64xf32, #tpu.memory_space<hbm>> -> memref<10240x64xf32, #tpu.memory_space<hbm>>
    %dma_start3A_191 = tpu.memref_slice %arg10[%dma_start3A_176] : memref<5x!tpu.dma_semaphore, #tpu.memory_space<semaphore_mem>> -> memref<1x!tpu.dma_semaphore, #tpu.memory_space<semaphore_mem>>
    %dma_start3A_192 = tpu.memref_squeeze %dma_start3A_191 : memref<1x!tpu.dma_semaphore, #tpu.memory_space<semaphore_mem>> -> memref<!tpu.dma_semaphore, #tpu.memory_space<semaphore_mem>>
    tpu.enqueue_indirect_dma source(%dma_start3A_190 : memref<10240x64xf32, #tpu.memory_space<hbm>>) target(%dma_start3A_180 : memref<128x64xf32, #tpu.memory_space<vmem>>) offsets(%dma_start3A_183 : memref<128xi32, #tpu.memory_space<vmem>>) semaphore(%dma_start3A_192 : memref<!tpu.dma_semaphore, #tpu.memory_space<semaphore_mem>>)
    %dma_start3A_193 = arith.constant 1 : i32
    %dma_start3A_194 = arith.constant 2 : i32
    %dma_start3A_195 = arith.constant 2 : i32
    %dma_start3A_196 = arith.constant 2 : i32
    %dma_start3A_197 = arith.constant 0 : i32
    %dma_start3A_198 = arith.constant 0 : i32
    %dma_start3A_199 = tpu.memref_slice %arg8[%dma_start3A_195, %dma_start3A_197, %dma_start3A_198] : memref<5x128x64xf32, #tpu.memory_space<vmem>> -> memref<1x128x64xf32, #tpu.memory_space<vmem>>
    %dma_start3A_200 = tpu.memref_squeeze %dma_start3A_199 : memref<1x128x64xf32, #tpu.memory_space<vmem>> -> memref<128x64xf32, #tpu.memory_space<vmem>>
    %dma_start3A_201 = arith.constant 0 : i32
    %dma_start3A_202 = tpu.memref_slice %arg6[%dma_start3A_194, %dma_start3A_201] : memref<80x128xi32, #tpu.memory_space<vmem>> -> memref<1x128xi32, #tpu.memory_space<vmem>>
    %dma_start3A_203 = tpu.memref_squeeze %dma_start3A_202 : memref<1x128xi32, #tpu.memory_space<vmem>> -> memref<128xi32, #tpu.memory_space<vmem>>
    %dma_start3A_204 = arith.constant 0 : i32
    %dma_start3A_205 = arith.constant 0 : i32
    %dma_start3A_206 = tpu.memref_slice %arg2[%dma_start3A_193, %dma_start3A_204, %dma_start3A_205] : memref<2x10240x64xf32, #tpu.memory_space<hbm>> -> memref<1x10240x64xf32, #tpu.memory_space<hbm>>
    %dma_start3A_207 = tpu.memref_squeeze %dma_start3A_206 : memref<1x10240x64xf32, #tpu.memory_space<hbm>> -> memref<10240x64xf32, #tpu.memory_space<hbm>>
    %dma_start3A_208 = arith.constant 0 : i32
    %dma_start3A_209 = arith.constant 0 : i32
    %dma_start3A_210 = tpu.memref_slice %dma_start3A_207[%dma_start3A_208, %dma_start3A_209] : memref<10240x64xf32, #tpu.memory_space<hbm>> -> memref<10240x64xf32, #tpu.memory_space<hbm>>
    %dma_start3A_211 = tpu.memref_slice %arg10[%dma_start3A_196] : memref<5x!tpu.dma_semaphore, #tpu.memory_space<semaphore_mem>> -> memref<1x!tpu.dma_semaphore, #tpu.memory_space<semaphore_mem>>
    %dma_start3A_212 = tpu.memref_squeeze %dma_start3A_211 : memref<1x!tpu.dma_semaphore, #tpu.memory_space<semaphore_mem>> -> memref<!tpu.dma_semaphore, #tpu.memory_space<semaphore_mem>>
    tpu.enqueue_indirect_dma source(%dma_start3A_210 : memref<10240x64xf32, #tpu.memory_space<hbm>>) target(%dma_start3A_200 : memref<128x64xf32, #tpu.memory_space<vmem>>) offsets(%dma_start3A_203 : memref<128xi32, #tpu.memory_space<vmem>>) semaphore(%dma_start3A_212 : memref<!tpu.dma_semaphore, #tpu.memory_space<semaphore_mem>>)
    %mul3A_213 = arith.constant 640 : i32
    %mul3A_214 = arith.muli %arg1, %mul3A_213 : i32
    %mul3A_215 = arith.constant 640 : i32
    %mul3A_216 = arith.muli %arg1, %mul3A_215 : i32
    %run_scoped3A_217 = arith.constant 1 : i32
    "tpu.region"() ({
      %run_scoped3A_307 = tpu.sem_alloc : memref<!tpu.dma_semaphore, #tpu.memory_space<semaphore_mem>>
      %dma_start3A_308 = arith.constant 0 : i32
      %dma_start3A_309 = tpu.memref_slice %arg9[%mul3A_216, %dma_start3A_308] : memref<10240x64xf32, #tpu.memory_space<vmem_shared>> -> memref<640x64xf32, #tpu.memory_space<vmem_shared>>
      %dma_start3A_310 = arith.constant 0 : i32
      %dma_start3A_311 = arith.constant 0 : i32
      %dma_start3A_312 = tpu.memref_slice %arg2[%run_scoped3A_217, %dma_start3A_310, %dma_start3A_311] : memref<2x10240x64xf32, #tpu.memory_space<hbm>> -> memref<1x10240x64xf32, #tpu.memory_space<hbm>>
      %dma_start3A_313 = tpu.memref_squeeze %dma_start3A_312 : memref<1x10240x64xf32, #tpu.memory_space<hbm>> -> memref<10240x64xf32, #tpu.memory_space<hbm>>
      %dma_start3A_314 = arith.constant 0 : i32
      %dma_start3A_315 = tpu.memref_slice %dma_start3A_313[%mul3A_214, %dma_start3A_314] : memref<10240x64xf32, #tpu.memory_space<hbm>> -> memref<640x64xf32, #tpu.memory_space<hbm>>
      tpu.enqueue_dma source(%dma_start3A_315 : memref<640x64xf32, #tpu.memory_space<hbm>>) target(%dma_start3A_309 : memref<640x64xf32, #tpu.memory_space<vmem_shared>>) target_semaphore(%run_scoped3A_307 : memref<!tpu.dma_semaphore, #tpu.memory_space<semaphore_mem>>)
      %dma_wait3A_316 = arith.constant 0 : i32
      %dma_wait3A_317 = tpu.memref_slice %arg9[%mul3A_216, %dma_wait3A_316] : memref<10240x64xf32, #tpu.memory_space<vmem_shared>> -> memref<640x64xf32, #tpu.memory_space<vmem_shared>>
      %dma_wait3A_318 = arith.constant 0 : i32
      %dma_wait3A_319 = arith.constant 0 : i32
      %dma_wait3A_320 = tpu.memref_slice %arg2[%run_scoped3A_217, %dma_wait3A_318, %dma_wait3A_319] : memref<2x10240x64xf32, #tpu.memory_space<hbm>> -> memref<1x10240x64xf32, #tpu.memory_space<hbm>>
      %dma_wait3A_321 = tpu.memref_squeeze %dma_wait3A_320 : memref<1x10240x64xf32, #tpu.memory_space<hbm>> -> memref<10240x64xf32, #tpu.memory_space<hbm>>
      %dma_wait3A_322 = arith.constant 0 : i32
      %dma_wait3A_323 = tpu.memref_slice %dma_wait3A_321[%mul3A_214, %dma_wait3A_322] : memref<10240x64xf32, #tpu.memory_space<hbm>> -> memref<640x64xf32, #tpu.memory_space<hbm>>
      tpu.wait_dma2 semaphore(%run_scoped3A_307 : memref<!tpu.dma_semaphore, #tpu.memory_space<semaphore_mem>>) src(%dma_wait3A_323 : memref<640x64xf32, #tpu.memory_space<hbm>>) dst(%dma_wait3A_317 : memref<640x64xf32, #tpu.memory_space<vmem_shared>>)
      tpu.yield
    }) : () -> ()
    %barrier3A_218 = arith.constant 0 : index
    tpu.barrier barrier_id(%barrier3A_218)
    %scan3A_219 = arith.constant 0 : i32
    %scan3A_220 = arith.constant 1 : i32
    %scan3A_221 = arith.constant 0 : i32
    %scan3A_222 = arith.constant 16 : i32
    %scan3A_223 = arith.addi %scan3A_221, %scan3A_222 : i32
    %scan3A_224 = arith.constant 1 : i32
    scf.for %scan3A_307 = %scan3A_221 to %scan3A_223 step %scan3A_224  : i32 {
      %mul3A_308 = arith.constant 5 : i32
      %mul3A_309 = arith.muli %scan3A_307, %mul3A_308 : i32
      %add3A_310 = arith.constant 0 : i32
      %add3A_311 = arith.addi %mul3A_309, %add3A_310 : i32
      %dma_wait3A_312 = arith.constant 0 : i32
      %dma_wait3A_313 = arith.constant 0 : i32
      %dma_wait3A_314 = arith.constant 0 : i32
      %dma_wait3A_315 = arith.constant 0 : i32
      %dma_wait3A_316 = tpu.memref_slice %arg8[%dma_wait3A_312, %dma_wait3A_314, %dma_wait3A_315] : memref<5x128x64xf32, #tpu.memory_space<vmem>> -> memref<1x128x64xf32, #tpu.memory_space<vmem>>
      %dma_wait3A_317 = tpu.memref_squeeze %dma_wait3A_316 : memref<1x128x64xf32, #tpu.memory_space<vmem>> -> memref<128x64xf32, #tpu.memory_space<vmem>>
      %dma_wait3A_318 = arith.constant 0 : i32
      %dma_wait3A_319 = tpu.memref_slice %arg6[%add3A_311, %dma_wait3A_318] : memref<80x128xi32, #tpu.memory_space<vmem>> -> memref<1x128xi32, #tpu.memory_space<vmem>>
      %dma_wait3A_320 = tpu.memref_squeeze %dma_wait3A_319 : memref<1x128xi32, #tpu.memory_space<vmem>> -> memref<128xi32, #tpu.memory_space<vmem>>
      %dma_wait3A_321 = arith.constant 0 : i32
      %dma_wait3A_322 = arith.constant 0 : i32
      %dma_wait3A_323 = tpu.memref_slice %arg2[%scan3A_220, %dma_wait3A_321, %dma_wait3A_322] : memref<2x10240x64xf32, #tpu.memory_space<hbm>> -> memref<1x10240x64xf32, #tpu.memory_space<hbm>>
      %dma_wait3A_324 = tpu.memref_squeeze %dma_wait3A_323 : memref<1x10240x64xf32, #tpu.memory_space<hbm>> -> memref<10240x64xf32, #tpu.memory_space<hbm>>
      %dma_wait3A_325 = arith.constant 0 : i32
      %dma_wait3A_326 = arith.constant 0 : i32
      %dma_wait3A_327 = tpu.memref_slice %dma_wait3A_324[%dma_wait3A_325, %dma_wait3A_326] : memref<10240x64xf32, #tpu.memory_space<hbm>> -> memref<10240x64xf32, #tpu.memory_space<hbm>>
      %dma_wait3A_328 = tpu.memref_slice %arg10[%dma_wait3A_313] : memref<5x!tpu.dma_semaphore, #tpu.memory_space<semaphore_mem>> -> memref<1x!tpu.dma_semaphore, #tpu.memory_space<semaphore_mem>>
      %dma_wait3A_329 = tpu.memref_squeeze %dma_wait3A_328 : memref<1x!tpu.dma_semaphore, #tpu.memory_space<semaphore_mem>> -> memref<!tpu.dma_semaphore, #tpu.memory_space<semaphore_mem>>
      tpu.wait_indirect_dma semaphore(%dma_wait3A_329 : memref<!tpu.dma_semaphore, #tpu.memory_space<semaphore_mem>>) src(%dma_wait3A_327 : memref<10240x64xf32, #tpu.memory_space<hbm>>) dst(%dma_wait3A_317 : memref<128x64xf32, #tpu.memory_space<vmem>>)
      %dma_start3A_330 = arith.constant 0 : i32
      %dma_start3A_331 = arith.constant 0 : i32
      %dma_start3A_332 = arith.constant 0 : i32
      %dma_start3A_333 = arith.constant 0 : i32
      %dma_start3A_334 = tpu.memref_slice %arg8[%dma_start3A_330, %dma_start3A_332, %dma_start3A_333] : memref<5x128x64xf32, #tpu.memory_space<vmem>> -> memref<1x128x64xf32, #tpu.memory_space<vmem>>
      %dma_start3A_335 = tpu.memref_squeeze %dma_start3A_334 : memref<1x128x64xf32, #tpu.memory_space<vmem>> -> memref<128x64xf32, #tpu.memory_space<vmem>>
      %dma_start3A_336 = arith.constant 0 : i32
      %dma_start3A_337 = tpu.memref_slice %arg7[%add3A_311, %dma_start3A_336] : memref<80x128xi32, #tpu.memory_space<vmem>> -> memref<1x128xi32, #tpu.memory_space<vmem>>
      %dma_start3A_338 = tpu.memref_squeeze %dma_start3A_337 : memref<1x128xi32, #tpu.memory_space<vmem>> -> memref<128xi32, #tpu.memory_space<vmem>>
      %dma_start3A_339 = arith.constant 0 : i32
      %dma_start3A_340 = arith.constant 0 : i32
      %dma_start3A_341 = tpu.memref_slice %arg9[%dma_start3A_339, %dma_start3A_340] : memref<10240x64xf32, #tpu.memory_space<vmem_shared>> -> memref<10240x64xf32, #tpu.memory_space<vmem_shared>>
      %dma_start3A_342 = tpu.memref_slice %arg11[%dma_start3A_331] : memref<5x!tpu.dma_semaphore, #tpu.memory_space<semaphore_mem>> -> memref<1x!tpu.dma_semaphore, #tpu.memory_space<semaphore_mem>>
      %dma_start3A_343 = tpu.memref_squeeze %dma_start3A_342 : memref<1x!tpu.dma_semaphore, #tpu.memory_space<semaphore_mem>> -> memref<!tpu.dma_semaphore, #tpu.memory_space<semaphore_mem>>
      tpu.enqueue_indirect_dma source(%dma_start3A_335 : memref<128x64xf32, #tpu.memory_space<vmem>>) target(%dma_start3A_341 : memref<10240x64xf32, #tpu.memory_space<vmem_shared>>) offsets(%dma_start3A_338 : memref<128xi32, #tpu.memory_space<vmem>>) semaphore(%dma_start3A_343 : memref<!tpu.dma_semaphore, #tpu.memory_space<semaphore_mem>>) {add = true}
      %add3A_344 = arith.constant 3 : i32
      %add3A_345 = arith.addi %add3A_311, %add3A_344 : i32
      %lt3A = arith.constant 80 : i32
      %lt3A_346 = arith.cmpi slt, %add3A_345, %lt3A : i32
      %convert_element_type3A = arith.extui %lt3A_346 : i1 to i32
      %cond3A = arith.constant 0 : i32
      %cond3A_347 = arith.cmpi ne, %convert_element_type3A, %cond3A : i32
      scf.if %cond3A_347 {
        %ge3A = arith.constant 5 : i32
        %ge3A_520 = arith.cmpi sge, %add3A_345, %ge3A : i32
        %convert_element_type3A_521 = arith.extui %ge3A_520 : i1 to i32
        %cond3A_522 = arith.constant 0 : i32
        %cond3A_523 = arith.cmpi ne, %convert_element_type3A_521, %cond3A_522 : i32
        scf.if %cond3A_523 {
          %sub3A = arith.constant 5 : i32
          %sub3A_542 = arith.subi %add3A_345, %sub3A : i32
          %dma_wait3A_543 = arith.constant 3 : i32
          %dma_wait3A_544 = arith.constant 3 : i32
          %dma_wait3A_545 = arith.constant 0 : i32
          %dma_wait3A_546 = arith.constant 0 : i32
          %dma_wait3A_547 = tpu.memref_slice %arg8[%dma_wait3A_543, %dma_wait3A_545, %dma_wait3A_546] : memref<5x128x64xf32, #tpu.memory_space<vmem>> -> memref<1x128x64xf32, #tpu.memory_space<vmem>>
          %dma_wait3A_548 = tpu.memref_squeeze %dma_wait3A_547 : memref<1x128x64xf32, #tpu.memory_space<vmem>> -> memref<128x64xf32, #tpu.memory_space<vmem>>
          %dma_wait3A_549 = arith.constant 0 : i32
          %dma_wait3A_550 = tpu.memref_slice %arg7[%sub3A_542, %dma_wait3A_549] : memref<80x128xi32, #tpu.memory_space<vmem>> -> memref<1x128xi32, #tpu.memory_space<vmem>>
          %dma_wait3A_551 = tpu.memref_squeeze %dma_wait3A_550 : memref<1x128xi32, #tpu.memory_space<vmem>> -> memref<128xi32, #tpu.memory_space<vmem>>
          %dma_wait3A_552 = arith.constant 0 : i32
          %dma_wait3A_553 = arith.constant 0 : i32
          %dma_wait3A_554 = tpu.memref_slice %arg9[%dma_wait3A_552, %dma_wait3A_553] : memref<10240x64xf32, #tpu.memory_space<vmem_shared>> -> memref<10240x64xf32, #tpu.memory_space<vmem_shared>>
          %dma_wait3A_555 = tpu.memref_slice %arg11[%dma_wait3A_544] : memref<5x!tpu.dma_semaphore, #tpu.memory_space<semaphore_mem>> -> memref<1x!tpu.dma_semaphore, #tpu.memory_space<semaphore_mem>>
          %dma_wait3A_556 = tpu.memref_squeeze %dma_wait3A_555 : memref<1x!tpu.dma_semaphore, #tpu.memory_space<semaphore_mem>> -> memref<!tpu.dma_semaphore, #tpu.memory_space<semaphore_mem>>
          tpu.wait_indirect_dma semaphore(%dma_wait3A_556 : memref<!tpu.dma_semaphore, #tpu.memory_space<semaphore_mem>>) src(%dma_wait3A_548 : memref<128x64xf32, #tpu.memory_space<vmem>>) dst(%dma_wait3A_554 : memref<10240x64xf32, #tpu.memory_space<vmem_shared>>)
        } else {
        }
        %dma_start3A_524 = arith.constant 3 : i32
        %dma_start3A_525 = arith.constant 3 : i32
        %dma_start3A_526 = arith.constant 0 : i32
        %dma_start3A_527 = arith.constant 0 : i32
        %dma_start3A_528 = tpu.memref_slice %arg8[%dma_start3A_524, %dma_start3A_526, %dma_start3A_527] : memref<5x128x64xf32, #tpu.memory_space<vmem>> -> memref<1x128x64xf32, #tpu.memory_space<vmem>>
        %dma_start3A_529 = tpu.memref_squeeze %dma_start3A_528 : memref<1x128x64xf32, #tpu.memory_space<vmem>> -> memref<128x64xf32, #tpu.memory_space<vmem>>
        %dma_start3A_530 = arith.constant 0 : i32
        %dma_start3A_531 = tpu.memref_slice %arg6[%add3A_345, %dma_start3A_530] : memref<80x128xi32, #tpu.memory_space<vmem>> -> memref<1x128xi32, #tpu.memory_space<vmem>>
        %dma_start3A_532 = tpu.memref_squeeze %dma_start3A_531 : memref<1x128xi32, #tpu.memory_space<vmem>> -> memref<128xi32, #tpu.memory_space<vmem>>
        %dma_start3A_533 = arith.constant 0 : i32
        %dma_start3A_534 = arith.constant 0 : i32
        %dma_start3A_535 = tpu.memref_slice %arg2[%scan3A_220, %dma_start3A_533, %dma_start3A_534] : memref<2x10240x64xf32, #tpu.memory_space<hbm>> -> memref<1x10240x64xf32, #tpu.memory_space<hbm>>
        %dma_start3A_536 = tpu.memref_squeeze %dma_start3A_535 : memref<1x10240x64xf32, #tpu.memory_space<hbm>> -> memref<10240x64xf32, #tpu.memory_space<hbm>>
        %dma_start3A_537 = arith.constant 0 : i32
        %dma_start3A_538 = arith.constant 0 : i32
        %dma_start3A_539 = tpu.memref_slice %dma_start3A_536[%dma_start3A_537, %dma_start3A_538] : memref<10240x64xf32, #tpu.memory_space<hbm>> -> memref<10240x64xf32, #tpu.memory_space<hbm>>
        %dma_start3A_540 = tpu.memref_slice %arg10[%dma_start3A_525] : memref<5x!tpu.dma_semaphore, #tpu.memory_space<semaphore_mem>> -> memref<1x!tpu.dma_semaphore, #tpu.memory_space<semaphore_mem>>
        %dma_start3A_541 = tpu.memref_squeeze %dma_start3A_540 : memref<1x!tpu.dma_semaphore, #tpu.memory_space<semaphore_mem>> -> memref<!tpu.dma_semaphore, #tpu.memory_space<semaphore_mem>>
        tpu.enqueue_indirect_dma source(%dma_start3A_539 : memref<10240x64xf32, #tpu.memory_space<hbm>>) target(%dma_start3A_529 : memref<128x64xf32, #tpu.memory_space<vmem>>) offsets(%dma_start3A_532 : memref<128xi32, #tpu.memory_space<vmem>>) semaphore(%dma_start3A_541 : memref<!tpu.dma_semaphore, #tpu.memory_space<semaphore_mem>>)
      } else {
      }
      %mul3A_348 = arith.constant 5 : i32
      %mul3A_349 = arith.muli %scan3A_307, %mul3A_348 : i32
      %add3A_350 = arith.constant 1 : i32
      %add3A_351 = arith.addi %mul3A_349, %add3A_350 : i32
      %dma_wait3A_352 = arith.constant 1 : i32
      %dma_wait3A_353 = arith.constant 1 : i32
      %dma_wait3A_354 = arith.constant 0 : i32
      %dma_wait3A_355 = arith.constant 0 : i32
      %dma_wait3A_356 = tpu.memref_slice %arg8[%dma_wait3A_352, %dma_wait3A_354, %dma_wait3A_355] : memref<5x128x64xf32, #tpu.memory_space<vmem>> -> memref<1x128x64xf32, #tpu.memory_space<vmem>>
      %dma_wait3A_357 = tpu.memref_squeeze %dma_wait3A_356 : memref<1x128x64xf32, #tpu.memory_space<vmem>> -> memref<128x64xf32, #tpu.memory_space<vmem>>
      %dma_wait3A_358 = arith.constant 0 : i32
      %dma_wait3A_359 = tpu.memref_slice %arg6[%add3A_351, %dma_wait3A_358] : memref<80x128xi32, #tpu.memory_space<vmem>> -> memref<1x128xi32, #tpu.memory_space<vmem>>
      %dma_wait3A_360 = tpu.memref_squeeze %dma_wait3A_359 : memref<1x128xi32, #tpu.memory_space<vmem>> -> memref<128xi32, #tpu.memory_space<vmem>>
      %dma_wait3A_361 = arith.constant 0 : i32
      %dma_wait3A_362 = arith.constant 0 : i32
      %dma_wait3A_363 = tpu.memref_slice %arg2[%scan3A_220, %dma_wait3A_361, %dma_wait3A_362] : memref<2x10240x64xf32, #tpu.memory_space<hbm>> -> memref<1x10240x64xf32, #tpu.memory_space<hbm>>
      %dma_wait3A_364 = tpu.memref_squeeze %dma_wait3A_363 : memref<1x10240x64xf32, #tpu.memory_space<hbm>> -> memref<10240x64xf32, #tpu.memory_space<hbm>>
      %dma_wait3A_365 = arith.constant 0 : i32
      %dma_wait3A_366 = arith.constant 0 : i32
      %dma_wait3A_367 = tpu.memref_slice %dma_wait3A_364[%dma_wait3A_365, %dma_wait3A_366] : memref<10240x64xf32, #tpu.memory_space<hbm>> -> memref<10240x64xf32, #tpu.memory_space<hbm>>
      %dma_wait3A_368 = tpu.memref_slice %arg10[%dma_wait3A_353] : memref<5x!tpu.dma_semaphore, #tpu.memory_space<semaphore_mem>> -> memref<1x!tpu.dma_semaphore, #tpu.memory_space<semaphore_mem>>
      %dma_wait3A_369 = tpu.memref_squeeze %dma_wait3A_368 : memref<1x!tpu.dma_semaphore, #tpu.memory_space<semaphore_mem>> -> memref<!tpu.dma_semaphore, #tpu.memory_space<semaphore_mem>>
      tpu.wait_indirect_dma semaphore(%dma_wait3A_369 : memref<!tpu.dma_semaphore, #tpu.memory_space<semaphore_mem>>) src(%dma_wait3A_367 : memref<10240x64xf32, #tpu.memory_space<hbm>>) dst(%dma_wait3A_357 : memref<128x64xf32, #tpu.memory_space<vmem>>)
      %dma_start3A_370 = arith.constant 1 : i32
      %dma_start3A_371 = arith.constant 1 : i32
      %dma_start3A_372 = arith.constant 0 : i32
      %dma_start3A_373 = arith.constant 0 : i32
      %dma_start3A_374 = tpu.memref_slice %arg8[%dma_start3A_370, %dma_start3A_372, %dma_start3A_373] : memref<5x128x64xf32, #tpu.memory_space<vmem>> -> memref<1x128x64xf32, #tpu.memory_space<vmem>>
      %dma_start3A_375 = tpu.memref_squeeze %dma_start3A_374 : memref<1x128x64xf32, #tpu.memory_space<vmem>> -> memref<128x64xf32, #tpu.memory_space<vmem>>
      %dma_start3A_376 = arith.constant 0 : i32
      %dma_start3A_377 = tpu.memref_slice %arg7[%add3A_351, %dma_start3A_376] : memref<80x128xi32, #tpu.memory_space<vmem>> -> memref<1x128xi32, #tpu.memory_space<vmem>>
      %dma_start3A_378 = tpu.memref_squeeze %dma_start3A_377 : memref<1x128xi32, #tpu.memory_space<vmem>> -> memref<128xi32, #tpu.memory_space<vmem>>
      %dma_start3A_379 = arith.constant 0 : i32
      %dma_start3A_380 = arith.constant 0 : i32
      %dma_start3A_381 = tpu.memref_slice %arg9[%dma_start3A_379, %dma_start3A_380] : memref<10240x64xf32, #tpu.memory_space<vmem_shared>> -> memref<10240x64xf32, #tpu.memory_space<vmem_shared>>
      %dma_start3A_382 = tpu.memref_slice %arg11[%dma_start3A_371] : memref<5x!tpu.dma_semaphore, #tpu.memory_space<semaphore_mem>> -> memref<1x!tpu.dma_semaphore, #tpu.memory_space<semaphore_mem>>
      %dma_start3A_383 = tpu.memref_squeeze %dma_start3A_382 : memref<1x!tpu.dma_semaphore, #tpu.memory_space<semaphore_mem>> -> memref<!tpu.dma_semaphore, #tpu.memory_space<semaphore_mem>>
      tpu.enqueue_indirect_dma source(%dma_start3A_375 : memref<128x64xf32, #tpu.memory_space<vmem>>) target(%dma_start3A_381 : memref<10240x64xf32, #tpu.memory_space<vmem_shared>>) offsets(%dma_start3A_378 : memref<128xi32, #tpu.memory_space<vmem>>) semaphore(%dma_start3A_383 : memref<!tpu.dma_semaphore, #tpu.memory_space<semaphore_mem>>) {add = true}
      %add3A_384 = arith.constant 3 : i32
      %add3A_385 = arith.addi %add3A_351, %add3A_384 : i32
      %lt3A_386 = arith.constant 80 : i32
      %lt3A_387 = arith.cmpi slt, %add3A_385, %lt3A_386 : i32
      %convert_element_type3A_388 = arith.extui %lt3A_387 : i1 to i32
      %cond3A_389 = arith.constant 0 : i32
      %cond3A_390 = arith.cmpi ne, %convert_element_type3A_388, %cond3A_389 : i32
      scf.if %cond3A_390 {
        %ge3A = arith.constant 5 : i32
        %ge3A_520 = arith.cmpi sge, %add3A_385, %ge3A : i32
        %convert_element_type3A_521 = arith.extui %ge3A_520 : i1 to i32
        %cond3A_522 = arith.constant 0 : i32
        %cond3A_523 = arith.cmpi ne, %convert_element_type3A_521, %cond3A_522 : i32
        scf.if %cond3A_523 {
          %sub3A = arith.constant 5 : i32
          %sub3A_542 = arith.subi %add3A_385, %sub3A : i32
          %dma_wait3A_543 = arith.constant 4 : i32
          %dma_wait3A_544 = arith.constant 4 : i32
          %dma_wait3A_545 = arith.constant 0 : i32
          %dma_wait3A_546 = arith.constant 0 : i32
          %dma_wait3A_547 = tpu.memref_slice %arg8[%dma_wait3A_543, %dma_wait3A_545, %dma_wait3A_546] : memref<5x128x64xf32, #tpu.memory_space<vmem>> -> memref<1x128x64xf32, #tpu.memory_space<vmem>>
          %dma_wait3A_548 = tpu.memref_squeeze %dma_wait3A_547 : memref<1x128x64xf32, #tpu.memory_space<vmem>> -> memref<128x64xf32, #tpu.memory_space<vmem>>
          %dma_wait3A_549 = arith.constant 0 : i32
          %dma_wait3A_550 = tpu.memref_slice %arg7[%sub3A_542, %dma_wait3A_549] : memref<80x128xi32, #tpu.memory_space<vmem>> -> memref<1x128xi32, #tpu.memory_space<vmem>>
          %dma_wait3A_551 = tpu.memref_squeeze %dma_wait3A_550 : memref<1x128xi32, #tpu.memory_space<vmem>> -> memref<128xi32, #tpu.memory_space<vmem>>
          %dma_wait3A_552 = arith.constant 0 : i32
          %dma_wait3A_553 = arith.constant 0 : i32
          %dma_wait3A_554 = tpu.memref_slice %arg9[%dma_wait3A_552, %dma_wait3A_553] : memref<10240x64xf32, #tpu.memory_space<vmem_shared>> -> memref<10240x64xf32, #tpu.memory_space<vmem_shared>>
          %dma_wait3A_555 = tpu.memref_slice %arg11[%dma_wait3A_544] : memref<5x!tpu.dma_semaphore, #tpu.memory_space<semaphore_mem>> -> memref<1x!tpu.dma_semaphore, #tpu.memory_space<semaphore_mem>>
          %dma_wait3A_556 = tpu.memref_squeeze %dma_wait3A_555 : memref<1x!tpu.dma_semaphore, #tpu.memory_space<semaphore_mem>> -> memref<!tpu.dma_semaphore, #tpu.memory_space<semaphore_mem>>
          tpu.wait_indirect_dma semaphore(%dma_wait3A_556 : memref<!tpu.dma_semaphore, #tpu.memory_space<semaphore_mem>>) src(%dma_wait3A_548 : memref<128x64xf32, #tpu.memory_space<vmem>>) dst(%dma_wait3A_554 : memref<10240x64xf32, #tpu.memory_space<vmem_shared>>)
        } else {
        }
        %dma_start3A_524 = arith.constant 4 : i32
        %dma_start3A_525 = arith.constant 4 : i32
        %dma_start3A_526 = arith.constant 0 : i32
        %dma_start3A_527 = arith.constant 0 : i32
        %dma_start3A_528 = tpu.memref_slice %arg8[%dma_start3A_524, %dma_start3A_526, %dma_start3A_527] : memref<5x128x64xf32, #tpu.memory_space<vmem>> -> memref<1x128x64xf32, #tpu.memory_space<vmem>>
        %dma_start3A_529 = tpu.memref_squeeze %dma_start3A_528 : memref<1x128x64xf32, #tpu.memory_space<vmem>> -> memref<128x64xf32, #tpu.memory_space<vmem>>
        %dma_start3A_530 = arith.constant 0 : i32
        %dma_start3A_531 = tpu.memref_slice %arg6[%add3A_385, %dma_start3A_530] : memref<80x128xi32, #tpu.memory_space<vmem>> -> memref<1x128xi32, #tpu.memory_space<vmem>>
        %dma_start3A_532 = tpu.memref_squeeze %dma_start3A_531 : memref<1x128xi32, #tpu.memory_space<vmem>> -> memref<128xi32, #tpu.memory_space<vmem>>
        %dma_start3A_533 = arith.constant 0 : i32
        %dma_start3A_534 = arith.constant 0 : i32
        %dma_start3A_535 = tpu.memref_slice %arg2[%scan3A_220, %dma_start3A_533, %dma_start3A_534] : memref<2x10240x64xf32, #tpu.memory_space<hbm>> -> memref<1x10240x64xf32, #tpu.memory_space<hbm>>
        %dma_start3A_536 = tpu.memref_squeeze %dma_start3A_535 : memref<1x10240x64xf32, #tpu.memory_space<hbm>> -> memref<10240x64xf32, #tpu.memory_space<hbm>>
        %dma_start3A_537 = arith.constant 0 : i32
        %dma_start3A_538 = arith.constant 0 : i32
        %dma_start3A_539 = tpu.memref_slice %dma_start3A_536[%dma_start3A_537, %dma_start3A_538] : memref<10240x64xf32, #tpu.memory_space<hbm>> -> memref<10240x64xf32, #tpu.memory_space<hbm>>
        %dma_start3A_540 = tpu.memref_slice %arg10[%dma_start3A_525] : memref<5x!tpu.dma_semaphore, #tpu.memory_space<semaphore_mem>> -> memref<1x!tpu.dma_semaphore, #tpu.memory_space<semaphore_mem>>
        %dma_start3A_541 = tpu.memref_squeeze %dma_start3A_540 : memref<1x!tpu.dma_semaphore, #tpu.memory_space<semaphore_mem>> -> memref<!tpu.dma_semaphore, #tpu.memory_space<semaphore_mem>>
        tpu.enqueue_indirect_dma source(%dma_start3A_539 : memref<10240x64xf32, #tpu.memory_space<hbm>>) target(%dma_start3A_529 : memref<128x64xf32, #tpu.memory_space<vmem>>) offsets(%dma_start3A_532 : memref<128xi32, #tpu.memory_space<vmem>>) semaphore(%dma_start3A_541 : memref<!tpu.dma_semaphore, #tpu.memory_space<semaphore_mem>>)
      } else {
      }
      %mul3A_391 = arith.constant 5 : i32
      %mul3A_392 = arith.muli %scan3A_307, %mul3A_391 : i32
      %add3A_393 = arith.constant 2 : i32
      %add3A_394 = arith.addi %mul3A_392, %add3A_393 : i32
      %dma_wait3A_395 = arith.constant 2 : i32
      %dma_wait3A_396 = arith.constant 2 : i32
      %dma_wait3A_397 = arith.constant 0 : i32
      %dma_wait3A_398 = arith.constant 0 : i32
      %dma_wait3A_399 = tpu.memref_slice %arg8[%dma_wait3A_395, %dma_wait3A_397, %dma_wait3A_398] : memref<5x128x64xf32, #tpu.memory_space<vmem>> -> memref<1x128x64xf32, #tpu.memory_space<vmem>>
      %dma_wait3A_400 = tpu.memref_squeeze %dma_wait3A_399 : memref<1x128x64xf32, #tpu.memory_space<vmem>> -> memref<128x64xf32, #tpu.memory_space<vmem>>
      %dma_wait3A_401 = arith.constant 0 : i32
      %dma_wait3A_402 = tpu.memref_slice %arg6[%add3A_394, %dma_wait3A_401] : memref<80x128xi32, #tpu.memory_space<vmem>> -> memref<1x128xi32, #tpu.memory_space<vmem>>
      %dma_wait3A_403 = tpu.memref_squeeze %dma_wait3A_402 : memref<1x128xi32, #tpu.memory_space<vmem>> -> memref<128xi32, #tpu.memory_space<vmem>>
      %dma_wait3A_404 = arith.constant 0 : i32
      %dma_wait3A_405 = arith.constant 0 : i32
      %dma_wait3A_406 = tpu.memref_slice %arg2[%scan3A_220, %dma_wait3A_404, %dma_wait3A_405] : memref<2x10240x64xf32, #tpu.memory_space<hbm>> -> memref<1x10240x64xf32, #tpu.memory_space<hbm>>
      %dma_wait3A_407 = tpu.memref_squeeze %dma_wait3A_406 : memref<1x10240x64xf32, #tpu.memory_space<hbm>> -> memref<10240x64xf32, #tpu.memory_space<hbm>>
      %dma_wait3A_408 = arith.constant 0 : i32
      %dma_wait3A_409 = arith.constant 0 : i32
      %dma_wait3A_410 = tpu.memref_slice %dma_wait3A_407[%dma_wait3A_408, %dma_wait3A_409] : memref<10240x64xf32, #tpu.memory_space<hbm>> -> memref<10240x64xf32, #tpu.memory_space<hbm>>
      %dma_wait3A_411 = tpu.memref_slice %arg10[%dma_wait3A_396] : memref<5x!tpu.dma_semaphore, #tpu.memory_space<semaphore_mem>> -> memref<1x!tpu.dma_semaphore, #tpu.memory_space<semaphore_mem>>
      %dma_wait3A_412 = tpu.memref_squeeze %dma_wait3A_411 : memref<1x!tpu.dma_semaphore, #tpu.memory_space<semaphore_mem>> -> memref<!tpu.dma_semaphore, #tpu.memory_space<semaphore_mem>>
      tpu.wait_indirect_dma semaphore(%dma_wait3A_412 : memref<!tpu.dma_semaphore, #tpu.memory_space<semaphore_mem>>) src(%dma_wait3A_410 : memref<10240x64xf32, #tpu.memory_space<hbm>>) dst(%dma_wait3A_400 : memref<128x64xf32, #tpu.memory_space<vmem>>)
      %dma_start3A_413 = arith.constant 2 : i32
      %dma_start3A_414 = arith.constant 2 : i32
      %dma_start3A_415 = arith.constant 0 : i32
      %dma_start3A_416 = arith.constant 0 : i32
      %dma_start3A_417 = tpu.memref_slice %arg8[%dma_start3A_413, %dma_start3A_415, %dma_start3A_416] : memref<5x128x64xf32, #tpu.memory_space<vmem>> -> memref<1x128x64xf32, #tpu.memory_space<vmem>>
      %dma_start3A_418 = tpu.memref_squeeze %dma_start3A_417 : memref<1x128x64xf32, #tpu.memory_space<vmem>> -> memref<128x64xf32, #tpu.memory_space<vmem>>
      %dma_start3A_419 = arith.constant 0 : i32
      %dma_start3A_420 = tpu.memref_slice %arg7[%add3A_394, %dma_start3A_419] : memref<80x128xi32, #tpu.memory_space<vmem>> -> memref<1x128xi32, #tpu.memory_space<vmem>>
      %dma_start3A_421 = tpu.memref_squeeze %dma_start3A_420 : memref<1x128xi32, #tpu.memory_space<vmem>> -> memref<128xi32, #tpu.memory_space<vmem>>
      %dma_start3A_422 = arith.constant 0 : i32
      %dma_start3A_423 = arith.constant 0 : i32
      %dma_start3A_424 = tpu.memref_slice %arg9[%dma_start3A_422, %dma_start3A_423] : memref<10240x64xf32, #tpu.memory_space<vmem_shared>> -> memref<10240x64xf32, #tpu.memory_space<vmem_shared>>
      %dma_start3A_425 = tpu.memref_slice %arg11[%dma_start3A_414] : memref<5x!tpu.dma_semaphore, #tpu.memory_space<semaphore_mem>> -> memref<1x!tpu.dma_semaphore, #tpu.memory_space<semaphore_mem>>
      %dma_start3A_426 = tpu.memref_squeeze %dma_start3A_425 : memref<1x!tpu.dma_semaphore, #tpu.memory_space<semaphore_mem>> -> memref<!tpu.dma_semaphore, #tpu.memory_space<semaphore_mem>>
      tpu.enqueue_indirect_dma source(%dma_start3A_418 : memref<128x64xf32, #tpu.memory_space<vmem>>) target(%dma_start3A_424 : memref<10240x64xf32, #tpu.memory_space<vmem_shared>>) offsets(%dma_start3A_421 : memref<128xi32, #tpu.memory_space<vmem>>) semaphore(%dma_start3A_426 : memref<!tpu.dma_semaphore, #tpu.memory_space<semaphore_mem>>) {add = true}
      %add3A_427 = arith.constant 3 : i32
      %add3A_428 = arith.addi %add3A_394, %add3A_427 : i32
      %lt3A_429 = arith.constant 80 : i32
      %lt3A_430 = arith.cmpi slt, %add3A_428, %lt3A_429 : i32
      %convert_element_type3A_431 = arith.extui %lt3A_430 : i1 to i32
      %cond3A_432 = arith.constant 0 : i32
      %cond3A_433 = arith.cmpi ne, %convert_element_type3A_431, %cond3A_432 : i32
      scf.if %cond3A_433 {
        %ge3A = arith.constant 5 : i32
        %ge3A_520 = arith.cmpi sge, %add3A_428, %ge3A : i32
        %convert_element_type3A_521 = arith.extui %ge3A_520 : i1 to i32
        %cond3A_522 = arith.constant 0 : i32
        %cond3A_523 = arith.cmpi ne, %convert_element_type3A_521, %cond3A_522 : i32
        scf.if %cond3A_523 {
          %sub3A = arith.constant 5 : i32
          %sub3A_542 = arith.subi %add3A_428, %sub3A : i32
          %dma_wait3A_543 = arith.constant 0 : i32
          %dma_wait3A_544 = arith.constant 0 : i32
          %dma_wait3A_545 = arith.constant 0 : i32
          %dma_wait3A_546 = arith.constant 0 : i32
          %dma_wait3A_547 = tpu.memref_slice %arg8[%dma_wait3A_543, %dma_wait3A_545, %dma_wait3A_546] : memref<5x128x64xf32, #tpu.memory_space<vmem>> -> memref<1x128x64xf32, #tpu.memory_space<vmem>>
          %dma_wait3A_548 = tpu.memref_squeeze %dma_wait3A_547 : memref<1x128x64xf32, #tpu.memory_space<vmem>> -> memref<128x64xf32, #tpu.memory_space<vmem>>
          %dma_wait3A_549 = arith.constant 0 : i32
          %dma_wait3A_550 = tpu.memref_slice %arg7[%sub3A_542, %dma_wait3A_549] : memref<80x128xi32, #tpu.memory_space<vmem>> -> memref<1x128xi32, #tpu.memory_space<vmem>>
          %dma_wait3A_551 = tpu.memref_squeeze %dma_wait3A_550 : memref<1x128xi32, #tpu.memory_space<vmem>> -> memref<128xi32, #tpu.memory_space<vmem>>
          %dma_wait3A_552 = arith.constant 0 : i32
          %dma_wait3A_553 = arith.constant 0 : i32
          %dma_wait3A_554 = tpu.memref_slice %arg9[%dma_wait3A_552, %dma_wait3A_553] : memref<10240x64xf32, #tpu.memory_space<vmem_shared>> -> memref<10240x64xf32, #tpu.memory_space<vmem_shared>>
          %dma_wait3A_555 = tpu.memref_slice %arg11[%dma_wait3A_544] : memref<5x!tpu.dma_semaphore, #tpu.memory_space<semaphore_mem>> -> memref<1x!tpu.dma_semaphore, #tpu.memory_space<semaphore_mem>>
          %dma_wait3A_556 = tpu.memref_squeeze %dma_wait3A_555 : memref<1x!tpu.dma_semaphore, #tpu.memory_space<semaphore_mem>> -> memref<!tpu.dma_semaphore, #tpu.memory_space<semaphore_mem>>
          tpu.wait_indirect_dma semaphore(%dma_wait3A_556 : memref<!tpu.dma_semaphore, #tpu.memory_space<semaphore_mem>>) src(%dma_wait3A_548 : memref<128x64xf32, #tpu.memory_space<vmem>>) dst(%dma_wait3A_554 : memref<10240x64xf32, #tpu.memory_space<vmem_shared>>)
        } else {
        }
        %dma_start3A_524 = arith.constant 0 : i32
        %dma_start3A_525 = arith.constant 0 : i32
        %dma_start3A_526 = arith.constant 0 : i32
        %dma_start3A_527 = arith.constant 0 : i32
        %dma_start3A_528 = tpu.memref_slice %arg8[%dma_start3A_524, %dma_start3A_526, %dma_start3A_527] : memref<5x128x64xf32, #tpu.memory_space<vmem>> -> memref<1x128x64xf32, #tpu.memory_space<vmem>>
        %dma_start3A_529 = tpu.memref_squeeze %dma_start3A_528 : memref<1x128x64xf32, #tpu.memory_space<vmem>> -> memref<128x64xf32, #tpu.memory_space<vmem>>
        %dma_start3A_530 = arith.constant 0 : i32
        %dma_start3A_531 = tpu.memref_slice %arg6[%add3A_428, %dma_start3A_530] : memref<80x128xi32, #tpu.memory_space<vmem>> -> memref<1x128xi32, #tpu.memory_space<vmem>>
        %dma_start3A_532 = tpu.memref_squeeze %dma_start3A_531 : memref<1x128xi32, #tpu.memory_space<vmem>> -> memref<128xi32, #tpu.memory_space<vmem>>
        %dma_start3A_533 = arith.constant 0 : i32
        %dma_start3A_534 = arith.constant 0 : i32
        %dma_start3A_535 = tpu.memref_slice %arg2[%scan3A_220, %dma_start3A_533, %dma_start3A_534] : memref<2x10240x64xf32, #tpu.memory_space<hbm>> -> memref<1x10240x64xf32, #tpu.memory_space<hbm>>
        %dma_start3A_536 = tpu.memref_squeeze %dma_start3A_535 : memref<1x10240x64xf32, #tpu.memory_space<hbm>> -> memref<10240x64xf32, #tpu.memory_space<hbm>>
        %dma_start3A_537 = arith.constant 0 : i32
        %dma_start3A_538 = arith.constant 0 : i32
        %dma_start3A_539 = tpu.memref_slice %dma_start3A_536[%dma_start3A_537, %dma_start3A_538] : memref<10240x64xf32, #tpu.memory_space<hbm>> -> memref<10240x64xf32, #tpu.memory_space<hbm>>
        %dma_start3A_540 = tpu.memref_slice %arg10[%dma_start3A_525] : memref<5x!tpu.dma_semaphore, #tpu.memory_space<semaphore_mem>> -> memref<1x!tpu.dma_semaphore, #tpu.memory_space<semaphore_mem>>
        %dma_start3A_541 = tpu.memref_squeeze %dma_start3A_540 : memref<1x!tpu.dma_semaphore, #tpu.memory_space<semaphore_mem>> -> memref<!tpu.dma_semaphore, #tpu.memory_space<semaphore_mem>>
        tpu.enqueue_indirect_dma source(%dma_start3A_539 : memref<10240x64xf32, #tpu.memory_space<hbm>>) target(%dma_start3A_529 : memref<128x64xf32, #tpu.memory_space<vmem>>) offsets(%dma_start3A_532 : memref<128xi32, #tpu.memory_space<vmem>>) semaphore(%dma_start3A_541 : memref<!tpu.dma_semaphore, #tpu.memory_space<semaphore_mem>>)
      } else {
      }
      %mul3A_434 = arith.constant 5 : i32
      %mul3A_435 = arith.muli %scan3A_307, %mul3A_434 : i32
      %add3A_436 = arith.constant 3 : i32
      %add3A_437 = arith.addi %mul3A_435, %add3A_436 : i32
      %dma_wait3A_438 = arith.constant 3 : i32
      %dma_wait3A_439 = arith.constant 3 : i32
      %dma_wait3A_440 = arith.constant 0 : i32
      %dma_wait3A_441 = arith.constant 0 : i32
      %dma_wait3A_442 = tpu.memref_slice %arg8[%dma_wait3A_438, %dma_wait3A_440, %dma_wait3A_441] : memref<5x128x64xf32, #tpu.memory_space<vmem>> -> memref<1x128x64xf32, #tpu.memory_space<vmem>>
      %dma_wait3A_443 = tpu.memref_squeeze %dma_wait3A_442 : memref<1x128x64xf32, #tpu.memory_space<vmem>> -> memref<128x64xf32, #tpu.memory_space<vmem>>
      %dma_wait3A_444 = arith.constant 0 : i32
      %dma_wait3A_445 = tpu.memref_slice %arg6[%add3A_437, %dma_wait3A_444] : memref<80x128xi32, #tpu.memory_space<vmem>> -> memref<1x128xi32, #tpu.memory_space<vmem>>
      %dma_wait3A_446 = tpu.memref_squeeze %dma_wait3A_445 : memref<1x128xi32, #tpu.memory_space<vmem>> -> memref<128xi32, #tpu.memory_space<vmem>>
      %dma_wait3A_447 = arith.constant 0 : i32
      %dma_wait3A_448 = arith.constant 0 : i32
      %dma_wait3A_449 = tpu.memref_slice %arg2[%scan3A_220, %dma_wait3A_447, %dma_wait3A_448] : memref<2x10240x64xf32, #tpu.memory_space<hbm>> -> memref<1x10240x64xf32, #tpu.memory_space<hbm>>
      %dma_wait3A_450 = tpu.memref_squeeze %dma_wait3A_449 : memref<1x10240x64xf32, #tpu.memory_space<hbm>> -> memref<10240x64xf32, #tpu.memory_space<hbm>>
      %dma_wait3A_451 = arith.constant 0 : i32
      %dma_wait3A_452 = arith.constant 0 : i32
      %dma_wait3A_453 = tpu.memref_slice %dma_wait3A_450[%dma_wait3A_451, %dma_wait3A_452] : memref<10240x64xf32, #tpu.memory_space<hbm>> -> memref<10240x64xf32, #tpu.memory_space<hbm>>
      %dma_wait3A_454 = tpu.memref_slice %arg10[%dma_wait3A_439] : memref<5x!tpu.dma_semaphore, #tpu.memory_space<semaphore_mem>> -> memref<1x!tpu.dma_semaphore, #tpu.memory_space<semaphore_mem>>
      %dma_wait3A_455 = tpu.memref_squeeze %dma_wait3A_454 : memref<1x!tpu.dma_semaphore, #tpu.memory_space<semaphore_mem>> -> memref<!tpu.dma_semaphore, #tpu.memory_space<semaphore_mem>>
      tpu.wait_indirect_dma semaphore(%dma_wait3A_455 : memref<!tpu.dma_semaphore, #tpu.memory_space<semaphore_mem>>) src(%dma_wait3A_453 : memref<10240x64xf32, #tpu.memory_space<hbm>>) dst(%dma_wait3A_443 : memref<128x64xf32, #tpu.memory_space<vmem>>)
      %dma_start3A_456 = arith.constant 3 : i32
      %dma_start3A_457 = arith.constant 3 : i32
      %dma_start3A_458 = arith.constant 0 : i32
      %dma_start3A_459 = arith.constant 0 : i32
      %dma_start3A_460 = tpu.memref_slice %arg8[%dma_start3A_456, %dma_start3A_458, %dma_start3A_459] : memref<5x128x64xf32, #tpu.memory_space<vmem>> -> memref<1x128x64xf32, #tpu.memory_space<vmem>>
      %dma_start3A_461 = tpu.memref_squeeze %dma_start3A_460 : memref<1x128x64xf32, #tpu.memory_space<vmem>> -> memref<128x64xf32, #tpu.memory_space<vmem>>
      %dma_start3A_462 = arith.constant 0 : i32
      %dma_start3A_463 = tpu.memref_slice %arg7[%add3A_437, %dma_start3A_462] : memref<80x128xi32, #tpu.memory_space<vmem>> -> memref<1x128xi32, #tpu.memory_space<vmem>>
      %dma_start3A_464 = tpu.memref_squeeze %dma_start3A_463 : memref<1x128xi32, #tpu.memory_space<vmem>> -> memref<128xi32, #tpu.memory_space<vmem>>
      %dma_start3A_465 = arith.constant 0 : i32
      %dma_start3A_466 = arith.constant 0 : i32
      %dma_start3A_467 = tpu.memref_slice %arg9[%dma_start3A_465, %dma_start3A_466] : memref<10240x64xf32, #tpu.memory_space<vmem_shared>> -> memref<10240x64xf32, #tpu.memory_space<vmem_shared>>
      %dma_start3A_468 = tpu.memref_slice %arg11[%dma_start3A_457] : memref<5x!tpu.dma_semaphore, #tpu.memory_space<semaphore_mem>> -> memref<1x!tpu.dma_semaphore, #tpu.memory_space<semaphore_mem>>
      %dma_start3A_469 = tpu.memref_squeeze %dma_start3A_468 : memref<1x!tpu.dma_semaphore, #tpu.memory_space<semaphore_mem>> -> memref<!tpu.dma_semaphore, #tpu.memory_space<semaphore_mem>>
      tpu.enqueue_indirect_dma source(%dma_start3A_461 : memref<128x64xf32, #tpu.memory_space<vmem>>) target(%dma_start3A_467 : memref<10240x64xf32, #tpu.memory_space<vmem_shared>>) offsets(%dma_start3A_464 : memref<128xi32, #tpu.memory_space<vmem>>) semaphore(%dma_start3A_469 : memref<!tpu.dma_semaphore, #tpu.memory_space<semaphore_mem>>) {add = true}
      %add3A_470 = arith.constant 3 : i32
      %add3A_471 = arith.addi %add3A_437, %add3A_470 : i32
      %lt3A_472 = arith.constant 80 : i32
      %lt3A_473 = arith.cmpi slt, %add3A_471, %lt3A_472 : i32
      %convert_element_type3A_474 = arith.extui %lt3A_473 : i1 to i32
      %cond3A_475 = arith.constant 0 : i32
      %cond3A_476 = arith.cmpi ne, %convert_element_type3A_474, %cond3A_475 : i32
      scf.if %cond3A_476 {
        %ge3A = arith.constant 5 : i32
        %ge3A_520 = arith.cmpi sge, %add3A_471, %ge3A : i32
        %convert_element_type3A_521 = arith.extui %ge3A_520 : i1 to i32
        %cond3A_522 = arith.constant 0 : i32
        %cond3A_523 = arith.cmpi ne, %convert_element_type3A_521, %cond3A_522 : i32
        scf.if %cond3A_523 {
          %sub3A = arith.constant 5 : i32
          %sub3A_542 = arith.subi %add3A_471, %sub3A : i32
          %dma_wait3A_543 = arith.constant 1 : i32
          %dma_wait3A_544 = arith.constant 1 : i32
          %dma_wait3A_545 = arith.constant 0 : i32
          %dma_wait3A_546 = arith.constant 0 : i32
          %dma_wait3A_547 = tpu.memref_slice %arg8[%dma_wait3A_543, %dma_wait3A_545, %dma_wait3A_546] : memref<5x128x64xf32, #tpu.memory_space<vmem>> -> memref<1x128x64xf32, #tpu.memory_space<vmem>>
          %dma_wait3A_548 = tpu.memref_squeeze %dma_wait3A_547 : memref<1x128x64xf32, #tpu.memory_space<vmem>> -> memref<128x64xf32, #tpu.memory_space<vmem>>
          %dma_wait3A_549 = arith.constant 0 : i32
          %dma_wait3A_550 = tpu.memref_slice %arg7[%sub3A_542, %dma_wait3A_549] : memref<80x128xi32, #tpu.memory_space<vmem>> -> memref<1x128xi32, #tpu.memory_space<vmem>>
          %dma_wait3A_551 = tpu.memref_squeeze %dma_wait3A_550 : memref<1x128xi32, #tpu.memory_space<vmem>> -> memref<128xi32, #tpu.memory_space<vmem>>
          %dma_wait3A_552 = arith.constant 0 : i32
          %dma_wait3A_553 = arith.constant 0 : i32
          %dma_wait3A_554 = tpu.memref_slice %arg9[%dma_wait3A_552, %dma_wait3A_553] : memref<10240x64xf32, #tpu.memory_space<vmem_shared>> -> memref<10240x64xf32, #tpu.memory_space<vmem_shared>>
          %dma_wait3A_555 = tpu.memref_slice %arg11[%dma_wait3A_544] : memref<5x!tpu.dma_semaphore, #tpu.memory_space<semaphore_mem>> -> memref<1x!tpu.dma_semaphore, #tpu.memory_space<semaphore_mem>>
          %dma_wait3A_556 = tpu.memref_squeeze %dma_wait3A_555 : memref<1x!tpu.dma_semaphore, #tpu.memory_space<semaphore_mem>> -> memref<!tpu.dma_semaphore, #tpu.memory_space<semaphore_mem>>
          tpu.wait_indirect_dma semaphore(%dma_wait3A_556 : memref<!tpu.dma_semaphore, #tpu.memory_space<semaphore_mem>>) src(%dma_wait3A_548 : memref<128x64xf32, #tpu.memory_space<vmem>>) dst(%dma_wait3A_554 : memref<10240x64xf32, #tpu.memory_space<vmem_shared>>)
        } else {
        }
        %dma_start3A_524 = arith.constant 1 : i32
        %dma_start3A_525 = arith.constant 1 : i32
        %dma_start3A_526 = arith.constant 0 : i32
        %dma_start3A_527 = arith.constant 0 : i32
        %dma_start3A_528 = tpu.memref_slice %arg8[%dma_start3A_524, %dma_start3A_526, %dma_start3A_527] : memref<5x128x64xf32, #tpu.memory_space<vmem>> -> memref<1x128x64xf32, #tpu.memory_space<vmem>>
        %dma_start3A_529 = tpu.memref_squeeze %dma_start3A_528 : memref<1x128x64xf32, #tpu.memory_space<vmem>> -> memref<128x64xf32, #tpu.memory_space<vmem>>
        %dma_start3A_530 = arith.constant 0 : i32
        %dma_start3A_531 = tpu.memref_slice %arg6[%add3A_471, %dma_start3A_530] : memref<80x128xi32, #tpu.memory_space<vmem>> -> memref<1x128xi32, #tpu.memory_space<vmem>>
        %dma_start3A_532 = tpu.memref_squeeze %dma_start3A_531 : memref<1x128xi32, #tpu.memory_space<vmem>> -> memref<128xi32, #tpu.memory_space<vmem>>
        %dma_start3A_533 = arith.constant 0 : i32
        %dma_start3A_534 = arith.constant 0 : i32
        %dma_start3A_535 = tpu.memref_slice %arg2[%scan3A_220, %dma_start3A_533, %dma_start3A_534] : memref<2x10240x64xf32, #tpu.memory_space<hbm>> -> memref<1x10240x64xf32, #tpu.memory_space<hbm>>
        %dma_start3A_536 = tpu.memref_squeeze %dma_start3A_535 : memref<1x10240x64xf32, #tpu.memory_space<hbm>> -> memref<10240x64xf32, #tpu.memory_space<hbm>>
        %dma_start3A_537 = arith.constant 0 : i32
        %dma_start3A_538 = arith.constant 0 : i32
        %dma_start3A_539 = tpu.memref_slice %dma_start3A_536[%dma_start3A_537, %dma_start3A_538] : memref<10240x64xf32, #tpu.memory_space<hbm>> -> memref<10240x64xf32, #tpu.memory_space<hbm>>
        %dma_start3A_540 = tpu.memref_slice %arg10[%dma_start3A_525] : memref<5x!tpu.dma_semaphore, #tpu.memory_space<semaphore_mem>> -> memref<1x!tpu.dma_semaphore, #tpu.memory_space<semaphore_mem>>
        %dma_start3A_541 = tpu.memref_squeeze %dma_start3A_540 : memref<1x!tpu.dma_semaphore, #tpu.memory_space<semaphore_mem>> -> memref<!tpu.dma_semaphore, #tpu.memory_space<semaphore_mem>>
        tpu.enqueue_indirect_dma source(%dma_start3A_539 : memref<10240x64xf32, #tpu.memory_space<hbm>>) target(%dma_start3A_529 : memref<128x64xf32, #tpu.memory_space<vmem>>) offsets(%dma_start3A_532 : memref<128xi32, #tpu.memory_space<vmem>>) semaphore(%dma_start3A_541 : memref<!tpu.dma_semaphore, #tpu.memory_space<semaphore_mem>>)
      } else {
      }
      %mul3A_477 = arith.constant 5 : i32
      %mul3A_478 = arith.muli %scan3A_307, %mul3A_477 : i32
      %add3A_479 = arith.constant 4 : i32
      %add3A_480 = arith.addi %mul3A_478, %add3A_479 : i32
      %dma_wait3A_481 = arith.constant 4 : i32
      %dma_wait3A_482 = arith.constant 4 : i32
      %dma_wait3A_483 = arith.constant 0 : i32
      %dma_wait3A_484 = arith.constant 0 : i32
      %dma_wait3A_485 = tpu.memref_slice %arg8[%dma_wait3A_481, %dma_wait3A_483, %dma_wait3A_484] : memref<5x128x64xf32, #tpu.memory_space<vmem>> -> memref<1x128x64xf32, #tpu.memory_space<vmem>>
      %dma_wait3A_486 = tpu.memref_squeeze %dma_wait3A_485 : memref<1x128x64xf32, #tpu.memory_space<vmem>> -> memref<128x64xf32, #tpu.memory_space<vmem>>
      %dma_wait3A_487 = arith.constant 0 : i32
      %dma_wait3A_488 = tpu.memref_slice %arg6[%add3A_480, %dma_wait3A_487] : memref<80x128xi32, #tpu.memory_space<vmem>> -> memref<1x128xi32, #tpu.memory_space<vmem>>
      %dma_wait3A_489 = tpu.memref_squeeze %dma_wait3A_488 : memref<1x128xi32, #tpu.memory_space<vmem>> -> memref<128xi32, #tpu.memory_space<vmem>>
      %dma_wait3A_490 = arith.constant 0 : i32
      %dma_wait3A_491 = arith.constant 0 : i32
      %dma_wait3A_492 = tpu.memref_slice %arg2[%scan3A_220, %dma_wait3A_490, %dma_wait3A_491] : memref<2x10240x64xf32, #tpu.memory_space<hbm>> -> memref<1x10240x64xf32, #tpu.memory_space<hbm>>
      %dma_wait3A_493 = tpu.memref_squeeze %dma_wait3A_492 : memref<1x10240x64xf32, #tpu.memory_space<hbm>> -> memref<10240x64xf32, #tpu.memory_space<hbm>>
      %dma_wait3A_494 = arith.constant 0 : i32
      %dma_wait3A_495 = arith.constant 0 : i32
      %dma_wait3A_496 = tpu.memref_slice %dma_wait3A_493[%dma_wait3A_494, %dma_wait3A_495] : memref<10240x64xf32, #tpu.memory_space<hbm>> -> memref<10240x64xf32, #tpu.memory_space<hbm>>
      %dma_wait3A_497 = tpu.memref_slice %arg10[%dma_wait3A_482] : memref<5x!tpu.dma_semaphore, #tpu.memory_space<semaphore_mem>> -> memref<1x!tpu.dma_semaphore, #tpu.memory_space<semaphore_mem>>
      %dma_wait3A_498 = tpu.memref_squeeze %dma_wait3A_497 : memref<1x!tpu.dma_semaphore, #tpu.memory_space<semaphore_mem>> -> memref<!tpu.dma_semaphore, #tpu.memory_space<semaphore_mem>>
      tpu.wait_indirect_dma semaphore(%dma_wait3A_498 : memref<!tpu.dma_semaphore, #tpu.memory_space<semaphore_mem>>) src(%dma_wait3A_496 : memref<10240x64xf32, #tpu.memory_space<hbm>>) dst(%dma_wait3A_486 : memref<128x64xf32, #tpu.memory_space<vmem>>)
      %dma_start3A_499 = arith.constant 4 : i32
      %dma_start3A_500 = arith.constant 4 : i32
      %dma_start3A_501 = arith.constant 0 : i32
      %dma_start3A_502 = arith.constant 0 : i32
      %dma_start3A_503 = tpu.memref_slice %arg8[%dma_start3A_499, %dma_start3A_501, %dma_start3A_502] : memref<5x128x64xf32, #tpu.memory_space<vmem>> -> memref<1x128x64xf32, #tpu.memory_space<vmem>>
      %dma_start3A_504 = tpu.memref_squeeze %dma_start3A_503 : memref<1x128x64xf32, #tpu.memory_space<vmem>> -> memref<128x64xf32, #tpu.memory_space<vmem>>
      %dma_start3A_505 = arith.constant 0 : i32
      %dma_start3A_506 = tpu.memref_slice %arg7[%add3A_480, %dma_start3A_505] : memref<80x128xi32, #tpu.memory_space<vmem>> -> memref<1x128xi32, #tpu.memory_space<vmem>>
      %dma_start3A_507 = tpu.memref_squeeze %dma_start3A_506 : memref<1x128xi32, #tpu.memory_space<vmem>> -> memref<128xi32, #tpu.memory_space<vmem>>
      %dma_start3A_508 = arith.constant 0 : i32
      %dma_start3A_509 = arith.constant 0 : i32
      %dma_start3A_510 = tpu.memref_slice %arg9[%dma_start3A_508, %dma_start3A_509] : memref<10240x64xf32, #tpu.memory_space<vmem_shared>> -> memref<10240x64xf32, #tpu.memory_space<vmem_shared>>
      %dma_start3A_511 = tpu.memref_slice %arg11[%dma_start3A_500] : memref<5x!tpu.dma_semaphore, #tpu.memory_space<semaphore_mem>> -> memref<1x!tpu.dma_semaphore, #tpu.memory_space<semaphore_mem>>
      %dma_start3A_512 = tpu.memref_squeeze %dma_start3A_511 : memref<1x!tpu.dma_semaphore, #tpu.memory_space<semaphore_mem>> -> memref<!tpu.dma_semaphore, #tpu.memory_space<semaphore_mem>>
      tpu.enqueue_indirect_dma source(%dma_start3A_504 : memref<128x64xf32, #tpu.memory_space<vmem>>) target(%dma_start3A_510 : memref<10240x64xf32, #tpu.memory_space<vmem_shared>>) offsets(%dma_start3A_507 : memref<128xi32, #tpu.memory_space<vmem>>) semaphore(%dma_start3A_512 : memref<!tpu.dma_semaphore, #tpu.memory_space<semaphore_mem>>) {add = true}
      %add3A_513 = arith.constant 3 : i32
      %add3A_514 = arith.addi %add3A_480, %add3A_513 : i32
      %lt3A_515 = arith.constant 80 : i32
      %lt3A_516 = arith.cmpi slt, %add3A_514, %lt3A_515 : i32
      %convert_element_type3A_517 = arith.extui %lt3A_516 : i1 to i32
      %cond3A_518 = arith.constant 0 : i32
      %cond3A_519 = arith.cmpi ne, %convert_element_type3A_517, %cond3A_518 : i32
      scf.if %cond3A_519 {
        %ge3A = arith.constant 5 : i32
        %ge3A_520 = arith.cmpi sge, %add3A_514, %ge3A : i32
        %convert_element_type3A_521 = arith.extui %ge3A_520 : i1 to i32
        %cond3A_522 = arith.constant 0 : i32
        %cond3A_523 = arith.cmpi ne, %convert_element_type3A_521, %cond3A_522 : i32
        scf.if %cond3A_523 {
          %sub3A = arith.constant 5 : i32
          %sub3A_542 = arith.subi %add3A_514, %sub3A : i32
          %dma_wait3A_543 = arith.constant 2 : i32
          %dma_wait3A_544 = arith.constant 2 : i32
          %dma_wait3A_545 = arith.constant 0 : i32
          %dma_wait3A_546 = arith.constant 0 : i32
          %dma_wait3A_547 = tpu.memref_slice %arg8[%dma_wait3A_543, %dma_wait3A_545, %dma_wait3A_546] : memref<5x128x64xf32, #tpu.memory_space<vmem>> -> memref<1x128x64xf32, #tpu.memory_space<vmem>>
          %dma_wait3A_548 = tpu.memref_squeeze %dma_wait3A_547 : memref<1x128x64xf32, #tpu.memory_space<vmem>> -> memref<128x64xf32, #tpu.memory_space<vmem>>
          %dma_wait3A_549 = arith.constant 0 : i32
          %dma_wait3A_550 = tpu.memref_slice %arg7[%sub3A_542, %dma_wait3A_549] : memref<80x128xi32, #tpu.memory_space<vmem>> -> memref<1x128xi32, #tpu.memory_space<vmem>>
          %dma_wait3A_551 = tpu.memref_squeeze %dma_wait3A_550 : memref<1x128xi32, #tpu.memory_space<vmem>> -> memref<128xi32, #tpu.memory_space<vmem>>
          %dma_wait3A_552 = arith.constant 0 : i32
          %dma_wait3A_553 = arith.constant 0 : i32
          %dma_wait3A_554 = tpu.memref_slice %arg9[%dma_wait3A_552, %dma_wait3A_553] : memref<10240x64xf32, #tpu.memory_space<vmem_shared>> -> memref<10240x64xf32, #tpu.memory_space<vmem_shared>>
          %dma_wait3A_555 = tpu.memref_slice %arg11[%dma_wait3A_544] : memref<5x!tpu.dma_semaphore, #tpu.memory_space<semaphore_mem>> -> memref<1x!tpu.dma_semaphore, #tpu.memory_space<semaphore_mem>>
          %dma_wait3A_556 = tpu.memref_squeeze %dma_wait3A_555 : memref<1x!tpu.dma_semaphore, #tpu.memory_space<semaphore_mem>> -> memref<!tpu.dma_semaphore, #tpu.memory_space<semaphore_mem>>
          tpu.wait_indirect_dma semaphore(%dma_wait3A_556 : memref<!tpu.dma_semaphore, #tpu.memory_space<semaphore_mem>>) src(%dma_wait3A_548 : memref<128x64xf32, #tpu.memory_space<vmem>>) dst(%dma_wait3A_554 : memref<10240x64xf32, #tpu.memory_space<vmem_shared>>)
        } else {
        }
        %dma_start3A_524 = arith.constant 2 : i32
        %dma_start3A_525 = arith.constant 2 : i32
        %dma_start3A_526 = arith.constant 0 : i32
        %dma_start3A_527 = arith.constant 0 : i32
        %dma_start3A_528 = tpu.memref_slice %arg8[%dma_start3A_524, %dma_start3A_526, %dma_start3A_527] : memref<5x128x64xf32, #tpu.memory_space<vmem>> -> memref<1x128x64xf32, #tpu.memory_space<vmem>>
        %dma_start3A_529 = tpu.memref_squeeze %dma_start3A_528 : memref<1x128x64xf32, #tpu.memory_space<vmem>> -> memref<128x64xf32, #tpu.memory_space<vmem>>
        %dma_start3A_530 = arith.constant 0 : i32
        %dma_start3A_531 = tpu.memref_slice %arg6[%add3A_514, %dma_start3A_530] : memref<80x128xi32, #tpu.memory_space<vmem>> -> memref<1x128xi32, #tpu.memory_space<vmem>>
        %dma_start3A_532 = tpu.memref_squeeze %dma_start3A_531 : memref<1x128xi32, #tpu.memory_space<vmem>> -> memref<128xi32, #tpu.memory_space<vmem>>
        %dma_start3A_533 = arith.constant 0 : i32
        %dma_start3A_534 = arith.constant 0 : i32
        %dma_start3A_535 = tpu.memref_slice %arg2[%scan3A_220, %dma_start3A_533, %dma_start3A_534] : memref<2x10240x64xf32, #tpu.memory_space<hbm>> -> memref<1x10240x64xf32, #tpu.memory_space<hbm>>
        %dma_start3A_536 = tpu.memref_squeeze %dma_start3A_535 : memref<1x10240x64xf32, #tpu.memory_space<hbm>> -> memref<10240x64xf32, #tpu.memory_space<hbm>>
        %dma_start3A_537 = arith.constant 0 : i32
        %dma_start3A_538 = arith.constant 0 : i32
        %dma_start3A_539 = tpu.memref_slice %dma_start3A_536[%dma_start3A_537, %dma_start3A_538] : memref<10240x64xf32, #tpu.memory_space<hbm>> -> memref<10240x64xf32, #tpu.memory_space<hbm>>
        %dma_start3A_540 = tpu.memref_slice %arg10[%dma_start3A_525] : memref<5x!tpu.dma_semaphore, #tpu.memory_space<semaphore_mem>> -> memref<1x!tpu.dma_semaphore, #tpu.memory_space<semaphore_mem>>
        %dma_start3A_541 = tpu.memref_squeeze %dma_start3A_540 : memref<1x!tpu.dma_semaphore, #tpu.memory_space<semaphore_mem>> -> memref<!tpu.dma_semaphore, #tpu.memory_space<semaphore_mem>>
        tpu.enqueue_indirect_dma source(%dma_start3A_539 : memref<10240x64xf32, #tpu.memory_space<hbm>>) target(%dma_start3A_529 : memref<128x64xf32, #tpu.memory_space<vmem>>) offsets(%dma_start3A_532 : memref<128xi32, #tpu.memory_space<vmem>>) semaphore(%dma_start3A_541 : memref<!tpu.dma_semaphore, #tpu.memory_space<semaphore_mem>>)
      } else {
      }
    }
    %scan3A_225 = arith.constant 16 : i32
    %dma_wait3A_226 = arith.constant 0 : i32
    %dma_wait3A_227 = arith.constant 75 : i32
    %dma_wait3A_228 = arith.constant 0 : i32
    %dma_wait3A_229 = arith.constant 0 : i32
    %dma_wait3A_230 = arith.constant 0 : i32
    %dma_wait3A_231 = tpu.memref_slice %arg8[%dma_wait3A_226, %dma_wait3A_229, %dma_wait3A_230] : memref<5x128x64xf32, #tpu.memory_space<vmem>> -> memref<1x128x64xf32, #tpu.memory_space<vmem>>
    %dma_wait3A_232 = tpu.memref_squeeze %dma_wait3A_231 : memref<1x128x64xf32, #tpu.memory_space<vmem>> -> memref<128x64xf32, #tpu.memory_space<vmem>>
    %dma_wait3A_233 = arith.constant 0 : i32
    %dma_wait3A_234 = tpu.memref_slice %arg7[%dma_wait3A_227, %dma_wait3A_233] : memref<80x128xi32, #tpu.memory_space<vmem>> -> memref<1x128xi32, #tpu.memory_space<vmem>>
    %dma_wait3A_235 = tpu.memref_squeeze %dma_wait3A_234 : memref<1x128xi32, #tpu.memory_space<vmem>> -> memref<128xi32, #tpu.memory_space<vmem>>
    %dma_wait3A_236 = arith.constant 0 : i32
    %dma_wait3A_237 = arith.constant 0 : i32
    %dma_wait3A_238 = tpu.memref_slice %arg9[%dma_wait3A_236, %dma_wait3A_237] : memref<10240x64xf32, #tpu.memory_space<vmem_shared>> -> memref<10240x64xf32, #tpu.memory_space<vmem_shared>>
    %dma_wait3A_239 = tpu.memref_slice %arg11[%dma_wait3A_228] : memref<5x!tpu.dma_semaphore, #tpu.memory_space<semaphore_mem>> -> memref<1x!tpu.dma_semaphore, #tpu.memory_space<semaphore_mem>>
    %dma_wait3A_240 = tpu.memref_squeeze %dma_wait3A_239 : memref<1x!tpu.dma_semaphore, #tpu.memory_space<semaphore_mem>> -> memref<!tpu.dma_semaphore, #tpu.memory_space<semaphore_mem>>
    tpu.wait_indirect_dma semaphore(%dma_wait3A_240 : memref<!tpu.dma_semaphore, #tpu.memory_space<semaphore_mem>>) src(%dma_wait3A_232 : memref<128x64xf32, #tpu.memory_space<vmem>>) dst(%dma_wait3A_238 : memref<10240x64xf32, #tpu.memory_space<vmem_shared>>)
    %dma_wait3A_241 = arith.constant 1 : i32
    %dma_wait3A_242 = arith.constant 76 : i32
    %dma_wait3A_243 = arith.constant 1 : i32
    %dma_wait3A_244 = arith.constant 0 : i32
    %dma_wait3A_245 = arith.constant 0 : i32
    %dma_wait3A_246 = tpu.memref_slice %arg8[%dma_wait3A_241, %dma_wait3A_244, %dma_wait3A_245] : memref<5x128x64xf32, #tpu.memory_space<vmem>> -> memref<1x128x64xf32, #tpu.memory_space<vmem>>
    %dma_wait3A_247 = tpu.memref_squeeze %dma_wait3A_246 : memref<1x128x64xf32, #tpu.memory_space<vmem>> -> memref<128x64xf32, #tpu.memory_space<vmem>>
    %dma_wait3A_248 = arith.constant 0 : i32
    %dma_wait3A_249 = tpu.memref_slice %arg7[%dma_wait3A_242, %dma_wait3A_248] : memref<80x128xi32, #tpu.memory_space<vmem>> -> memref<1x128xi32, #tpu.memory_space<vmem>>
    %dma_wait3A_250 = tpu.memref_squeeze %dma_wait3A_249 : memref<1x128xi32, #tpu.memory_space<vmem>> -> memref<128xi32, #tpu.memory_space<vmem>>
    %dma_wait3A_251 = arith.constant 0 : i32
    %dma_wait3A_252 = arith.constant 0 : i32
    %dma_wait3A_253 = tpu.memref_slice %arg9[%dma_wait3A_251, %dma_wait3A_252] : memref<10240x64xf32, #tpu.memory_space<vmem_shared>> -> memref<10240x64xf32, #tpu.memory_space<vmem_shared>>
    %dma_wait3A_254 = tpu.memref_slice %arg11[%dma_wait3A_243] : memref<5x!tpu.dma_semaphore, #tpu.memory_space<semaphore_mem>> -> memref<1x!tpu.dma_semaphore, #tpu.memory_space<semaphore_mem>>
    %dma_wait3A_255 = tpu.memref_squeeze %dma_wait3A_254 : memref<1x!tpu.dma_semaphore, #tpu.memory_space<semaphore_mem>> -> memref<!tpu.dma_semaphore, #tpu.memory_space<semaphore_mem>>
    tpu.wait_indirect_dma semaphore(%dma_wait3A_255 : memref<!tpu.dma_semaphore, #tpu.memory_space<semaphore_mem>>) src(%dma_wait3A_247 : memref<128x64xf32, #tpu.memory_space<vmem>>) dst(%dma_wait3A_253 : memref<10240x64xf32, #tpu.memory_space<vmem_shared>>)
    %dma_wait3A_256 = arith.constant 2 : i32
    %dma_wait3A_257 = arith.constant 77 : i32
    %dma_wait3A_258 = arith.constant 2 : i32
    %dma_wait3A_259 = arith.constant 0 : i32
    %dma_wait3A_260 = arith.constant 0 : i32
    %dma_wait3A_261 = tpu.memref_slice %arg8[%dma_wait3A_256, %dma_wait3A_259, %dma_wait3A_260] : memref<5x128x64xf32, #tpu.memory_space<vmem>> -> memref<1x128x64xf32, #tpu.memory_space<vmem>>
    %dma_wait3A_262 = tpu.memref_squeeze %dma_wait3A_261 : memref<1x128x64xf32, #tpu.memory_space<vmem>> -> memref<128x64xf32, #tpu.memory_space<vmem>>
    %dma_wait3A_263 = arith.constant 0 : i32
    %dma_wait3A_264 = tpu.memref_slice %arg7[%dma_wait3A_257, %dma_wait3A_263] : memref<80x128xi32, #tpu.memory_space<vmem>> -> memref<1x128xi32, #tpu.memory_space<vmem>>
    %dma_wait3A_265 = tpu.memref_squeeze %dma_wait3A_264 : memref<1x128xi32, #tpu.memory_space<vmem>> -> memref<128xi32, #tpu.memory_space<vmem>>
    %dma_wait3A_266 = arith.constant 0 : i32
    %dma_wait3A_267 = arith.constant 0 : i32
    %dma_wait3A_268 = tpu.memref_slice %arg9[%dma_wait3A_266, %dma_wait3A_267] : memref<10240x64xf32, #tpu.memory_space<vmem_shared>> -> memref<10240x64xf32, #tpu.memory_space<vmem_shared>>
    %dma_wait3A_269 = tpu.memref_slice %arg11[%dma_wait3A_258] : memref<5x!tpu.dma_semaphore, #tpu.memory_space<semaphore_mem>> -> memref<1x!tpu.dma_semaphore, #tpu.memory_space<semaphore_mem>>
    %dma_wait3A_270 = tpu.memref_squeeze %dma_wait3A_269 : memref<1x!tpu.dma_semaphore, #tpu.memory_space<semaphore_mem>> -> memref<!tpu.dma_semaphore, #tpu.memory_space<semaphore_mem>>
    tpu.wait_indirect_dma semaphore(%dma_wait3A_270 : memref<!tpu.dma_semaphore, #tpu.memory_space<semaphore_mem>>) src(%dma_wait3A_262 : memref<128x64xf32, #tpu.memory_space<vmem>>) dst(%dma_wait3A_268 : memref<10240x64xf32, #tpu.memory_space<vmem_shared>>)
    %dma_wait3A_271 = arith.constant 3 : i32
    %dma_wait3A_272 = arith.constant 78 : i32
    %dma_wait3A_273 = arith.constant 3 : i32
    %dma_wait3A_274 = arith.constant 0 : i32
    %dma_wait3A_275 = arith.constant 0 : i32
    %dma_wait3A_276 = tpu.memref_slice %arg8[%dma_wait3A_271, %dma_wait3A_274, %dma_wait3A_275] : memref<5x128x64xf32, #tpu.memory_space<vmem>> -> memref<1x128x64xf32, #tpu.memory_space<vmem>>
    %dma_wait3A_277 = tpu.memref_squeeze %dma_wait3A_276 : memref<1x128x64xf32, #tpu.memory_space<vmem>> -> memref<128x64xf32, #tpu.memory_space<vmem>>
    %dma_wait3A_278 = arith.constant 0 : i32
    %dma_wait3A_279 = tpu.memref_slice %arg7[%dma_wait3A_272, %dma_wait3A_278] : memref<80x128xi32, #tpu.memory_space<vmem>> -> memref<1x128xi32, #tpu.memory_space<vmem>>
    %dma_wait3A_280 = tpu.memref_squeeze %dma_wait3A_279 : memref<1x128xi32, #tpu.memory_space<vmem>> -> memref<128xi32, #tpu.memory_space<vmem>>
    %dma_wait3A_281 = arith.constant 0 : i32
    %dma_wait3A_282 = arith.constant 0 : i32
    %dma_wait3A_283 = tpu.memref_slice %arg9[%dma_wait3A_281, %dma_wait3A_282] : memref<10240x64xf32, #tpu.memory_space<vmem_shared>> -> memref<10240x64xf32, #tpu.memory_space<vmem_shared>>
    %dma_wait3A_284 = tpu.memref_slice %arg11[%dma_wait3A_273] : memref<5x!tpu.dma_semaphore, #tpu.memory_space<semaphore_mem>> -> memref<1x!tpu.dma_semaphore, #tpu.memory_space<semaphore_mem>>
    %dma_wait3A_285 = tpu.memref_squeeze %dma_wait3A_284 : memref<1x!tpu.dma_semaphore, #tpu.memory_space<semaphore_mem>> -> memref<!tpu.dma_semaphore, #tpu.memory_space<semaphore_mem>>
    tpu.wait_indirect_dma semaphore(%dma_wait3A_285 : memref<!tpu.dma_semaphore, #tpu.memory_space<semaphore_mem>>) src(%dma_wait3A_277 : memref<128x64xf32, #tpu.memory_space<vmem>>) dst(%dma_wait3A_283 : memref<10240x64xf32, #tpu.memory_space<vmem_shared>>)
    %dma_wait3A_286 = arith.constant 4 : i32
    %dma_wait3A_287 = arith.constant 79 : i32
    %dma_wait3A_288 = arith.constant 4 : i32
    %dma_wait3A_289 = arith.constant 0 : i32
    %dma_wait3A_290 = arith.constant 0 : i32
    %dma_wait3A_291 = tpu.memref_slice %arg8[%dma_wait3A_286, %dma_wait3A_289, %dma_wait3A_290] : memref<5x128x64xf32, #tpu.memory_space<vmem>> -> memref<1x128x64xf32, #tpu.memory_space<vmem>>
    %dma_wait3A_292 = tpu.memref_squeeze %dma_wait3A_291 : memref<1x128x64xf32, #tpu.memory_space<vmem>> -> memref<128x64xf32, #tpu.memory_space<vmem>>
    %dma_wait3A_293 = arith.constant 0 : i32
    %dma_wait3A_294 = tpu.memref_slice %arg7[%dma_wait3A_287, %dma_wait3A_293] : memref<80x128xi32, #tpu.memory_space<vmem>> -> memref<1x128xi32, #tpu.memory_space<vmem>>
    %dma_wait3A_295 = tpu.memref_squeeze %dma_wait3A_294 : memref<1x128xi32, #tpu.memory_space<vmem>> -> memref<128xi32, #tpu.memory_space<vmem>>
    %dma_wait3A_296 = arith.constant 0 : i32
    %dma_wait3A_297 = arith.constant 0 : i32
    %dma_wait3A_298 = tpu.memref_slice %arg9[%dma_wait3A_296, %dma_wait3A_297] : memref<10240x64xf32, #tpu.memory_space<vmem_shared>> -> memref<10240x64xf32, #tpu.memory_space<vmem_shared>>
    %dma_wait3A_299 = tpu.memref_slice %arg11[%dma_wait3A_288] : memref<5x!tpu.dma_semaphore, #tpu.memory_space<semaphore_mem>> -> memref<1x!tpu.dma_semaphore, #tpu.memory_space<semaphore_mem>>
    %dma_wait3A_300 = tpu.memref_squeeze %dma_wait3A_299 : memref<1x!tpu.dma_semaphore, #tpu.memory_space<semaphore_mem>> -> memref<!tpu.dma_semaphore, #tpu.memory_space<semaphore_mem>>
    tpu.wait_indirect_dma semaphore(%dma_wait3A_300 : memref<!tpu.dma_semaphore, #tpu.memory_space<semaphore_mem>>) src(%dma_wait3A_292 : memref<128x64xf32, #tpu.memory_space<vmem>>) dst(%dma_wait3A_298 : memref<10240x64xf32, #tpu.memory_space<vmem_shared>>)
    %barrier3A_301 = arith.constant 0 : index
    tpu.barrier barrier_id(%barrier3A_301)
    %mul3A_302 = arith.constant 640 : i32
    %mul3A_303 = arith.muli %arg1, %mul3A_302 : i32
    %mul3A_304 = arith.constant 640 : i32
    %mul3A_305 = arith.muli %arg1, %mul3A_304 : i32
    %run_scoped3A_306 = arith.constant 1 : i32
    "tpu.region"() ({
      %run_scoped3A_307 = tpu.sem_alloc : memref<!tpu.dma_semaphore, #tpu.memory_space<semaphore_mem>>
      %dma_start3A_308 = arith.constant 0 : i32
      %dma_start3A_309 = arith.constant 0 : i32
      %dma_start3A_310 = arith.constant 0 : i32
      %dma_start3A_311 = tpu.memref_slice %arg5[%arg0, %dma_start3A_308, %dma_start3A_309, %dma_start3A_310] : memref<2x2x10240x64xf32, #tpu.memory_space<hbm>> -> memref<1x2x10240x64xf32, #tpu.memory_space<hbm>>
      %dma_start3A_312 = tpu.memref_squeeze %dma_start3A_311 : memref<1x2x10240x64xf32, #tpu.memory_space<hbm>> -> memref<2x10240x64xf32, #tpu.memory_space<hbm>>
      %dma_start3A_313 = arith.constant 0 : i32
      %dma_start3A_314 = arith.constant 0 : i32
      %dma_start3A_315 = tpu.memref_slice %dma_start3A_312[%run_scoped3A_306, %dma_start3A_313, %dma_start3A_314] : memref<2x10240x64xf32, #tpu.memory_space<hbm>> -> memref<1x10240x64xf32, #tpu.memory_space<hbm>>
      %dma_start3A_316 = tpu.memref_squeeze %dma_start3A_315 : memref<1x10240x64xf32, #tpu.memory_space<hbm>> -> memref<10240x64xf32, #tpu.memory_space<hbm>>
      %dma_start3A_317 = arith.constant 0 : i32
      %dma_start3A_318 = tpu.memref_slice %dma_start3A_316[%mul3A_305, %dma_start3A_317] : memref<10240x64xf32, #tpu.memory_space<hbm>> -> memref<640x64xf32, #tpu.memory_space<hbm>>
      %dma_start3A_319 = arith.constant 0 : i32
      %dma_start3A_320 = tpu.memref_slice %arg9[%mul3A_303, %dma_start3A_319] : memref<10240x64xf32, #tpu.memory_space<vmem_shared>> -> memref<640x64xf32, #tpu.memory_space<vmem_shared>>
      tpu.enqueue_dma source(%dma_start3A_320 : memref<640x64xf32, #tpu.memory_space<vmem_shared>>) target(%dma_start3A_318 : memref<640x64xf32, #tpu.memory_space<hbm>>) target_semaphore(%run_scoped3A_307 : memref<!tpu.dma_semaphore, #tpu.memory_space<semaphore_mem>>)
      %dma_wait3A_321 = arith.constant 0 : i32
      %dma_wait3A_322 = arith.constant 0 : i32
      %dma_wait3A_323 = arith.constant 0 : i32
      %dma_wait3A_324 = tpu.memref_slice %arg5[%arg0, %dma_wait3A_321, %dma_wait3A_322, %dma_wait3A_323] : memref<2x2x10240x64xf32, #tpu.memory_space<hbm>> -> memref<1x2x10240x64xf32, #tpu.memory_space<hbm>>
      %dma_wait3A_325 = tpu.memref_squeeze %dma_wait3A_324 : memref<1x2x10240x64xf32, #tpu.memory_space<hbm>> -> memref<2x10240x64xf32, #tpu.memory_space<hbm>>
      %dma_wait3A_326 = arith.constant 0 : i32
      %dma_wait3A_327 = arith.constant 0 : i32
      %dma_wait3A_328 = tpu.memref_slice %dma_wait3A_325[%run_scoped3A_306, %dma_wait3A_326, %dma_wait3A_327] : memref<2x10240x64xf32, #tpu.memory_space<hbm>> -> memref<1x10240x64xf32, #tpu.memory_space<hbm>>
      %dma_wait3A_329 = tpu.memref_squeeze %dma_wait3A_328 : memref<1x10240x64xf32, #tpu.memory_space<hbm>> -> memref<10240x64xf32, #tpu.memory_space<hbm>>
      %dma_wait3A_330 = arith.constant 0 : i32
      %dma_wait3A_331 = tpu.memref_slice %dma_wait3A_329[%mul3A_305, %dma_wait3A_330] : memref<10240x64xf32, #tpu.memory_space<hbm>> -> memref<640x64xf32, #tpu.memory_space<hbm>>
      %dma_wait3A_332 = arith.constant 0 : i32
      %dma_wait3A_333 = tpu.memref_slice %arg9[%mul3A_303, %dma_wait3A_332] : memref<10240x64xf32, #tpu.memory_space<vmem_shared>> -> memref<640x64xf32, #tpu.memory_space<vmem_shared>>
      tpu.wait_dma2 semaphore(%run_scoped3A_307 : memref<!tpu.dma_semaphore, #tpu.memory_space<semaphore_mem>>) src(%dma_wait3A_333 : memref<640x64xf32, #tpu.memory_space<vmem_shared>>) dst(%dma_wait3A_331 : memref<640x64xf32, #tpu.memory_space<hbm>>)
      tpu.yield
    }) : () -> ()
    return
  }
}

#map = affine_map<(d0, d1) -> (0, 0, 0)>
#map1 = affine_map<(d0, d1) -> (0, 0, 0, 0)>
module attributes {stable_mosaic.version = 14 : i64} {
  func.func @agg(%arg0: i32, %arg1: i32, %arg2: memref<1x10240x64xf32, #tpu.memory_space<hbm>>, %arg3: memref<32x80x128xi32, #tpu.memory_space<hbm>>, %arg4: memref<32x80x128xi32, #tpu.memory_space<hbm>>, %arg5: memref<2x1x10240x64xf32, #tpu.memory_space<hbm>>, %arg6: memref<80x128xi32, #tpu.memory_space<vmem>>, %arg7: memref<80x128xi32, #tpu.memory_space<vmem>>, %arg8: memref<5x128x64xf32, #tpu.memory_space<vmem>>, %arg9: memref<10240x64xf32, #tpu.memory_space<vmem_shared>>, %arg10: memref<5x!tpu.dma_semaphore, #tpu.memory_space<semaphore_mem>>, %arg11: memref<5x!tpu.dma_semaphore, #tpu.memory_space<semaphore_mem>>) attributes {dimension_semantics = [#tpu.dimension_semantics<core_parallel>, #tpu.dimension_semantics<subcore_parallel>], iteration_bounds = array<i64: 2, 16>, scalar_prefetch = 0 : i64, scratch_operands = 6 : i64, tpu.core_type = #tpu.core_type<sc_vector_subcore>, window_params = [{transform_indices = #map}, {transform_indices = #map}, {transform_indices = #map}, {transform_indices = #map1}]} {
    %mul3A = arith.constant 16 : i32
    %mul3A_0 = arith.muli %arg0, %mul3A : i32
    %add3A = arith.addi %mul3A_0, %arg1 : i32
    "tpu.region"() ({
      %run_scoped3A_153 = tpu.sem_alloc : memref<!tpu.dma_semaphore, #tpu.memory_space<semaphore_mem>>
      %dma_start3A_154 = arith.constant 0 : i32
      %dma_start3A_155 = arith.constant 0 : i32
      %dma_start3A_156 = tpu.memref_slice %arg3[%add3A, %dma_start3A_154, %dma_start3A_155] : memref<32x80x128xi32, #tpu.memory_space<hbm>> -> memref<1x80x128xi32, #tpu.memory_space<hbm>>
      %dma_start3A_157 = tpu.memref_squeeze %dma_start3A_156 : memref<1x80x128xi32, #tpu.memory_space<hbm>> -> memref<80x128xi32, #tpu.memory_space<hbm>>
      %dma_start3A_158 = arith.constant 0 : i32
      %dma_start3A_159 = arith.constant 0 : i32
      %dma_start3A_160 = tpu.memref_slice %arg3[%add3A, %dma_start3A_158, %dma_start3A_159] : memref<32x80x128xi32, #tpu.memory_space<hbm>> -> memref<1x80x128xi32, #tpu.memory_space<hbm>>
      %dma_start3A_161 = tpu.memref_squeeze %dma_start3A_160 : memref<1x80x128xi32, #tpu.memory_space<hbm>> -> memref<80x128xi32, #tpu.memory_space<hbm>>
      tpu.enqueue_dma source(%dma_start3A_161 : memref<80x128xi32, #tpu.memory_space<hbm>>) target(%arg6 : memref<80x128xi32, #tpu.memory_space<vmem>>) target_semaphore(%run_scoped3A_153 : memref<!tpu.dma_semaphore, #tpu.memory_space<semaphore_mem>>)
      %dma_wait3A_162 = arith.constant 0 : i32
      %dma_wait3A_163 = arith.constant 0 : i32
      %dma_wait3A_164 = tpu.memref_slice %arg3[%add3A, %dma_wait3A_162, %dma_wait3A_163] : memref<32x80x128xi32, #tpu.memory_space<hbm>> -> memref<1x80x128xi32, #tpu.memory_space<hbm>>
      %dma_wait3A_165 = tpu.memref_squeeze %dma_wait3A_164 : memref<1x80x128xi32, #tpu.memory_space<hbm>> -> memref<80x128xi32, #tpu.memory_space<hbm>>
      %dma_wait3A_166 = arith.constant 0 : i32
      %dma_wait3A_167 = arith.constant 0 : i32
      %dma_wait3A_168 = tpu.memref_slice %arg3[%add3A, %dma_wait3A_166, %dma_wait3A_167] : memref<32x80x128xi32, #tpu.memory_space<hbm>> -> memref<1x80x128xi32, #tpu.memory_space<hbm>>
      %dma_wait3A_169 = tpu.memref_squeeze %dma_wait3A_168 : memref<1x80x128xi32, #tpu.memory_space<hbm>> -> memref<80x128xi32, #tpu.memory_space<hbm>>
      tpu.wait_dma2 semaphore(%run_scoped3A_153 : memref<!tpu.dma_semaphore, #tpu.memory_space<semaphore_mem>>) src(%dma_wait3A_169 : memref<80x128xi32, #tpu.memory_space<hbm>>) dst(%arg6 : memref<80x128xi32, #tpu.memory_space<vmem>>)
      tpu.yield
    }) : () -> ()
    %mul3A_1 = arith.constant 16 : i32
    %mul3A_2 = arith.muli %arg0, %mul3A_1 : i32
    %add3A_3 = arith.addi %mul3A_2, %arg1 : i32
    "tpu.region"() ({
      %run_scoped3A_153 = tpu.sem_alloc : memref<!tpu.dma_semaphore, #tpu.memory_space<semaphore_mem>>
      %dma_start3A_154 = arith.constant 0 : i32
      %dma_start3A_155 = arith.constant 0 : i32
      %dma_start3A_156 = tpu.memref_slice %arg4[%add3A_3, %dma_start3A_154, %dma_start3A_155] : memref<32x80x128xi32, #tpu.memory_space<hbm>> -> memref<1x80x128xi32, #tpu.memory_space<hbm>>
      %dma_start3A_157 = tpu.memref_squeeze %dma_start3A_156 : memref<1x80x128xi32, #tpu.memory_space<hbm>> -> memref<80x128xi32, #tpu.memory_space<hbm>>
      %dma_start3A_158 = arith.constant 0 : i32
      %dma_start3A_159 = arith.constant 0 : i32
      %dma_start3A_160 = tpu.memref_slice %arg4[%add3A_3, %dma_start3A_158, %dma_start3A_159] : memref<32x80x128xi32, #tpu.memory_space<hbm>> -> memref<1x80x128xi32, #tpu.memory_space<hbm>>
      %dma_start3A_161 = tpu.memref_squeeze %dma_start3A_160 : memref<1x80x128xi32, #tpu.memory_space<hbm>> -> memref<80x128xi32, #tpu.memory_space<hbm>>
      tpu.enqueue_dma source(%dma_start3A_161 : memref<80x128xi32, #tpu.memory_space<hbm>>) target(%arg7 : memref<80x128xi32, #tpu.memory_space<vmem>>) target_semaphore(%run_scoped3A_153 : memref<!tpu.dma_semaphore, #tpu.memory_space<semaphore_mem>>)
      %dma_wait3A_162 = arith.constant 0 : i32
      %dma_wait3A_163 = arith.constant 0 : i32
      %dma_wait3A_164 = tpu.memref_slice %arg4[%add3A_3, %dma_wait3A_162, %dma_wait3A_163] : memref<32x80x128xi32, #tpu.memory_space<hbm>> -> memref<1x80x128xi32, #tpu.memory_space<hbm>>
      %dma_wait3A_165 = tpu.memref_squeeze %dma_wait3A_164 : memref<1x80x128xi32, #tpu.memory_space<hbm>> -> memref<80x128xi32, #tpu.memory_space<hbm>>
      %dma_wait3A_166 = arith.constant 0 : i32
      %dma_wait3A_167 = arith.constant 0 : i32
      %dma_wait3A_168 = tpu.memref_slice %arg4[%add3A_3, %dma_wait3A_166, %dma_wait3A_167] : memref<32x80x128xi32, #tpu.memory_space<hbm>> -> memref<1x80x128xi32, #tpu.memory_space<hbm>>
      %dma_wait3A_169 = tpu.memref_squeeze %dma_wait3A_168 : memref<1x80x128xi32, #tpu.memory_space<hbm>> -> memref<80x128xi32, #tpu.memory_space<hbm>>
      tpu.wait_dma2 semaphore(%run_scoped3A_153 : memref<!tpu.dma_semaphore, #tpu.memory_space<semaphore_mem>>) src(%dma_wait3A_169 : memref<80x128xi32, #tpu.memory_space<hbm>>) dst(%arg7 : memref<80x128xi32, #tpu.memory_space<vmem>>)
      tpu.yield
    }) : () -> ()
    %dma_start3A = arith.constant 0 : i32
    %dma_start3A_4 = arith.constant 0 : i32
    %dma_start3A_5 = arith.constant 0 : i32
    %dma_start3A_6 = arith.constant 0 : i32
    %dma_start3A_7 = arith.constant 0 : i32
    %dma_start3A_8 = arith.constant 0 : i32
    %dma_start3A_9 = tpu.memref_slice %arg8[%dma_start3A_5, %dma_start3A_7, %dma_start3A_8] : memref<5x128x64xf32, #tpu.memory_space<vmem>> -> memref<1x128x64xf32, #tpu.memory_space<vmem>>
    %dma_start3A_10 = tpu.memref_squeeze %dma_start3A_9 : memref<1x128x64xf32, #tpu.memory_space<vmem>> -> memref<128x64xf32, #tpu.memory_space<vmem>>
    %dma_start3A_11 = arith.constant 0 : i32
    %dma_start3A_12 = tpu.memref_slice %arg6[%dma_start3A_4, %dma_start3A_11] : memref<80x128xi32, #tpu.memory_space<vmem>> -> memref<1x128xi32, #tpu.memory_space<vmem>>
    %dma_start3A_13 = tpu.memref_squeeze %dma_start3A_12 : memref<1x128xi32, #tpu.memory_space<vmem>> -> memref<128xi32, #tpu.memory_space<vmem>>
    %dma_start3A_14 = arith.constant 0 : i32
    %dma_start3A_15 = arith.constant 0 : i32
    %dma_start3A_16 = tpu.memref_slice %arg2[%dma_start3A, %dma_start3A_14, %dma_start3A_15] : memref<1x10240x64xf32, #tpu.memory_space<hbm>> -> memref<1x10240x64xf32, #tpu.memory_space<hbm>>
    %dma_start3A_17 = tpu.memref_squeeze %dma_start3A_16 : memref<1x10240x64xf32, #tpu.memory_space<hbm>> -> memref<10240x64xf32, #tpu.memory_space<hbm>>
    %dma_start3A_18 = arith.constant 0 : i32
    %dma_start3A_19 = arith.constant 0 : i32
    %dma_start3A_20 = tpu.memref_slice %dma_start3A_17[%dma_start3A_18, %dma_start3A_19] : memref<10240x64xf32, #tpu.memory_space<hbm>> -> memref<10240x64xf32, #tpu.memory_space<hbm>>
    %dma_start3A_21 = tpu.memref_slice %arg10[%dma_start3A_6] : memref<5x!tpu.dma_semaphore, #tpu.memory_space<semaphore_mem>> -> memref<1x!tpu.dma_semaphore, #tpu.memory_space<semaphore_mem>>
    %dma_start3A_22 = tpu.memref_squeeze %dma_start3A_21 : memref<1x!tpu.dma_semaphore, #tpu.memory_space<semaphore_mem>> -> memref<!tpu.dma_semaphore, #tpu.memory_space<semaphore_mem>>
    tpu.enqueue_indirect_dma source(%dma_start3A_20 : memref<10240x64xf32, #tpu.memory_space<hbm>>) target(%dma_start3A_10 : memref<128x64xf32, #tpu.memory_space<vmem>>) offsets(%dma_start3A_13 : memref<128xi32, #tpu.memory_space<vmem>>) semaphore(%dma_start3A_22 : memref<!tpu.dma_semaphore, #tpu.memory_space<semaphore_mem>>)
    %dma_start3A_23 = arith.constant 0 : i32
    %dma_start3A_24 = arith.constant 1 : i32
    %dma_start3A_25 = arith.constant 1 : i32
    %dma_start3A_26 = arith.constant 1 : i32
    %dma_start3A_27 = arith.constant 0 : i32
    %dma_start3A_28 = arith.constant 0 : i32
    %dma_start3A_29 = tpu.memref_slice %arg8[%dma_start3A_25, %dma_start3A_27, %dma_start3A_28] : memref<5x128x64xf32, #tpu.memory_space<vmem>> -> memref<1x128x64xf32, #tpu.memory_space<vmem>>
    %dma_start3A_30 = tpu.memref_squeeze %dma_start3A_29 : memref<1x128x64xf32, #tpu.memory_space<vmem>> -> memref<128x64xf32, #tpu.memory_space<vmem>>
    %dma_start3A_31 = arith.constant 0 : i32
    %dma_start3A_32 = tpu.memref_slice %arg6[%dma_start3A_24, %dma_start3A_31] : memref<80x128xi32, #tpu.memory_space<vmem>> -> memref<1x128xi32, #tpu.memory_space<vmem>>
    %dma_start3A_33 = tpu.memref_squeeze %dma_start3A_32 : memref<1x128xi32, #tpu.memory_space<vmem>> -> memref<128xi32, #tpu.memory_space<vmem>>
    %dma_start3A_34 = arith.constant 0 : i32
    %dma_start3A_35 = arith.constant 0 : i32
    %dma_start3A_36 = tpu.memref_slice %arg2[%dma_start3A_23, %dma_start3A_34, %dma_start3A_35] : memref<1x10240x64xf32, #tpu.memory_space<hbm>> -> memref<1x10240x64xf32, #tpu.memory_space<hbm>>
    %dma_start3A_37 = tpu.memref_squeeze %dma_start3A_36 : memref<1x10240x64xf32, #tpu.memory_space<hbm>> -> memref<10240x64xf32, #tpu.memory_space<hbm>>
    %dma_start3A_38 = arith.constant 0 : i32
    %dma_start3A_39 = arith.constant 0 : i32
    %dma_start3A_40 = tpu.memref_slice %dma_start3A_37[%dma_start3A_38, %dma_start3A_39] : memref<10240x64xf32, #tpu.memory_space<hbm>> -> memref<10240x64xf32, #tpu.memory_space<hbm>>
    %dma_start3A_41 = tpu.memref_slice %arg10[%dma_start3A_26] : memref<5x!tpu.dma_semaphore, #tpu.memory_space<semaphore_mem>> -> memref<1x!tpu.dma_semaphore, #tpu.memory_space<semaphore_mem>>
    %dma_start3A_42 = tpu.memref_squeeze %dma_start3A_41 : memref<1x!tpu.dma_semaphore, #tpu.memory_space<semaphore_mem>> -> memref<!tpu.dma_semaphore, #tpu.memory_space<semaphore_mem>>
    tpu.enqueue_indirect_dma source(%dma_start3A_40 : memref<10240x64xf32, #tpu.memory_space<hbm>>) target(%dma_start3A_30 : memref<128x64xf32, #tpu.memory_space<vmem>>) offsets(%dma_start3A_33 : memref<128xi32, #tpu.memory_space<vmem>>) semaphore(%dma_start3A_42 : memref<!tpu.dma_semaphore, #tpu.memory_space<semaphore_mem>>)
    %dma_start3A_43 = arith.constant 0 : i32
    %dma_start3A_44 = arith.constant 2 : i32
    %dma_start3A_45 = arith.constant 2 : i32
    %dma_start3A_46 = arith.constant 2 : i32
    %dma_start3A_47 = arith.constant 0 : i32
    %dma_start3A_48 = arith.constant 0 : i32
    %dma_start3A_49 = tpu.memref_slice %arg8[%dma_start3A_45, %dma_start3A_47, %dma_start3A_48] : memref<5x128x64xf32, #tpu.memory_space<vmem>> -> memref<1x128x64xf32, #tpu.memory_space<vmem>>
    %dma_start3A_50 = tpu.memref_squeeze %dma_start3A_49 : memref<1x128x64xf32, #tpu.memory_space<vmem>> -> memref<128x64xf32, #tpu.memory_space<vmem>>
    %dma_start3A_51 = arith.constant 0 : i32
    %dma_start3A_52 = tpu.memref_slice %arg6[%dma_start3A_44, %dma_start3A_51] : memref<80x128xi32, #tpu.memory_space<vmem>> -> memref<1x128xi32, #tpu.memory_space<vmem>>
    %dma_start3A_53 = tpu.memref_squeeze %dma_start3A_52 : memref<1x128xi32, #tpu.memory_space<vmem>> -> memref<128xi32, #tpu.memory_space<vmem>>
    %dma_start3A_54 = arith.constant 0 : i32
    %dma_start3A_55 = arith.constant 0 : i32
    %dma_start3A_56 = tpu.memref_slice %arg2[%dma_start3A_43, %dma_start3A_54, %dma_start3A_55] : memref<1x10240x64xf32, #tpu.memory_space<hbm>> -> memref<1x10240x64xf32, #tpu.memory_space<hbm>>
    %dma_start3A_57 = tpu.memref_squeeze %dma_start3A_56 : memref<1x10240x64xf32, #tpu.memory_space<hbm>> -> memref<10240x64xf32, #tpu.memory_space<hbm>>
    %dma_start3A_58 = arith.constant 0 : i32
    %dma_start3A_59 = arith.constant 0 : i32
    %dma_start3A_60 = tpu.memref_slice %dma_start3A_57[%dma_start3A_58, %dma_start3A_59] : memref<10240x64xf32, #tpu.memory_space<hbm>> -> memref<10240x64xf32, #tpu.memory_space<hbm>>
    %dma_start3A_61 = tpu.memref_slice %arg10[%dma_start3A_46] : memref<5x!tpu.dma_semaphore, #tpu.memory_space<semaphore_mem>> -> memref<1x!tpu.dma_semaphore, #tpu.memory_space<semaphore_mem>>
    %dma_start3A_62 = tpu.memref_squeeze %dma_start3A_61 : memref<1x!tpu.dma_semaphore, #tpu.memory_space<semaphore_mem>> -> memref<!tpu.dma_semaphore, #tpu.memory_space<semaphore_mem>>
    tpu.enqueue_indirect_dma source(%dma_start3A_60 : memref<10240x64xf32, #tpu.memory_space<hbm>>) target(%dma_start3A_50 : memref<128x64xf32, #tpu.memory_space<vmem>>) offsets(%dma_start3A_53 : memref<128xi32, #tpu.memory_space<vmem>>) semaphore(%dma_start3A_62 : memref<!tpu.dma_semaphore, #tpu.memory_space<semaphore_mem>>)
    %mul3A_63 = arith.constant 640 : i32
    %mul3A_64 = arith.muli %arg1, %mul3A_63 : i32
    %mul3A_65 = arith.constant 640 : i32
    %mul3A_66 = arith.muli %arg1, %mul3A_65 : i32
    %run_scoped3A = arith.constant 0 : i32
    "tpu.region"() ({
      %run_scoped3A_153 = tpu.sem_alloc : memref<!tpu.dma_semaphore, #tpu.memory_space<semaphore_mem>>
      %dma_start3A_154 = arith.constant 0 : i32
      %dma_start3A_155 = tpu.memref_slice %arg9[%mul3A_66, %dma_start3A_154] : memref<10240x64xf32, #tpu.memory_space<vmem_shared>> -> memref<640x64xf32, #tpu.memory_space<vmem_shared>>
      %dma_start3A_156 = arith.constant 0 : i32
      %dma_start3A_157 = arith.constant 0 : i32
      %dma_start3A_158 = tpu.memref_slice %arg2[%run_scoped3A, %dma_start3A_156, %dma_start3A_157] : memref<1x10240x64xf32, #tpu.memory_space<hbm>> -> memref<1x10240x64xf32, #tpu.memory_space<hbm>>
      %dma_start3A_159 = tpu.memref_squeeze %dma_start3A_158 : memref<1x10240x64xf32, #tpu.memory_space<hbm>> -> memref<10240x64xf32, #tpu.memory_space<hbm>>
      %dma_start3A_160 = arith.constant 0 : i32
      %dma_start3A_161 = tpu.memref_slice %dma_start3A_159[%mul3A_64, %dma_start3A_160] : memref<10240x64xf32, #tpu.memory_space<hbm>> -> memref<640x64xf32, #tpu.memory_space<hbm>>
      tpu.enqueue_dma source(%dma_start3A_161 : memref<640x64xf32, #tpu.memory_space<hbm>>) target(%dma_start3A_155 : memref<640x64xf32, #tpu.memory_space<vmem_shared>>) target_semaphore(%run_scoped3A_153 : memref<!tpu.dma_semaphore, #tpu.memory_space<semaphore_mem>>)
      %dma_wait3A_162 = arith.constant 0 : i32
      %dma_wait3A_163 = tpu.memref_slice %arg9[%mul3A_66, %dma_wait3A_162] : memref<10240x64xf32, #tpu.memory_space<vmem_shared>> -> memref<640x64xf32, #tpu.memory_space<vmem_shared>>
      %dma_wait3A_164 = arith.constant 0 : i32
      %dma_wait3A_165 = arith.constant 0 : i32
      %dma_wait3A_166 = tpu.memref_slice %arg2[%run_scoped3A, %dma_wait3A_164, %dma_wait3A_165] : memref<1x10240x64xf32, #tpu.memory_space<hbm>> -> memref<1x10240x64xf32, #tpu.memory_space<hbm>>
      %dma_wait3A_167 = tpu.memref_squeeze %dma_wait3A_166 : memref<1x10240x64xf32, #tpu.memory_space<hbm>> -> memref<10240x64xf32, #tpu.memory_space<hbm>>
      %dma_wait3A_168 = arith.constant 0 : i32
      %dma_wait3A_169 = tpu.memref_slice %dma_wait3A_167[%mul3A_64, %dma_wait3A_168] : memref<10240x64xf32, #tpu.memory_space<hbm>> -> memref<640x64xf32, #tpu.memory_space<hbm>>
      tpu.wait_dma2 semaphore(%run_scoped3A_153 : memref<!tpu.dma_semaphore, #tpu.memory_space<semaphore_mem>>) src(%dma_wait3A_169 : memref<640x64xf32, #tpu.memory_space<hbm>>) dst(%dma_wait3A_163 : memref<640x64xf32, #tpu.memory_space<vmem_shared>>)
      tpu.yield
    }) : () -> ()
    %barrier3A = arith.constant 0 : index
    tpu.barrier barrier_id(%barrier3A)
    %scan3A = arith.constant 0 : i32
    %scan3A_67 = arith.constant 0 : i32
    %scan3A_68 = arith.constant 0 : i32
    %scan3A_69 = arith.constant 16 : i32
    %scan3A_70 = arith.addi %scan3A_68, %scan3A_69 : i32
    %scan3A_71 = arith.constant 1 : i32
    scf.for %scan3A_153 = %scan3A_68 to %scan3A_70 step %scan3A_71  : i32 {
      %mul3A_154 = arith.constant 5 : i32
      %mul3A_155 = arith.muli %scan3A_153, %mul3A_154 : i32
      %add3A_156 = arith.constant 0 : i32
      %add3A_157 = arith.addi %mul3A_155, %add3A_156 : i32
      %dma_wait3A_158 = arith.constant 0 : i32
      %dma_wait3A_159 = arith.constant 0 : i32
      %dma_wait3A_160 = arith.constant 0 : i32
      %dma_wait3A_161 = arith.constant 0 : i32
      %dma_wait3A_162 = tpu.memref_slice %arg8[%dma_wait3A_158, %dma_wait3A_160, %dma_wait3A_161] : memref<5x128x64xf32, #tpu.memory_space<vmem>> -> memref<1x128x64xf32, #tpu.memory_space<vmem>>
      %dma_wait3A_163 = tpu.memref_squeeze %dma_wait3A_162 : memref<1x128x64xf32, #tpu.memory_space<vmem>> -> memref<128x64xf32, #tpu.memory_space<vmem>>
      %dma_wait3A_164 = arith.constant 0 : i32
      %dma_wait3A_165 = tpu.memref_slice %arg6[%add3A_157, %dma_wait3A_164] : memref<80x128xi32, #tpu.memory_space<vmem>> -> memref<1x128xi32, #tpu.memory_space<vmem>>
      %dma_wait3A_166 = tpu.memref_squeeze %dma_wait3A_165 : memref<1x128xi32, #tpu.memory_space<vmem>> -> memref<128xi32, #tpu.memory_space<vmem>>
      %dma_wait3A_167 = arith.constant 0 : i32
      %dma_wait3A_168 = arith.constant 0 : i32
      %dma_wait3A_169 = tpu.memref_slice %arg2[%scan3A_67, %dma_wait3A_167, %dma_wait3A_168] : memref<1x10240x64xf32, #tpu.memory_space<hbm>> -> memref<1x10240x64xf32, #tpu.memory_space<hbm>>
      %dma_wait3A_170 = tpu.memref_squeeze %dma_wait3A_169 : memref<1x10240x64xf32, #tpu.memory_space<hbm>> -> memref<10240x64xf32, #tpu.memory_space<hbm>>
      %dma_wait3A_171 = arith.constant 0 : i32
      %dma_wait3A_172 = arith.constant 0 : i32
      %dma_wait3A_173 = tpu.memref_slice %dma_wait3A_170[%dma_wait3A_171, %dma_wait3A_172] : memref<10240x64xf32, #tpu.memory_space<hbm>> -> memref<10240x64xf32, #tpu.memory_space<hbm>>
      %dma_wait3A_174 = tpu.memref_slice %arg10[%dma_wait3A_159] : memref<5x!tpu.dma_semaphore, #tpu.memory_space<semaphore_mem>> -> memref<1x!tpu.dma_semaphore, #tpu.memory_space<semaphore_mem>>
      %dma_wait3A_175 = tpu.memref_squeeze %dma_wait3A_174 : memref<1x!tpu.dma_semaphore, #tpu.memory_space<semaphore_mem>> -> memref<!tpu.dma_semaphore, #tpu.memory_space<semaphore_mem>>
      tpu.wait_indirect_dma semaphore(%dma_wait3A_175 : memref<!tpu.dma_semaphore, #tpu.memory_space<semaphore_mem>>) src(%dma_wait3A_173 : memref<10240x64xf32, #tpu.memory_space<hbm>>) dst(%dma_wait3A_163 : memref<128x64xf32, #tpu.memory_space<vmem>>)
      %dma_start3A_176 = arith.constant 0 : i32
      %dma_start3A_177 = arith.constant 0 : i32
      %dma_start3A_178 = arith.constant 0 : i32
      %dma_start3A_179 = arith.constant 0 : i32
      %dma_start3A_180 = tpu.memref_slice %arg8[%dma_start3A_176, %dma_start3A_178, %dma_start3A_179] : memref<5x128x64xf32, #tpu.memory_space<vmem>> -> memref<1x128x64xf32, #tpu.memory_space<vmem>>
      %dma_start3A_181 = tpu.memref_squeeze %dma_start3A_180 : memref<1x128x64xf32, #tpu.memory_space<vmem>> -> memref<128x64xf32, #tpu.memory_space<vmem>>
      %dma_start3A_182 = arith.constant 0 : i32
      %dma_start3A_183 = tpu.memref_slice %arg7[%add3A_157, %dma_start3A_182] : memref<80x128xi32, #tpu.memory_space<vmem>> -> memref<1x128xi32, #tpu.memory_space<vmem>>
      %dma_start3A_184 = tpu.memref_squeeze %dma_start3A_183 : memref<1x128xi32, #tpu.memory_space<vmem>> -> memref<128xi32, #tpu.memory_space<vmem>>
      %dma_start3A_185 = arith.constant 0 : i32
      %dma_start3A_186 = arith.constant 0 : i32
      %dma_start3A_187 = tpu.memref_slice %arg9[%dma_start3A_185, %dma_start3A_186] : memref<10240x64xf32, #tpu.memory_space<vmem_shared>> -> memref<10240x64xf32, #tpu.memory_space<vmem_shared>>
      %dma_start3A_188 = tpu.memref_slice %arg11[%dma_start3A_177] : memref<5x!tpu.dma_semaphore, #tpu.memory_space<semaphore_mem>> -> memref<1x!tpu.dma_semaphore, #tpu.memory_space<semaphore_mem>>
      %dma_start3A_189 = tpu.memref_squeeze %dma_start3A_188 : memref<1x!tpu.dma_semaphore, #tpu.memory_space<semaphore_mem>> -> memref<!tpu.dma_semaphore, #tpu.memory_space<semaphore_mem>>
      tpu.enqueue_indirect_dma source(%dma_start3A_181 : memref<128x64xf32, #tpu.memory_space<vmem>>) target(%dma_start3A_187 : memref<10240x64xf32, #tpu.memory_space<vmem_shared>>) offsets(%dma_start3A_184 : memref<128xi32, #tpu.memory_space<vmem>>) semaphore(%dma_start3A_189 : memref<!tpu.dma_semaphore, #tpu.memory_space<semaphore_mem>>) {add = true}
      %add3A_190 = arith.constant 3 : i32
      %add3A_191 = arith.addi %add3A_157, %add3A_190 : i32
      %lt3A = arith.constant 80 : i32
      %lt3A_192 = arith.cmpi slt, %add3A_191, %lt3A : i32
      %convert_element_type3A = arith.extui %lt3A_192 : i1 to i32
      %cond3A = arith.constant 0 : i32
      %cond3A_193 = arith.cmpi ne, %convert_element_type3A, %cond3A : i32
      scf.if %cond3A_193 {
        %ge3A = arith.constant 5 : i32
        %ge3A_366 = arith.cmpi sge, %add3A_191, %ge3A : i32
        %convert_element_type3A_367 = arith.extui %ge3A_366 : i1 to i32
        %cond3A_368 = arith.constant 0 : i32
        %cond3A_369 = arith.cmpi ne, %convert_element_type3A_367, %cond3A_368 : i32
        scf.if %cond3A_369 {
          %sub3A = arith.constant 5 : i32
          %sub3A_388 = arith.subi %add3A_191, %sub3A : i32
          %dma_wait3A_389 = arith.constant 3 : i32
          %dma_wait3A_390 = arith.constant 3 : i32
          %dma_wait3A_391 = arith.constant 0 : i32
          %dma_wait3A_392 = arith.constant 0 : i32
          %dma_wait3A_393 = tpu.memref_slice %arg8[%dma_wait3A_389, %dma_wait3A_391, %dma_wait3A_392] : memref<5x128x64xf32, #tpu.memory_space<vmem>> -> memref<1x128x64xf32, #tpu.memory_space<vmem>>
          %dma_wait3A_394 = tpu.memref_squeeze %dma_wait3A_393 : memref<1x128x64xf32, #tpu.memory_space<vmem>> -> memref<128x64xf32, #tpu.memory_space<vmem>>
          %dma_wait3A_395 = arith.constant 0 : i32
          %dma_wait3A_396 = tpu.memref_slice %arg7[%sub3A_388, %dma_wait3A_395] : memref<80x128xi32, #tpu.memory_space<vmem>> -> memref<1x128xi32, #tpu.memory_space<vmem>>
          %dma_wait3A_397 = tpu.memref_squeeze %dma_wait3A_396 : memref<1x128xi32, #tpu.memory_space<vmem>> -> memref<128xi32, #tpu.memory_space<vmem>>
          %dma_wait3A_398 = arith.constant 0 : i32
          %dma_wait3A_399 = arith.constant 0 : i32
          %dma_wait3A_400 = tpu.memref_slice %arg9[%dma_wait3A_398, %dma_wait3A_399] : memref<10240x64xf32, #tpu.memory_space<vmem_shared>> -> memref<10240x64xf32, #tpu.memory_space<vmem_shared>>
          %dma_wait3A_401 = tpu.memref_slice %arg11[%dma_wait3A_390] : memref<5x!tpu.dma_semaphore, #tpu.memory_space<semaphore_mem>> -> memref<1x!tpu.dma_semaphore, #tpu.memory_space<semaphore_mem>>
          %dma_wait3A_402 = tpu.memref_squeeze %dma_wait3A_401 : memref<1x!tpu.dma_semaphore, #tpu.memory_space<semaphore_mem>> -> memref<!tpu.dma_semaphore, #tpu.memory_space<semaphore_mem>>
          tpu.wait_indirect_dma semaphore(%dma_wait3A_402 : memref<!tpu.dma_semaphore, #tpu.memory_space<semaphore_mem>>) src(%dma_wait3A_394 : memref<128x64xf32, #tpu.memory_space<vmem>>) dst(%dma_wait3A_400 : memref<10240x64xf32, #tpu.memory_space<vmem_shared>>)
        } else {
        }
        %dma_start3A_370 = arith.constant 3 : i32
        %dma_start3A_371 = arith.constant 3 : i32
        %dma_start3A_372 = arith.constant 0 : i32
        %dma_start3A_373 = arith.constant 0 : i32
        %dma_start3A_374 = tpu.memref_slice %arg8[%dma_start3A_370, %dma_start3A_372, %dma_start3A_373] : memref<5x128x64xf32, #tpu.memory_space<vmem>> -> memref<1x128x64xf32, #tpu.memory_space<vmem>>
        %dma_start3A_375 = tpu.memref_squeeze %dma_start3A_374 : memref<1x128x64xf32, #tpu.memory_space<vmem>> -> memref<128x64xf32, #tpu.memory_space<vmem>>
        %dma_start3A_376 = arith.constant 0 : i32
        %dma_start3A_377 = tpu.memref_slice %arg6[%add3A_191, %dma_start3A_376] : memref<80x128xi32, #tpu.memory_space<vmem>> -> memref<1x128xi32, #tpu.memory_space<vmem>>
        %dma_start3A_378 = tpu.memref_squeeze %dma_start3A_377 : memref<1x128xi32, #tpu.memory_space<vmem>> -> memref<128xi32, #tpu.memory_space<vmem>>
        %dma_start3A_379 = arith.constant 0 : i32
        %dma_start3A_380 = arith.constant 0 : i32
        %dma_start3A_381 = tpu.memref_slice %arg2[%scan3A_67, %dma_start3A_379, %dma_start3A_380] : memref<1x10240x64xf32, #tpu.memory_space<hbm>> -> memref<1x10240x64xf32, #tpu.memory_space<hbm>>
        %dma_start3A_382 = tpu.memref_squeeze %dma_start3A_381 : memref<1x10240x64xf32, #tpu.memory_space<hbm>> -> memref<10240x64xf32, #tpu.memory_space<hbm>>
        %dma_start3A_383 = arith.constant 0 : i32
        %dma_start3A_384 = arith.constant 0 : i32
        %dma_start3A_385 = tpu.memref_slice %dma_start3A_382[%dma_start3A_383, %dma_start3A_384] : memref<10240x64xf32, #tpu.memory_space<hbm>> -> memref<10240x64xf32, #tpu.memory_space<hbm>>
        %dma_start3A_386 = tpu.memref_slice %arg10[%dma_start3A_371] : memref<5x!tpu.dma_semaphore, #tpu.memory_space<semaphore_mem>> -> memref<1x!tpu.dma_semaphore, #tpu.memory_space<semaphore_mem>>
        %dma_start3A_387 = tpu.memref_squeeze %dma_start3A_386 : memref<1x!tpu.dma_semaphore, #tpu.memory_space<semaphore_mem>> -> memref<!tpu.dma_semaphore, #tpu.memory_space<semaphore_mem>>
        tpu.enqueue_indirect_dma source(%dma_start3A_385 : memref<10240x64xf32, #tpu.memory_space<hbm>>) target(%dma_start3A_375 : memref<128x64xf32, #tpu.memory_space<vmem>>) offsets(%dma_start3A_378 : memref<128xi32, #tpu.memory_space<vmem>>) semaphore(%dma_start3A_387 : memref<!tpu.dma_semaphore, #tpu.memory_space<semaphore_mem>>)
      } else {
      }
      %mul3A_194 = arith.constant 5 : i32
      %mul3A_195 = arith.muli %scan3A_153, %mul3A_194 : i32
      %add3A_196 = arith.constant 1 : i32
      %add3A_197 = arith.addi %mul3A_195, %add3A_196 : i32
      %dma_wait3A_198 = arith.constant 1 : i32
      %dma_wait3A_199 = arith.constant 1 : i32
      %dma_wait3A_200 = arith.constant 0 : i32
      %dma_wait3A_201 = arith.constant 0 : i32
      %dma_wait3A_202 = tpu.memref_slice %arg8[%dma_wait3A_198, %dma_wait3A_200, %dma_wait3A_201] : memref<5x128x64xf32, #tpu.memory_space<vmem>> -> memref<1x128x64xf32, #tpu.memory_space<vmem>>
      %dma_wait3A_203 = tpu.memref_squeeze %dma_wait3A_202 : memref<1x128x64xf32, #tpu.memory_space<vmem>> -> memref<128x64xf32, #tpu.memory_space<vmem>>
      %dma_wait3A_204 = arith.constant 0 : i32
      %dma_wait3A_205 = tpu.memref_slice %arg6[%add3A_197, %dma_wait3A_204] : memref<80x128xi32, #tpu.memory_space<vmem>> -> memref<1x128xi32, #tpu.memory_space<vmem>>
      %dma_wait3A_206 = tpu.memref_squeeze %dma_wait3A_205 : memref<1x128xi32, #tpu.memory_space<vmem>> -> memref<128xi32, #tpu.memory_space<vmem>>
      %dma_wait3A_207 = arith.constant 0 : i32
      %dma_wait3A_208 = arith.constant 0 : i32
      %dma_wait3A_209 = tpu.memref_slice %arg2[%scan3A_67, %dma_wait3A_207, %dma_wait3A_208] : memref<1x10240x64xf32, #tpu.memory_space<hbm>> -> memref<1x10240x64xf32, #tpu.memory_space<hbm>>
      %dma_wait3A_210 = tpu.memref_squeeze %dma_wait3A_209 : memref<1x10240x64xf32, #tpu.memory_space<hbm>> -> memref<10240x64xf32, #tpu.memory_space<hbm>>
      %dma_wait3A_211 = arith.constant 0 : i32
      %dma_wait3A_212 = arith.constant 0 : i32
      %dma_wait3A_213 = tpu.memref_slice %dma_wait3A_210[%dma_wait3A_211, %dma_wait3A_212] : memref<10240x64xf32, #tpu.memory_space<hbm>> -> memref<10240x64xf32, #tpu.memory_space<hbm>>
      %dma_wait3A_214 = tpu.memref_slice %arg10[%dma_wait3A_199] : memref<5x!tpu.dma_semaphore, #tpu.memory_space<semaphore_mem>> -> memref<1x!tpu.dma_semaphore, #tpu.memory_space<semaphore_mem>>
      %dma_wait3A_215 = tpu.memref_squeeze %dma_wait3A_214 : memref<1x!tpu.dma_semaphore, #tpu.memory_space<semaphore_mem>> -> memref<!tpu.dma_semaphore, #tpu.memory_space<semaphore_mem>>
      tpu.wait_indirect_dma semaphore(%dma_wait3A_215 : memref<!tpu.dma_semaphore, #tpu.memory_space<semaphore_mem>>) src(%dma_wait3A_213 : memref<10240x64xf32, #tpu.memory_space<hbm>>) dst(%dma_wait3A_203 : memref<128x64xf32, #tpu.memory_space<vmem>>)
      %dma_start3A_216 = arith.constant 1 : i32
      %dma_start3A_217 = arith.constant 1 : i32
      %dma_start3A_218 = arith.constant 0 : i32
      %dma_start3A_219 = arith.constant 0 : i32
      %dma_start3A_220 = tpu.memref_slice %arg8[%dma_start3A_216, %dma_start3A_218, %dma_start3A_219] : memref<5x128x64xf32, #tpu.memory_space<vmem>> -> memref<1x128x64xf32, #tpu.memory_space<vmem>>
      %dma_start3A_221 = tpu.memref_squeeze %dma_start3A_220 : memref<1x128x64xf32, #tpu.memory_space<vmem>> -> memref<128x64xf32, #tpu.memory_space<vmem>>
      %dma_start3A_222 = arith.constant 0 : i32
      %dma_start3A_223 = tpu.memref_slice %arg7[%add3A_197, %dma_start3A_222] : memref<80x128xi32, #tpu.memory_space<vmem>> -> memref<1x128xi32, #tpu.memory_space<vmem>>
      %dma_start3A_224 = tpu.memref_squeeze %dma_start3A_223 : memref<1x128xi32, #tpu.memory_space<vmem>> -> memref<128xi32, #tpu.memory_space<vmem>>
      %dma_start3A_225 = arith.constant 0 : i32
      %dma_start3A_226 = arith.constant 0 : i32
      %dma_start3A_227 = tpu.memref_slice %arg9[%dma_start3A_225, %dma_start3A_226] : memref<10240x64xf32, #tpu.memory_space<vmem_shared>> -> memref<10240x64xf32, #tpu.memory_space<vmem_shared>>
      %dma_start3A_228 = tpu.memref_slice %arg11[%dma_start3A_217] : memref<5x!tpu.dma_semaphore, #tpu.memory_space<semaphore_mem>> -> memref<1x!tpu.dma_semaphore, #tpu.memory_space<semaphore_mem>>
      %dma_start3A_229 = tpu.memref_squeeze %dma_start3A_228 : memref<1x!tpu.dma_semaphore, #tpu.memory_space<semaphore_mem>> -> memref<!tpu.dma_semaphore, #tpu.memory_space<semaphore_mem>>
      tpu.enqueue_indirect_dma source(%dma_start3A_221 : memref<128x64xf32, #tpu.memory_space<vmem>>) target(%dma_start3A_227 : memref<10240x64xf32, #tpu.memory_space<vmem_shared>>) offsets(%dma_start3A_224 : memref<128xi32, #tpu.memory_space<vmem>>) semaphore(%dma_start3A_229 : memref<!tpu.dma_semaphore, #tpu.memory_space<semaphore_mem>>) {add = true}
      %add3A_230 = arith.constant 3 : i32
      %add3A_231 = arith.addi %add3A_197, %add3A_230 : i32
      %lt3A_232 = arith.constant 80 : i32
      %lt3A_233 = arith.cmpi slt, %add3A_231, %lt3A_232 : i32
      %convert_element_type3A_234 = arith.extui %lt3A_233 : i1 to i32
      %cond3A_235 = arith.constant 0 : i32
      %cond3A_236 = arith.cmpi ne, %convert_element_type3A_234, %cond3A_235 : i32
      scf.if %cond3A_236 {
        %ge3A = arith.constant 5 : i32
        %ge3A_366 = arith.cmpi sge, %add3A_231, %ge3A : i32
        %convert_element_type3A_367 = arith.extui %ge3A_366 : i1 to i32
        %cond3A_368 = arith.constant 0 : i32
        %cond3A_369 = arith.cmpi ne, %convert_element_type3A_367, %cond3A_368 : i32
        scf.if %cond3A_369 {
          %sub3A = arith.constant 5 : i32
          %sub3A_388 = arith.subi %add3A_231, %sub3A : i32
          %dma_wait3A_389 = arith.constant 4 : i32
          %dma_wait3A_390 = arith.constant 4 : i32
          %dma_wait3A_391 = arith.constant 0 : i32
          %dma_wait3A_392 = arith.constant 0 : i32
          %dma_wait3A_393 = tpu.memref_slice %arg8[%dma_wait3A_389, %dma_wait3A_391, %dma_wait3A_392] : memref<5x128x64xf32, #tpu.memory_space<vmem>> -> memref<1x128x64xf32, #tpu.memory_space<vmem>>
          %dma_wait3A_394 = tpu.memref_squeeze %dma_wait3A_393 : memref<1x128x64xf32, #tpu.memory_space<vmem>> -> memref<128x64xf32, #tpu.memory_space<vmem>>
          %dma_wait3A_395 = arith.constant 0 : i32
          %dma_wait3A_396 = tpu.memref_slice %arg7[%sub3A_388, %dma_wait3A_395] : memref<80x128xi32, #tpu.memory_space<vmem>> -> memref<1x128xi32, #tpu.memory_space<vmem>>
          %dma_wait3A_397 = tpu.memref_squeeze %dma_wait3A_396 : memref<1x128xi32, #tpu.memory_space<vmem>> -> memref<128xi32, #tpu.memory_space<vmem>>
          %dma_wait3A_398 = arith.constant 0 : i32
          %dma_wait3A_399 = arith.constant 0 : i32
          %dma_wait3A_400 = tpu.memref_slice %arg9[%dma_wait3A_398, %dma_wait3A_399] : memref<10240x64xf32, #tpu.memory_space<vmem_shared>> -> memref<10240x64xf32, #tpu.memory_space<vmem_shared>>
          %dma_wait3A_401 = tpu.memref_slice %arg11[%dma_wait3A_390] : memref<5x!tpu.dma_semaphore, #tpu.memory_space<semaphore_mem>> -> memref<1x!tpu.dma_semaphore, #tpu.memory_space<semaphore_mem>>
          %dma_wait3A_402 = tpu.memref_squeeze %dma_wait3A_401 : memref<1x!tpu.dma_semaphore, #tpu.memory_space<semaphore_mem>> -> memref<!tpu.dma_semaphore, #tpu.memory_space<semaphore_mem>>
          tpu.wait_indirect_dma semaphore(%dma_wait3A_402 : memref<!tpu.dma_semaphore, #tpu.memory_space<semaphore_mem>>) src(%dma_wait3A_394 : memref<128x64xf32, #tpu.memory_space<vmem>>) dst(%dma_wait3A_400 : memref<10240x64xf32, #tpu.memory_space<vmem_shared>>)
        } else {
        }
        %dma_start3A_370 = arith.constant 4 : i32
        %dma_start3A_371 = arith.constant 4 : i32
        %dma_start3A_372 = arith.constant 0 : i32
        %dma_start3A_373 = arith.constant 0 : i32
        %dma_start3A_374 = tpu.memref_slice %arg8[%dma_start3A_370, %dma_start3A_372, %dma_start3A_373] : memref<5x128x64xf32, #tpu.memory_space<vmem>> -> memref<1x128x64xf32, #tpu.memory_space<vmem>>
        %dma_start3A_375 = tpu.memref_squeeze %dma_start3A_374 : memref<1x128x64xf32, #tpu.memory_space<vmem>> -> memref<128x64xf32, #tpu.memory_space<vmem>>
        %dma_start3A_376 = arith.constant 0 : i32
        %dma_start3A_377 = tpu.memref_slice %arg6[%add3A_231, %dma_start3A_376] : memref<80x128xi32, #tpu.memory_space<vmem>> -> memref<1x128xi32, #tpu.memory_space<vmem>>
        %dma_start3A_378 = tpu.memref_squeeze %dma_start3A_377 : memref<1x128xi32, #tpu.memory_space<vmem>> -> memref<128xi32, #tpu.memory_space<vmem>>
        %dma_start3A_379 = arith.constant 0 : i32
        %dma_start3A_380 = arith.constant 0 : i32
        %dma_start3A_381 = tpu.memref_slice %arg2[%scan3A_67, %dma_start3A_379, %dma_start3A_380] : memref<1x10240x64xf32, #tpu.memory_space<hbm>> -> memref<1x10240x64xf32, #tpu.memory_space<hbm>>
        %dma_start3A_382 = tpu.memref_squeeze %dma_start3A_381 : memref<1x10240x64xf32, #tpu.memory_space<hbm>> -> memref<10240x64xf32, #tpu.memory_space<hbm>>
        %dma_start3A_383 = arith.constant 0 : i32
        %dma_start3A_384 = arith.constant 0 : i32
        %dma_start3A_385 = tpu.memref_slice %dma_start3A_382[%dma_start3A_383, %dma_start3A_384] : memref<10240x64xf32, #tpu.memory_space<hbm>> -> memref<10240x64xf32, #tpu.memory_space<hbm>>
        %dma_start3A_386 = tpu.memref_slice %arg10[%dma_start3A_371] : memref<5x!tpu.dma_semaphore, #tpu.memory_space<semaphore_mem>> -> memref<1x!tpu.dma_semaphore, #tpu.memory_space<semaphore_mem>>
        %dma_start3A_387 = tpu.memref_squeeze %dma_start3A_386 : memref<1x!tpu.dma_semaphore, #tpu.memory_space<semaphore_mem>> -> memref<!tpu.dma_semaphore, #tpu.memory_space<semaphore_mem>>
        tpu.enqueue_indirect_dma source(%dma_start3A_385 : memref<10240x64xf32, #tpu.memory_space<hbm>>) target(%dma_start3A_375 : memref<128x64xf32, #tpu.memory_space<vmem>>) offsets(%dma_start3A_378 : memref<128xi32, #tpu.memory_space<vmem>>) semaphore(%dma_start3A_387 : memref<!tpu.dma_semaphore, #tpu.memory_space<semaphore_mem>>)
      } else {
      }
      %mul3A_237 = arith.constant 5 : i32
      %mul3A_238 = arith.muli %scan3A_153, %mul3A_237 : i32
      %add3A_239 = arith.constant 2 : i32
      %add3A_240 = arith.addi %mul3A_238, %add3A_239 : i32
      %dma_wait3A_241 = arith.constant 2 : i32
      %dma_wait3A_242 = arith.constant 2 : i32
      %dma_wait3A_243 = arith.constant 0 : i32
      %dma_wait3A_244 = arith.constant 0 : i32
      %dma_wait3A_245 = tpu.memref_slice %arg8[%dma_wait3A_241, %dma_wait3A_243, %dma_wait3A_244] : memref<5x128x64xf32, #tpu.memory_space<vmem>> -> memref<1x128x64xf32, #tpu.memory_space<vmem>>
      %dma_wait3A_246 = tpu.memref_squeeze %dma_wait3A_245 : memref<1x128x64xf32, #tpu.memory_space<vmem>> -> memref<128x64xf32, #tpu.memory_space<vmem>>
      %dma_wait3A_247 = arith.constant 0 : i32
      %dma_wait3A_248 = tpu.memref_slice %arg6[%add3A_240, %dma_wait3A_247] : memref<80x128xi32, #tpu.memory_space<vmem>> -> memref<1x128xi32, #tpu.memory_space<vmem>>
      %dma_wait3A_249 = tpu.memref_squeeze %dma_wait3A_248 : memref<1x128xi32, #tpu.memory_space<vmem>> -> memref<128xi32, #tpu.memory_space<vmem>>
      %dma_wait3A_250 = arith.constant 0 : i32
      %dma_wait3A_251 = arith.constant 0 : i32
      %dma_wait3A_252 = tpu.memref_slice %arg2[%scan3A_67, %dma_wait3A_250, %dma_wait3A_251] : memref<1x10240x64xf32, #tpu.memory_space<hbm>> -> memref<1x10240x64xf32, #tpu.memory_space<hbm>>
      %dma_wait3A_253 = tpu.memref_squeeze %dma_wait3A_252 : memref<1x10240x64xf32, #tpu.memory_space<hbm>> -> memref<10240x64xf32, #tpu.memory_space<hbm>>
      %dma_wait3A_254 = arith.constant 0 : i32
      %dma_wait3A_255 = arith.constant 0 : i32
      %dma_wait3A_256 = tpu.memref_slice %dma_wait3A_253[%dma_wait3A_254, %dma_wait3A_255] : memref<10240x64xf32, #tpu.memory_space<hbm>> -> memref<10240x64xf32, #tpu.memory_space<hbm>>
      %dma_wait3A_257 = tpu.memref_slice %arg10[%dma_wait3A_242] : memref<5x!tpu.dma_semaphore, #tpu.memory_space<semaphore_mem>> -> memref<1x!tpu.dma_semaphore, #tpu.memory_space<semaphore_mem>>
      %dma_wait3A_258 = tpu.memref_squeeze %dma_wait3A_257 : memref<1x!tpu.dma_semaphore, #tpu.memory_space<semaphore_mem>> -> memref<!tpu.dma_semaphore, #tpu.memory_space<semaphore_mem>>
      tpu.wait_indirect_dma semaphore(%dma_wait3A_258 : memref<!tpu.dma_semaphore, #tpu.memory_space<semaphore_mem>>) src(%dma_wait3A_256 : memref<10240x64xf32, #tpu.memory_space<hbm>>) dst(%dma_wait3A_246 : memref<128x64xf32, #tpu.memory_space<vmem>>)
      %dma_start3A_259 = arith.constant 2 : i32
      %dma_start3A_260 = arith.constant 2 : i32
      %dma_start3A_261 = arith.constant 0 : i32
      %dma_start3A_262 = arith.constant 0 : i32
      %dma_start3A_263 = tpu.memref_slice %arg8[%dma_start3A_259, %dma_start3A_261, %dma_start3A_262] : memref<5x128x64xf32, #tpu.memory_space<vmem>> -> memref<1x128x64xf32, #tpu.memory_space<vmem>>
      %dma_start3A_264 = tpu.memref_squeeze %dma_start3A_263 : memref<1x128x64xf32, #tpu.memory_space<vmem>> -> memref<128x64xf32, #tpu.memory_space<vmem>>
      %dma_start3A_265 = arith.constant 0 : i32
      %dma_start3A_266 = tpu.memref_slice %arg7[%add3A_240, %dma_start3A_265] : memref<80x128xi32, #tpu.memory_space<vmem>> -> memref<1x128xi32, #tpu.memory_space<vmem>>
      %dma_start3A_267 = tpu.memref_squeeze %dma_start3A_266 : memref<1x128xi32, #tpu.memory_space<vmem>> -> memref<128xi32, #tpu.memory_space<vmem>>
      %dma_start3A_268 = arith.constant 0 : i32
      %dma_start3A_269 = arith.constant 0 : i32
      %dma_start3A_270 = tpu.memref_slice %arg9[%dma_start3A_268, %dma_start3A_269] : memref<10240x64xf32, #tpu.memory_space<vmem_shared>> -> memref<10240x64xf32, #tpu.memory_space<vmem_shared>>
      %dma_start3A_271 = tpu.memref_slice %arg11[%dma_start3A_260] : memref<5x!tpu.dma_semaphore, #tpu.memory_space<semaphore_mem>> -> memref<1x!tpu.dma_semaphore, #tpu.memory_space<semaphore_mem>>
      %dma_start3A_272 = tpu.memref_squeeze %dma_start3A_271 : memref<1x!tpu.dma_semaphore, #tpu.memory_space<semaphore_mem>> -> memref<!tpu.dma_semaphore, #tpu.memory_space<semaphore_mem>>
      tpu.enqueue_indirect_dma source(%dma_start3A_264 : memref<128x64xf32, #tpu.memory_space<vmem>>) target(%dma_start3A_270 : memref<10240x64xf32, #tpu.memory_space<vmem_shared>>) offsets(%dma_start3A_267 : memref<128xi32, #tpu.memory_space<vmem>>) semaphore(%dma_start3A_272 : memref<!tpu.dma_semaphore, #tpu.memory_space<semaphore_mem>>) {add = true}
      %add3A_273 = arith.constant 3 : i32
      %add3A_274 = arith.addi %add3A_240, %add3A_273 : i32
      %lt3A_275 = arith.constant 80 : i32
      %lt3A_276 = arith.cmpi slt, %add3A_274, %lt3A_275 : i32
      %convert_element_type3A_277 = arith.extui %lt3A_276 : i1 to i32
      %cond3A_278 = arith.constant 0 : i32
      %cond3A_279 = arith.cmpi ne, %convert_element_type3A_277, %cond3A_278 : i32
      scf.if %cond3A_279 {
        %ge3A = arith.constant 5 : i32
        %ge3A_366 = arith.cmpi sge, %add3A_274, %ge3A : i32
        %convert_element_type3A_367 = arith.extui %ge3A_366 : i1 to i32
        %cond3A_368 = arith.constant 0 : i32
        %cond3A_369 = arith.cmpi ne, %convert_element_type3A_367, %cond3A_368 : i32
        scf.if %cond3A_369 {
          %sub3A = arith.constant 5 : i32
          %sub3A_388 = arith.subi %add3A_274, %sub3A : i32
          %dma_wait3A_389 = arith.constant 0 : i32
          %dma_wait3A_390 = arith.constant 0 : i32
          %dma_wait3A_391 = arith.constant 0 : i32
          %dma_wait3A_392 = arith.constant 0 : i32
          %dma_wait3A_393 = tpu.memref_slice %arg8[%dma_wait3A_389, %dma_wait3A_391, %dma_wait3A_392] : memref<5x128x64xf32, #tpu.memory_space<vmem>> -> memref<1x128x64xf32, #tpu.memory_space<vmem>>
          %dma_wait3A_394 = tpu.memref_squeeze %dma_wait3A_393 : memref<1x128x64xf32, #tpu.memory_space<vmem>> -> memref<128x64xf32, #tpu.memory_space<vmem>>
          %dma_wait3A_395 = arith.constant 0 : i32
          %dma_wait3A_396 = tpu.memref_slice %arg7[%sub3A_388, %dma_wait3A_395] : memref<80x128xi32, #tpu.memory_space<vmem>> -> memref<1x128xi32, #tpu.memory_space<vmem>>
          %dma_wait3A_397 = tpu.memref_squeeze %dma_wait3A_396 : memref<1x128xi32, #tpu.memory_space<vmem>> -> memref<128xi32, #tpu.memory_space<vmem>>
          %dma_wait3A_398 = arith.constant 0 : i32
          %dma_wait3A_399 = arith.constant 0 : i32
          %dma_wait3A_400 = tpu.memref_slice %arg9[%dma_wait3A_398, %dma_wait3A_399] : memref<10240x64xf32, #tpu.memory_space<vmem_shared>> -> memref<10240x64xf32, #tpu.memory_space<vmem_shared>>
          %dma_wait3A_401 = tpu.memref_slice %arg11[%dma_wait3A_390] : memref<5x!tpu.dma_semaphore, #tpu.memory_space<semaphore_mem>> -> memref<1x!tpu.dma_semaphore, #tpu.memory_space<semaphore_mem>>
          %dma_wait3A_402 = tpu.memref_squeeze %dma_wait3A_401 : memref<1x!tpu.dma_semaphore, #tpu.memory_space<semaphore_mem>> -> memref<!tpu.dma_semaphore, #tpu.memory_space<semaphore_mem>>
          tpu.wait_indirect_dma semaphore(%dma_wait3A_402 : memref<!tpu.dma_semaphore, #tpu.memory_space<semaphore_mem>>) src(%dma_wait3A_394 : memref<128x64xf32, #tpu.memory_space<vmem>>) dst(%dma_wait3A_400 : memref<10240x64xf32, #tpu.memory_space<vmem_shared>>)
        } else {
        }
        %dma_start3A_370 = arith.constant 0 : i32
        %dma_start3A_371 = arith.constant 0 : i32
        %dma_start3A_372 = arith.constant 0 : i32
        %dma_start3A_373 = arith.constant 0 : i32
        %dma_start3A_374 = tpu.memref_slice %arg8[%dma_start3A_370, %dma_start3A_372, %dma_start3A_373] : memref<5x128x64xf32, #tpu.memory_space<vmem>> -> memref<1x128x64xf32, #tpu.memory_space<vmem>>
        %dma_start3A_375 = tpu.memref_squeeze %dma_start3A_374 : memref<1x128x64xf32, #tpu.memory_space<vmem>> -> memref<128x64xf32, #tpu.memory_space<vmem>>
        %dma_start3A_376 = arith.constant 0 : i32
        %dma_start3A_377 = tpu.memref_slice %arg6[%add3A_274, %dma_start3A_376] : memref<80x128xi32, #tpu.memory_space<vmem>> -> memref<1x128xi32, #tpu.memory_space<vmem>>
        %dma_start3A_378 = tpu.memref_squeeze %dma_start3A_377 : memref<1x128xi32, #tpu.memory_space<vmem>> -> memref<128xi32, #tpu.memory_space<vmem>>
        %dma_start3A_379 = arith.constant 0 : i32
        %dma_start3A_380 = arith.constant 0 : i32
        %dma_start3A_381 = tpu.memref_slice %arg2[%scan3A_67, %dma_start3A_379, %dma_start3A_380] : memref<1x10240x64xf32, #tpu.memory_space<hbm>> -> memref<1x10240x64xf32, #tpu.memory_space<hbm>>
        %dma_start3A_382 = tpu.memref_squeeze %dma_start3A_381 : memref<1x10240x64xf32, #tpu.memory_space<hbm>> -> memref<10240x64xf32, #tpu.memory_space<hbm>>
        %dma_start3A_383 = arith.constant 0 : i32
        %dma_start3A_384 = arith.constant 0 : i32
        %dma_start3A_385 = tpu.memref_slice %dma_start3A_382[%dma_start3A_383, %dma_start3A_384] : memref<10240x64xf32, #tpu.memory_space<hbm>> -> memref<10240x64xf32, #tpu.memory_space<hbm>>
        %dma_start3A_386 = tpu.memref_slice %arg10[%dma_start3A_371] : memref<5x!tpu.dma_semaphore, #tpu.memory_space<semaphore_mem>> -> memref<1x!tpu.dma_semaphore, #tpu.memory_space<semaphore_mem>>
        %dma_start3A_387 = tpu.memref_squeeze %dma_start3A_386 : memref<1x!tpu.dma_semaphore, #tpu.memory_space<semaphore_mem>> -> memref<!tpu.dma_semaphore, #tpu.memory_space<semaphore_mem>>
        tpu.enqueue_indirect_dma source(%dma_start3A_385 : memref<10240x64xf32, #tpu.memory_space<hbm>>) target(%dma_start3A_375 : memref<128x64xf32, #tpu.memory_space<vmem>>) offsets(%dma_start3A_378 : memref<128xi32, #tpu.memory_space<vmem>>) semaphore(%dma_start3A_387 : memref<!tpu.dma_semaphore, #tpu.memory_space<semaphore_mem>>)
      } else {
      }
      %mul3A_280 = arith.constant 5 : i32
      %mul3A_281 = arith.muli %scan3A_153, %mul3A_280 : i32
      %add3A_282 = arith.constant 3 : i32
      %add3A_283 = arith.addi %mul3A_281, %add3A_282 : i32
      %dma_wait3A_284 = arith.constant 3 : i32
      %dma_wait3A_285 = arith.constant 3 : i32
      %dma_wait3A_286 = arith.constant 0 : i32
      %dma_wait3A_287 = arith.constant 0 : i32
      %dma_wait3A_288 = tpu.memref_slice %arg8[%dma_wait3A_284, %dma_wait3A_286, %dma_wait3A_287] : memref<5x128x64xf32, #tpu.memory_space<vmem>> -> memref<1x128x64xf32, #tpu.memory_space<vmem>>
      %dma_wait3A_289 = tpu.memref_squeeze %dma_wait3A_288 : memref<1x128x64xf32, #tpu.memory_space<vmem>> -> memref<128x64xf32, #tpu.memory_space<vmem>>
      %dma_wait3A_290 = arith.constant 0 : i32
      %dma_wait3A_291 = tpu.memref_slice %arg6[%add3A_283, %dma_wait3A_290] : memref<80x128xi32, #tpu.memory_space<vmem>> -> memref<1x128xi32, #tpu.memory_space<vmem>>
      %dma_wait3A_292 = tpu.memref_squeeze %dma_wait3A_291 : memref<1x128xi32, #tpu.memory_space<vmem>> -> memref<128xi32, #tpu.memory_space<vmem>>
      %dma_wait3A_293 = arith.constant 0 : i32
      %dma_wait3A_294 = arith.constant 0 : i32
      %dma_wait3A_295 = tpu.memref_slice %arg2[%scan3A_67, %dma_wait3A_293, %dma_wait3A_294] : memref<1x10240x64xf32, #tpu.memory_space<hbm>> -> memref<1x10240x64xf32, #tpu.memory_space<hbm>>
      %dma_wait3A_296 = tpu.memref_squeeze %dma_wait3A_295 : memref<1x10240x64xf32, #tpu.memory_space<hbm>> -> memref<10240x64xf32, #tpu.memory_space<hbm>>
      %dma_wait3A_297 = arith.constant 0 : i32
      %dma_wait3A_298 = arith.constant 0 : i32
      %dma_wait3A_299 = tpu.memref_slice %dma_wait3A_296[%dma_wait3A_297, %dma_wait3A_298] : memref<10240x64xf32, #tpu.memory_space<hbm>> -> memref<10240x64xf32, #tpu.memory_space<hbm>>
      %dma_wait3A_300 = tpu.memref_slice %arg10[%dma_wait3A_285] : memref<5x!tpu.dma_semaphore, #tpu.memory_space<semaphore_mem>> -> memref<1x!tpu.dma_semaphore, #tpu.memory_space<semaphore_mem>>
      %dma_wait3A_301 = tpu.memref_squeeze %dma_wait3A_300 : memref<1x!tpu.dma_semaphore, #tpu.memory_space<semaphore_mem>> -> memref<!tpu.dma_semaphore, #tpu.memory_space<semaphore_mem>>
      tpu.wait_indirect_dma semaphore(%dma_wait3A_301 : memref<!tpu.dma_semaphore, #tpu.memory_space<semaphore_mem>>) src(%dma_wait3A_299 : memref<10240x64xf32, #tpu.memory_space<hbm>>) dst(%dma_wait3A_289 : memref<128x64xf32, #tpu.memory_space<vmem>>)
      %dma_start3A_302 = arith.constant 3 : i32
      %dma_start3A_303 = arith.constant 3 : i32
      %dma_start3A_304 = arith.constant 0 : i32
      %dma_start3A_305 = arith.constant 0 : i32
      %dma_start3A_306 = tpu.memref_slice %arg8[%dma_start3A_302, %dma_start3A_304, %dma_start3A_305] : memref<5x128x64xf32, #tpu.memory_space<vmem>> -> memref<1x128x64xf32, #tpu.memory_space<vmem>>
      %dma_start3A_307 = tpu.memref_squeeze %dma_start3A_306 : memref<1x128x64xf32, #tpu.memory_space<vmem>> -> memref<128x64xf32, #tpu.memory_space<vmem>>
      %dma_start3A_308 = arith.constant 0 : i32
      %dma_start3A_309 = tpu.memref_slice %arg7[%add3A_283, %dma_start3A_308] : memref<80x128xi32, #tpu.memory_space<vmem>> -> memref<1x128xi32, #tpu.memory_space<vmem>>
      %dma_start3A_310 = tpu.memref_squeeze %dma_start3A_309 : memref<1x128xi32, #tpu.memory_space<vmem>> -> memref<128xi32, #tpu.memory_space<vmem>>
      %dma_start3A_311 = arith.constant 0 : i32
      %dma_start3A_312 = arith.constant 0 : i32
      %dma_start3A_313 = tpu.memref_slice %arg9[%dma_start3A_311, %dma_start3A_312] : memref<10240x64xf32, #tpu.memory_space<vmem_shared>> -> memref<10240x64xf32, #tpu.memory_space<vmem_shared>>
      %dma_start3A_314 = tpu.memref_slice %arg11[%dma_start3A_303] : memref<5x!tpu.dma_semaphore, #tpu.memory_space<semaphore_mem>> -> memref<1x!tpu.dma_semaphore, #tpu.memory_space<semaphore_mem>>
      %dma_start3A_315 = tpu.memref_squeeze %dma_start3A_314 : memref<1x!tpu.dma_semaphore, #tpu.memory_space<semaphore_mem>> -> memref<!tpu.dma_semaphore, #tpu.memory_space<semaphore_mem>>
      tpu.enqueue_indirect_dma source(%dma_start3A_307 : memref<128x64xf32, #tpu.memory_space<vmem>>) target(%dma_start3A_313 : memref<10240x64xf32, #tpu.memory_space<vmem_shared>>) offsets(%dma_start3A_310 : memref<128xi32, #tpu.memory_space<vmem>>) semaphore(%dma_start3A_315 : memref<!tpu.dma_semaphore, #tpu.memory_space<semaphore_mem>>) {add = true}
      %add3A_316 = arith.constant 3 : i32
      %add3A_317 = arith.addi %add3A_283, %add3A_316 : i32
      %lt3A_318 = arith.constant 80 : i32
      %lt3A_319 = arith.cmpi slt, %add3A_317, %lt3A_318 : i32
      %convert_element_type3A_320 = arith.extui %lt3A_319 : i1 to i32
      %cond3A_321 = arith.constant 0 : i32
      %cond3A_322 = arith.cmpi ne, %convert_element_type3A_320, %cond3A_321 : i32
      scf.if %cond3A_322 {
        %ge3A = arith.constant 5 : i32
        %ge3A_366 = arith.cmpi sge, %add3A_317, %ge3A : i32
        %convert_element_type3A_367 = arith.extui %ge3A_366 : i1 to i32
        %cond3A_368 = arith.constant 0 : i32
        %cond3A_369 = arith.cmpi ne, %convert_element_type3A_367, %cond3A_368 : i32
        scf.if %cond3A_369 {
          %sub3A = arith.constant 5 : i32
          %sub3A_388 = arith.subi %add3A_317, %sub3A : i32
          %dma_wait3A_389 = arith.constant 1 : i32
          %dma_wait3A_390 = arith.constant 1 : i32
          %dma_wait3A_391 = arith.constant 0 : i32
          %dma_wait3A_392 = arith.constant 0 : i32
          %dma_wait3A_393 = tpu.memref_slice %arg8[%dma_wait3A_389, %dma_wait3A_391, %dma_wait3A_392] : memref<5x128x64xf32, #tpu.memory_space<vmem>> -> memref<1x128x64xf32, #tpu.memory_space<vmem>>
          %dma_wait3A_394 = tpu.memref_squeeze %dma_wait3A_393 : memref<1x128x64xf32, #tpu.memory_space<vmem>> -> memref<128x64xf32, #tpu.memory_space<vmem>>
          %dma_wait3A_395 = arith.constant 0 : i32
          %dma_wait3A_396 = tpu.memref_slice %arg7[%sub3A_388, %dma_wait3A_395] : memref<80x128xi32, #tpu.memory_space<vmem>> -> memref<1x128xi32, #tpu.memory_space<vmem>>
          %dma_wait3A_397 = tpu.memref_squeeze %dma_wait3A_396 : memref<1x128xi32, #tpu.memory_space<vmem>> -> memref<128xi32, #tpu.memory_space<vmem>>
          %dma_wait3A_398 = arith.constant 0 : i32
          %dma_wait3A_399 = arith.constant 0 : i32
          %dma_wait3A_400 = tpu.memref_slice %arg9[%dma_wait3A_398, %dma_wait3A_399] : memref<10240x64xf32, #tpu.memory_space<vmem_shared>> -> memref<10240x64xf32, #tpu.memory_space<vmem_shared>>
          %dma_wait3A_401 = tpu.memref_slice %arg11[%dma_wait3A_390] : memref<5x!tpu.dma_semaphore, #tpu.memory_space<semaphore_mem>> -> memref<1x!tpu.dma_semaphore, #tpu.memory_space<semaphore_mem>>
          %dma_wait3A_402 = tpu.memref_squeeze %dma_wait3A_401 : memref<1x!tpu.dma_semaphore, #tpu.memory_space<semaphore_mem>> -> memref<!tpu.dma_semaphore, #tpu.memory_space<semaphore_mem>>
          tpu.wait_indirect_dma semaphore(%dma_wait3A_402 : memref<!tpu.dma_semaphore, #tpu.memory_space<semaphore_mem>>) src(%dma_wait3A_394 : memref<128x64xf32, #tpu.memory_space<vmem>>) dst(%dma_wait3A_400 : memref<10240x64xf32, #tpu.memory_space<vmem_shared>>)
        } else {
        }
        %dma_start3A_370 = arith.constant 1 : i32
        %dma_start3A_371 = arith.constant 1 : i32
        %dma_start3A_372 = arith.constant 0 : i32
        %dma_start3A_373 = arith.constant 0 : i32
        %dma_start3A_374 = tpu.memref_slice %arg8[%dma_start3A_370, %dma_start3A_372, %dma_start3A_373] : memref<5x128x64xf32, #tpu.memory_space<vmem>> -> memref<1x128x64xf32, #tpu.memory_space<vmem>>
        %dma_start3A_375 = tpu.memref_squeeze %dma_start3A_374 : memref<1x128x64xf32, #tpu.memory_space<vmem>> -> memref<128x64xf32, #tpu.memory_space<vmem>>
        %dma_start3A_376 = arith.constant 0 : i32
        %dma_start3A_377 = tpu.memref_slice %arg6[%add3A_317, %dma_start3A_376] : memref<80x128xi32, #tpu.memory_space<vmem>> -> memref<1x128xi32, #tpu.memory_space<vmem>>
        %dma_start3A_378 = tpu.memref_squeeze %dma_start3A_377 : memref<1x128xi32, #tpu.memory_space<vmem>> -> memref<128xi32, #tpu.memory_space<vmem>>
        %dma_start3A_379 = arith.constant 0 : i32
        %dma_start3A_380 = arith.constant 0 : i32
        %dma_start3A_381 = tpu.memref_slice %arg2[%scan3A_67, %dma_start3A_379, %dma_start3A_380] : memref<1x10240x64xf32, #tpu.memory_space<hbm>> -> memref<1x10240x64xf32, #tpu.memory_space<hbm>>
        %dma_start3A_382 = tpu.memref_squeeze %dma_start3A_381 : memref<1x10240x64xf32, #tpu.memory_space<hbm>> -> memref<10240x64xf32, #tpu.memory_space<hbm>>
        %dma_start3A_383 = arith.constant 0 : i32
        %dma_start3A_384 = arith.constant 0 : i32
        %dma_start3A_385 = tpu.memref_slice %dma_start3A_382[%dma_start3A_383, %dma_start3A_384] : memref<10240x64xf32, #tpu.memory_space<hbm>> -> memref<10240x64xf32, #tpu.memory_space<hbm>>
        %dma_start3A_386 = tpu.memref_slice %arg10[%dma_start3A_371] : memref<5x!tpu.dma_semaphore, #tpu.memory_space<semaphore_mem>> -> memref<1x!tpu.dma_semaphore, #tpu.memory_space<semaphore_mem>>
        %dma_start3A_387 = tpu.memref_squeeze %dma_start3A_386 : memref<1x!tpu.dma_semaphore, #tpu.memory_space<semaphore_mem>> -> memref<!tpu.dma_semaphore, #tpu.memory_space<semaphore_mem>>
        tpu.enqueue_indirect_dma source(%dma_start3A_385 : memref<10240x64xf32, #tpu.memory_space<hbm>>) target(%dma_start3A_375 : memref<128x64xf32, #tpu.memory_space<vmem>>) offsets(%dma_start3A_378 : memref<128xi32, #tpu.memory_space<vmem>>) semaphore(%dma_start3A_387 : memref<!tpu.dma_semaphore, #tpu.memory_space<semaphore_mem>>)
      } else {
      }
      %mul3A_323 = arith.constant 5 : i32
      %mul3A_324 = arith.muli %scan3A_153, %mul3A_323 : i32
      %add3A_325 = arith.constant 4 : i32
      %add3A_326 = arith.addi %mul3A_324, %add3A_325 : i32
      %dma_wait3A_327 = arith.constant 4 : i32
      %dma_wait3A_328 = arith.constant 4 : i32
      %dma_wait3A_329 = arith.constant 0 : i32
      %dma_wait3A_330 = arith.constant 0 : i32
      %dma_wait3A_331 = tpu.memref_slice %arg8[%dma_wait3A_327, %dma_wait3A_329, %dma_wait3A_330] : memref<5x128x64xf32, #tpu.memory_space<vmem>> -> memref<1x128x64xf32, #tpu.memory_space<vmem>>
      %dma_wait3A_332 = tpu.memref_squeeze %dma_wait3A_331 : memref<1x128x64xf32, #tpu.memory_space<vmem>> -> memref<128x64xf32, #tpu.memory_space<vmem>>
      %dma_wait3A_333 = arith.constant 0 : i32
      %dma_wait3A_334 = tpu.memref_slice %arg6[%add3A_326, %dma_wait3A_333] : memref<80x128xi32, #tpu.memory_space<vmem>> -> memref<1x128xi32, #tpu.memory_space<vmem>>
      %dma_wait3A_335 = tpu.memref_squeeze %dma_wait3A_334 : memref<1x128xi32, #tpu.memory_space<vmem>> -> memref<128xi32, #tpu.memory_space<vmem>>
      %dma_wait3A_336 = arith.constant 0 : i32
      %dma_wait3A_337 = arith.constant 0 : i32
      %dma_wait3A_338 = tpu.memref_slice %arg2[%scan3A_67, %dma_wait3A_336, %dma_wait3A_337] : memref<1x10240x64xf32, #tpu.memory_space<hbm>> -> memref<1x10240x64xf32, #tpu.memory_space<hbm>>
      %dma_wait3A_339 = tpu.memref_squeeze %dma_wait3A_338 : memref<1x10240x64xf32, #tpu.memory_space<hbm>> -> memref<10240x64xf32, #tpu.memory_space<hbm>>
      %dma_wait3A_340 = arith.constant 0 : i32
      %dma_wait3A_341 = arith.constant 0 : i32
      %dma_wait3A_342 = tpu.memref_slice %dma_wait3A_339[%dma_wait3A_340, %dma_wait3A_341] : memref<10240x64xf32, #tpu.memory_space<hbm>> -> memref<10240x64xf32, #tpu.memory_space<hbm>>
      %dma_wait3A_343 = tpu.memref_slice %arg10[%dma_wait3A_328] : memref<5x!tpu.dma_semaphore, #tpu.memory_space<semaphore_mem>> -> memref<1x!tpu.dma_semaphore, #tpu.memory_space<semaphore_mem>>
      %dma_wait3A_344 = tpu.memref_squeeze %dma_wait3A_343 : memref<1x!tpu.dma_semaphore, #tpu.memory_space<semaphore_mem>> -> memref<!tpu.dma_semaphore, #tpu.memory_space<semaphore_mem>>
      tpu.wait_indirect_dma semaphore(%dma_wait3A_344 : memref<!tpu.dma_semaphore, #tpu.memory_space<semaphore_mem>>) src(%dma_wait3A_342 : memref<10240x64xf32, #tpu.memory_space<hbm>>) dst(%dma_wait3A_332 : memref<128x64xf32, #tpu.memory_space<vmem>>)
      %dma_start3A_345 = arith.constant 4 : i32
      %dma_start3A_346 = arith.constant 4 : i32
      %dma_start3A_347 = arith.constant 0 : i32
      %dma_start3A_348 = arith.constant 0 : i32
      %dma_start3A_349 = tpu.memref_slice %arg8[%dma_start3A_345, %dma_start3A_347, %dma_start3A_348] : memref<5x128x64xf32, #tpu.memory_space<vmem>> -> memref<1x128x64xf32, #tpu.memory_space<vmem>>
      %dma_start3A_350 = tpu.memref_squeeze %dma_start3A_349 : memref<1x128x64xf32, #tpu.memory_space<vmem>> -> memref<128x64xf32, #tpu.memory_space<vmem>>
      %dma_start3A_351 = arith.constant 0 : i32
      %dma_start3A_352 = tpu.memref_slice %arg7[%add3A_326, %dma_start3A_351] : memref<80x128xi32, #tpu.memory_space<vmem>> -> memref<1x128xi32, #tpu.memory_space<vmem>>
      %dma_start3A_353 = tpu.memref_squeeze %dma_start3A_352 : memref<1x128xi32, #tpu.memory_space<vmem>> -> memref<128xi32, #tpu.memory_space<vmem>>
      %dma_start3A_354 = arith.constant 0 : i32
      %dma_start3A_355 = arith.constant 0 : i32
      %dma_start3A_356 = tpu.memref_slice %arg9[%dma_start3A_354, %dma_start3A_355] : memref<10240x64xf32, #tpu.memory_space<vmem_shared>> -> memref<10240x64xf32, #tpu.memory_space<vmem_shared>>
      %dma_start3A_357 = tpu.memref_slice %arg11[%dma_start3A_346] : memref<5x!tpu.dma_semaphore, #tpu.memory_space<semaphore_mem>> -> memref<1x!tpu.dma_semaphore, #tpu.memory_space<semaphore_mem>>
      %dma_start3A_358 = tpu.memref_squeeze %dma_start3A_357 : memref<1x!tpu.dma_semaphore, #tpu.memory_space<semaphore_mem>> -> memref<!tpu.dma_semaphore, #tpu.memory_space<semaphore_mem>>
      tpu.enqueue_indirect_dma source(%dma_start3A_350 : memref<128x64xf32, #tpu.memory_space<vmem>>) target(%dma_start3A_356 : memref<10240x64xf32, #tpu.memory_space<vmem_shared>>) offsets(%dma_start3A_353 : memref<128xi32, #tpu.memory_space<vmem>>) semaphore(%dma_start3A_358 : memref<!tpu.dma_semaphore, #tpu.memory_space<semaphore_mem>>) {add = true}
      %add3A_359 = arith.constant 3 : i32
      %add3A_360 = arith.addi %add3A_326, %add3A_359 : i32
      %lt3A_361 = arith.constant 80 : i32
      %lt3A_362 = arith.cmpi slt, %add3A_360, %lt3A_361 : i32
      %convert_element_type3A_363 = arith.extui %lt3A_362 : i1 to i32
      %cond3A_364 = arith.constant 0 : i32
      %cond3A_365 = arith.cmpi ne, %convert_element_type3A_363, %cond3A_364 : i32
      scf.if %cond3A_365 {
        %ge3A = arith.constant 5 : i32
        %ge3A_366 = arith.cmpi sge, %add3A_360, %ge3A : i32
        %convert_element_type3A_367 = arith.extui %ge3A_366 : i1 to i32
        %cond3A_368 = arith.constant 0 : i32
        %cond3A_369 = arith.cmpi ne, %convert_element_type3A_367, %cond3A_368 : i32
        scf.if %cond3A_369 {
          %sub3A = arith.constant 5 : i32
          %sub3A_388 = arith.subi %add3A_360, %sub3A : i32
          %dma_wait3A_389 = arith.constant 2 : i32
          %dma_wait3A_390 = arith.constant 2 : i32
          %dma_wait3A_391 = arith.constant 0 : i32
          %dma_wait3A_392 = arith.constant 0 : i32
          %dma_wait3A_393 = tpu.memref_slice %arg8[%dma_wait3A_389, %dma_wait3A_391, %dma_wait3A_392] : memref<5x128x64xf32, #tpu.memory_space<vmem>> -> memref<1x128x64xf32, #tpu.memory_space<vmem>>
          %dma_wait3A_394 = tpu.memref_squeeze %dma_wait3A_393 : memref<1x128x64xf32, #tpu.memory_space<vmem>> -> memref<128x64xf32, #tpu.memory_space<vmem>>
          %dma_wait3A_395 = arith.constant 0 : i32
          %dma_wait3A_396 = tpu.memref_slice %arg7[%sub3A_388, %dma_wait3A_395] : memref<80x128xi32, #tpu.memory_space<vmem>> -> memref<1x128xi32, #tpu.memory_space<vmem>>
          %dma_wait3A_397 = tpu.memref_squeeze %dma_wait3A_396 : memref<1x128xi32, #tpu.memory_space<vmem>> -> memref<128xi32, #tpu.memory_space<vmem>>
          %dma_wait3A_398 = arith.constant 0 : i32
          %dma_wait3A_399 = arith.constant 0 : i32
          %dma_wait3A_400 = tpu.memref_slice %arg9[%dma_wait3A_398, %dma_wait3A_399] : memref<10240x64xf32, #tpu.memory_space<vmem_shared>> -> memref<10240x64xf32, #tpu.memory_space<vmem_shared>>
          %dma_wait3A_401 = tpu.memref_slice %arg11[%dma_wait3A_390] : memref<5x!tpu.dma_semaphore, #tpu.memory_space<semaphore_mem>> -> memref<1x!tpu.dma_semaphore, #tpu.memory_space<semaphore_mem>>
          %dma_wait3A_402 = tpu.memref_squeeze %dma_wait3A_401 : memref<1x!tpu.dma_semaphore, #tpu.memory_space<semaphore_mem>> -> memref<!tpu.dma_semaphore, #tpu.memory_space<semaphore_mem>>
          tpu.wait_indirect_dma semaphore(%dma_wait3A_402 : memref<!tpu.dma_semaphore, #tpu.memory_space<semaphore_mem>>) src(%dma_wait3A_394 : memref<128x64xf32, #tpu.memory_space<vmem>>) dst(%dma_wait3A_400 : memref<10240x64xf32, #tpu.memory_space<vmem_shared>>)
        } else {
        }
        %dma_start3A_370 = arith.constant 2 : i32
        %dma_start3A_371 = arith.constant 2 : i32
        %dma_start3A_372 = arith.constant 0 : i32
        %dma_start3A_373 = arith.constant 0 : i32
        %dma_start3A_374 = tpu.memref_slice %arg8[%dma_start3A_370, %dma_start3A_372, %dma_start3A_373] : memref<5x128x64xf32, #tpu.memory_space<vmem>> -> memref<1x128x64xf32, #tpu.memory_space<vmem>>
        %dma_start3A_375 = tpu.memref_squeeze %dma_start3A_374 : memref<1x128x64xf32, #tpu.memory_space<vmem>> -> memref<128x64xf32, #tpu.memory_space<vmem>>
        %dma_start3A_376 = arith.constant 0 : i32
        %dma_start3A_377 = tpu.memref_slice %arg6[%add3A_360, %dma_start3A_376] : memref<80x128xi32, #tpu.memory_space<vmem>> -> memref<1x128xi32, #tpu.memory_space<vmem>>
        %dma_start3A_378 = tpu.memref_squeeze %dma_start3A_377 : memref<1x128xi32, #tpu.memory_space<vmem>> -> memref<128xi32, #tpu.memory_space<vmem>>
        %dma_start3A_379 = arith.constant 0 : i32
        %dma_start3A_380 = arith.constant 0 : i32
        %dma_start3A_381 = tpu.memref_slice %arg2[%scan3A_67, %dma_start3A_379, %dma_start3A_380] : memref<1x10240x64xf32, #tpu.memory_space<hbm>> -> memref<1x10240x64xf32, #tpu.memory_space<hbm>>
        %dma_start3A_382 = tpu.memref_squeeze %dma_start3A_381 : memref<1x10240x64xf32, #tpu.memory_space<hbm>> -> memref<10240x64xf32, #tpu.memory_space<hbm>>
        %dma_start3A_383 = arith.constant 0 : i32
        %dma_start3A_384 = arith.constant 0 : i32
        %dma_start3A_385 = tpu.memref_slice %dma_start3A_382[%dma_start3A_383, %dma_start3A_384] : memref<10240x64xf32, #tpu.memory_space<hbm>> -> memref<10240x64xf32, #tpu.memory_space<hbm>>
        %dma_start3A_386 = tpu.memref_slice %arg10[%dma_start3A_371] : memref<5x!tpu.dma_semaphore, #tpu.memory_space<semaphore_mem>> -> memref<1x!tpu.dma_semaphore, #tpu.memory_space<semaphore_mem>>
        %dma_start3A_387 = tpu.memref_squeeze %dma_start3A_386 : memref<1x!tpu.dma_semaphore, #tpu.memory_space<semaphore_mem>> -> memref<!tpu.dma_semaphore, #tpu.memory_space<semaphore_mem>>
        tpu.enqueue_indirect_dma source(%dma_start3A_385 : memref<10240x64xf32, #tpu.memory_space<hbm>>) target(%dma_start3A_375 : memref<128x64xf32, #tpu.memory_space<vmem>>) offsets(%dma_start3A_378 : memref<128xi32, #tpu.memory_space<vmem>>) semaphore(%dma_start3A_387 : memref<!tpu.dma_semaphore, #tpu.memory_space<semaphore_mem>>)
      } else {
      }
    }
    %scan3A_72 = arith.constant 16 : i32
    %dma_wait3A = arith.constant 0 : i32
    %dma_wait3A_73 = arith.constant 75 : i32
    %dma_wait3A_74 = arith.constant 0 : i32
    %dma_wait3A_75 = arith.constant 0 : i32
    %dma_wait3A_76 = arith.constant 0 : i32
    %dma_wait3A_77 = tpu.memref_slice %arg8[%dma_wait3A, %dma_wait3A_75, %dma_wait3A_76] : memref<5x128x64xf32, #tpu.memory_space<vmem>> -> memref<1x128x64xf32, #tpu.memory_space<vmem>>
    %dma_wait3A_78 = tpu.memref_squeeze %dma_wait3A_77 : memref<1x128x64xf32, #tpu.memory_space<vmem>> -> memref<128x64xf32, #tpu.memory_space<vmem>>
    %dma_wait3A_79 = arith.constant 0 : i32
    %dma_wait3A_80 = tpu.memref_slice %arg7[%dma_wait3A_73, %dma_wait3A_79] : memref<80x128xi32, #tpu.memory_space<vmem>> -> memref<1x128xi32, #tpu.memory_space<vmem>>
    %dma_wait3A_81 = tpu.memref_squeeze %dma_wait3A_80 : memref<1x128xi32, #tpu.memory_space<vmem>> -> memref<128xi32, #tpu.memory_space<vmem>>
    %dma_wait3A_82 = arith.constant 0 : i32
    %dma_wait3A_83 = arith.constant 0 : i32
    %dma_wait3A_84 = tpu.memref_slice %arg9[%dma_wait3A_82, %dma_wait3A_83] : memref<10240x64xf32, #tpu.memory_space<vmem_shared>> -> memref<10240x64xf32, #tpu.memory_space<vmem_shared>>
    %dma_wait3A_85 = tpu.memref_slice %arg11[%dma_wait3A_74] : memref<5x!tpu.dma_semaphore, #tpu.memory_space<semaphore_mem>> -> memref<1x!tpu.dma_semaphore, #tpu.memory_space<semaphore_mem>>
    %dma_wait3A_86 = tpu.memref_squeeze %dma_wait3A_85 : memref<1x!tpu.dma_semaphore, #tpu.memory_space<semaphore_mem>> -> memref<!tpu.dma_semaphore, #tpu.memory_space<semaphore_mem>>
    tpu.wait_indirect_dma semaphore(%dma_wait3A_86 : memref<!tpu.dma_semaphore, #tpu.memory_space<semaphore_mem>>) src(%dma_wait3A_78 : memref<128x64xf32, #tpu.memory_space<vmem>>) dst(%dma_wait3A_84 : memref<10240x64xf32, #tpu.memory_space<vmem_shared>>)
    %dma_wait3A_87 = arith.constant 1 : i32
    %dma_wait3A_88 = arith.constant 76 : i32
    %dma_wait3A_89 = arith.constant 1 : i32
    %dma_wait3A_90 = arith.constant 0 : i32
    %dma_wait3A_91 = arith.constant 0 : i32
    %dma_wait3A_92 = tpu.memref_slice %arg8[%dma_wait3A_87, %dma_wait3A_90, %dma_wait3A_91] : memref<5x128x64xf32, #tpu.memory_space<vmem>> -> memref<1x128x64xf32, #tpu.memory_space<vmem>>
    %dma_wait3A_93 = tpu.memref_squeeze %dma_wait3A_92 : memref<1x128x64xf32, #tpu.memory_space<vmem>> -> memref<128x64xf32, #tpu.memory_space<vmem>>
    %dma_wait3A_94 = arith.constant 0 : i32
    %dma_wait3A_95 = tpu.memref_slice %arg7[%dma_wait3A_88, %dma_wait3A_94] : memref<80x128xi32, #tpu.memory_space<vmem>> -> memref<1x128xi32, #tpu.memory_space<vmem>>
    %dma_wait3A_96 = tpu.memref_squeeze %dma_wait3A_95 : memref<1x128xi32, #tpu.memory_space<vmem>> -> memref<128xi32, #tpu.memory_space<vmem>>
    %dma_wait3A_97 = arith.constant 0 : i32
    %dma_wait3A_98 = arith.constant 0 : i32
    %dma_wait3A_99 = tpu.memref_slice %arg9[%dma_wait3A_97, %dma_wait3A_98] : memref<10240x64xf32, #tpu.memory_space<vmem_shared>> -> memref<10240x64xf32, #tpu.memory_space<vmem_shared>>
    %dma_wait3A_100 = tpu.memref_slice %arg11[%dma_wait3A_89] : memref<5x!tpu.dma_semaphore, #tpu.memory_space<semaphore_mem>> -> memref<1x!tpu.dma_semaphore, #tpu.memory_space<semaphore_mem>>
    %dma_wait3A_101 = tpu.memref_squeeze %dma_wait3A_100 : memref<1x!tpu.dma_semaphore, #tpu.memory_space<semaphore_mem>> -> memref<!tpu.dma_semaphore, #tpu.memory_space<semaphore_mem>>
    tpu.wait_indirect_dma semaphore(%dma_wait3A_101 : memref<!tpu.dma_semaphore, #tpu.memory_space<semaphore_mem>>) src(%dma_wait3A_93 : memref<128x64xf32, #tpu.memory_space<vmem>>) dst(%dma_wait3A_99 : memref<10240x64xf32, #tpu.memory_space<vmem_shared>>)
    %dma_wait3A_102 = arith.constant 2 : i32
    %dma_wait3A_103 = arith.constant 77 : i32
    %dma_wait3A_104 = arith.constant 2 : i32
    %dma_wait3A_105 = arith.constant 0 : i32
    %dma_wait3A_106 = arith.constant 0 : i32
    %dma_wait3A_107 = tpu.memref_slice %arg8[%dma_wait3A_102, %dma_wait3A_105, %dma_wait3A_106] : memref<5x128x64xf32, #tpu.memory_space<vmem>> -> memref<1x128x64xf32, #tpu.memory_space<vmem>>
    %dma_wait3A_108 = tpu.memref_squeeze %dma_wait3A_107 : memref<1x128x64xf32, #tpu.memory_space<vmem>> -> memref<128x64xf32, #tpu.memory_space<vmem>>
    %dma_wait3A_109 = arith.constant 0 : i32
    %dma_wait3A_110 = tpu.memref_slice %arg7[%dma_wait3A_103, %dma_wait3A_109] : memref<80x128xi32, #tpu.memory_space<vmem>> -> memref<1x128xi32, #tpu.memory_space<vmem>>
    %dma_wait3A_111 = tpu.memref_squeeze %dma_wait3A_110 : memref<1x128xi32, #tpu.memory_space<vmem>> -> memref<128xi32, #tpu.memory_space<vmem>>
    %dma_wait3A_112 = arith.constant 0 : i32
    %dma_wait3A_113 = arith.constant 0 : i32
    %dma_wait3A_114 = tpu.memref_slice %arg9[%dma_wait3A_112, %dma_wait3A_113] : memref<10240x64xf32, #tpu.memory_space<vmem_shared>> -> memref<10240x64xf32, #tpu.memory_space<vmem_shared>>
    %dma_wait3A_115 = tpu.memref_slice %arg11[%dma_wait3A_104] : memref<5x!tpu.dma_semaphore, #tpu.memory_space<semaphore_mem>> -> memref<1x!tpu.dma_semaphore, #tpu.memory_space<semaphore_mem>>
    %dma_wait3A_116 = tpu.memref_squeeze %dma_wait3A_115 : memref<1x!tpu.dma_semaphore, #tpu.memory_space<semaphore_mem>> -> memref<!tpu.dma_semaphore, #tpu.memory_space<semaphore_mem>>
    tpu.wait_indirect_dma semaphore(%dma_wait3A_116 : memref<!tpu.dma_semaphore, #tpu.memory_space<semaphore_mem>>) src(%dma_wait3A_108 : memref<128x64xf32, #tpu.memory_space<vmem>>) dst(%dma_wait3A_114 : memref<10240x64xf32, #tpu.memory_space<vmem_shared>>)
    %dma_wait3A_117 = arith.constant 3 : i32
    %dma_wait3A_118 = arith.constant 78 : i32
    %dma_wait3A_119 = arith.constant 3 : i32
    %dma_wait3A_120 = arith.constant 0 : i32
    %dma_wait3A_121 = arith.constant 0 : i32
    %dma_wait3A_122 = tpu.memref_slice %arg8[%dma_wait3A_117, %dma_wait3A_120, %dma_wait3A_121] : memref<5x128x64xf32, #tpu.memory_space<vmem>> -> memref<1x128x64xf32, #tpu.memory_space<vmem>>
    %dma_wait3A_123 = tpu.memref_squeeze %dma_wait3A_122 : memref<1x128x64xf32, #tpu.memory_space<vmem>> -> memref<128x64xf32, #tpu.memory_space<vmem>>
    %dma_wait3A_124 = arith.constant 0 : i32
    %dma_wait3A_125 = tpu.memref_slice %arg7[%dma_wait3A_118, %dma_wait3A_124] : memref<80x128xi32, #tpu.memory_space<vmem>> -> memref<1x128xi32, #tpu.memory_space<vmem>>
    %dma_wait3A_126 = tpu.memref_squeeze %dma_wait3A_125 : memref<1x128xi32, #tpu.memory_space<vmem>> -> memref<128xi32, #tpu.memory_space<vmem>>
    %dma_wait3A_127 = arith.constant 0 : i32
    %dma_wait3A_128 = arith.constant 0 : i32
    %dma_wait3A_129 = tpu.memref_slice %arg9[%dma_wait3A_127, %dma_wait3A_128] : memref<10240x64xf32, #tpu.memory_space<vmem_shared>> -> memref<10240x64xf32, #tpu.memory_space<vmem_shared>>
    %dma_wait3A_130 = tpu.memref_slice %arg11[%dma_wait3A_119] : memref<5x!tpu.dma_semaphore, #tpu.memory_space<semaphore_mem>> -> memref<1x!tpu.dma_semaphore, #tpu.memory_space<semaphore_mem>>
    %dma_wait3A_131 = tpu.memref_squeeze %dma_wait3A_130 : memref<1x!tpu.dma_semaphore, #tpu.memory_space<semaphore_mem>> -> memref<!tpu.dma_semaphore, #tpu.memory_space<semaphore_mem>>
    tpu.wait_indirect_dma semaphore(%dma_wait3A_131 : memref<!tpu.dma_semaphore, #tpu.memory_space<semaphore_mem>>) src(%dma_wait3A_123 : memref<128x64xf32, #tpu.memory_space<vmem>>) dst(%dma_wait3A_129 : memref<10240x64xf32, #tpu.memory_space<vmem_shared>>)
    %dma_wait3A_132 = arith.constant 4 : i32
    %dma_wait3A_133 = arith.constant 79 : i32
    %dma_wait3A_134 = arith.constant 4 : i32
    %dma_wait3A_135 = arith.constant 0 : i32
    %dma_wait3A_136 = arith.constant 0 : i32
    %dma_wait3A_137 = tpu.memref_slice %arg8[%dma_wait3A_132, %dma_wait3A_135, %dma_wait3A_136] : memref<5x128x64xf32, #tpu.memory_space<vmem>> -> memref<1x128x64xf32, #tpu.memory_space<vmem>>
    %dma_wait3A_138 = tpu.memref_squeeze %dma_wait3A_137 : memref<1x128x64xf32, #tpu.memory_space<vmem>> -> memref<128x64xf32, #tpu.memory_space<vmem>>
    %dma_wait3A_139 = arith.constant 0 : i32
    %dma_wait3A_140 = tpu.memref_slice %arg7[%dma_wait3A_133, %dma_wait3A_139] : memref<80x128xi32, #tpu.memory_space<vmem>> -> memref<1x128xi32, #tpu.memory_space<vmem>>
    %dma_wait3A_141 = tpu.memref_squeeze %dma_wait3A_140 : memref<1x128xi32, #tpu.memory_space<vmem>> -> memref<128xi32, #tpu.memory_space<vmem>>
    %dma_wait3A_142 = arith.constant 0 : i32
    %dma_wait3A_143 = arith.constant 0 : i32
    %dma_wait3A_144 = tpu.memref_slice %arg9[%dma_wait3A_142, %dma_wait3A_143] : memref<10240x64xf32, #tpu.memory_space<vmem_shared>> -> memref<10240x64xf32, #tpu.memory_space<vmem_shared>>
    %dma_wait3A_145 = tpu.memref_slice %arg11[%dma_wait3A_134] : memref<5x!tpu.dma_semaphore, #tpu.memory_space<semaphore_mem>> -> memref<1x!tpu.dma_semaphore, #tpu.memory_space<semaphore_mem>>
    %dma_wait3A_146 = tpu.memref_squeeze %dma_wait3A_145 : memref<1x!tpu.dma_semaphore, #tpu.memory_space<semaphore_mem>> -> memref<!tpu.dma_semaphore, #tpu.memory_space<semaphore_mem>>
    tpu.wait_indirect_dma semaphore(%dma_wait3A_146 : memref<!tpu.dma_semaphore, #tpu.memory_space<semaphore_mem>>) src(%dma_wait3A_138 : memref<128x64xf32, #tpu.memory_space<vmem>>) dst(%dma_wait3A_144 : memref<10240x64xf32, #tpu.memory_space<vmem_shared>>)
    %barrier3A_147 = arith.constant 0 : index
    tpu.barrier barrier_id(%barrier3A_147)
    %mul3A_148 = arith.constant 640 : i32
    %mul3A_149 = arith.muli %arg1, %mul3A_148 : i32
    %mul3A_150 = arith.constant 640 : i32
    %mul3A_151 = arith.muli %arg1, %mul3A_150 : i32
    %run_scoped3A_152 = arith.constant 0 : i32
    "tpu.region"() ({
      %run_scoped3A_153 = tpu.sem_alloc : memref<!tpu.dma_semaphore, #tpu.memory_space<semaphore_mem>>
      %dma_start3A_154 = arith.constant 0 : i32
      %dma_start3A_155 = arith.constant 0 : i32
      %dma_start3A_156 = arith.constant 0 : i32
      %dma_start3A_157 = tpu.memref_slice %arg5[%arg0, %dma_start3A_154, %dma_start3A_155, %dma_start3A_156] : memref<2x1x10240x64xf32, #tpu.memory_space<hbm>> -> memref<1x1x10240x64xf32, #tpu.memory_space<hbm>>
      %dma_start3A_158 = tpu.memref_squeeze %dma_start3A_157 : memref<1x1x10240x64xf32, #tpu.memory_space<hbm>> -> memref<1x10240x64xf32, #tpu.memory_space<hbm>>
      %dma_start3A_159 = arith.constant 0 : i32
      %dma_start3A_160 = arith.constant 0 : i32
      %dma_start3A_161 = tpu.memref_slice %dma_start3A_158[%run_scoped3A_152, %dma_start3A_159, %dma_start3A_160] : memref<1x10240x64xf32, #tpu.memory_space<hbm>> -> memref<1x10240x64xf32, #tpu.memory_space<hbm>>
      %dma_start3A_162 = tpu.memref_squeeze %dma_start3A_161 : memref<1x10240x64xf32, #tpu.memory_space<hbm>> -> memref<10240x64xf32, #tpu.memory_space<hbm>>
      %dma_start3A_163 = arith.constant 0 : i32
      %dma_start3A_164 = tpu.memref_slice %dma_start3A_162[%mul3A_151, %dma_start3A_163] : memref<10240x64xf32, #tpu.memory_space<hbm>> -> memref<640x64xf32, #tpu.memory_space<hbm>>
      %dma_start3A_165 = arith.constant 0 : i32
      %dma_start3A_166 = tpu.memref_slice %arg9[%mul3A_149, %dma_start3A_165] : memref<10240x64xf32, #tpu.memory_space<vmem_shared>> -> memref<640x64xf32, #tpu.memory_space<vmem_shared>>
      tpu.enqueue_dma source(%dma_start3A_166 : memref<640x64xf32, #tpu.memory_space<vmem_shared>>) target(%dma_start3A_164 : memref<640x64xf32, #tpu.memory_space<hbm>>) target_semaphore(%run_scoped3A_153 : memref<!tpu.dma_semaphore, #tpu.memory_space<semaphore_mem>>)
      %dma_wait3A_167 = arith.constant 0 : i32
      %dma_wait3A_168 = arith.constant 0 : i32
      %dma_wait3A_169 = arith.constant 0 : i32
      %dma_wait3A_170 = tpu.memref_slice %arg5[%arg0, %dma_wait3A_167, %dma_wait3A_168, %dma_wait3A_169] : memref<2x1x10240x64xf32, #tpu.memory_space<hbm>> -> memref<1x1x10240x64xf32, #tpu.memory_space<hbm>>
      %dma_wait3A_171 = tpu.memref_squeeze %dma_wait3A_170 : memref<1x1x10240x64xf32, #tpu.memory_space<hbm>> -> memref<1x10240x64xf32, #tpu.memory_space<hbm>>
      %dma_wait3A_172 = arith.constant 0 : i32
      %dma_wait3A_173 = arith.constant 0 : i32
      %dma_wait3A_174 = tpu.memref_slice %dma_wait3A_171[%run_scoped3A_152, %dma_wait3A_172, %dma_wait3A_173] : memref<1x10240x64xf32, #tpu.memory_space<hbm>> -> memref<1x10240x64xf32, #tpu.memory_space<hbm>>
      %dma_wait3A_175 = tpu.memref_squeeze %dma_wait3A_174 : memref<1x10240x64xf32, #tpu.memory_space<hbm>> -> memref<10240x64xf32, #tpu.memory_space<hbm>>
      %dma_wait3A_176 = arith.constant 0 : i32
      %dma_wait3A_177 = tpu.memref_slice %dma_wait3A_175[%mul3A_151, %dma_wait3A_176] : memref<10240x64xf32, #tpu.memory_space<hbm>> -> memref<640x64xf32, #tpu.memory_space<hbm>>
      %dma_wait3A_178 = arith.constant 0 : i32
      %dma_wait3A_179 = tpu.memref_slice %arg9[%mul3A_149, %dma_wait3A_178] : memref<10240x64xf32, #tpu.memory_space<vmem_shared>> -> memref<640x64xf32, #tpu.memory_space<vmem_shared>>
      tpu.wait_dma2 semaphore(%run_scoped3A_153 : memref<!tpu.dma_semaphore, #tpu.memory_space<semaphore_mem>>) src(%dma_wait3A_179 : memref<640x64xf32, #tpu.memory_space<vmem_shared>>) dst(%dma_wait3A_177 : memref<640x64xf32, #tpu.memory_space<hbm>>)
      tpu.yield
    }) : () -> ()
    return
  }
}

module attributes {stable_mosaic.version = 14 : i64} {
  func.func @_tc1a_body(%arg0: i32, %arg1: memref<1024x128xf32, #tpu.memory_space<vmem>>, %arg2: memref<128x128xf32, #tpu.memory_space<vmem>>, %arg3: memref<1024x128xf32, #tpu.memory_space<vmem>>) attributes {dimension_semantics = [#tpu.dimension_semantics<arbitrary>], iteration_bounds = array<i64: 10>, scalar_prefetch = 0 : i64, scratch_operands = 0 : i64, tpu.core_type = #tpu.core_type<tc>, window_params = [{transform_indices = @transform_0, window_bounds = array<i64: 1024, 128>}, {pipeline_mode = #tpu.pipeline_mode<synchronous>, transform_indices = @transform_1, window_bounds = array<i64: 128, 128>}, {transform_indices = @transform_2, window_bounds = array<i64: 1024, 128>}]} {
    %get3A = arith.constant 0 : index
    %get3A_0 = arith.constant 0 : index
    %get3A_1 = vector.load %arg1[%get3A, %get3A_0] : memref<1024x128xf32, #tpu.memory_space<vmem>>, vector<1024x128xf32>
    %get3A_2 = arith.constant 0 : index
    %get3A_3 = arith.constant 0 : index
    %get3A_4 = vector.load %arg2[%get3A_2, %get3A_3] : memref<128x128xf32, #tpu.memory_space<vmem>>, vector<128x128xf32>
    %dot_general3A = arith.constant dense<0.000000e+00> : vector<1024x128xf32>
    %dot_general3A_5 = tpu.matmul %get3A_1, %get3A_4, %dot_general3A {dimension_numbers = #tpu.dot_dimension_numbers<[1], [0], [0], [1], [0, 0, 1, 1], [], []>, transpose_lhs_hint = false} : vector<1024x128xf32>, vector<128x128xf32>, vector<1024x128xf32> -> vector<1024x128xf32>
    %swap3A = arith.constant 0 : index
    %swap3A_6 = arith.constant 0 : index
    %swap3A_7 = vector.load %arg3[%swap3A, %swap3A_6] : memref<1024x128xf32, #tpu.memory_space<vmem>>, vector<1024x128xf32>
    tpu.vector_store %arg3[%swap3A, %swap3A_6], %dot_general3A_5 {strides = array<i32>} : memref<1024x128xf32, #tpu.memory_space<vmem>>, vector<1024x128xf32>,
    return
  }
  func.func @transform_0(%arg0: i32) -> (i32, i32) {
    %c0_i32 = arith.constant 0 : i32
    %c0_i32_0 = arith.constant 0 : i32
    return %arg0, %c0_i32 : i32, i32
  }
  func.func @transform_1(%arg0: i32) -> (i32, i32) {
    %c0_i32 = arith.constant 0 : i32
    %c0_i32_0 = arith.constant 0 : i32
    %c0_i32_1 = arith.constant 0 : i32
    return %c0_i32, %c0_i32_0 : i32, i32
  }
  func.func @transform_2(%arg0: i32) -> (i32, i32) {
    %c0_i32 = arith.constant 0 : i32
    %c0_i32_0 = arith.constant 0 : i32
    return %arg0, %c0_i32 : i32, i32
  }
}

module attributes {stable_mosaic.version = 14 : i64} {
  func.func @_tc1_body(%arg0: i32, %arg1: memref<32x1024xf32, #tpu.memory_space<vmem>>, %arg2: memref<1024x128xf32, #tpu.memory_space<vmem>>, %arg3: memref<2x1024x64xf32, #tpu.memory_space<vmem>>, %arg4: memref<1024x1xf32, #tpu.memory_space<vmem>>) attributes {dimension_semantics = [#tpu.dimension_semantics<arbitrary>], iteration_bounds = array<i64: 10>, scalar_prefetch = 0 : i64, scratch_operands = 0 : i64, tpu.core_type = #tpu.core_type<tc>, window_params = [{transform_indices = @transform_0, window_bounds = array<i64: 32, 1024>}, {transform_indices = @transform_1, window_bounds = array<i64: 1024, 128>}, {transform_indices = @transform_2, window_bounds = array<i64: 2, 1024, 64>}, {transform_indices = @transform_3, window_bounds = array<i64: 1024, 1>}]} {
    %get3A = arith.constant 0 : index
    %get3A_0 = arith.constant 0 : index
    %get3A_1 = vector.load %arg1[%get3A, %get3A_0] : memref<32x1024xf32, #tpu.memory_space<vmem>>, vector<32x1024xf32>
    %reduce_sum3A = arith.constant dense<0.000000e+00> : vector<1024xf32>
    %reduce_sum3A_2 = vector.multi_reduction <add>, %get3A_1, %reduce_sum3A [0] : vector<32x1024xf32> to vector<1024xf32>
    %broadcast_in_dim3A = vector.shape_cast %reduce_sum3A_2 : vector<1024xf32> to vector<1024x1xf32>
    %add3A = arith.constant 1.000000e+00 : f32
    %add3A_3 = vector.broadcast %add3A : f32 to vector<1024x1xf32>
    %add3A_4 = arith.addf %broadcast_in_dim3A, %add3A_3 : vector<1024x1xf32>
    %rsqrt3A = math.rsqrt %add3A_4 : vector<1024x1xf32>
    %swap3A = arith.constant 0 : index
    %swap3A_5 = arith.constant 0 : index
    %swap3A_6 = vector.load %arg4[%swap3A, %swap3A_5] : memref<1024x1xf32, #tpu.memory_space<vmem>>, vector<1024x1xf32>
    tpu.vector_store %arg4[%swap3A, %swap3A_5], %rsqrt3A {strides = array<i32>} : memref<1024x1xf32, #tpu.memory_space<vmem>>, vector<1024x1xf32>,
    %get3A_7 = arith.constant 0 : index
    %get3A_8 = arith.constant 0 : index
    %get3A_9 = vector.load %arg2[%get3A_7, %get3A_8] : memref<1024x128xf32, #tpu.memory_space<vmem>>, vector<1024x128xf32>
    %mul3A = vector.broadcast %rsqrt3A : vector<1024x1xf32> to vector<1024x128xf32>
    %mul3A_10 = arith.mulf %get3A_9, %mul3A : vector<1024x128xf32>
    %slice3A = vector.extract_strided_slice %mul3A_10 {offsets = [0, 0], sizes = [1024, 64], strides = [1, 1]} : vector<1024x128xf32> to vector<1024x64xf32>
    %swap3A_11 = arith.constant 0 : index
    %swap3A_12 = arith.constant 0 : index
    %swap3A_13 = arith.constant 0 : index
    %swap3A_14 = vector.load %arg3[%swap3A_11, %swap3A_12, %swap3A_13] : memref<2x1024x64xf32, #tpu.memory_space<vmem>>, vector<1x1024x64xf32>
    %swap3A_15 = vector.shape_cast %swap3A_14 : vector<1x1024x64xf32> to vector<1024x64xf32>
    %swap3A_16 = vector.shape_cast %slice3A : vector<1024x64xf32> to vector<1x1024x64xf32>
    tpu.vector_store %arg3[%swap3A_11, %swap3A_12, %swap3A_13], %swap3A_16 {strides = array<i32>} : memref<2x1024x64xf32, #tpu.memory_space<vmem>>, vector<1x1024x64xf32>,
    %slice3A_17 = vector.extract_strided_slice %mul3A_10 {offsets = [0, 64], sizes = [1024, 64], strides = [1, 1]} : vector<1024x128xf32> to vector<1024x64xf32>
    %swap3A_18 = arith.constant 1 : index
    %swap3A_19 = arith.constant 0 : index
    %swap3A_20 = arith.constant 0 : index
    %swap3A_21 = vector.load %arg3[%swap3A_18, %swap3A_19, %swap3A_20] : memref<2x1024x64xf32, #tpu.memory_space<vmem>>, vector<1x1024x64xf32>
    %swap3A_22 = vector.shape_cast %swap3A_21 : vector<1x1024x64xf32> to vector<1024x64xf32>
    %swap3A_23 = vector.shape_cast %slice3A_17 : vector<1024x64xf32> to vector<1x1024x64xf32>
    tpu.vector_store %arg3[%swap3A_18, %swap3A_19, %swap3A_20], %swap3A_23 {strides = array<i32>} : memref<2x1024x64xf32, #tpu.memory_space<vmem>>, vector<1x1024x64xf32>,
    return
  }
  func.func @transform_0(%arg0: i32) -> (i32, i32) {
    %c0_i32 = arith.constant 0 : i32
    %c0_i32_0 = arith.constant 0 : i32
    return %c0_i32, %arg0 : i32, i32
  }
  func.func @transform_1(%arg0: i32) -> (i32, i32) {
    %c0_i32 = arith.constant 0 : i32
    %c0_i32_0 = arith.constant 0 : i32
    return %arg0, %c0_i32 : i32, i32
  }
  func.func @transform_2(%arg0: i32) -> (i32, i32, i32) {
    %c0_i32 = arith.constant 0 : i32
    %c0_i32_0 = arith.constant 0 : i32
    %c0_i32_1 = arith.constant 0 : i32
    return %c0_i32, %arg0, %c0_i32_0 : i32, i32, i32
  }
  func.func @transform_3(%arg0: i32) -> (i32, i32) {
    %c0_i32 = arith.constant 0 : i32
    %c0_i32_0 = arith.constant 0 : i32
    return %arg0, %c0_i32 : i32, i32
  }
}

module attributes {stable_mosaic.version = 14 : i64} {
  func.func @_tc2_body(%arg0: i32, %arg1: memref<2x2x1024x64xf32, #tpu.memory_space<vmem>>, %arg2: memref<2x1024x64xf32, #tpu.memory_space<vmem>>, %arg3: memref<1024x1xf32, #tpu.memory_space<vmem>>, %arg4: memref<1x128xf32, #tpu.memory_space<vmem>>, %arg5: memref<128x64xf32, #tpu.memory_space<vmem>>, %arg6: memref<1x1024x64xf32, #tpu.memory_space<vmem>>) attributes {dimension_semantics = [#tpu.dimension_semantics<arbitrary>], iteration_bounds = array<i64: 10>, scalar_prefetch = 0 : i64, scratch_operands = 0 : i64, tpu.core_type = #tpu.core_type<tc>, window_params = [{transform_indices = @transform_0, window_bounds = array<i64: 2, 2, 1024, 64>}, {transform_indices = @transform_1, window_bounds = array<i64: 2, 1024, 64>}, {transform_indices = @transform_2, window_bounds = array<i64: 1024, 1>}, {pipeline_mode = #tpu.pipeline_mode<synchronous>, transform_indices = @transform_3, window_bounds = array<i64: 1, 128>}, {pipeline_mode = #tpu.pipeline_mode<synchronous>, transform_indices = @transform_4, window_bounds = array<i64: 128, 64>}, {transform_indices = @transform_5, window_bounds = array<i64: 1, 1024, 64>}]} {
    %get3A = arith.constant 0 : index
    %get3A_0 = arith.constant 0 : index
    %get3A_1 = arith.constant 0 : index
    %get3A_2 = arith.constant 0 : index
    %get3A_3 = vector.load %arg1[%get3A, %get3A_0, %get3A_1, %get3A_2] : memref<2x2x1024x64xf32, #tpu.memory_space<vmem>>, vector<1x1x1024x64xf32>
    %get3A_4 = vector.shape_cast %get3A_3 : vector<1x1x1024x64xf32> to vector<1024x64xf32>
    %get3A_5 = arith.constant 1 : index
    %get3A_6 = arith.constant 0 : index
    %get3A_7 = arith.constant 0 : index
    %get3A_8 = arith.constant 0 : index
    %get3A_9 = vector.load %arg1[%get3A_5, %get3A_6, %get3A_7, %get3A_8] : memref<2x2x1024x64xf32, #tpu.memory_space<vmem>>, vector<1x1x1024x64xf32>
    %get3A_10 = vector.shape_cast %get3A_9 : vector<1x1x1024x64xf32> to vector<1024x64xf32>
    %add3A = arith.addf %get3A_4, %get3A_10 : vector<1024x64xf32>
    %get3A_11 = arith.constant 0 : index
    %get3A_12 = arith.constant 0 : index
    %get3A_13 = arith.constant 0 : index
    %get3A_14 = vector.load %arg2[%get3A_11, %get3A_12, %get3A_13] : memref<2x1024x64xf32, #tpu.memory_space<vmem>>, vector<1x1024x64xf32>
    %get3A_15 = vector.shape_cast %get3A_14 : vector<1x1024x64xf32> to vector<1024x64xf32>
    %sub3A = arith.subf %add3A, %get3A_15 : vector<1024x64xf32>
    %get3A_16 = arith.constant 0 : index
    %get3A_17 = arith.constant 1 : index
    %get3A_18 = arith.constant 0 : index
    %get3A_19 = arith.constant 0 : index
    %get3A_20 = vector.load %arg1[%get3A_16, %get3A_17, %get3A_18, %get3A_19] : memref<2x2x1024x64xf32, #tpu.memory_space<vmem>>, vector<1x1x1024x64xf32>
    %get3A_21 = vector.shape_cast %get3A_20 : vector<1x1x1024x64xf32> to vector<1024x64xf32>
    %get3A_22 = arith.constant 1 : index
    %get3A_23 = arith.constant 1 : index
    %get3A_24 = arith.constant 0 : index
    %get3A_25 = arith.constant 0 : index
    %get3A_26 = vector.load %arg1[%get3A_22, %get3A_23, %get3A_24, %get3A_25] : memref<2x2x1024x64xf32, #tpu.memory_space<vmem>>, vector<1x1x1024x64xf32>
    %get3A_27 = vector.shape_cast %get3A_26 : vector<1x1x1024x64xf32> to vector<1024x64xf32>
    %add3A_28 = arith.addf %get3A_21, %get3A_27 : vector<1024x64xf32>
    %get3A_29 = arith.constant 1 : index
    %get3A_30 = arith.constant 0 : index
    %get3A_31 = arith.constant 0 : index
    %get3A_32 = vector.load %arg2[%get3A_29, %get3A_30, %get3A_31] : memref<2x1024x64xf32, #tpu.memory_space<vmem>>, vector<1x1024x64xf32>
    %get3A_33 = vector.shape_cast %get3A_32 : vector<1x1024x64xf32> to vector<1024x64xf32>
    %sub3A_34 = arith.subf %add3A_28, %get3A_33 : vector<1024x64xf32>
    %concatenate3A = tpu.concatenate %sub3A, %sub3A_34 in 1 : vector<1024x64xf32>, vector<1024x64xf32> -> vector<1024x128xf32>
    %get3A_35 = arith.constant 0 : index
    %get3A_36 = arith.constant 0 : index
    %get3A_37 = vector.load %arg3[%get3A_35, %get3A_36] : memref<1024x1xf32, #tpu.memory_space<vmem>>, vector<1024x1xf32>
    %mul3A = vector.broadcast %get3A_37 : vector<1024x1xf32> to vector<1024x128xf32>
    %mul3A_38 = arith.mulf %mul3A, %concatenate3A : vector<1024x128xf32>
    %get3A_39 = arith.constant 0 : index
    %get3A_40 = arith.constant 0 : index
    %get3A_41 = vector.load %arg4[%get3A_39, %get3A_40] : memref<1x128xf32, #tpu.memory_space<vmem>>, vector<1x128xf32>
    %add3A_42 = vector.broadcast %get3A_41 : vector<1x128xf32> to vector<1024x128xf32>
    %add3A_43 = arith.addf %mul3A_38, %add3A_42 : vector<1024x128xf32>
    %max3A = arith.constant 0.000000e+00 : f32
    %max3A_44 = vector.broadcast %max3A : f32 to vector<1024x128xf32>
    %max3A_45 = arith.maximumf %add3A_43, %max3A_44 : vector<1024x128xf32>
    %get3A_46 = arith.constant 0 : index
    %get3A_47 = arith.constant 0 : index
    %get3A_48 = vector.load %arg5[%get3A_46, %get3A_47] : memref<128x64xf32, #tpu.memory_space<vmem>>, vector<128x64xf32>
    %dot_general3A = arith.constant dense<0.000000e+00> : vector<1024x64xf32>
    %dot_general3A_49 = tpu.matmul %max3A_45, %get3A_48, %dot_general3A {dimension_numbers = #tpu.dot_dimension_numbers<[1], [0], [0], [1], [0, 0, 1, 1], [], []>, transpose_lhs_hint = false} : vector<1024x128xf32>, vector<128x64xf32>, vector<1024x64xf32> -> vector<1024x64xf32>
    %mul3A_50 = vector.broadcast %get3A_37 : vector<1024x1xf32> to vector<1024x64xf32>
    %mul3A_51 = arith.mulf %dot_general3A_49, %mul3A_50 : vector<1024x64xf32>
    %swap3A = arith.constant 0 : index
    %swap3A_52 = arith.constant 0 : index
    %swap3A_53 = arith.constant 0 : index
    %swap3A_54 = vector.load %arg6[%swap3A, %swap3A_52, %swap3A_53] : memref<1x1024x64xf32, #tpu.memory_space<vmem>>, vector<1x1024x64xf32>
    %swap3A_55 = vector.shape_cast %swap3A_54 : vector<1x1024x64xf32> to vector<1024x64xf32>
    %swap3A_56 = vector.shape_cast %mul3A_51 : vector<1024x64xf32> to vector<1x1024x64xf32>
    tpu.vector_store %arg6[%swap3A, %swap3A_52, %swap3A_53], %swap3A_56 {strides = array<i32>} : memref<1x1024x64xf32, #tpu.memory_space<vmem>>, vector<1x1024x64xf32>,
    return
  }
  func.func @transform_0(%arg0: i32) -> (i32, i32, i32, i32) {
    %c0_i32 = arith.constant 0 : i32
    %c0_i32_0 = arith.constant 0 : i32
    %c0_i32_1 = arith.constant 0 : i32
    %c0_i32_2 = arith.constant 0 : i32
    return %c0_i32, %c0_i32_0, %arg0, %c0_i32_1 : i32, i32, i32, i32
  }
  func.func @transform_1(%arg0: i32) -> (i32, i32, i32) {
    %c0_i32 = arith.constant 0 : i32
    %c0_i32_0 = arith.constant 0 : i32
    %c0_i32_1 = arith.constant 0 : i32
    return %c0_i32, %arg0, %c0_i32_0 : i32, i32, i32
  }
  func.func @transform_2(%arg0: i32) -> (i32, i32) {
    %c0_i32 = arith.constant 0 : i32
    %c0_i32_0 = arith.constant 0 : i32
    return %arg0, %c0_i32 : i32, i32
  }
  func.func @transform_3(%arg0: i32) -> (i32, i32) {
    %c0_i32 = arith.constant 0 : i32
    %c0_i32_0 = arith.constant 0 : i32
    %c0_i32_1 = arith.constant 0 : i32
    return %c0_i32, %c0_i32_0 : i32, i32
  }
  func.func @transform_4(%arg0: i32) -> (i32, i32) {
    %c0_i32 = arith.constant 0 : i32
    %c0_i32_0 = arith.constant 0 : i32
    %c0_i32_1 = arith.constant 0 : i32
    return %c0_i32, %c0_i32_0 : i32, i32
  }
  func.func @transform_5(%arg0: i32) -> (i32, i32, i32) {
    %c0_i32 = arith.constant 0 : i32
    %c0_i32_0 = arith.constant 0 : i32
    %c0_i32_1 = arith.constant 0 : i32
    return %c0_i32, %arg0, %c0_i32_0 : i32, i32, i32
  }
}

module attributes {stable_mosaic.version = 14 : i64} {
  func.func @_tc3_body(%arg0: i32, %arg1: memref<2x1x1024x64xf32, #tpu.memory_space<vmem>>, %arg2: memref<1x1024x64xf32, #tpu.memory_space<vmem>>, %arg3: memref<1024x1xf32, #tpu.memory_space<vmem>>, %arg4: memref<1x64xf32, #tpu.memory_space<vmem>>, %arg5: memref<1024x64xf32, #tpu.memory_space<vmem>>) attributes {dimension_semantics = [#tpu.dimension_semantics<arbitrary>], iteration_bounds = array<i64: 10>, scalar_prefetch = 0 : i64, scratch_operands = 0 : i64, tpu.core_type = #tpu.core_type<tc>, window_params = [{transform_indices = @transform_0, window_bounds = array<i64: 2, 1, 1024, 64>}, {transform_indices = @transform_1, window_bounds = array<i64: 1, 1024, 64>}, {transform_indices = @transform_2, window_bounds = array<i64: 1024, 1>}, {pipeline_mode = #tpu.pipeline_mode<synchronous>, transform_indices = @transform_3, window_bounds = array<i64: 1, 64>}, {transform_indices = @transform_4, window_bounds = array<i64: 1024, 64>}]} {
    %get3A = arith.constant 0 : index
    %get3A_0 = arith.constant 0 : index
    %get3A_1 = arith.constant 0 : index
    %get3A_2 = arith.constant 0 : index
    %get3A_3 = vector.load %arg1[%get3A, %get3A_0, %get3A_1, %get3A_2] : memref<2x1x1024x64xf32, #tpu.memory_space<vmem>>, vector<1x1x1024x64xf32>
    %get3A_4 = vector.shape_cast %get3A_3 : vector<1x1x1024x64xf32> to vector<1024x64xf32>
    %get3A_5 = arith.constant 1 : index
    %get3A_6 = arith.constant 0 : index
    %get3A_7 = arith.constant 0 : index
    %get3A_8 = arith.constant 0 : index
    %get3A_9 = vector.load %arg1[%get3A_5, %get3A_6, %get3A_7, %get3A_8] : memref<2x1x1024x64xf32, #tpu.memory_space<vmem>>, vector<1x1x1024x64xf32>
    %get3A_10 = vector.shape_cast %get3A_9 : vector<1x1x1024x64xf32> to vector<1024x64xf32>
    %add3A = arith.addf %get3A_4, %get3A_10 : vector<1024x64xf32>
    %get3A_11 = arith.constant 0 : index
    %get3A_12 = arith.constant 0 : index
    %get3A_13 = arith.constant 0 : index
    %get3A_14 = vector.load %arg2[%get3A_11, %get3A_12, %get3A_13] : memref<1x1024x64xf32, #tpu.memory_space<vmem>>, vector<1x1024x64xf32>
    %get3A_15 = vector.shape_cast %get3A_14 : vector<1x1024x64xf32> to vector<1024x64xf32>
    %sub3A = arith.subf %add3A, %get3A_15 : vector<1024x64xf32>
    %get3A_16 = arith.constant 0 : index
    %get3A_17 = arith.constant 0 : index
    %get3A_18 = vector.load %arg3[%get3A_16, %get3A_17] : memref<1024x1xf32, #tpu.memory_space<vmem>>, vector<1024x1xf32>
    %mul3A = vector.broadcast %get3A_18 : vector<1024x1xf32> to vector<1024x64xf32>
    %mul3A_19 = arith.mulf %mul3A, %sub3A : vector<1024x64xf32>
    %get3A_20 = arith.constant 0 : index
    %get3A_21 = arith.constant 0 : index
    %get3A_22 = vector.load %arg4[%get3A_20, %get3A_21] : memref<1x64xf32, #tpu.memory_space<vmem>>, vector<1x64xf32>
    %add3A_23 = vector.broadcast %get3A_22 : vector<1x64xf32> to vector<1024x64xf32>
    %add3A_24 = arith.addf %mul3A_19, %add3A_23 : vector<1024x64xf32>
    %swap3A = arith.constant 0 : index
    %swap3A_25 = arith.constant 0 : index
    %swap3A_26 = vector.load %arg5[%swap3A, %swap3A_25] : memref<1024x64xf32, #tpu.memory_space<vmem>>, vector<1024x64xf32>
    tpu.vector_store %arg5[%swap3A, %swap3A_25], %add3A_24 {strides = array<i32>} : memref<1024x64xf32, #tpu.memory_space<vmem>>, vector<1024x64xf32>,
    return
  }
  func.func @transform_0(%arg0: i32) -> (i32, i32, i32, i32) {
    %c0_i32 = arith.constant 0 : i32
    %c0_i32_0 = arith.constant 0 : i32
    %c0_i32_1 = arith.constant 0 : i32
    %c0_i32_2 = arith.constant 0 : i32
    return %c0_i32, %c0_i32_0, %arg0, %c0_i32_1 : i32, i32, i32, i32
  }
  func.func @transform_1(%arg0: i32) -> (i32, i32, i32) {
    %c0_i32 = arith.constant 0 : i32
    %c0_i32_0 = arith.constant 0 : i32
    %c0_i32_1 = arith.constant 0 : i32
    return %c0_i32, %arg0, %c0_i32_0 : i32, i32, i32
  }
  func.func @transform_2(%arg0: i32) -> (i32, i32) {
    %c0_i32 = arith.constant 0 : i32
    %c0_i32_0 = arith.constant 0 : i32
    return %arg0, %c0_i32 : i32, i32
  }
  func.func @transform_3(%arg0: i32) -> (i32, i32) {
    %c0_i32 = arith.constant 0 : i32
    %c0_i32_0 = arith.constant 0 : i32
    %c0_i32_1 = arith.constant 0 : i32
    return %c0_i32, %c0_i32_0 : i32, i32
  }
  func.func @transform_4(%arg0: i32) -> (i32, i32) {
    %c0_i32 = arith.constant 0 : i32
    %c0_i32_0 = arith.constant 0 : i32
    return %arg0, %c0_i32 : i32, i32
  }
}

</mosaic_0001>

<sc_bundles>
// kernel: kernel.12.cloned.1.call-start
scs
__scs_entry_jumppad:
0x0: {  	(pc) =	sbr.rel $0x88, $3  }
0x1: {  	(tag) =	ssettag $0x0;
	lr =	simm.s32 $0x1  }
0x2: {  	[smem:$0x3F9B] =	sst lr;
	_ =	strace $0xD0000000  }
0x3: {  	_ = 	snop  }
0x4: {  	_ = 	snop  }
0x5: {  	_ = 	snop  }
0x6: {  	_ = 	snop  }
0x7: {  	_ = 	snop  }
__scs_overlays_trampoline_lowered:
0x8: {  	[smem:$0x3FAA] =	sst s0  }
0x9: {  	[smem:$0x3FAB] =	sst s1  }
0xa: {  	[smem:$0x3FAC] =	sst s2  }
0xb: {  	[smem:$0x3FAD] =	sst s3  }
0xc: {  	[smem:$0x3FAE] =	sst s4  }
0xd: {  	[smem:$0x3FAF] =	sst s5  }
0xe: {  	[smem:$0x3FB0] =	sst s6  }
0xf: {  	[smem:$0x3FB1] =	sst s7  }
0x10: {  	[smem:$0x3FB2] =	sst s8  }
0x11: {  	[smem:$0x3FB3] =	sst s9;
	s0 =	simm.s32 @!p0 $0x0  }
0x12: {  	s1 =	sld [smem:$0x3F99];
	s0 =	simm.s32 @p0 $0x1  }
0x13: {  	[smem:$0x3FB4] =	sst s0;
	s0 =	simm.s32 @!p1 $0x0  }
0x14: {  	s2 =	sld [smem:$0x3F98];
	s0 =	simm.s32 @p1 $0x1  }
0x15: {  	[smem:$0x3FB5] =	sst s0;
	s0 =	simm.s32 @!p2 $0x0  }
0x16: {  	s3 =	sld [smem:$0x3FDB];
	s0 =	simm.s32 @p2 $0x1  }
0x17: {  	s4 =	simm.s32 $0x1BF5;
	[smem:$0x3FB7] =	sst s0  }
0x18: {  	s0 =	sld [smem:$0x3F9A];
	_ =	swait.ge [sflag:s4], $0x0  }
0x19: {  	s7 =	sld [smem:$0x3F9B]  }
0x1a: {  	s8 =	sadd.s32 $0xFFFFE003, lr  }
0x1b: {  	s9 =	sadd.s32 $0xFFFFFEF7, lr;
	s5 =	simm.s32 $0xFFFFFFFF;
	p2 =	slt.u32 s8, $0xFFFFF086  }
0x1c: {  	p1 =	slt.u32 s9, $0xF7A;
	s5 =	simm.s32 @!p2 $0x0  }
0x1d: {  	s5 =	simm.s32 @p1 $0x1;
	p0 =	seq.s32 s7, s2  }
0x1e: {  	s7 =	smul.u32 @!p0 $0xF7A, s2;
	p2 =	seq.s32 @!p0 s5, $0x0  }
0x1f: {  	s9 =	smul.u32 $0xF7A, s1;
	s8 =	simm.s32 @!p0 $0x1BF5;
	p2 =	por !p2, p0  }
0x20: {  	[sflag:s8] =	ssyncset.s32 @!p0 $0xFFFFF086;
	s6 =	sadd.s32 @!p0 s3, s7;
	s7 =	simm.s32 @!p0 $0x108  }
0x21: {  	s3 =	sadd.s32 s3, s9;
	s6 =	sadd.s32 @!p0 $0x88, s6;
	s7 =	simm.s32 @p2 $0x1082  }
0x22: {  	[simem:s7], [sflag:s8] =	dma.local @!p0 [hbm:s6], $0xF7A  }
0x23: {  	s9 =	sor.u32 $0xD0000000, s2;
	s6 =	simm.s32 $0x108;
	_ =	swait.ge @!p0 [sflag:s8], $0x0  }
0x24: {  	s3 =	sadd.s32 $0x88, s3;
	s6 =	simm.s32 @!p1 $0x1082;
	[sflag:s4] =	ssyncset.s32 $0xFFFFF086  }
0x25: {  	[simem:s6], [sflag:s4] =	dma.local [hbm:s3], $0xF7A  }
0x26: {  	[smem:$0x3F9B] =	sst s1;
	(tag) =	ssettag s2;
	_ =	strace s9  }
0x27: {  	s1 =	sld [smem:$0x3FAB]  }
0x28: {  	s2 =	sld [smem:$0x3FAC]  }
0x29: {  	s4 =	sld [smem:$0x3FAE]  }
0x2a: {  	p0 =	seq.s32 s5, $0x0;
	s5 =	sld [smem:$0x3FAF]  }
0x2b: {  	s6 =	sld [smem:$0x3FB0]  }
0x2c: {  	s7 =	sld [smem:$0x3FB1]  }
0x2d: {  	s3 =	simm.s32 $0x108;
	s8 =	sld [smem:$0x3FB2]  }
0x2e: {  	s3 =	simm.s32 @!p0 $0x1082;
	s9 =	sld [smem:$0x3FB3]  }
0x2f: {  	lr =	sadd.s32 s0, s3;
	s0 =	sld [smem:$0x3FAA]  }
0x30: {  	s3 =	sld [smem:$0x3FAD]  }
0x31: {  	[smem:$0x3FB6] =	sst s10  }
0x32: {  	s10 =	sld [smem:$0x3FB4];
	_ =	sdelay $0x3  }
0x33: {  	p0 =	seq.s32 s10, $0x1;
	s10 =	sld [smem:$0x3FB6];
	_ =	sdelay $0x3  }
0x34: {  	[smem:$0x3FB6] =	sst s10  }
0x35: {  	s10 =	sld [smem:$0x3FB5];
	_ =	sdelay $0x3  }
0x36: {  	p1 =	seq.s32 s10, $0x1;
	s10 =	sld [smem:$0x3FB6];
	_ =	sdelay $0x3  }
0x37: {  	[smem:$0x3FB6] =	sst s10  }
0x38: {  	s10 =	sld [smem:$0x3FB7]  }
0x39: {  	_ = 	snop;
	(pc) =	sbr.ind lr, $3  }
0x3a: {  	_ = 	snop  }
0x3b: {  	_ = 	snop  }
0x3c: {  	p2 =	seq.s32 s10, $0x1;
	s10 =	sld [smem:$0x3FB6]  }
0x3d: {  	_ =	shalt  }
0x3e: {  	_ =	shalt  }
0x3f: {  	_ =	shalt  }
0x40: {  	_ =	shalt  }
0x41: {  	_ =	shalt  }
0x42: {  	_ =	shalt  }
0x43: {  	_ =	shalt  }
0x44: {  	_ =	shalt  }
0x45: {  	_ =	shalt  }
0x46: {  	_ =	shalt  }
0x47: {  	_ =	shalt  }
0x48: {  	_ =	shalt  }
0x49: {  	_ =	shalt  }
0x4a: {  	_ =	shalt  }
0x4b: {  	_ =	shalt  }
0x4c: {  	_ =	shalt  }
0x4d: {  	_ =	shalt  }
0x4e: {  	_ =	shalt  }
0x4f: {  	_ =	shalt  }
0x50: {  	_ =	shalt  }
0x51: {  	_ =	shalt  }
0x52: {  	_ =	shalt  }
0x53: {  	_ =	shalt  }
0x54: {  	_ =	shalt  }
0x55: {  	_ =	shalt  }
0x56: {  	_ =	shalt  }
0x57: {  	_ =	shalt  }
0x58: {  	_ =	shalt  }
0x59: {  	_ =	shalt  }
0x5a: {  	_ =	shalt  }
0x5b: {  	_ =	shalt  }
0x5c: {  	_ =	shalt  }
0x5d: {  	_ =	shalt  }
0x5e: {  	_ =	shalt  }
0x5f: {  	_ =	shalt  }
0x60: {  	_ =	shalt  }
0x61: {  	_ =	shalt  }
0x62: {  	_ =	shalt  }
0x63: {  	_ =	shalt  }
0x64: {  	_ =	shalt  }
0x65: {  	_ =	shalt  }
0x66: {  	_ =	shalt  }
0x67: {  	_ =	shalt  }
0x68: {  	_ =	shalt  }
0x69: {  	_ =	shalt  }
0x6a: {  	_ =	shalt  }
0x6b: {  	_ =	shalt  }
0x6c: {  	_ =	shalt  }
0x6d: {  	_ =	shalt  }
0x6e: {  	_ =	shalt  }
0x6f: {  	_ =	shalt  }
0x70: {  	_ =	shalt  }
0x71: {  	_ =	shalt  }
0x72: {  	_ =	shalt  }
0x73: {  	_ =	shalt  }
0x74: {  	_ =	shalt  }
0x75: {  	_ =	shalt  }
0x76: {  	_ =	shalt  }
0x77: {  	_ =	shalt  }
0x78: {  	_ =	shalt  }
0x79: {  	_ =	shalt  }
0x7a: {  	_ =	shalt  }
0x7b: {  	_ =	shalt  }
0x7c: {  	_ =	shalt  }
0x7d: {  	_ =	shalt  }
0x7e: {  	_ =	shalt  }
0x7f: {  	_ =	shalt  }
0x80: {  	_ =	shalt  }
0x81: {  	_ =	shalt  }
0x82: {  	_ =	shalt  }
0x83: {  	_ =	shalt  }
0x84: {  	_ =	shalt  }
0x85: {  	_ =	shalt  }
0x86: {  	_ =	shalt  }
0x87: {  	_ =	shalt  }
.Lfunc_end0:
.L_simem_size_0:
called_computation.1_lowered:
.L_overlay_start_0:
0x88: {  	s2 =	sld [smem:$0x3FD9]  }
0x89: {  	s3 =	sld [smem:$0x3FFE];
	_ =	sdelay $0x1  }
0x8a: {  	s1 =	srdreg.scid  }
0x8b: {  	s0 =	sand.u32 $0x1, s1  }
0x8c: {  	s17 =	sshll.u32 s0, $0xA;
	s2 =	sadd.s32 s3, s2  }
0x8d: {  	s2 =	sadd.s32 s2, s17  }
0x8e: {  	[smem:$0x3FC2] =	sst s2  }
0x8f: {  	_ = 	snop  }
0x90: {  	s2 =	sld [smem:$0x3FD0];
	(tm) =	ssettm $0x1  }
0x91: {  	s18 =	sld [smem:$0x3FFB];
	_ =	sdelay $0x3  }
0x92: {  	_ =	strace s18  }
0x93: {  	s3 =	sld [smem:$0x3FFC];
	_ =	sdelay $0x3  }
0x94: {  	_ =	strace s3  }
0x95: {  	s3 =	sld [smem:$0x3FFD];
	_ =	sdelay $0x3  }
0x96: {  	_ =	strace s3  }
0x97: {  	_ =	strace $0x8FFFFFFF  }
0x98: {  	s19 =	sld [smem:$0x3FDB];
	_ =	sdelay $0x1  }
0x99: {  	s4 =	simm.s32 $_scs_section_size  }
0x9a: {  	s5 =	simm.s32 $_size__tile_overlayer_lowered;
	s6 =	simm.s32 $_tile_overlayer_lowered  }
0x9b: {  	s22 =	simm.s32 $0x1BFF;
	s21 =	sshll.u32 s6, $0x1;
	s3 =	sadd.s32 s4, s19  }
0x9c: {  	s7 =	simm.s32 $0x0;
	s20 =	sshll.u32 s5, $0x1;
	s5 =	sadd.s32 s21, s3  }
0x9d: {  	[timem:s7], [sflag:s22] =	dma.local [hbm:s5], s20  }
0x9e: {  	_ =	swait.ge [sflag:s22], s20  }
0x9f: {  	s4 =	ssub.s32 $0x0, s20;
	[sflag:s22] =	ssyncset.done $0x0  }
0xa0: {  	[sflag:s22] =	ssyncadd.s32 s4;
	_ =	sdelay $0x1  }
0xa1: {  	s23 =	simm.s32 $0x1B8B  }
0xa2: {  	_ =	swait.ge [sflag:s23], $0x1  }
0xa3: {  	[sflag:s23] =	ssyncset.done $0x0  }
0xa4: {  	s25 =	simm.s32 $0x1B8E;
	s24 =	sld [smem:$0x3FFE];
	[sflag:s23] =	ssyncadd.s32 $0xFFFFFFFF  }
0xa5: {  	s26 =	simm.s32 $execute0_lowered;
	[smem:$0x3FD2] =	sst s25  }
0xa6: {  	s5 =	sshll.u32 s26, $0x1;
	_ =	strace $0x80000049;
	[dreg:$0x1] =	wrdreg $0xFFFFFFFF  }
0xa7: {  	s28 =	simm.s32 $_size_execute0_lowered;
	s3 =	sadd.s32 s3, s5;
	[dreg:$0x0] =	wrdreg $0x0  }
0xa8: {  	s5 =	sshll.u32 s28, $0x1;
	[dreg:$0x2] =	wrdreg s3  }
0xa9: {  	[dreg:$0x3] =	wrdreg s5  }
0xaa: {  	[dreg:$0x4] =	wrdreg $0xC0  }
0xab: {  	_ =	task [dreg:s7], $0x5FFFF  }
0xac: {  	[dreg:$0x1] =	wrdreg $0xFFFFFFFF  }
0xad: {  	[dreg:$0x0] =	wrdreg $0x60  }
0xae: {  	[dreg:$0x2] =	wrdreg s24  }
0xaf: {  	[dreg:$0x3] =	wrdreg s2  }
0xb0: {  	[dreg:$0x4] =	wrdreg $0xF0000  }
0xb1: {  	[dreg:$0x5] =	wrdreg $0x9  }
0xb2: {  	_ =	task.clear_ibuf [dreg:s7], $0x6FFFF;
	_ =	strace $0x90000049  }
0xb3: {  	s29 =	simm.s32 $0x9;
	_ =	strace $0x8000004B  }
0xb4: {  	_ =	swait.ge [sflag:s29], $0x1  }
0xb5: {  	[sflag:s29] =	ssyncadd.s32 $0xFFFFFFFF  }
0xb6: {  	_ =	strace $0x9000004B  }
0xb7: {  	_ =	sfence  }
0xb8: {  	s30 =	sld [smem:$0x0];
	_ =	sdelay $0x2  }
0xb9: {  	s31 =	sshll.u32 s1, $0xD;
	s1 =	sshrl.u32 s1, $0x2  }
0xba: {  	s3 =	sand.u32 $0x4000, s31;
	s1 =	sadd.s32 s1, s30  }
0xbb: {  	s0 =	sor.u32 s3, s0;
	s1 =	sshll.u32 s1, $0x11  }
0xbc: {  	s0 =	sor.u32 s1, s0  }
0xbd: {  	s0 =	sadd.s32 $0x8F2B, s0  }
0xbe: {  	[sflag:s0] =	ssyncadd.remote.s32 $0x1  }
0xbf: {  	_ =	sfence.sel $0xFFFF  }
0xc0: {  	[dreg:$0x0] =	wrdreg $0xFFFFFFFF;
	(pc) =	sbr.abs _section_cstart, $3  }
0xc1: {  	[dreg:$0x1] =	wrdreg $0xFFFFFFFF  }
0xc2: {  	_ =	task.clear_ibuf [dreg:s7], $0x2FFFF;
	_ =	strace $0x9FFFFFFF  }
0xc3: {  	(tm) =	ssettm $0x7FFFFFFF  }
tec
execute0_lowered:
.L_overlay_start_1:
0x0: {  	(tag) =	ssettag $0x1  }
0x1: {  	s0 =	rddreg [dreg:$0x0]  }
0x2: {  	s2 =	rddreg [dreg:$0x1]  }
0x3: {  	s1 =	rddreg [dreg:$0x2];
	s3 =	srdreg.scid;
	s6 =	simm.s32 $0x0  }
0x4: {  	s19 =	stileid.u32;
	s12 =	simm.s32 $0xB;
	s13 =	simm.s32 $0x2800  }
0x5: {  	s14 =	simm.s32 $0x80;
	s15 =	simm.s32 $0x5000;
	s16 =	simm.s32 $0x7000  }
0x6: {  	s18 =	simm.s32 $0x9000;
	s28 =	simm.s32 $0xD000;
	s29 =	simm.s32 $0x3  }
0x7: {  	s31 =	simm.s32 $0x6;
	s17 =	simm.s32 $0x8;
	s30 =	simm.s32 $0x0  }
0x8: {  	s5 =	sand.u32 $0x1, s3;
	[smem:$0x7FF] =	sst s6;
	s10 =	smul.u32 $0xA000, s19  }
0x9: {  	s26 =	sshll.u32 s19, $0x6;
	s6 =	simm.s32 $0x7;
	s4 =	sshll.u32 s5, $0x4  }
0xa: {  	_ =	strace $0x8000004A;
	s7 =	smul.u32 $0x28000, s5;
	s5 =	ssub.s32 $0x2, s5  }
0xb: {  	s4 =	sor.u32 s19, s4;
	s9 =	sshrl.u32 s5, $0x1;
	s22 =	sadd.s32 s10, s1  }
0xc: {  	s19 =	sor.u32 $0x1C0B, s26;
	s26 =	simm.s32 $0xA;
	s20 =	smul.u32 $0x500, s4  }
0xd: {  	s4 =	sadd.s32 $0xBA00, s0;
	s11 =	sadd.s32 s7, s0;
	s7 =	sshrl.u32 s10, $0x3  }
0xe: {  	s5 =	ssub.s32 s5, s9;
	s10 =	sadd.s32 $0x1FA00, s0;
	s23 =	sadd.s32 s4, s7  }
0xf: {  	s9 =	simm.s32 $0x5;
	s24 =	sadd.s32 $0x33A00, s11;
	[dreg:$0x6] =	wrdreg s23  }
.Ltmp0:
0x10: {  	s25 =	smax.u32 s5, $0x1;
	[dreg:$0x7] =	wrdreg s24;
	(pc) =	sbr.rel .LBB2_1-.Ltmp0, $4  }
0x11: {  	s8 =	sadd.s32 s20, s0;
	s2 =	sadd.s32 s2, s20;
	[dreg:$0x8] =	wrdreg s25  }
0x12: {  	s20 =	sshrl.u32 s22, $0x3;
	s23 =	simm.s32 $0xB000;
	s24 =	simm.s32 $0x2  }
0x13: {  	s25 =	simm.s32 $0x9;
	[dreg:$0x4] =	wrdreg s2;
	s21 =	sadd.s32 $0x1A00, s8  }
0x14: {  	s2 =	simm.s32 $0x4;
	[dreg:$0x5] =	wrdreg s21;
	s21 =	simm.s32 $0x1  }
.LBB2_7:
0x15: {  	_ =	swait.ge [sflag:s31], $0x2000  }
0x16: {  	[sflag:s31] =	ssyncset.done $0x0  }
0x17: {  	[sflag:s31] =	ssyncadd.s32 $0xFFFFE000  }
0x18: {  	_ =	swait.ge [sflag:s6], $0x2000  }
0x19: {  	[sflag:s6] =	ssyncset.done $0x0  }
0x1a: {  	[sflag:s6] =	ssyncadd.s32 $0xFFFFE000  }
0x1b: {  	_ =	swait.ge [sflag:s17], $0x2000  }
0x1c: {  	[sflag:s17] =	ssyncset.done $0x0  }
0x1d: {  	[sflag:s17] =	ssyncadd.s32 $0xFFFFE000  }
0x1e: {  	_ =	swait.ge [sflag:s25], $0x2000  }
0x1f: {  	[sflag:s25] =	ssyncset.done $0x0  }
0x20: {  	[sflag:s25] =	ssyncadd.s32 $0xFFFFE000  }
0x21: {  	_ =	swait.ge [sflag:s26], $0x2000  }
0x22: {  	[sflag:s26] =	ssyncset.done $0x0  }
0x23: {  	[sflag:s26] =	ssyncadd.s32 $0xFFFFE000  }
0x24: {  	s0 =	sadd.s32 $0x14000, s0;
	[bflag:$0x0] =	sbarrier.arrive $0xFFFF  }
0x25: {  	[hbm:s0], [sflag:s19] =	dma.local [spmem:s20], $0x1400  }
0x26: {  	_ =	swait.ge [sflag:s12], $0x1400  }
0x27: {  	s30 =	sadd.s32 $0x1, s30;
	s22 =	rddreg [dreg:$0x8]  }
0x28: {  	p0 =	sne.s32 s30, s22  }
.Ltmp1:
0x29: {  	_ = 	snop;
	(pc) =	sbr.rel @!p0 .LBB2_8-.Ltmp1, $3  }
0x2a: {  	_ =	sdelay $0x1  }
0x2b: {  	[sflag:s12] =	ssyncset.done $0x0  }
0x2c: {  	s13 =	simm.s32 $0x2800;
	[sflag:s12] =	ssyncadd.s32 $0xFFFFEC00  }
.LBB2_1:
0x2d: {  	s0 =	simm.s32 $0x0;
	s3 =	rddreg [dreg:$0x4]  }
0x2e: {  	[tilespmem:s0], [sflag:$0xB] =	stream.linear.gather [hbm4b:s3+s0], $0x2800, $0x38;
	[tilespmem:$0x19000] =	vst v63  }
0x2f: {  	_ =	swait.ge [sflag:s12], $0x2800  }
0x30: {  	[sflag:s12] =	ssyncset.done $0x0  }
0x31: {  	s11 =	rddreg [dreg:$0x5];
	[sflag:s12] =	ssyncadd.s32 $0xFFFFD800  }
0x32: {  	[tilespmem:s13], [sflag:$0xB] =	stream.linear.gather [hbm4b:s11+s0], $0x2800, $0x38;
	[tilespmem:$0x19000] =	vst v63  }
0x33: {  	_ =	swait.ge [sflag:s12], $0x2800  }
0x34: {  	[sflag:s12] =	ssyncset.done $0x0  }
0x35: {  	[sflag:s12] =	ssyncadd.s32 $0xFFFFD800  }
0x36: {  	[tilespmem:s15], [sflag:$0x1] =	stream.indirect.gather [hbm4b:s4+s14], $0x40, s0, s14, $0xb8;
	[tilespmem:$0x19000] =	vst v63  }
0x37: {  	_ = 	snop  }
0x38: {  	[tilespmem:s16], [sflag:$0x2] =	stream.indirect.gather [hbm4b:s4+s14], $0x40, s14, s14, $0xb8;
	[tilespmem:$0x19000] =	vst v63  }
0x39: {  	s22 =	simm.s32 $0x100;
	s3 =	rddreg [dreg:$0x6]  }
0x3a: {  	[tilespmem:s18], [sflag:$0x3] =	stream.indirect.gather [hbm4b:s4+s14], $0x40, s22, s14, $0xb8;
	[tilespmem:$0x19000] =	vst v63  }
0x3b: {  	[spmem:s20], [sflag:s19] =	dma.local [hbm:s3], $0x1400  }
0x3c: {  	_ =	swait.ge [sflag:s12], $0x1400  }
0x3d: {  	[sflag:s12] =	ssyncset.done $0x0  }
0x3e: {  	[sflag:s12] =	ssyncadd.s32 $0xFFFFEC00  }
0x3f: {  	[bflag:$0x0] =	sbarrier.arrive $0xFFFF  }
0x40: {  	_ =	swait.ge [sflag:s21], $0x2000  }
0x41: {  	[sflag:s21] =	ssyncset.done $0x0  }
0x42: {  	[sflag:s21] =	ssyncadd.s32 $0xFFFFE000  }
0x43: {  	[spmem:s1] =	stream.indirect.scatter.add.f32 [tilespmem:s15], [sflag:$0x6], $0x40, s13, s14, $0xb8;
	[tilespmem:$0x19000] =	vst v63  }
0x44: {  	s5 =	simm.s32 $0x180  }
0x45: {  	[tilespmem:s23], [sflag:$0x4] =	stream.indirect.gather [hbm4b:s4+s14], $0x40, s5, s14, $0xb8;
	[tilespmem:$0x19000] =	vst v63  }
0x46: {  	_ =	swait.ge [sflag:s24], $0x2000  }
0x47: {  	[sflag:s24] =	ssyncset.done $0x0  }
0x48: {  	s8 =	simm.s32 $0x2880;
	[sflag:s24] =	ssyncadd.s32 $0xFFFFE000  }
0x49: {  	[spmem:s1] =	stream.indirect.scatter.add.f32 [tilespmem:s16], [sflag:$0x7], $0x40, s8, s14, $0xb8;
	[tilespmem:$0x19000] =	vst v63  }
0x4a: {  	s11 =	simm.s32 $0x200  }
0x4b: {  	[tilespmem:s28], [sflag:$0x5] =	stream.indirect.gather [hbm4b:s4+s14], $0x40, s11, s14, $0xb8;
	[tilespmem:$0x19000] =	vst v63  }
0x4c: {  	_ =	swait.ge [sflag:s29], $0x2000  }
0x4d: {  	[sflag:s29] =	ssyncset.done $0x0  }
0x4e: {  	s22 =	simm.s32 $0x2900;
	[sflag:s29] =	ssyncadd.s32 $0xFFFFE000  }
0x4f: {  	[spmem:s1] =	stream.indirect.scatter.add.f32 [tilespmem:s18], [sflag:$0x8], $0x40, s22, s14, $0xb8;
	[tilespmem:$0x19000] =	vst v63  }
0x50: {  	_ =	swait.ge [sflag:s31], $0x2000  }
0x51: {  	[sflag:s31] =	ssyncset.done $0x0  }
0x52: {  	s3 =	simm.s32 $0x280;
	[sflag:s31] =	ssyncadd.s32 $0xFFFFE000  }
0x53: {  	[tilespmem:s15], [sflag:$0x1] =	stream.indirect.gather [hbm4b:s4+s14], $0x40, s3, s14, $0xb8;
	[tilespmem:$0x19000] =	vst v63  }
0x54: {  	_ =	swait.ge [sflag:s2], $0x2000  }
0x55: {  	[sflag:s2] =	ssyncset.done $0x0  }
0x56: {  	s5 =	simm.s32 $0x2980;
	[sflag:s2] =	ssyncadd.s32 $0xFFFFE000  }
0x57: {  	[spmem:s1] =	stream.indirect.scatter.add.f32 [tilespmem:s23], [sflag:$0x9], $0x40, s5, s14, $0xb8;
	[tilespmem:$0x19000] =	vst v63  }
0x58: {  	_ =	swait.ge [sflag:s6], $0x2000  }
0x59: {  	[sflag:s6] =	ssyncset.done $0x0  }
0x5a: {  	s8 =	simm.s32 $0x300;
	[sflag:s6] =	ssyncadd.s32 $0xFFFFE000  }
0x5b: {  	[tilespmem:s16], [sflag:$0x2] =	stream.indirect.gather [hbm4b:s4+s14], $0x40, s8, s14, $0xb8;
	[tilespmem:$0x19000] =	vst v63  }
0x5c: {  	_ =	swait.ge [sflag:s9], $0x2000  }
0x5d: {  	[sflag:s9] =	ssyncset.done $0x0  }
0x5e: {  	s11 =	simm.s32 $0x2A00;
	[sflag:s9] =	ssyncadd.s32 $0xFFFFE000  }
0x5f: {  	[spmem:s1] =	stream.indirect.scatter.add.f32 [tilespmem:s28], [sflag:$0xA], $0x40, s11, s14, $0xb8;
	[tilespmem:$0x19000] =	vst v63  }
0x60: {  	_ =	swait.ge [sflag:s17], $0x2000  }
0x61: {  	[sflag:s17] =	ssyncset.done $0x0  }
0x62: {  	s0 =	simm.s32 $0x0;
	s22 =	simm.s32 $0x380;
	[sflag:s17] =	ssyncadd.s32 $0xFFFFE000  }
0x63: {  	[tilespmem:s18], [sflag:$0x3] =	stream.indirect.gather [hbm4b:s4+s14], $0x40, s22, s14, $0xb8;
	[tilespmem:$0x19000] =	vst v63  }
.LBB2_2:
0x64: {  	_ =	swait.ge [sflag:s21], $0x2000  }
0x65: {  	s5 =	sshra.s32 s0, $0x2;
	[sflag:s21] =	ssyncset.done $0x0  }
0x66: {  	s8 =	sadd.s32 $0x2A80, s5;
	[sflag:s21] =	ssyncadd.s32 $0xFFFFE000  }
0x67: {  	[spmem:s1] =	stream.indirect.scatter.add.f32 [tilespmem:s15], [sflag:$0x6], $0x40, s8, s14, $0xb8;
	[tilespmem:$0x19000] =	vst v63  }
0x68: {  	_ =	swait.ge [sflag:s25], $0x2000  }
0x69: {  	[sflag:s25] =	ssyncset.done $0x0  }
0x6a: {  	s11 =	sadd.s32 $0x400, s5;
	[sflag:s25] =	ssyncadd.s32 $0xFFFFE000  }
0x6b: {  	[tilespmem:s23], [sflag:$0x4] =	stream.indirect.gather [hbm4b:s4+s14], $0x40, s11, s14, $0xb8;
	[tilespmem:$0x19000] =	vst v63  }
0x6c: {  	_ =	swait.ge [sflag:s24], $0x2000  }
0x6d: {  	[sflag:s24] =	ssyncset.done $0x0  }
0x6e: {  	s22 =	sadd.s32 $0x2B00, s5;
	[sflag:s24] =	ssyncadd.s32 $0xFFFFE000  }
0x6f: {  	[spmem:s1] =	stream.indirect.scatter.add.f32 [tilespmem:s16], [sflag:$0x7], $0x40, s22, s14, $0xb8;
	[tilespmem:$0x19000] =	vst v63  }
0x70: {  	_ =	swait.ge [sflag:s26], $0x2000  }
0x71: {  	[sflag:s26] =	ssyncset.done $0x0  }
0x72: {  	s3 =	sadd.s32 $0x480, s5;
	[sflag:s26] =	ssyncadd.s32 $0xFFFFE000  }
0x73: {  	[tilespmem:s28], [sflag:$0x5] =	stream.indirect.gather [hbm4b:s4+s14], $0x40, s3, s14, $0xb8;
	[tilespmem:$0x19000] =	vst v63  }
0x74: {  	_ =	swait.ge [sflag:s29], $0x2000  }
0x75: {  	p0 =	seq.s32 s0, $0x8C00;
	[sflag:s29] =	ssyncset.done $0x0  }
0x76: {  	s8 =	simm.s32 @p0 $0x4;
	s11 =	sadd.s32 $0x2B80, s5;
	[sflag:s29] =	ssyncadd.s32 $0xFFFFE000  }
0x77: {  	[spmem:s1] =	stream.indirect.scatter.add.f32 [tilespmem:s18], [sflag:$0x8], $0x40, s11, s14, $0xb8;
	[tilespmem:$0x19000] =	vst v63  }
0x78: {  	_ =	swait.ge @p0 [sflag:s8], $0x2000  }
0x79: {  	[sflag:s8] =	ssyncset.done @p0 $0x0  }
0x7a: {  	[sflag:s8] =	ssyncadd.s32 @p0 $0xFFFFE000;
	s8 =	sshra.s32 @p0 s0, $0x2  }
0x7b: {  	s22 =	simm.s32 @p0 $0xB000;
	s11 =	simm.s32 @p0 $0x80;
	s8 =	sadd.s32 @p0 $0x2C00, s8  }
0x7c: {  	[spmem:s1] =	stream.indirect.scatter.add.f32 @p0 [tilespmem:s22], [sflag:$0x9], $0x40, s8, s11, $0xb8;
	[tilespmem:$0x19000] =	vst v63  }
0x7d: {  	s8 =	simm.s32 @!p0 $0x6  }
0x7e: {  	_ =	swait.ge @!p0 [sflag:s8], $0x2000  }
0x7f: {  	[sflag:s8] =	ssyncset.done @!p0 $0x0  }
0x80: {  	[sflag:s8] =	ssyncadd.s32 @!p0 $0xFFFFE000;
	s8 =	sshra.s32 @!p0 s0, $0x2  }
0x81: {  	s3 =	simm.s32 @!p0 $0x5000;
	s22 =	simm.s32 @!p0 $0x80;
	s11 =	sadd.s32 @!p0 $0x500, s8  }
0x82: {  	[tilespmem:s3], [sflag:$0x1] =	stream.indirect.gather @!p0 [hbm4b:s4+s22], $0x40, s11, s22, $0xb8;
	[tilespmem:$0x19000] =	vst v63  }
0x83: {  	s3 =	simm.s32 @!p0 $0x4  }
0x84: {  	_ =	swait.ge @!p0 [sflag:s3], $0x2000  }
0x85: {  	[sflag:s3] =	ssyncset.done @!p0 $0x0  }
0x86: {  	s11 =	simm.s32 @!p0 $0xB000;
	[sflag:s3] =	ssyncadd.s32 @!p0 $0xFFFFE000;
	s3 =	sadd.s32 @!p0 $0x2C00, s8  }
0x87: {  	[spmem:s1] =	stream.indirect.scatter.add.f32 @!p0 [tilespmem:s11], [sflag:$0x9], $0x40, s3, s22, $0xb8;
	[tilespmem:$0x19000] =	vst v63  }
0x88: {  	s3 =	simm.s32 @!p0 $0x7  }
0x89: {  	_ =	swait.ge @!p0 [sflag:s3], $0x2000  }
0x8a: {  	[sflag:s3] =	ssyncset.done @!p0 $0x0  }
0x8b: {  	[sflag:s3] =	ssyncadd.s32 @!p0 $0xFFFFE000;
	s3 =	sadd.s32 @!p0 $0x580, s8;
	s8 =	simm.s32 @!p0 $0x7000  }
0x8c: {  	[tilespmem:s8], [sflag:$0x2] =	stream.indirect.gather @!p0 [hbm4b:s4+s22], $0x40, s3, s22, $0xb8;
	[tilespmem:$0x19000] =	vst v63  }
.Ltmp2:
0x8d: {  	_ = 	snop;
	(pc) =	sbr.rel @p0 .LBB2_4-.Ltmp2, $4  }
0x8e: {  	_ =	swait.ge [sflag:s9], $0x2000  }
0x8f: {  	[sflag:s9] =	ssyncset.done $0x0  }
0x90: {  	s22 =	sadd.s32 $0x2C80, s5;
	[sflag:s9] =	ssyncadd.s32 $0xFFFFE000  }
0x91: {  	[spmem:s1] =	stream.indirect.scatter.add.f32 [tilespmem:s28], [sflag:$0xA], $0x40, s22, s14, $0xb8;
	[tilespmem:$0x19000] =	vst v63  }
.Ltmp3:
0x92: {  	(pc) =	sbr.rel .LBB2_2-.Ltmp3, $4  }
0x93: {  	_ =	swait.ge [sflag:s17], $0x2000  }
0x94: {  	[sflag:s17] =	ssyncset.done $0x0  }
0x95: {  	s3 =	sadd.s32 $0x600, s5;
	s0 =	sadd.s32 $0xA00, s0;
	[sflag:s17] =	ssyncadd.s32 $0xFFFFE000  }
0x96: {  	[tilespmem:s18], [sflag:$0x3] =	stream.indirect.gather [hbm4b:s4+s14], $0x40, s3, s14, $0xb8;
	[tilespmem:$0x19000] =	vst v63  }
.LBB2_4:
0x97: {  	_ =	swait.ge [sflag:s31], $0x2000  }
0x98: {  	[sflag:s31] =	ssyncset.done $0x0  }
0x99: {  	[sflag:s31] =	ssyncadd.s32 $0xFFFFE000  }
0x9a: {  	_ =	swait.ge [sflag:s6], $0x2000  }
0x9b: {  	[sflag:s6] =	ssyncset.done $0x0  }
0x9c: {  	[sflag:s6] =	ssyncadd.s32 $0xFFFFE000  }
0x9d: {  	_ =	swait.ge [sflag:s17], $0x2000  }
0x9e: {  	[sflag:s17] =	ssyncset.done $0x0  }
0x9f: {  	[sflag:s17] =	ssyncadd.s32 $0xFFFFE000  }
0xa0: {  	_ =	swait.ge [sflag:s25], $0x2000  }
0xa1: {  	[sflag:s25] =	ssyncset.done $0x0  }
0xa2: {  	[sflag:s25] =	ssyncadd.s32 $0xFFFFE000  }
0xa3: {  	_ =	swait.ge [sflag:s26], $0x2000  }
0xa4: {  	[sflag:s26] =	ssyncset.done $0x0  }
0xa5: {  	[sflag:s26] =	ssyncadd.s32 $0xFFFFE000  }
0xa6: {  	[bflag:$0x0] =	sbarrier.arrive $0xFFFF  }
0xa7: {  	s0 =	rddreg [dreg:$0x7]  }
0xa8: {  	s0 =	sadd.s32 s7, s0  }
0xa9: {  	[hbm:s0], [sflag:s19] =	dma.local [spmem:s20], $0x1400  }
0xaa: {  	_ =	swait.ge [sflag:s12], $0x1400  }
0xab: {  	[sflag:s12] =	ssyncset.done $0x0  }
0xac: {  	s5 =	simm.s32 $0x0;
	[sflag:s12] =	ssyncadd.s32 $0xFFFFEC00  }
0xad: {  	[tilespmem:s15], [sflag:$0x1] =	stream.indirect.gather [hbm4b:s10+s14], $0x40, s5, s14, $0xb8;
	[tilespmem:$0x19000] =	vst v63  }
0xae: {  	_ = 	snop  }
0xaf: {  	[tilespmem:s16], [sflag:$0x2] =	stream.indirect.gather [hbm4b:s10+s14], $0x40, s14, s14, $0xb8;
	[tilespmem:$0x19000] =	vst v63  }
0xb0: {  	s3 =	simm.s32 $0x100;
	s11 =	sadd.s32 s7, s10  }
0xb1: {  	[tilespmem:s18], [sflag:$0x3] =	stream.indirect.gather [hbm4b:s10+s14], $0x40, s3, s14, $0xb8;
	[tilespmem:$0x19000] =	vst v63  }
0xb2: {  	[spmem:s20], [sflag:s19] =	dma.local [hbm:s11], $0x1400  }
0xb3: {  	_ =	swait.ge [sflag:s12], $0x1400  }
0xb4: {  	[sflag:s12] =	ssyncset.done $0x0  }
0xb5: {  	[sflag:s12] =	ssyncadd.s32 $0xFFFFEC00  }
0xb6: {  	[bflag:$0x0] =	sbarrier.arrive $0xFFFF  }
0xb7: {  	_ =	swait.ge [sflag:s21], $0x2000  }
0xb8: {  	[sflag:s21] =	ssyncset.done $0x0  }
0xb9: {  	[sflag:s21] =	ssyncadd.s32 $0xFFFFE000  }
0xba: {  	[spmem:s1] =	stream.indirect.scatter.add.f32 [tilespmem:s15], [sflag:$0x6], $0x40, s13, s14, $0xb8;
	[tilespmem:$0x19000] =	vst v63  }
0xbb: {  	s22 =	simm.s32 $0x180  }
0xbc: {  	[tilespmem:s23], [sflag:$0x4] =	stream.indirect.gather [hbm4b:s10+s14], $0x40, s22, s14, $0xb8;
	[tilespmem:$0x19000] =	vst v63  }
0xbd: {  	_ =	swait.ge [sflag:s24], $0x2000  }
0xbe: {  	[sflag:s24] =	ssyncset.done $0x0  }
0xbf: {  	s8 =	simm.s32 $0x2880;
	[sflag:s24] =	ssyncadd.s32 $0xFFFFE000  }
0xc0: {  	[spmem:s1] =	stream.indirect.scatter.add.f32 [tilespmem:s16], [sflag:$0x7], $0x40, s8, s14, $0xb8;
	[tilespmem:$0x19000] =	vst v63  }
0xc1: {  	s11 =	simm.s32 $0x200  }
0xc2: {  	[tilespmem:s28], [sflag:$0x5] =	stream.indirect.gather [hbm4b:s10+s14], $0x40, s11, s14, $0xb8;
	[tilespmem:$0x19000] =	vst v63  }
0xc3: {  	_ =	swait.ge [sflag:s29], $0x2000  }
0xc4: {  	[sflag:s29] =	ssyncset.done $0x0  }
0xc5: {  	s13 =	simm.s32 $0x2900;
	[sflag:s29] =	ssyncadd.s32 $0xFFFFE000  }
0xc6: {  	[spmem:s1] =	stream.indirect.scatter.add.f32 [tilespmem:s18], [sflag:$0x8], $0x40, s13, s14, $0xb8;
	[tilespmem:$0x19000] =	vst v63  }
0xc7: {  	_ =	swait.ge [sflag:s31], $0x2000  }
0xc8: {  	[sflag:s31] =	ssyncset.done $0x0  }
0xc9: {  	s22 =	simm.s32 $0x280;
	[sflag:s31] =	ssyncadd.s32 $0xFFFFE000  }
0xca: {  	[tilespmem:s15], [sflag:$0x1] =	stream.indirect.gather [hbm4b:s10+s14], $0x40, s22, s14, $0xb8;
	[tilespmem:$0x19000] =	vst v63  }
0xcb: {  	_ =	swait.ge [sflag:s2], $0x2000  }
0xcc: {  	[sflag:s2] =	ssyncset.done $0x0  }
0xcd: {  	s8 =	simm.s32 $0x2980;
	[sflag:s2] =	ssyncadd.s32 $0xFFFFE000  }
0xce: {  	[spmem:s1] =	stream.indirect.scatter.add.f32 [tilespmem:s23], [sflag:$0x9], $0x40, s8, s14, $0xb8;
	[tilespmem:$0x19000] =	vst v63  }
0xcf: {  	_ =	swait.ge [sflag:s6], $0x2000  }
0xd0: {  	[sflag:s6] =	ssyncset.done $0x0  }
0xd1: {  	s11 =	simm.s32 $0x300;
	[sflag:s6] =	ssyncadd.s32 $0xFFFFE000  }
0xd2: {  	[tilespmem:s16], [sflag:$0x2] =	stream.indirect.gather [hbm4b:s10+s14], $0x40, s11, s14, $0xb8;
	[tilespmem:$0x19000] =	vst v63  }
0xd3: {  	_ =	swait.ge [sflag:s9], $0x2000  }
0xd4: {  	[sflag:s9] =	ssyncset.done $0x0  }
0xd5: {  	s13 =	simm.s32 $0x2A00;
	[sflag:s9] =	ssyncadd.s32 $0xFFFFE000  }
0xd6: {  	[spmem:s1] =	stream.indirect.scatter.add.f32 [tilespmem:s28], [sflag:$0xA], $0x40, s13, s14, $0xb8;
	[tilespmem:$0x19000] =	vst v63  }
0xd7: {  	_ =	swait.ge [sflag:s17], $0x2000  }
0xd8: {  	[sflag:s17] =	ssyncset.done $0x0  }
0xd9: {  	s22 =	simm.s32 $0x380;
	[sflag:s17] =	ssyncadd.s32 $0xFFFFE000  }
0xda: {  	[tilespmem:s18], [sflag:$0x3] =	stream.indirect.gather [hbm4b:s10+s14], $0x40, s22, s14, $0xb8;
	[tilespmem:$0x19000] =	vst v63  }
.LBB2_5:
0xdb: {  	_ =	swait.ge [sflag:s21], $0x2000  }
0xdc: {  	s8 =	sshra.s32 s5, $0x2;
	[sflag:s21] =	ssyncset.done $0x0  }
0xdd: {  	s3 =	sadd.s32 $0x2A80, s8;
	[sflag:s21] =	ssyncadd.s32 $0xFFFFE000  }
0xde: {  	[spmem:s1] =	stream.indirect.scatter.add.f32 [tilespmem:s15], [sflag:$0x6], $0x40, s3, s14, $0xb8;
	[tilespmem:$0x19000] =	vst v63  }
0xdf: {  	_ =	swait.ge [sflag:s25], $0x2000  }
0xe0: {  	[sflag:s25] =	ssyncset.done $0x0  }
0xe1: {  	s13 =	sadd.s32 $0x400, s8;
	[sflag:s25] =	ssyncadd.s32 $0xFFFFE000  }
0xe2: {  	[tilespmem:s23], [sflag:$0x4] =	stream.indirect.gather [hbm4b:s10+s14], $0x40, s13, s14, $0xb8;
	[tilespmem:$0x19000] =	vst v63  }
0xe3: {  	_ =	swait.ge [sflag:s24], $0x2000  }
0xe4: {  	[sflag:s24] =	ssyncset.done $0x0  }
0xe5: {  	s22 =	sadd.s32 $0x2B00, s8;
	[sflag:s24] =	ssyncadd.s32 $0xFFFFE000  }
0xe6: {  	[spmem:s1] =	stream.indirect.scatter.add.f32 [tilespmem:s16], [sflag:$0x7], $0x40, s22, s14, $0xb8;
	[tilespmem:$0x19000] =	vst v63  }
0xe7: {  	_ =	swait.ge [sflag:s26], $0x2000  }
0xe8: {  	[sflag:s26] =	ssyncset.done $0x0  }
0xe9: {  	s11 =	sadd.s32 $0x480, s8;
	[sflag:s26] =	ssyncadd.s32 $0xFFFFE000  }
0xea: {  	[tilespmem:s28], [sflag:$0x5] =	stream.indirect.gather [hbm4b:s10+s14], $0x40, s11, s14, $0xb8;
	[tilespmem:$0x19000] =	vst v63  }
0xeb: {  	_ =	swait.ge [sflag:s29], $0x2000  }
0xec: {  	p0 =	seq.s32 s5, $0x8C00;
	[sflag:s29] =	ssyncset.done $0x0  }
0xed: {  	s3 =	simm.s32 @p0 $0x4;
	s13 =	sadd.s32 $0x2B80, s8;
	[sflag:s29] =	ssyncadd.s32 $0xFFFFE000  }
0xee: {  	[spmem:s1] =	stream.indirect.scatter.add.f32 [tilespmem:s18], [sflag:$0x8], $0x40, s13, s14, $0xb8;
	[tilespmem:$0x19000] =	vst v63  }
0xef: {  	_ =	swait.ge @p0 [sflag:s3], $0x2000  }
0xf0: {  	[sflag:s3] =	ssyncset.done @p0 $0x0  }
0xf1: {  	[sflag:s3] =	ssyncadd.s32 @p0 $0xFFFFE000;
	s3 =	sshra.s32 @p0 s5, $0x2  }
0xf2: {  	s22 =	simm.s32 @p0 $0xB000;
	s11 =	simm.s32 @p0 $0x80;
	s3 =	sadd.s32 @p0 $0x2C00, s3  }
0xf3: {  	[spmem:s1] =	stream.indirect.scatter.add.f32 @p0 [tilespmem:s22], [sflag:$0x9], $0x40, s3, s11, $0xb8;
	[tilespmem:$0x19000] =	vst v63  }
0xf4: {  	s3 =	simm.s32 @!p0 $0x6  }
0xf5: {  	_ =	swait.ge @!p0 [sflag:s3], $0x2000  }
0xf6: {  	[sflag:s3] =	ssyncset.done @!p0 $0x0  }
0xf7: {  	[sflag:s3] =	ssyncadd.s32 @!p0 $0xFFFFE000;
	s3 =	sshra.s32 @!p0 s5, $0x2  }
0xf8: {  	s13 =	simm.s32 @!p0 $0x5000;
	s22 =	simm.s32 @!p0 $0x80;
	s11 =	sadd.s32 @!p0 $0x500, s3  }
0xf9: {  	[tilespmem:s13], [sflag:$0x1] =	stream.indirect.gather @!p0 [hbm4b:s10+s22], $0x40, s11, s22, $0xb8;
	[tilespmem:$0x19000] =	vst v63  }
0xfa: {  	s11 =	simm.s32 @!p0 $0x4  }
0xfb: {  	_ =	swait.ge @!p0 [sflag:s11], $0x2000  }
0xfc: {  	[sflag:s11] =	ssyncset.done @!p0 $0x0  }
0xfd: {  	s13 =	simm.s32 @!p0 $0xB000;
	[sflag:s11] =	ssyncadd.s32 @!p0 $0xFFFFE000;
	s11 =	sadd.s32 @!p0 $0x2C00, s3  }
0xfe: {  	[spmem:s1] =	stream.indirect.scatter.add.f32 @!p0 [tilespmem:s13], [sflag:$0x9], $0x40, s11, s22, $0xb8;
	[tilespmem:$0x19000] =	vst v63  }
0xff: {  	s11 =	simm.s32 @!p0 $0x7  }
0x100: {  	_ =	swait.ge @!p0 [sflag:s11], $0x2000  }
0x101: {  	[sflag:s11] =	ssyncset.done @!p0 $0x0  }
0x102: {  	s3 =	sadd.s32 @!p0 $0x580, s3;
	[sflag:s11] =	ssyncadd.s32 @!p0 $0xFFFFE000;
	s11 =	simm.s32 @!p0 $0x7000  }
0x103: {  	[tilespmem:s11], [sflag:$0x2] =	stream.indirect.gather @!p0 [hbm4b:s10+s22], $0x40, s3, s22, $0xb8;
	[tilespmem:$0x19000] =	vst v63  }
.Ltmp4:
0x104: {  	_ = 	snop;
	(pc) =	sbr.rel @p0 .LBB2_7-.Ltmp4, $4  }
0x105: {  	_ =	swait.ge [sflag:s9], $0x2000  }
0x106: {  	[sflag:s9] =	ssyncset.done $0x0  }
0x107: {  	s22 =	sadd.s32 $0x2C80, s8;
	[sflag:s9] =	ssyncadd.s32 $0xFFFFE000  }
0x108: {  	[spmem:s1] =	stream.indirect.scatter.add.f32 [tilespmem:s28], [sflag:$0xA], $0x40, s22, s14, $0xb8;
	[tilespmem:$0x19000] =	vst v63  }
.Ltmp5:
0x109: {  	(pc) =	sbr.rel .LBB2_5-.Ltmp5, $4  }
0x10a: {  	_ =	swait.ge [sflag:s17], $0x2000  }
0x10b: {  	[sflag:s17] =	ssyncset.done $0x0  }
0x10c: {  	s3 =	sadd.s32 $0x600, s8;
	s5 =	sadd.s32 $0xA00, s5;
	[sflag:s17] =	ssyncadd.s32 $0xFFFFE000  }
0x10d: {  	[tilespmem:s18], [sflag:$0x3] =	stream.indirect.gather [hbm4b:s10+s14], $0x40, s3, s14, $0xb8;
	[tilespmem:$0x19000] =	vst v63  }
.LBB2_8:
0x10e: {  	_ =	sfence.sel $0x180000  }
0x10f: {  	[bflag:$0x0] =	sbarrier.arrive $0xFFFF  }
0x110: {  	_ =	strace $0x9000004A  }
0x111: {  	s0 =	stileid.u32;
	[bflag:$0x2] =	sbarrier.arrive $0xFFFF  }
0x112: {  	p0 =	sne.s32 s0, $0x0;
	s0 =	rddreg [dreg:$0x3]  }
0x113: {  	s0 =	sadd.s32 @!p0 $0x100000, s0  }
0x114: {  	[sflag:s0] =	ssyncadd.tile.s32 @!p0 $0x1;
	_ =	shalt  }
.Lfunc_end2:
_tile_overlayer_lowered:
.L_overlay_start_2:
0x115: {  	(tag) =	ssettag $0x2  }
0x116: {  	s0 =	rddreg [dreg:$0x0];
	s2 =	stileid.u32  }
0x117: {  	s1 =	rddreg [dreg:$0x1];
	p0 =	sne.s32 s2, $0x0  }
0x118: {  	s3 =	rddreg [dreg:$0x2];
	[bflag:$0x3] =	sbarrier.arrive $0xFFFF;
	s2 =	simm.s32 @!p0 $0x1C0B  }
0x119: {  	[timem:s3], [sflag:s2] =	dma.local @!p0 [hbm:s0], s1  }
0x11a: {  	s0 =	simm.s32 @!p0 $0xB  }
0x11b: {  	_ =	swait.ge @!p0 [sflag:s0], s1  }
0x11c: {  	s1 =	ssub.s32 @!p0 $0x0, s1;
	[sflag:s0] =	ssyncset.done @!p0 $0x0  }
0x11d: {  	[sflag:s0] =	ssyncadd.s32 @!p0 s1  }
0x11e: {  	[bflag:$0x3] =	sbarrier.arrive $0xFFFF  }
0x11f: {  	_ =	shalt  }

// kernel: kernel.15.cloned.1.call-start
scs
__scs_entry_jumppad:
0x0: {  	(pc) =	sbr.rel $0x88, $3  }
0x1: {  	(tag) =	ssettag $0x0;
	lr =	simm.s32 $0x1  }
0x2: {  	[smem:$0x3F9B] =	sst lr;
	_ =	strace $0xD0000000  }
0x3: {  	_ = 	snop  }
0x4: {  	_ = 	snop  }
0x5: {  	_ = 	snop  }
0x6: {  	_ = 	snop  }
0x7: {  	_ = 	snop  }
__scs_overlays_trampoline_lowered:
0x8: {  	[smem:$0x3FAA] =	sst s0  }
0x9: {  	[smem:$0x3FAB] =	sst s1  }
0xa: {  	[smem:$0x3FAC] =	sst s2  }
0xb: {  	[smem:$0x3FAD] =	sst s3  }
0xc: {  	[smem:$0x3FAE] =	sst s4  }
0xd: {  	[smem:$0x3FAF] =	sst s5  }
0xe: {  	[smem:$0x3FB0] =	sst s6  }
0xf: {  	[smem:$0x3FB1] =	sst s7  }
0x10: {  	[smem:$0x3FB2] =	sst s8  }
0x11: {  	[smem:$0x3FB3] =	sst s9;
	s0 =	simm.s32 @!p0 $0x0  }
0x12: {  	s1 =	sld [smem:$0x3F99];
	s0 =	simm.s32 @p0 $0x1  }
0x13: {  	[smem:$0x3FB4] =	sst s0;
	s0 =	simm.s32 @!p1 $0x0  }
0x14: {  	s2 =	sld [smem:$0x3F98];
	s0 =	simm.s32 @p1 $0x1  }
0x15: {  	[smem:$0x3FB5] =	sst s0;
	s0 =	simm.s32 @!p2 $0x0  }
0x16: {  	s3 =	sld [smem:$0x3FDB];
	s0 =	simm.s32 @p2 $0x1  }
0x17: {  	s4 =	simm.s32 $0x1BF5;
	[smem:$0x3FB7] =	sst s0  }
0x18: {  	s0 =	sld [smem:$0x3F9A];
	_ =	swait.ge [sflag:s4], $0x0  }
0x19: {  	s7 =	sld [smem:$0x3F9B]  }
0x1a: {  	s8 =	sadd.s32 $0xFFFFE003, lr  }
0x1b: {  	s9 =	sadd.s32 $0xFFFFFEF7, lr;
	s5 =	simm.s32 $0xFFFFFFFF;
	p2 =	slt.u32 s8, $0xFFFFF086  }
0x1c: {  	p1 =	slt.u32 s9, $0xF7A;
	s5 =	simm.s32 @!p2 $0x0  }
0x1d: {  	s5 =	simm.s32 @p1 $0x1;
	p0 =	seq.s32 s7, s2  }
0x1e: {  	s7 =	smul.u32 @!p0 $0xF7A, s2;
	p2 =	seq.s32 @!p0 s5, $0x0  }
0x1f: {  	s9 =	smul.u32 $0xF7A, s1;
	s8 =	simm.s32 @!p0 $0x1BF5;
	p2 =	por !p2, p0  }
0x20: {  	[sflag:s8] =	ssyncset.s32 @!p0 $0xFFFFF086;
	s6 =	sadd.s32 @!p0 s3, s7;
	s7 =	simm.s32 @!p0 $0x108  }
0x21: {  	s3 =	sadd.s32 s3, s9;
	s6 =	sadd.s32 @!p0 $0x88, s6;
	s7 =	simm.s32 @p2 $0x1082  }
0x22: {  	[simem:s7], [sflag:s8] =	dma.local @!p0 [hbm:s6], $0xF7A  }
0x23: {  	s9 =	sor.u32 $0xD0000000, s2;
	s6 =	simm.s32 $0x108;
	_ =	swait.ge @!p0 [sflag:s8], $0x0  }
0x24: {  	s3 =	sadd.s32 $0x88, s3;
	s6 =	simm.s32 @!p1 $0x1082;
	[sflag:s4] =	ssyncset.s32 $0xFFFFF086  }
0x25: {  	[simem:s6], [sflag:s4] =	dma.local [hbm:s3], $0xF7A  }
0x26: {  	[smem:$0x3F9B] =	sst s1;
	(tag) =	ssettag s2;
	_ =	strace s9  }
0x27: {  	s1 =	sld [smem:$0x3FAB]  }
0x28: {  	s2 =	sld [smem:$0x3FAC]  }
0x29: {  	s4 =	sld [smem:$0x3FAE]  }
0x2a: {  	p0 =	seq.s32 s5, $0x0;
	s5 =	sld [smem:$0x3FAF]  }
0x2b: {  	s6 =	sld [smem:$0x3FB0]  }
0x2c: {  	s7 =	sld [smem:$0x3FB1]  }
0x2d: {  	s3 =	simm.s32 $0x108;
	s8 =	sld [smem:$0x3FB2]  }
0x2e: {  	s3 =	simm.s32 @!p0 $0x1082;
	s9 =	sld [smem:$0x3FB3]  }
0x2f: {  	lr =	sadd.s32 s0, s3;
	s0 =	sld [smem:$0x3FAA]  }
0x30: {  	s3 =	sld [smem:$0x3FAD]  }
0x31: {  	[smem:$0x3FB6] =	sst s10  }
0x32: {  	s10 =	sld [smem:$0x3FB4];
	_ =	sdelay $0x3  }
0x33: {  	p0 =	seq.s32 s10, $0x1;
	s10 =	sld [smem:$0x3FB6];
	_ =	sdelay $0x3  }
0x34: {  	[smem:$0x3FB6] =	sst s10  }
0x35: {  	s10 =	sld [smem:$0x3FB5];
	_ =	sdelay $0x3  }
0x36: {  	p1 =	seq.s32 s10, $0x1;
	s10 =	sld [smem:$0x3FB6];
	_ =	sdelay $0x3  }
0x37: {  	[smem:$0x3FB6] =	sst s10  }
0x38: {  	s10 =	sld [smem:$0x3FB7]  }
0x39: {  	_ = 	snop;
	(pc) =	sbr.ind lr, $3  }
0x3a: {  	_ = 	snop  }
0x3b: {  	_ = 	snop  }
0x3c: {  	p2 =	seq.s32 s10, $0x1;
	s10 =	sld [smem:$0x3FB6]  }
0x3d: {  	_ =	shalt  }
0x3e: {  	_ =	shalt  }
0x3f: {  	_ =	shalt  }
0x40: {  	_ =	shalt  }
0x41: {  	_ =	shalt  }
0x42: {  	_ =	shalt  }
0x43: {  	_ =	shalt  }
0x44: {  	_ =	shalt  }
0x45: {  	_ =	shalt  }
0x46: {  	_ =	shalt  }
0x47: {  	_ =	shalt  }
0x48: {  	_ =	shalt  }
0x49: {  	_ =	shalt  }
0x4a: {  	_ =	shalt  }
0x4b: {  	_ =	shalt  }
0x4c: {  	_ =	shalt  }
0x4d: {  	_ =	shalt  }
0x4e: {  	_ =	shalt  }
0x4f: {  	_ =	shalt  }
0x50: {  	_ =	shalt  }
0x51: {  	_ =	shalt  }
0x52: {  	_ =	shalt  }
0x53: {  	_ =	shalt  }
0x54: {  	_ =	shalt  }
0x55: {  	_ =	shalt  }
0x56: {  	_ =	shalt  }
0x57: {  	_ =	shalt  }
0x58: {  	_ =	shalt  }
0x59: {  	_ =	shalt  }
0x5a: {  	_ =	shalt  }
0x5b: {  	_ =	shalt  }
0x5c: {  	_ =	shalt  }
0x5d: {  	_ =	shalt  }
0x5e: {  	_ =	shalt  }
0x5f: {  	_ =	shalt  }
0x60: {  	_ =	shalt  }
0x61: {  	_ =	shalt  }
0x62: {  	_ =	shalt  }
0x63: {  	_ =	shalt  }
0x64: {  	_ =	shalt  }
0x65: {  	_ =	shalt  }
0x66: {  	_ =	shalt  }
0x67: {  	_ =	shalt  }
0x68: {  	_ =	shalt  }
0x69: {  	_ =	shalt  }
0x6a: {  	_ =	shalt  }
0x6b: {  	_ =	shalt  }
0x6c: {  	_ =	shalt  }
0x6d: {  	_ =	shalt  }
0x6e: {  	_ =	shalt  }
0x6f: {  	_ =	shalt  }
0x70: {  	_ =	shalt  }
0x71: {  	_ =	shalt  }
0x72: {  	_ =	shalt  }
0x73: {  	_ =	shalt  }
0x74: {  	_ =	shalt  }
0x75: {  	_ =	shalt  }
0x76: {  	_ =	shalt  }
0x77: {  	_ =	shalt  }
0x78: {  	_ =	shalt  }
0x79: {  	_ =	shalt  }
0x7a: {  	_ =	shalt  }
0x7b: {  	_ =	shalt  }
0x7c: {  	_ =	shalt  }
0x7d: {  	_ =	shalt  }
0x7e: {  	_ =	shalt  }
0x7f: {  	_ =	shalt  }
0x80: {  	_ =	shalt  }
0x81: {  	_ =	shalt  }
0x82: {  	_ =	shalt  }
0x83: {  	_ =	shalt  }
0x84: {  	_ =	shalt  }
0x85: {  	_ =	shalt  }
0x86: {  	_ =	shalt  }
0x87: {  	_ =	shalt  }
.Lfunc_end0:
.L_simem_size_0:
called_computation.2_lowered:
.L_overlay_start_0:
0x88: {  	s2 =	sld [smem:$0x3FD9]  }
0x89: {  	s3 =	sld [smem:$0x3FFE];
	_ =	sdelay $0x1  }
0x8a: {  	s1 =	srdreg.scid  }
0x8b: {  	s0 =	sand.u32 $0x1, s1  }
0x8c: {  	s17 =	sshll.u32 s0, $0xA;
	s2 =	sadd.s32 s3, s2  }
0x8d: {  	s2 =	sadd.s32 s2, s17  }
0x8e: {  	[smem:$0x3FC2] =	sst s2  }
0x8f: {  	_ = 	snop  }
0x90: {  	s2 =	sld [smem:$0x3FD0];
	(tm) =	ssettm $0x1  }
0x91: {  	s18 =	sld [smem:$0x3FFB];
	_ =	sdelay $0x3  }
0x92: {  	_ =	strace s18  }
0x93: {  	s3 =	sld [smem:$0x3FFC];
	_ =	sdelay $0x3  }
0x94: {  	_ =	strace s3  }
0x95: {  	s3 =	sld [smem:$0x3FFD];
	_ =	sdelay $0x3  }
0x96: {  	_ =	strace s3  }
0x97: {  	_ =	strace $0x8FFFFFFF  }
0x98: {  	s19 =	sld [smem:$0x3FDB];
	_ =	sdelay $0x1  }
0x99: {  	s4 =	simm.s32 $_scs_section_size  }
0x9a: {  	s5 =	simm.s32 $_size__tile_overlayer_lowered;
	s6 =	simm.s32 $_tile_overlayer_lowered  }
0x9b: {  	s22 =	simm.s32 $0x1BFF;
	s21 =	sshll.u32 s6, $0x1;
	s3 =	sadd.s32 s4, s19  }
0x9c: {  	s7 =	simm.s32 $0x0;
	s20 =	sshll.u32 s5, $0x1;
	s5 =	sadd.s32 s21, s3  }
0x9d: {  	[timem:s7], [sflag:s22] =	dma.local [hbm:s5], s20  }
0x9e: {  	_ =	swait.ge [sflag:s22], s20  }
0x9f: {  	s4 =	ssub.s32 $0x0, s20;
	[sflag:s22] =	ssyncset.done $0x0  }
0xa0: {  	[sflag:s22] =	ssyncadd.s32 s4;
	_ =	sdelay $0x1  }
0xa1: {  	s23 =	simm.s32 $0x1B8B  }
0xa2: {  	_ =	swait.ge [sflag:s23], $0x1  }
0xa3: {  	[sflag:s23] =	ssyncset.done $0x0  }
0xa4: {  	s25 =	simm.s32 $0x1B8E;
	s24 =	sld [smem:$0x3FFE];
	[sflag:s23] =	ssyncadd.s32 $0xFFFFFFFF  }
0xa5: {  	s26 =	simm.s32 $execute0_lowered;
	[smem:$0x3FD2] =	sst s25  }
0xa6: {  	s5 =	sshll.u32 s26, $0x1;
	_ =	strace $0x8000004C;
	[dreg:$0x1] =	wrdreg $0xFFFFFFFF  }
0xa7: {  	s28 =	simm.s32 $_size_execute0_lowered;
	s3 =	sadd.s32 s3, s5;
	[dreg:$0x0] =	wrdreg $0x0  }
0xa8: {  	s5 =	sshll.u32 s28, $0x1;
	[dreg:$0x2] =	wrdreg s3  }
0xa9: {  	[dreg:$0x3] =	wrdreg s5  }
0xaa: {  	[dreg:$0x4] =	wrdreg $0xC0  }
0xab: {  	_ =	task [dreg:s7], $0x5FFFF  }
0xac: {  	[dreg:$0x1] =	wrdreg $0xFFFFFFFF  }
0xad: {  	[dreg:$0x0] =	wrdreg $0x60  }
0xae: {  	[dreg:$0x2] =	wrdreg s24  }
0xaf: {  	[dreg:$0x3] =	wrdreg s2  }
0xb0: {  	[dreg:$0x4] =	wrdreg $0xF0000  }
0xb1: {  	[dreg:$0x5] =	wrdreg $0x9  }
0xb2: {  	_ =	task.clear_ibuf [dreg:s7], $0x6FFFF;
	_ =	strace $0x9000004C  }
0xb3: {  	s29 =	simm.s32 $0x9;
	_ =	strace $0x8000004E  }
0xb4: {  	_ =	swait.ge [sflag:s29], $0x1  }
0xb5: {  	[sflag:s29] =	ssyncadd.s32 $0xFFFFFFFF  }
0xb6: {  	_ =	strace $0x9000004E  }
0xb7: {  	_ =	sfence  }
0xb8: {  	s30 =	sld [smem:$0x0];
	_ =	sdelay $0x2  }
0xb9: {  	s31 =	sshll.u32 s1, $0xD;
	s1 =	sshrl.u32 s1, $0x2  }
0xba: {  	s3 =	sand.u32 $0x4000, s31;
	s1 =	sadd.s32 s1, s30  }
0xbb: {  	s0 =	sor.u32 s3, s0;
	s1 =	sshll.u32 s1, $0x11  }
0xbc: {  	s0 =	sor.u32 s1, s0  }
0xbd: {  	s0 =	sadd.s32 $0x8F2B, s0  }
0xbe: {  	[sflag:s0] =	ssyncadd.remote.s32 $0x1  }
0xbf: {  	_ =	sfence.sel $0xFFFF  }
0xc0: {  	[dreg:$0x0] =	wrdreg $0xFFFFFFFF;
	(pc) =	sbr.abs _section_cstart, $3  }
0xc1: {  	[dreg:$0x1] =	wrdreg $0xFFFFFFFF  }
0xc2: {  	_ =	task.clear_ibuf [dreg:s7], $0x2FFFF;
	_ =	strace $0x9FFFFFFF  }
0xc3: {  	(tm) =	ssettm $0x7FFFFFFF  }
tec
execute0_lowered:
.L_overlay_start_1:
0x0: {  	(tag) =	ssettag $0x1  }
0x1: {  	s0 =	rddreg [dreg:$0x0]  }
0x2: {  	s2 =	rddreg [dreg:$0x1]  }
0x3: {  	s1 =	rddreg [dreg:$0x2]  }
0x4: {  	s3 =	srdreg.scid;
	s15 =	stileid.u32  }
0x5: {  	s11 =	simm.s32 $0x80;
	s12 =	simm.s32 $0x5000;
	s13 =	simm.s32 $0x7000  }
0x6: {  	s18 =	simm.s32 $0x1;
	s20 =	simm.s32 $0xB000;
	s21 =	simm.s32 $0x2  }
0x7: {  	s29 =	simm.s32 $0x6;
	s31 =	simm.s32 $0x4;
	s19 =	simm.s32 $0x5  }
0x8: {  	s23 =	simm.s32 $0x8;
	s30 =	simm.s32 $0x9;
	s5 =	sand.u32 $0x1, s3  }
0x9: {  	s3 =	simm.s32 $0x0;
	s10 =	smul.u32 $0xA000, s15;
	s16 =	sshll.u32 s15, $0x6  }
0xa: {  	s4 =	sshll.u32 s5, $0x4;
	[smem:$0x7FF] =	sst s3;
	s7 =	smul.u32 $0x14000, s5  }
0xb: {  	s5 =	ssub.s32 $0x2, s5;
	s16 =	sor.u32 $0x1C0B, s16;
	s4 =	sor.u32 s15, s4  }
0xc: {  	_ =	strace $0x8000004D;
	s9 =	sshrl.u32 s5, $0x1;
	s26 =	sadd.s32 s10, s1  }
0xd: {  	s14 =	sshrl.u32 s10, $0x3;
	s15 =	simm.s32 $0x9000;
	s6 =	smul.u32 $0x500, s4  }
0xe: {  	s4 =	sadd.s32 $0xBA00, s0;
	s9 =	ssub.s32 s5, s9;
	s17 =	sshrl.u32 s26, $0x3  }
0xf: {  	s26 =	simm.s32 $0x3;
	s28 =	sadd.s32 s4, s14;
	s8 =	sadd.s32 s6, s0  }
.Ltmp0:
0x10: {  	s2 =	sadd.s32 s2, s6;
	[dreg:$0x6] =	wrdreg s28;
	(pc) =	sbr.rel .LBB2_1-.Ltmp0, $4  }
0x11: {  	s0 =	sadd.s32 s7, s0;
	[dreg:$0x4] =	wrdreg s2;
	s25 =	sadd.s32 $0x1A00, s8  }
0x12: {  	s0 =	sadd.s32 $0x1FA00, s0;
	s8 =	smax.u32 s9, $0x1;
	s9 =	simm.s32 $0xB  }
0x13: {  	s2 =	simm.s32 $0x7;
	[dreg:$0x5] =	wrdreg s25;
	s24 =	sadd.s32 s14, s0  }
0x14: {  	s25 =	simm.s32 $0xD000;
	s0 =	simm.s32 $0xA;
	s14 =	simm.s32 $0x0  }
.LBB2_4:
0x15: {  	_ =	swait.ge [sflag:s29], $0x2000  }
0x16: {  	[sflag:s29] =	ssyncset.done $0x0  }
0x17: {  	[sflag:s29] =	ssyncadd.s32 $0xFFFFE000  }
0x18: {  	_ =	swait.ge [sflag:s2], $0x2000  }
0x19: {  	[sflag:s2] =	ssyncset.done $0x0  }
0x1a: {  	[sflag:s2] =	ssyncadd.s32 $0xFFFFE000  }
0x1b: {  	_ =	swait.ge [sflag:s23], $0x2000  }
0x1c: {  	[sflag:s23] =	ssyncset.done $0x0  }
0x1d: {  	[sflag:s23] =	ssyncadd.s32 $0xFFFFE000  }
0x1e: {  	_ =	swait.ge [sflag:s30], $0x2000  }
0x1f: {  	[sflag:s30] =	ssyncset.done $0x0  }
0x20: {  	[sflag:s30] =	ssyncadd.s32 $0xFFFFE000  }
0x21: {  	_ =	swait.ge [sflag:s0], $0x2000  }
0x22: {  	s14 =	sadd.s32 $0x1, s14;
	[sflag:s0] =	ssyncset.done $0x0  }
0x23: {  	p0 =	sne.s32 s14, s8;
	[sflag:s0] =	ssyncadd.s32 $0xFFFFE000  }
.Ltmp1:
0x24: {  	[bflag:$0x0] =	sbarrier.arrive $0xFFFF;
	(pc) =	sbr.rel @!p0 .LBB2_5-.Ltmp1, $4  }
0x25: {  	[hbm:s24], [sflag:s16] =	dma.local [spmem:s17], $0x1400  }
0x26: {  	_ =	swait.ge [sflag:s9], $0x1400  }
0x27: {  	[sflag:s9] =	ssyncset.done $0x0  }
0x28: {  	[sflag:s9] =	ssyncadd.s32 $0xFFFFEC00  }
.LBB2_1:
0x29: {  	s5 =	rddreg [dreg:$0x4]  }
0x2a: {  	[tilespmem:s3], [sflag:$0xB] =	stream.linear.gather [hbm4b:s5+s3], $0x2800, $0x38;
	[tilespmem:$0x19000] =	vst v63  }
0x2b: {  	_ =	swait.ge [sflag:s9], $0x2800  }
0x2c: {  	[sflag:s9] =	ssyncset.done $0x0  }
0x2d: {  	s6 =	simm.s32 $0x2800;
	s10 =	rddreg [dreg:$0x5];
	[sflag:s9] =	ssyncadd.s32 $0xFFFFD800  }
0x2e: {  	[tilespmem:s6], [sflag:$0xB] =	stream.linear.gather [hbm4b:s10+s3], $0x2800, $0x38;
	[tilespmem:$0x19000] =	vst v63  }
0x2f: {  	_ =	swait.ge [sflag:s9], $0x2800  }
0x30: {  	[sflag:s9] =	ssyncset.done $0x0  }
0x31: {  	[sflag:s9] =	ssyncadd.s32 $0xFFFFD800  }
0x32: {  	[tilespmem:s12], [sflag:$0x1] =	stream.indirect.gather [hbm4b:s4+s11], $0x40, s3, s11, $0xb8;
	[tilespmem:$0x19000] =	vst v63  }
0x33: {  	_ = 	snop  }
0x34: {  	[tilespmem:s13], [sflag:$0x2] =	stream.indirect.gather [hbm4b:s4+s11], $0x40, s11, s11, $0xb8;
	[tilespmem:$0x19000] =	vst v63  }
0x35: {  	s22 =	simm.s32 $0x100;
	s28 =	rddreg [dreg:$0x6]  }
0x36: {  	[tilespmem:s15], [sflag:$0x3] =	stream.indirect.gather [hbm4b:s4+s11], $0x40, s22, s11, $0xb8;
	[tilespmem:$0x19000] =	vst v63  }
0x37: {  	[spmem:s17], [sflag:s16] =	dma.local [hbm:s28], $0x1400  }
0x38: {  	_ =	swait.ge [sflag:s9], $0x1400  }
0x39: {  	[sflag:s9] =	ssyncset.done $0x0  }
0x3a: {  	[sflag:s9] =	ssyncadd.s32 $0xFFFFEC00  }
0x3b: {  	[bflag:$0x0] =	sbarrier.arrive $0xFFFF  }
0x3c: {  	_ =	swait.ge [sflag:s18], $0x2000  }
0x3d: {  	[sflag:s18] =	ssyncset.done $0x0  }
0x3e: {  	[sflag:s18] =	ssyncadd.s32 $0xFFFFE000  }
0x3f: {  	[spmem:s1] =	stream.indirect.scatter.add.f32 [tilespmem:s12], [sflag:$0x6], $0x40, s6, s11, $0xb8;
	[tilespmem:$0x19000] =	vst v63  }
0x40: {  	s7 =	simm.s32 $0x180  }
0x41: {  	[tilespmem:s20], [sflag:$0x4] =	stream.indirect.gather [hbm4b:s4+s11], $0x40, s7, s11, $0xb8;
	[tilespmem:$0x19000] =	vst v63  }
0x42: {  	_ =	swait.ge [sflag:s21], $0x2000  }
0x43: {  	[sflag:s21] =	ssyncset.done $0x0  }
0x44: {  	s10 =	simm.s32 $0x2880;
	[sflag:s21] =	ssyncadd.s32 $0xFFFFE000  }
0x45: {  	[spmem:s1] =	stream.indirect.scatter.add.f32 [tilespmem:s13], [sflag:$0x7], $0x40, s10, s11, $0xb8;
	[tilespmem:$0x19000] =	vst v63  }
0x46: {  	s22 =	simm.s32 $0x200  }
0x47: {  	[tilespmem:s25], [sflag:$0x5] =	stream.indirect.gather [hbm4b:s4+s11], $0x40, s22, s11, $0xb8;
	[tilespmem:$0x19000] =	vst v63  }
0x48: {  	_ =	swait.ge [sflag:s26], $0x2000  }
0x49: {  	[sflag:s26] =	ssyncset.done $0x0  }
0x4a: {  	s28 =	simm.s32 $0x2900;
	[sflag:s26] =	ssyncadd.s32 $0xFFFFE000  }
0x4b: {  	[spmem:s1] =	stream.indirect.scatter.add.f32 [tilespmem:s15], [sflag:$0x8], $0x40, s28, s11, $0xb8;
	[tilespmem:$0x19000] =	vst v63  }
0x4c: {  	_ =	swait.ge [sflag:s29], $0x2000  }
0x4d: {  	[sflag:s29] =	ssyncset.done $0x0  }
0x4e: {  	s6 =	simm.s32 $0x280;
	[sflag:s29] =	ssyncadd.s32 $0xFFFFE000  }
0x4f: {  	[tilespmem:s12], [sflag:$0x1] =	stream.indirect.gather [hbm4b:s4+s11], $0x40, s6, s11, $0xb8;
	[tilespmem:$0x19000] =	vst v63  }
0x50: {  	_ =	swait.ge [sflag:s31], $0x2000  }
0x51: {  	[sflag:s31] =	ssyncset.done $0x0  }
0x52: {  	s7 =	simm.s32 $0x2980;
	[sflag:s31] =	ssyncadd.s32 $0xFFFFE000  }
0x53: {  	[spmem:s1] =	stream.indirect.scatter.add.f32 [tilespmem:s20], [sflag:$0x9], $0x40, s7, s11, $0xb8;
	[tilespmem:$0x19000] =	vst v63  }
0x54: {  	_ =	swait.ge [sflag:s2], $0x2000  }
0x55: {  	[sflag:s2] =	ssyncset.done $0x0  }
0x56: {  	s10 =	simm.s32 $0x300;
	[sflag:s2] =	ssyncadd.s32 $0xFFFFE000  }
0x57: {  	[tilespmem:s13], [sflag:$0x2] =	stream.indirect.gather [hbm4b:s4+s11], $0x40, s10, s11, $0xb8;
	[tilespmem:$0x19000] =	vst v63  }
0x58: {  	_ =	swait.ge [sflag:s19], $0x2000  }
0x59: {  	[sflag:s19] =	ssyncset.done $0x0  }
0x5a: {  	s22 =	simm.s32 $0x2A00;
	[sflag:s19] =	ssyncadd.s32 $0xFFFFE000  }
0x5b: {  	[spmem:s1] =	stream.indirect.scatter.add.f32 [tilespmem:s25], [sflag:$0xA], $0x40, s22, s11, $0xb8;
	[tilespmem:$0x19000] =	vst v63  }
0x5c: {  	_ =	swait.ge [sflag:s23], $0x2000  }
0x5d: {  	[sflag:s23] =	ssyncset.done $0x0  }
0x5e: {  	s28 =	simm.s32 $0x380;
	s22 =	simm.s32 $0x0;
	[sflag:s23] =	ssyncadd.s32 $0xFFFFE000  }
0x5f: {  	[tilespmem:s15], [sflag:$0x3] =	stream.indirect.gather [hbm4b:s4+s11], $0x40, s28, s11, $0xb8;
	[tilespmem:$0x19000] =	vst v63  }
.LBB2_2:
0x60: {  	_ =	swait.ge [sflag:s18], $0x2000  }
0x61: {  	s28 =	sshra.s32 s22, $0x2;
	[sflag:s18] =	ssyncset.done $0x0  }
0x62: {  	s5 =	sadd.s32 $0x2A80, s28;
	[sflag:s18] =	ssyncadd.s32 $0xFFFFE000  }
0x63: {  	[spmem:s1] =	stream.indirect.scatter.add.f32 [tilespmem:s12], [sflag:$0x6], $0x40, s5, s11, $0xb8;
	[tilespmem:$0x19000] =	vst v63  }
0x64: {  	_ =	swait.ge [sflag:s30], $0x2000  }
0x65: {  	[sflag:s30] =	ssyncset.done $0x0  }
0x66: {  	s7 =	sadd.s32 $0x400, s28;
	[sflag:s30] =	ssyncadd.s32 $0xFFFFE000  }
0x67: {  	[tilespmem:s20], [sflag:$0x4] =	stream.indirect.gather [hbm4b:s4+s11], $0x40, s7, s11, $0xb8;
	[tilespmem:$0x19000] =	vst v63  }
0x68: {  	_ =	swait.ge [sflag:s21], $0x2000  }
0x69: {  	[sflag:s21] =	ssyncset.done $0x0  }
0x6a: {  	s10 =	sadd.s32 $0x2B00, s28;
	[sflag:s21] =	ssyncadd.s32 $0xFFFFE000  }
0x6b: {  	[spmem:s1] =	stream.indirect.scatter.add.f32 [tilespmem:s13], [sflag:$0x7], $0x40, s10, s11, $0xb8;
	[tilespmem:$0x19000] =	vst v63  }
0x6c: {  	_ =	swait.ge [sflag:s0], $0x2000  }
0x6d: {  	[sflag:s0] =	ssyncset.done $0x0  }
0x6e: {  	s6 =	sadd.s32 $0x480, s28;
	[sflag:s0] =	ssyncadd.s32 $0xFFFFE000  }
0x6f: {  	[tilespmem:s25], [sflag:$0x5] =	stream.indirect.gather [hbm4b:s4+s11], $0x40, s6, s11, $0xb8;
	[tilespmem:$0x19000] =	vst v63  }
0x70: {  	_ =	swait.ge [sflag:s26], $0x2000  }
0x71: {  	p0 =	seq.s32 s22, $0x8C00;
	[sflag:s26] =	ssyncset.done $0x0  }
0x72: {  	s5 =	simm.s32 @p0 $0x4;
	s7 =	sadd.s32 $0x2B80, s28;
	[sflag:s26] =	ssyncadd.s32 $0xFFFFE000  }
0x73: {  	[spmem:s1] =	stream.indirect.scatter.add.f32 [tilespmem:s15], [sflag:$0x8], $0x40, s7, s11, $0xb8;
	[tilespmem:$0x19000] =	vst v63  }
0x74: {  	_ =	swait.ge @p0 [sflag:s5], $0x2000  }
0x75: {  	[sflag:s5] =	ssyncset.done @p0 $0x0  }
0x76: {  	[sflag:s5] =	ssyncadd.s32 @p0 $0xFFFFE000;
	s5 =	sshra.s32 @p0 s22, $0x2  }
0x77: {  	s6 =	simm.s32 @p0 $0x80;
	s7 =	simm.s32 @p0 $0xB000;
	s5 =	sadd.s32 @p0 $0x2C00, s5  }
0x78: {  	[spmem:s1] =	stream.indirect.scatter.add.f32 @p0 [tilespmem:s7], [sflag:$0x9], $0x40, s5, s6, $0xb8;
	[tilespmem:$0x19000] =	vst v63  }
0x79: {  	s5 =	simm.s32 @!p0 $0x6  }
0x7a: {  	_ =	swait.ge @!p0 [sflag:s5], $0x2000  }
0x7b: {  	[sflag:s5] =	ssyncset.done @!p0 $0x0  }
0x7c: {  	[sflag:s5] =	ssyncadd.s32 @!p0 $0xFFFFE000;
	s5 =	sshra.s32 @!p0 s22, $0x2  }
0x7d: {  	s10 =	simm.s32 @!p0 $0x5000;
	s7 =	simm.s32 @!p0 $0x80;
	s6 =	sadd.s32 @!p0 $0x500, s5  }
0x7e: {  	[tilespmem:s10], [sflag:$0x1] =	stream.indirect.gather @!p0 [hbm4b:s4+s7], $0x40, s6, s7, $0xb8;
	[tilespmem:$0x19000] =	vst v63  }
0x7f: {  	s6 =	simm.s32 @!p0 $0x4  }
0x80: {  	_ =	swait.ge @!p0 [sflag:s6], $0x2000  }
0x81: {  	[sflag:s6] =	ssyncset.done @!p0 $0x0  }
0x82: {  	s10 =	simm.s32 @!p0 $0xB000;
	[sflag:s6] =	ssyncadd.s32 @!p0 $0xFFFFE000;
	s6 =	sadd.s32 @!p0 $0x2C00, s5  }
0x83: {  	[spmem:s1] =	stream.indirect.scatter.add.f32 @!p0 [tilespmem:s10], [sflag:$0x9], $0x40, s6, s7, $0xb8;
	[tilespmem:$0x19000] =	vst v63  }
0x84: {  	s6 =	simm.s32 @!p0 $0x7  }
0x85: {  	_ =	swait.ge @!p0 [sflag:s6], $0x2000  }
0x86: {  	[sflag:s6] =	ssyncset.done @!p0 $0x0  }
0x87: {  	s5 =	sadd.s32 @!p0 $0x580, s5;
	[sflag:s6] =	ssyncadd.s32 @!p0 $0xFFFFE000;
	s6 =	simm.s32 @!p0 $0x7000  }
0x88: {  	[tilespmem:s6], [sflag:$0x2] =	stream.indirect.gather @!p0 [hbm4b:s4+s7], $0x40, s5, s7, $0xb8;
	[tilespmem:$0x19000] =	vst v63  }
.Ltmp2:
0x89: {  	_ = 	snop;
	(pc) =	sbr.rel @p0 .LBB2_4-.Ltmp2, $4  }
0x8a: {  	_ =	swait.ge [sflag:s19], $0x2000  }
0x8b: {  	[sflag:s19] =	ssyncset.done $0x0  }
0x8c: {  	s10 =	sadd.s32 $0x2C80, s28;
	[sflag:s19] =	ssyncadd.s32 $0xFFFFE000  }
0x8d: {  	[spmem:s1] =	stream.indirect.scatter.add.f32 [tilespmem:s25], [sflag:$0xA], $0x40, s10, s11, $0xb8;
	[tilespmem:$0x19000] =	vst v63  }
.Ltmp3:
0x8e: {  	(pc) =	sbr.rel .LBB2_2-.Ltmp3, $4  }
0x8f: {  	_ =	swait.ge [sflag:s23], $0x2000  }
0x90: {  	[sflag:s23] =	ssyncset.done $0x0  }
0x91: {  	s5 =	sadd.s32 $0x600, s28;
	s22 =	sadd.s32 $0xA00, s22;
	[sflag:s23] =	ssyncadd.s32 $0xFFFFE000  }
0x92: {  	[tilespmem:s15], [sflag:$0x3] =	stream.indirect.gather [hbm4b:s4+s11], $0x40, s5, s11, $0xb8;
	[tilespmem:$0x19000] =	vst v63  }
.LBB2_5:
0x93: {  	_ =	sfence.sel $0x180000  }
0x94: {  	[bflag:$0x0] =	sbarrier.arrive $0xFFFF  }
0x95: {  	_ =	strace $0x9000004D  }
0x96: {  	s0 =	stileid.u32;
	[bflag:$0x2] =	sbarrier.arrive $0xFFFF  }
0x97: {  	p0 =	sne.s32 s0, $0x0;
	s0 =	rddreg [dreg:$0x3]  }
0x98: {  	s0 =	sadd.s32 @!p0 $0x100000, s0  }
0x99: {  	[sflag:s0] =	ssyncadd.tile.s32 @!p0 $0x1;
	_ =	shalt  }
.Lfunc_end2:
_tile_overlayer_lowered:
.L_overlay_start_2:
0x9a: {  	(tag) =	ssettag $0x2  }
0x9b: {  	s0 =	rddreg [dreg:$0x0];
	s2 =	stileid.u32  }
0x9c: {  	s1 =	rddreg [dreg:$0x1];
	p0 =	sne.s32 s2, $0x0  }
0x9d: {  	s3 =	rddreg [dreg:$0x2];
	[bflag:$0x3] =	sbarrier.arrive $0xFFFF;
	s2 =	simm.s32 @!p0 $0x1C0B  }
0x9e: {  	[timem:s3], [sflag:s2] =	dma.local @!p0 [hbm:s0], s1  }
0x9f: {  	s0 =	simm.s32 @!p0 $0xB  }
0xa0: {  	_ =	swait.ge @!p0 [sflag:s0], s1  }
0xa1: {  	s1 =	ssub.s32 @!p0 $0x0, s1;
	[sflag:s0] =	ssyncset.done @!p0 $0x0  }
0xa2: {  	[sflag:s0] =	ssyncadd.s32 @!p0 s1  }
0xa3: {  	[bflag:$0x3] =	sbarrier.arrive $0xFFFF  }
0xa4: {  	_ =	shalt  }

// kernel: kernel.9.cloned.1.call-start
scs
__scs_entry_jumppad:
0x0: {  	(pc) =	sbr.rel $0x88, $3  }
0x1: {  	(tag) =	ssettag $0x0;
	lr =	simm.s32 $0x1  }
0x2: {  	[smem:$0x3F9B] =	sst lr;
	_ =	strace $0xD0000000  }
0x3: {  	_ = 	snop  }
0x4: {  	_ = 	snop  }
0x5: {  	_ = 	snop  }
0x6: {  	_ = 	snop  }
0x7: {  	_ = 	snop  }
__scs_overlays_trampoline_lowered:
0x8: {  	[smem:$0x3FAA] =	sst s0  }
0x9: {  	[smem:$0x3FAB] =	sst s1  }
0xa: {  	[smem:$0x3FAC] =	sst s2  }
0xb: {  	[smem:$0x3FAD] =	sst s3  }
0xc: {  	[smem:$0x3FAE] =	sst s4  }
0xd: {  	[smem:$0x3FAF] =	sst s5  }
0xe: {  	[smem:$0x3FB0] =	sst s6  }
0xf: {  	[smem:$0x3FB1] =	sst s7  }
0x10: {  	[smem:$0x3FB2] =	sst s8  }
0x11: {  	[smem:$0x3FB3] =	sst s9;
	s0 =	simm.s32 @!p0 $0x0  }
0x12: {  	s1 =	sld [smem:$0x3F99];
	s0 =	simm.s32 @p0 $0x1  }
0x13: {  	[smem:$0x3FB4] =	sst s0;
	s0 =	simm.s32 @!p1 $0x0  }
0x14: {  	s2 =	sld [smem:$0x3F98];
	s0 =	simm.s32 @p1 $0x1  }
0x15: {  	[smem:$0x3FB5] =	sst s0;
	s0 =	simm.s32 @!p2 $0x0  }
0x16: {  	s3 =	sld [smem:$0x3FDB];
	s0 =	simm.s32 @p2 $0x1  }
0x17: {  	s4 =	simm.s32 $0x1BF5;
	[smem:$0x3FB7] =	sst s0  }
0x18: {  	s0 =	sld [smem:$0x3F9A];
	_ =	swait.ge [sflag:s4], $0x0  }
0x19: {  	s7 =	sld [smem:$0x3F9B]  }
0x1a: {  	s8 =	sadd.s32 $0xFFFFE003, lr  }
0x1b: {  	s9 =	sadd.s32 $0xFFFFFEF7, lr;
	s5 =	simm.s32 $0xFFFFFFFF;
	p2 =	slt.u32 s8, $0xFFFFF086  }
0x1c: {  	p1 =	slt.u32 s9, $0xF7A;
	s5 =	simm.s32 @!p2 $0x0  }
0x1d: {  	s5 =	simm.s32 @p1 $0x1;
	p0 =	seq.s32 s7, s2  }
0x1e: {  	s7 =	smul.u32 @!p0 $0xF7A, s2;
	p2 =	seq.s32 @!p0 s5, $0x0  }
0x1f: {  	s9 =	smul.u32 $0xF7A, s1;
	s8 =	simm.s32 @!p0 $0x1BF5;
	p2 =	por !p2, p0  }
0x20: {  	[sflag:s8] =	ssyncset.s32 @!p0 $0xFFFFF086;
	s6 =	sadd.s32 @!p0 s3, s7;
	s7 =	simm.s32 @!p0 $0x108  }
0x21: {  	s3 =	sadd.s32 s3, s9;
	s6 =	sadd.s32 @!p0 $0x88, s6;
	s7 =	simm.s32 @p2 $0x1082  }
0x22: {  	[simem:s7], [sflag:s8] =	dma.local @!p0 [hbm:s6], $0xF7A  }
0x23: {  	s9 =	sor.u32 $0xD0000000, s2;
	s6 =	simm.s32 $0x108;
	_ =	swait.ge @!p0 [sflag:s8], $0x0  }
0x24: {  	s3 =	sadd.s32 $0x88, s3;
	s6 =	simm.s32 @!p1 $0x1082;
	[sflag:s4] =	ssyncset.s32 $0xFFFFF086  }
0x25: {  	[simem:s6], [sflag:s4] =	dma.local [hbm:s3], $0xF7A  }
0x26: {  	[smem:$0x3F9B] =	sst s1;
	(tag) =	ssettag s2;
	_ =	strace s9  }
0x27: {  	s1 =	sld [smem:$0x3FAB]  }
0x28: {  	s2 =	sld [smem:$0x3FAC]  }
0x29: {  	s4 =	sld [smem:$0x3FAE]  }
0x2a: {  	p0 =	seq.s32 s5, $0x0;
	s5 =	sld [smem:$0x3FAF]  }
0x2b: {  	s6 =	sld [smem:$0x3FB0]  }
0x2c: {  	s7 =	sld [smem:$0x3FB1]  }
0x2d: {  	s3 =	simm.s32 $0x108;
	s8 =	sld [smem:$0x3FB2]  }
0x2e: {  	s3 =	simm.s32 @!p0 $0x1082;
	s9 =	sld [smem:$0x3FB3]  }
0x2f: {  	lr =	sadd.s32 s0, s3;
	s0 =	sld [smem:$0x3FAA]  }
0x30: {  	s3 =	sld [smem:$0x3FAD]  }
0x31: {  	[smem:$0x3FB6] =	sst s10  }
0x32: {  	s10 =	sld [smem:$0x3FB4];
	_ =	sdelay $0x3  }
0x33: {  	p0 =	seq.s32 s10, $0x1;
	s10 =	sld [smem:$0x3FB6];
	_ =	sdelay $0x3  }
0x34: {  	[smem:$0x3FB6] =	sst s10  }
0x35: {  	s10 =	sld [smem:$0x3FB5];
	_ =	sdelay $0x3  }
0x36: {  	p1 =	seq.s32 s10, $0x1;
	s10 =	sld [smem:$0x3FB6];
	_ =	sdelay $0x3  }
0x37: {  	[smem:$0x3FB6] =	sst s10  }
0x38: {  	s10 =	sld [smem:$0x3FB7]  }
0x39: {  	_ = 	snop;
	(pc) =	sbr.ind lr, $3  }
0x3a: {  	_ = 	snop  }
0x3b: {  	_ = 	snop  }
0x3c: {  	p2 =	seq.s32 s10, $0x1;
	s10 =	sld [smem:$0x3FB6]  }
0x3d: {  	_ =	shalt  }
0x3e: {  	_ =	shalt  }
0x3f: {  	_ =	shalt  }
0x40: {  	_ =	shalt  }
0x41: {  	_ =	shalt  }
0x42: {  	_ =	shalt  }
0x43: {  	_ =	shalt  }
0x44: {  	_ =	shalt  }
0x45: {  	_ =	shalt  }
0x46: {  	_ =	shalt  }
0x47: {  	_ =	shalt  }
0x48: {  	_ =	shalt  }
0x49: {  	_ =	shalt  }
0x4a: {  	_ =	shalt  }
0x4b: {  	_ =	shalt  }
0x4c: {  	_ =	shalt  }
0x4d: {  	_ =	shalt  }
0x4e: {  	_ =	shalt  }
0x4f: {  	_ =	shalt  }
0x50: {  	_ =	shalt  }
0x51: {  	_ =	shalt  }
0x52: {  	_ =	shalt  }
0x53: {  	_ =	shalt  }
0x54: {  	_ =	shalt  }
0x55: {  	_ =	shalt  }
0x56: {  	_ =	shalt  }
0x57: {  	_ =	shalt  }
0x58: {  	_ =	shalt  }
0x59: {  	_ =	shalt  }
0x5a: {  	_ =	shalt  }
0x5b: {  	_ =	shalt  }
0x5c: {  	_ =	shalt  }
0x5d: {  	_ =	shalt  }
0x5e: {  	_ =	shalt  }
0x5f: {  	_ =	shalt  }
0x60: {  	_ =	shalt  }
0x61: {  	_ =	shalt  }
0x62: {  	_ =	shalt  }
0x63: {  	_ =	shalt  }
0x64: {  	_ =	shalt  }
0x65: {  	_ =	shalt  }
0x66: {  	_ =	shalt  }
0x67: {  	_ =	shalt  }
0x68: {  	_ =	shalt  }
0x69: {  	_ =	shalt  }
0x6a: {  	_ =	shalt  }
0x6b: {  	_ =	shalt  }
0x6c: {  	_ =	shalt  }
0x6d: {  	_ =	shalt  }
0x6e: {  	_ =	shalt  }
0x6f: {  	_ =	shalt  }
0x70: {  	_ =	shalt  }
0x71: {  	_ =	shalt  }
0x72: {  	_ =	shalt  }
0x73: {  	_ =	shalt  }
0x74: {  	_ =	shalt  }
0x75: {  	_ =	shalt  }
0x76: {  	_ =	shalt  }
0x77: {  	_ =	shalt  }
0x78: {  	_ =	shalt  }
0x79: {  	_ =	shalt  }
0x7a: {  	_ =	shalt  }
0x7b: {  	_ =	shalt  }
0x7c: {  	_ =	shalt  }
0x7d: {  	_ =	shalt  }
0x7e: {  	_ =	shalt  }
0x7f: {  	_ =	shalt  }
0x80: {  	_ =	shalt  }
0x81: {  	_ =	shalt  }
0x82: {  	_ =	shalt  }
0x83: {  	_ =	shalt  }
0x84: {  	_ =	shalt  }
0x85: {  	_ =	shalt  }
0x86: {  	_ =	shalt  }
0x87: {  	_ =	shalt  }
.Lfunc_end0:
.L_simem_size_0:
called_computation_lowered:
.L_overlay_start_0:
0x88: {  	s2 =	sld [smem:$0x3FD9]  }
0x89: {  	s3 =	sld [smem:$0x3FFE];
	_ =	sdelay $0x1  }
0x8a: {  	s1 =	srdreg.scid  }
0x8b: {  	s0 =	sand.u32 $0x1, s1  }
0x8c: {  	s16 =	sshll.u32 s0, $0xA;
	s2 =	sadd.s32 s3, s2  }
0x8d: {  	s2 =	sadd.s32 s2, s16  }
0x8e: {  	[smem:$0x3FC2] =	sst s2  }
0x8f: {  	_ = 	snop  }
0x90: {  	(tm) =	ssettm $0x1  }
0x91: {  	s17 =	sld [smem:$0x3FFB];
	_ =	sdelay $0x3  }
0x92: {  	_ =	strace s17  }
0x93: {  	s2 =	sld [smem:$0x3FFC];
	_ =	sdelay $0x3  }
0x94: {  	_ =	strace s2  }
0x95: {  	s2 =	sld [smem:$0x3FFD];
	_ =	sdelay $0x3  }
0x96: {  	_ =	strace s2  }
0x97: {  	_ =	strace $0x8FFFFFFF  }
0x98: {  	s18 =	sld [smem:$0x3FDB];
	_ =	sdelay $0x1  }
0x99: {  	s19 =	simm.s32 $_scs_section_size  }
0x9a: {  	s4 =	simm.s32 $_size__tile_overlayer_lowered;
	s5 =	simm.s32 $_tile_overlayer_lowered  }
0x9b: {  	s22 =	simm.s32 $0x1BFF;
	s21 =	sshll.u32 s5, $0x1;
	s2 =	sadd.s32 s19, s18  }
0x9c: {  	s6 =	simm.s32 $0x0;
	s20 =	sshll.u32 s4, $0x1;
	s4 =	sadd.s32 s21, s2  }
0x9d: {  	[timem:s6], [sflag:s22] =	dma.local [hbm:s4], s20  }
0x9e: {  	_ =	swait.ge [sflag:s22], s20  }
0x9f: {  	s3 =	ssub.s32 $0x0, s20;
	[sflag:s22] =	ssyncset.done $0x0  }
0xa0: {  	[sflag:s22] =	ssyncadd.s32 s3;
	_ =	sdelay $0x1  }
0xa1: {  	s23 =	simm.s32 $0x1B8B  }
0xa2: {  	_ =	swait.ge [sflag:s23], $0x1  }
0xa3: {  	[sflag:s23] =	ssyncset.done $0x0  }
0xa4: {  	s25 =	simm.s32 $0x1B8E;
	s24 =	sld [smem:$0x3FFE];
	[sflag:s23] =	ssyncadd.s32 $0xFFFFFFFF  }
0xa5: {  	s26 =	simm.s32 $execute0_lowered;
	[smem:$0x3FD2] =	sst s25  }
0xa6: {  	s4 =	sshll.u32 s26, $0x1;
	_ =	strace $0x80000046;
	[dreg:$0x1] =	wrdreg $0xFFFFFFFF  }
0xa7: {  	s28 =	simm.s32 $_size_execute0_lowered;
	s2 =	sadd.s32 s2, s4;
	[dreg:$0x0] =	wrdreg $0x0  }
0xa8: {  	s4 =	sshll.u32 s28, $0x1;
	[dreg:$0x2] =	wrdreg s2  }
0xa9: {  	[dreg:$0x3] =	wrdreg s4  }
0xaa: {  	[dreg:$0x4] =	wrdreg $0xC0  }
0xab: {  	_ =	task [dreg:s6], $0x5FFFF  }
0xac: {  	[dreg:$0x1] =	wrdreg $0xFFFFFFFF  }
0xad: {  	[dreg:$0x0] =	wrdreg $0x60  }
0xae: {  	[dreg:$0x2] =	wrdreg s24  }
0xaf: {  	[dreg:$0x3] =	wrdreg $0x9  }
0xb0: {  	_ =	task.clear_ibuf [dreg:s6], $0x4FFFF;
	_ =	strace $0x90000046  }
0xb1: {  	s29 =	simm.s32 $0x9;
	_ =	strace $0x80000048  }
0xb2: {  	_ =	swait.ge [sflag:s29], $0x1  }
0xb3: {  	[sflag:s29] =	ssyncadd.s32 $0xFFFFFFFF  }
0xb4: {  	_ =	strace $0x90000048  }
0xb5: {  	_ =	sfence  }
0xb6: {  	s30 =	sld [smem:$0x0];
	_ =	sdelay $0x2  }
0xb7: {  	s31 =	sshll.u32 s1, $0xD;
	s1 =	sshrl.u32 s1, $0x2  }
0xb8: {  	s3 =	sand.u32 $0x4000, s31;
	s1 =	sadd.s32 s1, s30  }
0xb9: {  	s0 =	sor.u32 s3, s0;
	s1 =	sshll.u32 s1, $0x11  }
0xba: {  	s0 =	sor.u32 s1, s0  }
0xbb: {  	s0 =	sadd.s32 $0x8F2B, s0  }
0xbc: {  	[sflag:s0] =	ssyncadd.remote.s32 $0x1  }
0xbd: {  	_ =	sfence.sel $0xFFFF  }
0xbe: {  	[dreg:$0x0] =	wrdreg $0xFFFFFFFF;
	(pc) =	sbr.abs _section_cstart, $3  }
0xbf: {  	[dreg:$0x1] =	wrdreg $0xFFFFFFFF  }
0xc0: {  	_ =	task.clear_ibuf [dreg:s6], $0x2FFFF;
	_ =	strace $0x9FFFFFFF  }
0xc1: {  	(tm) =	ssettm $0x7FFFFFFF  }
tec
execute0_lowered:
.L_overlay_start_1:
0x0: {  	(tag) =	ssettag $0x1  }
0x1: {  	s0 =	srdreg.scid  }
0x2: {  	s3 =	sand.u32 $0x1, s0  }
0x3: {  	s0 =	stileid.u32;
	s1 =	sshll.u32 s3, $0x4  }
0x4: {  	s6 =	rddreg [dreg:$0x0];
	s2 =	simm.s32 $0x0;
	s4 =	sor.u32 s0, s1  }
0x5: {  	s8 =	simm.s32 $0x400;
	s9 =	simm.s32 $0x1;
	s1 =	sshrl.u32 s4, $0x3  }
0x6: {  	s10 =	simm.s32 $0x2800;
	s29 =	sshll.u32 s0, $0x7;
	s5 =	smul.u32 $0x14000, s1  }
0x7: {  	s11 =	simm.s32 $0x0;
	[smem:$0x7FF] =	sst s2;
	s7 =	sand.u32 $0x380, s29  }
0x8: {  	s30 =	ssub.s32 $0x2, s3;
	s3 =	sadd.s32 $0x15A00, s6;
	s5 =	sor.u32 s7, s5  }
0x9: {  	s31 =	sshrl.u32 s30, $0x1;
	s4 =	smul.u32 $0x500, s4;
	s5 =	sshrl.u32 s5, $0x3  }
0xa: {  	s1 =	rddreg [dreg:$0x1];
	_ =	strace $0x80000047;
	s5 =	sadd.s32 s5, s6  }
0xb: {  	s7 =	ssub.s32 s30, s31;
	s6 =	sadd.s32 s4, s6;
	s4 =	sadd.s32 $0xBA00, s5  }
0xc: {  	s5 =	sadd.s32 $0x16000, s6;
	s6 =	smax.u32 s7, $0x1;
	s7 =	simm.s32 $0x80  }
.LBB2_1:
0xd: {  	[tilespmem:s2], [sflag:$0x1] =	stream.strided.gather [hbm4b:s4+s7], $0x2800, s8, s7, $0x38;
	[tilespmem:$0x5000] =	vst v63  }
0xe: {  	_ =	swait.ge [sflag:s9], $0x2800  }
0xf: {  	[sflag:s9] =	ssyncset.done $0x0  }
0x10: {  	[sflag:s9] =	ssyncadd.s32 $0xFFFFD800  }
0x11: {  	[tilespmem:s10], [sflag:$0x1] =	stream.linear.gather [hbm4b:s3+s2], $0x2800, $0x38;
	[tilespmem:$0x5000] =	vst v63  }
0x12: {  	_ =	swait.ge [sflag:s9], $0x2800  }
0x13: {  	[sflag:s9] =	ssyncset.done $0x0  }
0x14: {  	s13 =	simm.s32 $0x0;
	s12 =	simm.s32 $0x40;
	[sflag:s9] =	ssyncadd.s32 $0xFFFFD800  }
.LBB2_2:
0x15: {  	p0 =	sne.s32 s12, $0x9FC0;
	v0 =	vld [tilespmem:s13+$0x0];
	_ =	sdelay $0x4  }
0x16: {  	(xrf1) =	vunique.msk.u32 $0xffff, v0;
	_ =	sdelay $0xd  }
0x17: {  	_, v1, vm0 =	vpop (xrf1);
	_ =	sdelay $0x1  }
.Ltmp0:
0x18: {  	(pc) =	sbr.rel @p0 .LBB2_2-.Ltmp0, $3  }
0x19: {  	_ = 	snop  }
0x1a: {  	v1 =	vcvt.s32.f32 v1;
	_ =	sdelay $0x1  }
0x1b: {  	s13 =	sshra.s32 s12, $0x2;
	s12 =	sadd.s32 $0x40, s12;
	[tilespmem:v0+s10+$0x0] =	vst.idx.add.f32.msk vm0, v1  }
0x1c: {  	v0 =	vld [tilespmem:s13+$0x0];
	_ =	sdelay $0x4  }
0x1d: {  	(xrf1) =	vunique.msk.u32 $0xffff, v0;
	_ =	sdelay $0xd  }
0x1e: {  	_, v1, vm0 =	vpop (xrf1);
	_ =	sdelay $0x3  }
0x1f: {  	s11 =	sadd.s32 $0x1, s11;
	v1 =	vcvt.s32.f32 v1  }
0x20: {  	p0 =	sne.s32 s11, s6  }
.Ltmp1:
0x21: {  	[tilespmem:v0+s10+$0x0] =	vst.idx.add.f32.msk vm0, v1;
	(pc) =	sbr.rel @p0 .LBB2_1-.Ltmp1, $4  }
0x22: {  	[hbm4b:s5+s2] =	stream.linear.scatter [tilespmem:s10], [sflag:$0x1], $0x2800, $0x38;
	[tilespmem:$0x5000] =	vst v63  }
0x23: {  	_ =	swait.ge [sflag:s9], $0x2800  }
0x24: {  	[sflag:s9] =	ssyncset.done $0x0  }
0x25: {  	[sflag:s9] =	ssyncadd.s32 $0xFFFFD800  }
0x26: {  	_ =	sfence.sel $0x180000  }
0x27: {  	[bflag:$0x0] =	sbarrier.arrive $0xFFFF  }
0x28: {  	p0 =	sne.s32 s0, $0x0;
	_ =	strace $0x90000047  }
0x29: {  	s0 =	sadd.s32 @!p0 $0x100000, s1;
	[bflag:$0x2] =	sbarrier.arrive $0xFFFF  }
0x2a: {  	[sflag:s0] =	ssyncadd.tile.s32 @!p0 $0x1;
	_ =	shalt  }
.Lfunc_end2:
_tile_overlayer_lowered:
.L_overlay_start_2:
0x2b: {  	(tag) =	ssettag $0x2  }
0x2c: {  	s0 =	rddreg [dreg:$0x0];
	s2 =	stileid.u32  }
0x2d: {  	s1 =	rddreg [dreg:$0x1];
	p0 =	sne.s32 s2, $0x0  }
0x2e: {  	s3 =	rddreg [dreg:$0x2];
	[bflag:$0x3] =	sbarrier.arrive $0xFFFF;
	s2 =	simm.s32 @!p0 $0x1C01  }
0x2f: {  	[timem:s3], [sflag:s2] =	dma.local @!p0 [hbm:s0], s1  }
0x30: {  	s0 =	simm.s32 @!p0 $0x1  }
0x31: {  	_ =	swait.ge @!p0 [sflag:s0], s1  }
0x32: {  	s1 =	ssub.s32 @!p0 $0x0, s1;
	[sflag:s0] =	ssyncset.done @!p0 $0x0  }
0x33: {  	[sflag:s0] =	ssyncadd.s32 @!p0 s1  }
0x34: {  	[bflag:$0x3] =	sbarrier.arrive $0xFFFF  }
0x35: {  	_ =	shalt  }

</sc_bundles>
